<compile_context>
chip_gen: v7x
topology: tpu7x:2x2x1
jax: 0.10.2.dev20260603
libtpu: 0.0.44.dev20260713+nightly
codegen_flags: <defaults>
</compile_context>

<pallas_src>
import functools

import jax
import jax.numpy as jnp
from jax import lax
from jax.experimental import pallas as pl
from jax.experimental.pallas import tpu as pltpu
from jax.experimental.pallas import tpu_sc as plsc

N = 10000
E = 320000
D = 128
NC = 2
NS = 16
EPT = E // NS
CHUNK = 50
NCHUNK = EPT // CHUNK
PHASES = 5
PH = NCHUNK // PHASES
NBUF = 4
CH_D = 125
PHASES_D = 4
PH_D = EPT // CH_D // PHASES_D
ROWS_PT = N // NS
N_PAD = 640 * NS

def _deg_body(dsts_hbm, ones1_hbm, ones2_hbm, deg_hbm, idx_v, ones_v, deg_sp):
    g = lax.axis_index("c")
    s = lax.axis_index("s")
    pltpu.sync_copy(ones1_hbm, deg_sp.at[pl.ds(s * 640, 640)])
    pltpu.sync_copy(ones2_hbm, ones_v)
    plsc.subcore_barrier()

    for phase in range(PHASES_D):
        pltpu.sync_copy(dsts_hbm.at[g, s, phase], idx_v)

        def step(j, _):
            pltpu.sync_copy(
                ones_v.at[pl.ds(0, CH_D)],
                deg_sp.at[idx_v.at[j]],
                add=True,
            )
            return _

        lax.fori_loop(0, PH_D, step, None)
    plsc.subcore_barrier()

    @pl.when(s == 0)
    def _():
        pltpu.sync_copy(deg_sp, deg_hbm.at[g])


def _prop_body(hp_hbm, srcs_hbm, dsts_hbm, acc_hbm,
               src_idx, dst_idx, buf0, buf1, buf2, buf3,
               gs0, gs1, gs2, gs3, ss0, ss1, ss2, ss3, acc_sp):
    g = lax.axis_index("c")
    s = lax.axis_index("s")
    hp_g = hp_hbm.at[g]

    @pl.when(s < NS - 1)
    def _():
        pltpu.sync_copy(hp_g.at[pl.ds(s * 632, 632)],
                        acc_sp.at[pl.ds(s * 632, 632)])

    @pl.when(s == NS - 1)
    def _():
        pltpu.sync_copy(hp_g.at[pl.ds(9480, 520)],
                        acc_sp.at[pl.ds(9480, 520)])

    plsc.subcore_barrier()

    bufs = (buf0, buf1, buf2, buf3)
    gsems = (gs0, gs1, gs2, gs3)
    ssems = (ss0, ss1, ss2, ss3)
    NI = PH // NBUF

    for phase in range(PHASES):
        pltpu.sync_copy(srcs_hbm.at[g, s, phase], src_idx)
        pltpu.sync_copy(dsts_hbm.at[g, s, phase], dst_idx)
        for k in range(NBUF - 1):
            pltpu.async_copy(hp_g.at[src_idx.at[k]], bufs[k], gsems[k])

        def step(i, _):
            for k in range(NBUF):
                j = NBUF * i + k
                pltpu.make_async_copy(
                    hp_g.at[src_idx.at[0]], bufs[k], gsems[k]).wait()
                pltpu.async_copy(bufs[k], acc_sp.at[dst_idx.at[j]],
                                 ssems[k], add=True)
                kn = (k + 3) % NBUF
                if k == 0:
                    @pl.when(i == 0)
                    def _():
                        pltpu.async_copy(hp_g.at[src_idx.at[3]],
                                         bufs[3], gsems[3])

                    @pl.when(i > 0)
                    def _():
                        pltpu.make_async_copy(
                            bufs[kn], acc_sp.at[dst_idx.at[0]],
                            ssems[kn]).wait()
                        pltpu.async_copy(hp_g.at[src_idx.at[j + 3]],
                                         bufs[kn], gsems[kn])
                else:
                    @pl.when(i < NI - 1)
                    def _():
                        pltpu.make_async_copy(
                            bufs[kn], acc_sp.at[dst_idx.at[0]],
                            ssems[kn]).wait()
                        pltpu.async_copy(hp_g.at[src_idx.at[j + 3]],
                                         bufs[kn], gsems[kn])
            return _

        lax.fori_loop(0, NI, step, None)
        for k in range(NBUF):
            pltpu.make_async_copy(bufs[k], acc_sp.at[dst_idx.at[0]],
                                  ssems[k]).wait()

    plsc.subcore_barrier()

    @pl.when(s < NS - 1)
    def _():
        pltpu.sync_copy(acc_sp.at[pl.ds(s * 632, 632)],
                        acc_hbm.at[g].at[pl.ds(s * 632, 632)])

    @pl.when(s == NS - 1)
    def _():
        pltpu.sync_copy(acc_sp.at[pl.ds(9480, 520)],
                        acc_hbm.at[g].at[pl.ds(9480, 520)])


@functools.cache
def _sc_kernels():
    mesh = plsc.VectorSubcoreMesh(
        core_axis_name="c", subcore_axis_name="s", num_cores=NC, num_subcores=NS
    )
    deg_k = pl.kernel(
        _deg_body,
        out_type=jax.ShapeDtypeStruct((NC, N_PAD), jnp.float32),
        mesh=mesh,
        scratch_types=[
            pltpu.VMEM((PH_D, CH_D), jnp.int32),
            pltpu.VMEM((128,), jnp.float32),
            pltpu.VMEM_SHARED((N_PAD,), jnp.float32),
        ],
    )
    prop_k = pl.kernel(
        _prop_body,
        out_type=jax.ShapeDtypeStruct((NC, N, D), jnp.float32),
        mesh=mesh,
        scratch_types=(
            [pltpu.VMEM((PH, CHUNK), jnp.int32)] * 2
            + [pltpu.VMEM((CHUNK, D), jnp.float32)] * NBUF
            + [pltpu.SemaphoreType.DMA] * (2 * NBUF)
            + [pltpu.VMEM_SHARED((N, D), jnp.float32)]
        ),
    )
    return deg_k, prop_k


BLK = 1000
GRID = 2 * N // BLK


def _tc1_body(x_ref, w_ref, bl_ref, deg_ref, init_ref, hp_ref, dinv_ref):
    y = jnp.dot(x_ref[...], w_ref[...], preferred_element_type=jnp.float32)
    init_ref[...] = y[:, :D] + bl_ref[...][None, :]
    dinv = lax.rsqrt(deg_ref[...])
    dinv_ref[...] = dinv
    hp_ref[...] = y[:, D:] * dinv


_tc1 = pl.pallas_call(
    _tc1_body,
    grid=(GRID,),
    in_specs=[
        pl.BlockSpec((BLK, D), lambda i: (i, 0)),
        pl.BlockSpec((D, 2 * D), lambda i: (0, 0)),
        pl.BlockSpec((D,), lambda i: (0,)),
        pl.BlockSpec((BLK, D), lambda i: (i, 0)),
    ],
    out_specs=[
        pl.BlockSpec((BLK, D), lambda i: (i, 0)),
        pl.BlockSpec((BLK, D), lambda i: (i, 0)),
        pl.BlockSpec((BLK, D), lambda i: (i, 0)),
    ],
    out_shape=[
        jax.ShapeDtypeStruct((2 * N, D), jnp.float32),
        jax.ShapeDtypeStruct((2 * N, D), jnp.float32),
        jax.ShapeDtypeStruct((2 * N, D), jnp.float32),
    ],
)


def _tc2_body(acc_ref, dinv_ref, init_ref, b_ref, wg_ref, hp_ref):
    dinv = dinv_ref[...]
    p = jax.nn.relu(acc_ref[...] * dinv + b_ref[...][None, :])
    z = 0.5 * p + 0.5 * init_ref[...]
    hp_ref[...] = jnp.dot(z, wg_ref[...], preferred_element_type=jnp.float32) * dinv


_tc2 = pl.pallas_call(
    _tc2_body,
    grid=(GRID,),
    in_specs=[
        pl.BlockSpec((BLK, D), lambda i: (i, 0)),
        pl.BlockSpec((BLK, D), lambda i: (i, 0)),
        pl.BlockSpec((BLK, D), lambda i: (i, 0)),
        pl.BlockSpec((D,), lambda i: (0,)),
        pl.BlockSpec((D, D), lambda i: (0, 0)),
    ],
    out_specs=pl.BlockSpec((BLK, D), lambda i: (i, 0)),
    out_shape=jax.ShapeDtypeStruct((2 * N, D), jnp.float32),
)


def _tc3_body(acc_ref, dinv_ref, init_ref, b_ref, out_ref):
    p = jax.nn.relu(acc_ref[...] * dinv_ref[...] + b_ref[...][None, :])
    y = 0.5 * p + 0.5 * init_ref[...]
    nrm = jnp.sqrt(jnp.sum(y * y, axis=1, keepdims=True))
    out_ref[...] = y / jnp.maximum(nrm, 1e-12)


_tc3 = pl.pallas_call(
    _tc3_body,
    grid=(GRID,),
    in_specs=[
        pl.BlockSpec((BLK, D), lambda i: (i, 0)),
        pl.BlockSpec((BLK, D), lambda i: (i, 0)),
        pl.BlockSpec((BLK, D), lambda i: (i, 0)),
        pl.BlockSpec((D,), lambda i: (0,)),
    ],
    out_specs=pl.BlockSpec((BLK, D), lambda i: (i, 0)),
    out_shape=jax.ShapeDtypeStruct((2 * N, D), jnp.float32),
)


def kernel(x1, edge_index1, x2, edge_index2, W_lin, b_lin, W_in, b_in, W_g, b_g):
    srcs = jnp.stack([edge_index1[0], edge_index2[0]]).reshape(
        NC, NS, PHASES, PH, CHUNK)
    dsts = jnp.stack([edge_index1[1], edge_index2[1]]).reshape(
        NC, NS, PHASES, PH, CHUNK)
    dsts_deg = jnp.stack([edge_index1[1], edge_index2[1]]).reshape(
        NC, NS, PHASES_D, PH_D, CH_D)
    ones1 = jnp.ones((640,), jnp.float32)
    ones2 = jnp.ones((128,), jnp.float32)
    _deg_kernel, _prop_kernel = _sc_kernels()

    deg = _deg_kernel(dsts_deg, ones1, ones2)[:, :N]
    deg_bc = jnp.broadcast_to(deg.reshape(2 * N, 1), (2 * N, D))

    x_all = jnp.concatenate([x1, x2], axis=0)
    w_cat = jnp.concatenate([W_lin, W_in], axis=1)
    init, hp0, dinv = _tc1(x_all, w_cat, b_lin, deg_bc)

    def layer(i, carry):
        hp, _ = carry
        acc = _prop_kernel(hp.reshape(NC, N, D), srcs, dsts).reshape(2 * N, D)
        b = jnp.where(i == 0, b_in, b_g)
        hp_next = _tc2(acc, dinv, init, b, W_g)
        return hp_next, acc

    _, acc3 = lax.fori_loop(0, 3, layer, (hp0, jnp.zeros_like(hp0)))
    out = _tc3(acc3, dinv, init, b_g)

    return out[:N], out[N:]

# --- scband reference (transcript-rebuilt; emitter-appended) ---
"""Pipeline reference for scband-rwrnet-10866267258902 (READ-ONLY COPY).

The authoritative reference and input builder live on the scoring server;
editing this copy changes nothing except your own understanding.
"""

import jax, jax.numpy as jnp
import numpy as np

N = 10000
E = 320000
D_IN = 128
D_OUT = 128
NUM_LAYERS = 3
BETA = 0.5


def setup_inputs(seed: int = 0) -> dict:
    key = jax.random.key(seed)
    ks = jax.random.split(key, 12)
    x1 = jax.random.normal(ks[0], (N, D_IN), dtype=jnp.float32)
    x2 = jax.random.normal(ks[1], (N, D_IN), dtype=jnp.float32)
    edge_index1 = jax.random.randint(ks[2], (2, E), 0, N, dtype=jnp.int32)
    edge_index2 = jax.random.randint(ks[3], (2, E), 0, N, dtype=jnp.int32)
    s_in = 1.0 / np.sqrt(D_IN)
    s_out = 1.0 / np.sqrt(D_OUT)
    W_lin = jax.random.uniform(ks[4], (D_IN, D_OUT), jnp.float32, -s_in, s_in)
    b_lin = jax.random.uniform(ks[5], (D_OUT,), jnp.float32, -s_in, s_in)
    W_in = jax.random.uniform(ks[6], (D_IN, D_OUT), jnp.float32, -s_in, s_in)
    b_in = jnp.zeros((D_OUT,), dtype=jnp.float32)
    W_g = jax.random.uniform(ks[7], (D_OUT, D_OUT), jnp.float32, -s_out, s_out)
    b_g = jnp.zeros((D_OUT,), dtype=jnp.float32)
    return {"x1": x1, "edge_index1": edge_index1, "x2": x2, "edge_index2": edge_index2,
            "W_lin": W_lin, "b_lin": b_lin, "W_in": W_in, "b_in": b_in, "W_g": W_g, "b_g": b_g}


def _gcn_conv(x, src, dst, W, b, n):
    # PyG GCNConv: linear transform, add self-loops, symmetric normalization, scatter-add, bias
    h = x @ W
    loop = jnp.arange(n, dtype=src.dtype)
    src2 = jnp.concatenate([src, loop])
    dst2 = jnp.concatenate([dst, loop])
    deg = jax.ops.segment_sum(jnp.ones(src2.shape[0], dtype=h.dtype), dst2, num_segments=n)
    dinv = jnp.where(deg > 0, 1.0 / jnp.sqrt(deg), 0.0)
    norm = dinv[src2] * dinv[dst2]
    msg = h[src2] * norm[:, None]
    out = jax.ops.segment_sum(msg, dst2, num_segments=n)
    return out + b


def _l2_normalize(x, eps=1e-12):
    nrm = jnp.sqrt(jnp.sum(x * x, axis=1, keepdims=True))
    return x / jnp.maximum(nrm, eps)


def reference(x1, edge_index1, x2, edge_index2, W_lin, b_lin, W_in, b_in, W_g, b_g):
    src1, dst1 = edge_index1[0], edge_index1[1]
    src2, dst2 = edge_index2[0], edge_index2[1]
    init1 = x1 @ W_lin + b_lin
    init2 = x2 @ W_lin + b_lin
    p1 = jax.nn.relu(_gcn_conv(x1, src1, dst1, W_in, b_in, N))
    p2 = jax.nn.relu(_gcn_conv(x2, src2, dst2, W_in, b_in, N))
    # ModuleList([GCNConv]*(L-1)) shares ONE module -> same W_g,b_g every layer
    for _ in range(NUM_LAYERS - 1):
        p1 = jax.nn.relu(_gcn_conv((1 - BETA) * p1 + BETA * init1, src1, dst1, W_g, b_g, N))
        p2 = jax.nn.relu(_gcn_conv((1 - BETA) * p2 + BETA * init2, src2, dst2, W_g, b_g, N))
    p1 = _l2_normalize((1 - BETA) * p1 + BETA * init1)
    p2 = _l2_normalize((1 - BETA) * p2 + BETA * init2)
    return (p1, p2)

if __name__ == "__main__":
    import jax
    _d = setup_inputs()
    print(jax.jit(kernel)(*tuple(_d.values())))

</pallas_src>

<mosaic_0001>
#map = affine_map<(d0, d1) -> (0, 0, 0, 0, 0)>
#map1 = affine_map<(d0, d1) -> (0)>
#map2 = affine_map<(d0, d1) -> (0, 0)>
module attributes {stable_mosaic.version = 14 : i64} {
  func.func @_deg_body(%arg0: i32, %arg1: i32, %arg2: memref<2x16x4x40x125xi32, #tpu.memory_space<hbm>>, %arg3: memref<640xf32, #tpu.memory_space<hbm>>, %arg4: memref<128xf32, #tpu.memory_space<hbm>>, %arg5: memref<2x10240xf32, #tpu.memory_space<hbm>>, %arg6: memref<40x125xi32, #tpu.memory_space<vmem>>, %arg7: memref<128xf32, #tpu.memory_space<vmem>>, %arg8: memref<10240xf32, #tpu.memory_space<vmem_shared>>) attributes {dimension_semantics = [#tpu.dimension_semantics<core_parallel>, #tpu.dimension_semantics<subcore_parallel>], iteration_bounds = array<i64: 2, 16>, scalar_prefetch = 0 : i64, scratch_operands = 3 : i64, tpu.core_type = #tpu.core_type<sc_vector_subcore>, window_params = [{transform_indices = #map}, {transform_indices = #map1}, {transform_indices = #map1}, {transform_indices = #map2}]} {
    %mul3A = arith.constant 640 : i32
    %mul3A_0 = arith.muli %arg1, %mul3A : i32
    "tpu.region"() ({
      %run_scoped3A_26 = tpu.sem_alloc : memref<!tpu.dma_semaphore, #tpu.memory_space<semaphore_mem>>
      %dma_start3A = tpu.memref_slice %arg8[%mul3A_0] : memref<10240xf32, #tpu.memory_space<vmem_shared>> -> memref<640xf32, #tpu.memory_space<vmem_shared>>
      tpu.enqueue_dma source(%arg3 : memref<640xf32, #tpu.memory_space<hbm>>) target(%dma_start3A : memref<640xf32, #tpu.memory_space<vmem_shared>>) target_semaphore(%run_scoped3A_26 : memref<!tpu.dma_semaphore, #tpu.memory_space<semaphore_mem>>)
      %dma_wait3A = tpu.memref_slice %arg8[%mul3A_0] : memref<10240xf32, #tpu.memory_space<vmem_shared>> -> memref<640xf32, #tpu.memory_space<vmem_shared>>
      tpu.wait_dma2 semaphore(%run_scoped3A_26 : memref<!tpu.dma_semaphore, #tpu.memory_space<semaphore_mem>>) src(%arg3 : memref<640xf32, #tpu.memory_space<hbm>>) dst(%dma_wait3A : memref<640xf32, #tpu.memory_space<vmem_shared>>)
      tpu.yield
    }) : () -> ()
    "tpu.region"() ({
      %run_scoped3A_26 = tpu.sem_alloc : memref<!tpu.dma_semaphore, #tpu.memory_space<semaphore_mem>>
      tpu.enqueue_dma source(%arg4 : memref<128xf32, #tpu.memory_space<hbm>>) target(%arg7 : memref<128xf32, #tpu.memory_space<vmem>>) target_semaphore(%run_scoped3A_26 : memref<!tpu.dma_semaphore, #tpu.memory_space<semaphore_mem>>)
      tpu.wait_dma2 semaphore(%run_scoped3A_26 : memref<!tpu.dma_semaphore, #tpu.memory_space<semaphore_mem>>) src(%arg4 : memref<128xf32, #tpu.memory_space<hbm>>) dst(%arg7 : memref<128xf32, #tpu.memory_space<vmem>>)
      tpu.yield
    }) : () -> ()
    %barrier3A = arith.constant 0 : index
    tpu.barrier barrier_id(%barrier3A)
    %run_scoped3A = arith.constant 0 : i32
    "tpu.region"() ({
      %run_scoped3A_26 = tpu.sem_alloc : memref<!tpu.dma_semaphore, #tpu.memory_space<semaphore_mem>>
      %dma_start3A = arith.constant 0 : i32
      %dma_start3A_27 = arith.constant 0 : i32
      %dma_start3A_28 = tpu.memref_slice %arg2[%arg0, %arg1, %run_scoped3A, %dma_start3A, %dma_start3A_27] : memref<2x16x4x40x125xi32, #tpu.memory_space<hbm>> -> memref<1x1x1x40x125xi32, #tpu.memory_space<hbm>>
      %dma_start3A_29 = tpu.memref_squeeze %dma_start3A_28 : memref<1x1x1x40x125xi32, #tpu.memory_space<hbm>> -> memref<40x125xi32, #tpu.memory_space<hbm>>
      %dma_start3A_30 = arith.constant 0 : i32
      %dma_start3A_31 = arith.constant 0 : i32
      %dma_start3A_32 = tpu.memref_slice %arg2[%arg0, %arg1, %run_scoped3A, %dma_start3A_30, %dma_start3A_31] : memref<2x16x4x40x125xi32, #tpu.memory_space<hbm>> -> memref<1x1x1x40x125xi32, #tpu.memory_space<hbm>>
      %dma_start3A_33 = tpu.memref_squeeze %dma_start3A_32 : memref<1x1x1x40x125xi32, #tpu.memory_space<hbm>> -> memref<40x125xi32, #tpu.memory_space<hbm>>
      tpu.enqueue_dma source(%dma_start3A_33 : memref<40x125xi32, #tpu.memory_space<hbm>>) target(%arg6 : memref<40x125xi32, #tpu.memory_space<vmem>>) target_semaphore(%run_scoped3A_26 : memref<!tpu.dma_semaphore, #tpu.memory_space<semaphore_mem>>)
      %dma_wait3A = arith.constant 0 : i32
      %dma_wait3A_34 = arith.constant 0 : i32
      %dma_wait3A_35 = tpu.memref_slice %arg2[%arg0, %arg1, %run_scoped3A, %dma_wait3A, %dma_wait3A_34] : memref<2x16x4x40x125xi32, #tpu.memory_space<hbm>> -> memref<1x1x1x40x125xi32, #tpu.memory_space<hbm>>
      %dma_wait3A_36 = tpu.memref_squeeze %dma_wait3A_35 : memref<1x1x1x40x125xi32, #tpu.memory_space<hbm>> -> memref<40x125xi32, #tpu.memory_space<hbm>>
      %dma_wait3A_37 = arith.constant 0 : i32
      %dma_wait3A_38 = arith.constant 0 : i32
      %dma_wait3A_39 = tpu.memref_slice %arg2[%arg0, %arg1, %run_scoped3A, %dma_wait3A_37, %dma_wait3A_38] : memref<2x16x4x40x125xi32, #tpu.memory_space<hbm>> -> memref<1x1x1x40x125xi32, #tpu.memory_space<hbm>>
      %dma_wait3A_40 = tpu.memref_squeeze %dma_wait3A_39 : memref<1x1x1x40x125xi32, #tpu.memory_space<hbm>> -> memref<40x125xi32, #tpu.memory_space<hbm>>
      tpu.wait_dma2 semaphore(%run_scoped3A_26 : memref<!tpu.dma_semaphore, #tpu.memory_space<semaphore_mem>>) src(%dma_wait3A_40 : memref<40x125xi32, #tpu.memory_space<hbm>>) dst(%arg6 : memref<40x125xi32, #tpu.memory_space<vmem>>)
      tpu.yield
    }) : () -> ()
    %scan3A = arith.constant 0 : i32
    %scan3A_1 = arith.constant 40 : i32
    %scan3A_2 = arith.addi %scan3A, %scan3A_1 : i32
    %scan3A_3 = arith.constant 1 : i32
    scf.for %scan3A_26 = %scan3A to %scan3A_2 step %scan3A_3  : i32 {
      "tpu.region"() ({
        %run_scoped3A_27 = tpu.sem_alloc : memref<!tpu.dma_semaphore, #tpu.memory_space<semaphore_mem>>
        %dma_start3A = arith.constant 0 : i32
        %dma_start3A_28 = tpu.memref_slice %arg7[%dma_start3A] : memref<128xf32, #tpu.memory_space<vmem>> -> memref<125xf32, #tpu.memory_space<vmem>>
        %dma_start3A_29 = arith.constant 0 : i32
        %dma_start3A_30 = tpu.memref_slice %arg6[%scan3A_26, %dma_start3A_29] : memref<40x125xi32, #tpu.memory_space<vmem>> -> memref<1x125xi32, #tpu.memory_space<vmem>>
        %dma_start3A_31 = tpu.memref_squeeze %dma_start3A_30 : memref<1x125xi32, #tpu.memory_space<vmem>> -> memref<125xi32, #tpu.memory_space<vmem>>
        %dma_start3A_32 = arith.constant 0 : i32
        %dma_start3A_33 = tpu.memref_slice %arg8[%dma_start3A_32] : memref<10240xf32, #tpu.memory_space<vmem_shared>> -> memref<10240xf32, #tpu.memory_space<vmem_shared>>
        tpu.enqueue_indirect_dma source(%dma_start3A_28 : memref<125xf32, #tpu.memory_space<vmem>>) target(%dma_start3A_33 : memref<10240xf32, #tpu.memory_space<vmem_shared>>) offsets(%dma_start3A_31 : memref<125xi32, #tpu.memory_space<vmem>>) semaphore(%run_scoped3A_27 : memref<!tpu.dma_semaphore, #tpu.memory_space<semaphore_mem>>) {add = true}
        %dma_wait3A = arith.constant 0 : i32
        %dma_wait3A_34 = tpu.memref_slice %arg7[%dma_wait3A] : memref<128xf32, #tpu.memory_space<vmem>> -> memref<125xf32, #tpu.memory_space<vmem>>
        %dma_wait3A_35 = arith.constant 0 : i32
        %dma_wait3A_36 = tpu.memref_slice %arg6[%scan3A_26, %dma_wait3A_35] : memref<40x125xi32, #tpu.memory_space<vmem>> -> memref<1x125xi32, #tpu.memory_space<vmem>>
        %dma_wait3A_37 = tpu.memref_squeeze %dma_wait3A_36 : memref<1x125xi32, #tpu.memory_space<vmem>> -> memref<125xi32, #tpu.memory_space<vmem>>
        %dma_wait3A_38 = arith.constant 0 : i32
        %dma_wait3A_39 = tpu.memref_slice %arg8[%dma_wait3A_38] : memref<10240xf32, #tpu.memory_space<vmem_shared>> -> memref<10240xf32, #tpu.memory_space<vmem_shared>>
        tpu.wait_indirect_dma semaphore(%run_scoped3A_27 : memref<!tpu.dma_semaphore, #tpu.memory_space<semaphore_mem>>) src(%dma_wait3A_34 : memref<125xf32, #tpu.memory_space<vmem>>) dst(%dma_wait3A_39 : memref<10240xf32, #tpu.memory_space<vmem_shared>>)
        tpu.yield
      }) : () -> ()
    }
    %scan3A_4 = arith.constant 40 : i32
    %run_scoped3A_5 = arith.constant 1 : i32
    "tpu.region"() ({
      %run_scoped3A_26 = tpu.sem_alloc : memref<!tpu.dma_semaphore, #tpu.memory_space<semaphore_mem>>
      %dma_start3A = arith.constant 0 : i32
      %dma_start3A_27 = arith.constant 0 : i32
      %dma_start3A_28 = tpu.memref_slice %arg2[%arg0, %arg1, %run_scoped3A_5, %dma_start3A, %dma_start3A_27] : memref<2x16x4x40x125xi32, #tpu.memory_space<hbm>> -> memref<1x1x1x40x125xi32, #tpu.memory_space<hbm>>
      %dma_start3A_29 = tpu.memref_squeeze %dma_start3A_28 : memref<1x1x1x40x125xi32, #tpu.memory_space<hbm>> -> memref<40x125xi32, #tpu.memory_space<hbm>>
      %dma_start3A_30 = arith.constant 0 : i32
      %dma_start3A_31 = arith.constant 0 : i32
      %dma_start3A_32 = tpu.memref_slice %arg2[%arg0, %arg1, %run_scoped3A_5, %dma_start3A_30, %dma_start3A_31] : memref<2x16x4x40x125xi32, #tpu.memory_space<hbm>> -> memref<1x1x1x40x125xi32, #tpu.memory_space<hbm>>
      %dma_start3A_33 = tpu.memref_squeeze %dma_start3A_32 : memref<1x1x1x40x125xi32, #tpu.memory_space<hbm>> -> memref<40x125xi32, #tpu.memory_space<hbm>>
      tpu.enqueue_dma source(%dma_start3A_33 : memref<40x125xi32, #tpu.memory_space<hbm>>) target(%arg6 : memref<40x125xi32, #tpu.memory_space<vmem>>) target_semaphore(%run_scoped3A_26 : memref<!tpu.dma_semaphore, #tpu.memory_space<semaphore_mem>>)
      %dma_wait3A = arith.constant 0 : i32
      %dma_wait3A_34 = arith.constant 0 : i32
      %dma_wait3A_35 = tpu.memref_slice %arg2[%arg0, %arg1, %run_scoped3A_5, %dma_wait3A, %dma_wait3A_34] : memref<2x16x4x40x125xi32, #tpu.memory_space<hbm>> -> memref<1x1x1x40x125xi32, #tpu.memory_space<hbm>>
      %dma_wait3A_36 = tpu.memref_squeeze %dma_wait3A_35 : memref<1x1x1x40x125xi32, #tpu.memory_space<hbm>> -> memref<40x125xi32, #tpu.memory_space<hbm>>
      %dma_wait3A_37 = arith.constant 0 : i32
      %dma_wait3A_38 = arith.constant 0 : i32
      %dma_wait3A_39 = tpu.memref_slice %arg2[%arg0, %arg1, %run_scoped3A_5, %dma_wait3A_37, %dma_wait3A_38] : memref<2x16x4x40x125xi32, #tpu.memory_space<hbm>> -> memref<1x1x1x40x125xi32, #tpu.memory_space<hbm>>
      %dma_wait3A_40 = tpu.memref_squeeze %dma_wait3A_39 : memref<1x1x1x40x125xi32, #tpu.memory_space<hbm>> -> memref<40x125xi32, #tpu.memory_space<hbm>>
      tpu.wait_dma2 semaphore(%run_scoped3A_26 : memref<!tpu.dma_semaphore, #tpu.memory_space<semaphore_mem>>) src(%dma_wait3A_40 : memref<40x125xi32, #tpu.memory_space<hbm>>) dst(%arg6 : memref<40x125xi32, #tpu.memory_space<vmem>>)
      tpu.yield
    }) : () -> ()
    %scan3A_6 = arith.constant 0 : i32
    %scan3A_7 = arith.constant 40 : i32
    %scan3A_8 = arith.addi %scan3A_6, %scan3A_7 : i32
    %scan3A_9 = arith.constant 1 : i32
    scf.for %scan3A_26 = %scan3A_6 to %scan3A_8 step %scan3A_9  : i32 {
      "tpu.region"() ({
        %run_scoped3A_27 = tpu.sem_alloc : memref<!tpu.dma_semaphore, #tpu.memory_space<semaphore_mem>>
        %dma_start3A = arith.constant 0 : i32
        %dma_start3A_28 = tpu.memref_slice %arg7[%dma_start3A] : memref<128xf32, #tpu.memory_space<vmem>> -> memref<125xf32, #tpu.memory_space<vmem>>
        %dma_start3A_29 = arith.constant 0 : i32
        %dma_start3A_30 = tpu.memref_slice %arg6[%scan3A_26, %dma_start3A_29] : memref<40x125xi32, #tpu.memory_space<vmem>> -> memref<1x125xi32, #tpu.memory_space<vmem>>
        %dma_start3A_31 = tpu.memref_squeeze %dma_start3A_30 : memref<1x125xi32, #tpu.memory_space<vmem>> -> memref<125xi32, #tpu.memory_space<vmem>>
        %dma_start3A_32 = arith.constant 0 : i32
        %dma_start3A_33 = tpu.memref_slice %arg8[%dma_start3A_32] : memref<10240xf32, #tpu.memory_space<vmem_shared>> -> memref<10240xf32, #tpu.memory_space<vmem_shared>>
        tpu.enqueue_indirect_dma source(%dma_start3A_28 : memref<125xf32, #tpu.memory_space<vmem>>) target(%dma_start3A_33 : memref<10240xf32, #tpu.memory_space<vmem_shared>>) offsets(%dma_start3A_31 : memref<125xi32, #tpu.memory_space<vmem>>) semaphore(%run_scoped3A_27 : memref<!tpu.dma_semaphore, #tpu.memory_space<semaphore_mem>>) {add = true}
        %dma_wait3A = arith.constant 0 : i32
        %dma_wait3A_34 = tpu.memref_slice %arg7[%dma_wait3A] : memref<128xf32, #tpu.memory_space<vmem>> -> memref<125xf32, #tpu.memory_space<vmem>>
        %dma_wait3A_35 = arith.constant 0 : i32
        %dma_wait3A_36 = tpu.memref_slice %arg6[%scan3A_26, %dma_wait3A_35] : memref<40x125xi32, #tpu.memory_space<vmem>> -> memref<1x125xi32, #tpu.memory_space<vmem>>
        %dma_wait3A_37 = tpu.memref_squeeze %dma_wait3A_36 : memref<1x125xi32, #tpu.memory_space<vmem>> -> memref<125xi32, #tpu.memory_space<vmem>>
        %dma_wait3A_38 = arith.constant 0 : i32
        %dma_wait3A_39 = tpu.memref_slice %arg8[%dma_wait3A_38] : memref<10240xf32, #tpu.memory_space<vmem_shared>> -> memref<10240xf32, #tpu.memory_space<vmem_shared>>
        tpu.wait_indirect_dma semaphore(%run_scoped3A_27 : memref<!tpu.dma_semaphore, #tpu.memory_space<semaphore_mem>>) src(%dma_wait3A_34 : memref<125xf32, #tpu.memory_space<vmem>>) dst(%dma_wait3A_39 : memref<10240xf32, #tpu.memory_space<vmem_shared>>)
        tpu.yield
      }) : () -> ()
    }
    %scan3A_10 = arith.constant 40 : i32
    %run_scoped3A_11 = arith.constant 2 : i32
    "tpu.region"() ({
      %run_scoped3A_26 = tpu.sem_alloc : memref<!tpu.dma_semaphore, #tpu.memory_space<semaphore_mem>>
      %dma_start3A = arith.constant 0 : i32
      %dma_start3A_27 = arith.constant 0 : i32
      %dma_start3A_28 = tpu.memref_slice %arg2[%arg0, %arg1, %run_scoped3A_11, %dma_start3A, %dma_start3A_27] : memref<2x16x4x40x125xi32, #tpu.memory_space<hbm>> -> memref<1x1x1x40x125xi32, #tpu.memory_space<hbm>>
      %dma_start3A_29 = tpu.memref_squeeze %dma_start3A_28 : memref<1x1x1x40x125xi32, #tpu.memory_space<hbm>> -> memref<40x125xi32, #tpu.memory_space<hbm>>
      %dma_start3A_30 = arith.constant 0 : i32
      %dma_start3A_31 = arith.constant 0 : i32
      %dma_start3A_32 = tpu.memref_slice %arg2[%arg0, %arg1, %run_scoped3A_11, %dma_start3A_30, %dma_start3A_31] : memref<2x16x4x40x125xi32, #tpu.memory_space<hbm>> -> memref<1x1x1x40x125xi32, #tpu.memory_space<hbm>>
      %dma_start3A_33 = tpu.memref_squeeze %dma_start3A_32 : memref<1x1x1x40x125xi32, #tpu.memory_space<hbm>> -> memref<40x125xi32, #tpu.memory_space<hbm>>
      tpu.enqueue_dma source(%dma_start3A_33 : memref<40x125xi32, #tpu.memory_space<hbm>>) target(%arg6 : memref<40x125xi32, #tpu.memory_space<vmem>>) target_semaphore(%run_scoped3A_26 : memref<!tpu.dma_semaphore, #tpu.memory_space<semaphore_mem>>)
      %dma_wait3A = arith.constant 0 : i32
      %dma_wait3A_34 = arith.constant 0 : i32
      %dma_wait3A_35 = tpu.memref_slice %arg2[%arg0, %arg1, %run_scoped3A_11, %dma_wait3A, %dma_wait3A_34] : memref<2x16x4x40x125xi32, #tpu.memory_space<hbm>> -> memref<1x1x1x40x125xi32, #tpu.memory_space<hbm>>
      %dma_wait3A_36 = tpu.memref_squeeze %dma_wait3A_35 : memref<1x1x1x40x125xi32, #tpu.memory_space<hbm>> -> memref<40x125xi32, #tpu.memory_space<hbm>>
      %dma_wait3A_37 = arith.constant 0 : i32
      %dma_wait3A_38 = arith.constant 0 : i32
      %dma_wait3A_39 = tpu.memref_slice %arg2[%arg0, %arg1, %run_scoped3A_11, %dma_wait3A_37, %dma_wait3A_38] : memref<2x16x4x40x125xi32, #tpu.memory_space<hbm>> -> memref<1x1x1x40x125xi32, #tpu.memory_space<hbm>>
      %dma_wait3A_40 = tpu.memref_squeeze %dma_wait3A_39 : memref<1x1x1x40x125xi32, #tpu.memory_space<hbm>> -> memref<40x125xi32, #tpu.memory_space<hbm>>
      tpu.wait_dma2 semaphore(%run_scoped3A_26 : memref<!tpu.dma_semaphore, #tpu.memory_space<semaphore_mem>>) src(%dma_wait3A_40 : memref<40x125xi32, #tpu.memory_space<hbm>>) dst(%arg6 : memref<40x125xi32, #tpu.memory_space<vmem>>)
      tpu.yield
    }) : () -> ()
    %scan3A_12 = arith.constant 0 : i32
    %scan3A_13 = arith.constant 40 : i32
    %scan3A_14 = arith.addi %scan3A_12, %scan3A_13 : i32
    %scan3A_15 = arith.constant 1 : i32
    scf.for %scan3A_26 = %scan3A_12 to %scan3A_14 step %scan3A_15  : i32 {
      "tpu.region"() ({
        %run_scoped3A_27 = tpu.sem_alloc : memref<!tpu.dma_semaphore, #tpu.memory_space<semaphore_mem>>
        %dma_start3A = arith.constant 0 : i32
        %dma_start3A_28 = tpu.memref_slice %arg7[%dma_start3A] : memref<128xf32, #tpu.memory_space<vmem>> -> memref<125xf32, #tpu.memory_space<vmem>>
        %dma_start3A_29 = arith.constant 0 : i32
        %dma_start3A_30 = tpu.memref_slice %arg6[%scan3A_26, %dma_start3A_29] : memref<40x125xi32, #tpu.memory_space<vmem>> -> memref<1x125xi32, #tpu.memory_space<vmem>>
        %dma_start3A_31 = tpu.memref_squeeze %dma_start3A_30 : memref<1x125xi32, #tpu.memory_space<vmem>> -> memref<125xi32, #tpu.memory_space<vmem>>
        %dma_start3A_32 = arith.constant 0 : i32
        %dma_start3A_33 = tpu.memref_slice %arg8[%dma_start3A_32] : memref<10240xf32, #tpu.memory_space<vmem_shared>> -> memref<10240xf32, #tpu.memory_space<vmem_shared>>
        tpu.enqueue_indirect_dma source(%dma_start3A_28 : memref<125xf32, #tpu.memory_space<vmem>>) target(%dma_start3A_33 : memref<10240xf32, #tpu.memory_space<vmem_shared>>) offsets(%dma_start3A_31 : memref<125xi32, #tpu.memory_space<vmem>>) semaphore(%run_scoped3A_27 : memref<!tpu.dma_semaphore, #tpu.memory_space<semaphore_mem>>) {add = true}
        %dma_wait3A = arith.constant 0 : i32
        %dma_wait3A_34 = tpu.memref_slice %arg7[%dma_wait3A] : memref<128xf32, #tpu.memory_space<vmem>> -> memref<125xf32, #tpu.memory_space<vmem>>
        %dma_wait3A_35 = arith.constant 0 : i32
        %dma_wait3A_36 = tpu.memref_slice %arg6[%scan3A_26, %dma_wait3A_35] : memref<40x125xi32, #tpu.memory_space<vmem>> -> memref<1x125xi32, #tpu.memory_space<vmem>>
        %dma_wait3A_37 = tpu.memref_squeeze %dma_wait3A_36 : memref<1x125xi32, #tpu.memory_space<vmem>> -> memref<125xi32, #tpu.memory_space<vmem>>
        %dma_wait3A_38 = arith.constant 0 : i32
        %dma_wait3A_39 = tpu.memref_slice %arg8[%dma_wait3A_38] : memref<10240xf32, #tpu.memory_space<vmem_shared>> -> memref<10240xf32, #tpu.memory_space<vmem_shared>>
        tpu.wait_indirect_dma semaphore(%run_scoped3A_27 : memref<!tpu.dma_semaphore, #tpu.memory_space<semaphore_mem>>) src(%dma_wait3A_34 : memref<125xf32, #tpu.memory_space<vmem>>) dst(%dma_wait3A_39 : memref<10240xf32, #tpu.memory_space<vmem_shared>>)
        tpu.yield
      }) : () -> ()
    }
    %scan3A_16 = arith.constant 40 : i32
    %run_scoped3A_17 = arith.constant 3 : i32
    "tpu.region"() ({
      %run_scoped3A_26 = tpu.sem_alloc : memref<!tpu.dma_semaphore, #tpu.memory_space<semaphore_mem>>
      %dma_start3A = arith.constant 0 : i32
      %dma_start3A_27 = arith.constant 0 : i32
      %dma_start3A_28 = tpu.memref_slice %arg2[%arg0, %arg1, %run_scoped3A_17, %dma_start3A, %dma_start3A_27] : memref<2x16x4x40x125xi32, #tpu.memory_space<hbm>> -> memref<1x1x1x40x125xi32, #tpu.memory_space<hbm>>
      %dma_start3A_29 = tpu.memref_squeeze %dma_start3A_28 : memref<1x1x1x40x125xi32, #tpu.memory_space<hbm>> -> memref<40x125xi32, #tpu.memory_space<hbm>>
      %dma_start3A_30 = arith.constant 0 : i32
      %dma_start3A_31 = arith.constant 0 : i32
      %dma_start3A_32 = tpu.memref_slice %arg2[%arg0, %arg1, %run_scoped3A_17, %dma_start3A_30, %dma_start3A_31] : memref<2x16x4x40x125xi32, #tpu.memory_space<hbm>> -> memref<1x1x1x40x125xi32, #tpu.memory_space<hbm>>
      %dma_start3A_33 = tpu.memref_squeeze %dma_start3A_32 : memref<1x1x1x40x125xi32, #tpu.memory_space<hbm>> -> memref<40x125xi32, #tpu.memory_space<hbm>>
      tpu.enqueue_dma source(%dma_start3A_33 : memref<40x125xi32, #tpu.memory_space<hbm>>) target(%arg6 : memref<40x125xi32, #tpu.memory_space<vmem>>) target_semaphore(%run_scoped3A_26 : memref<!tpu.dma_semaphore, #tpu.memory_space<semaphore_mem>>)
      %dma_wait3A = arith.constant 0 : i32
      %dma_wait3A_34 = arith.constant 0 : i32
      %dma_wait3A_35 = tpu.memref_slice %arg2[%arg0, %arg1, %run_scoped3A_17, %dma_wait3A, %dma_wait3A_34] : memref<2x16x4x40x125xi32, #tpu.memory_space<hbm>> -> memref<1x1x1x40x125xi32, #tpu.memory_space<hbm>>
      %dma_wait3A_36 = tpu.memref_squeeze %dma_wait3A_35 : memref<1x1x1x40x125xi32, #tpu.memory_space<hbm>> -> memref<40x125xi32, #tpu.memory_space<hbm>>
      %dma_wait3A_37 = arith.constant 0 : i32
      %dma_wait3A_38 = arith.constant 0 : i32
      %dma_wait3A_39 = tpu.memref_slice %arg2[%arg0, %arg1, %run_scoped3A_17, %dma_wait3A_37, %dma_wait3A_38] : memref<2x16x4x40x125xi32, #tpu.memory_space<hbm>> -> memref<1x1x1x40x125xi32, #tpu.memory_space<hbm>>
      %dma_wait3A_40 = tpu.memref_squeeze %dma_wait3A_39 : memref<1x1x1x40x125xi32, #tpu.memory_space<hbm>> -> memref<40x125xi32, #tpu.memory_space<hbm>>
      tpu.wait_dma2 semaphore(%run_scoped3A_26 : memref<!tpu.dma_semaphore, #tpu.memory_space<semaphore_mem>>) src(%dma_wait3A_40 : memref<40x125xi32, #tpu.memory_space<hbm>>) dst(%arg6 : memref<40x125xi32, #tpu.memory_space<vmem>>)
      tpu.yield
    }) : () -> ()
    %scan3A_18 = arith.constant 0 : i32
    %scan3A_19 = arith.constant 40 : i32
    %scan3A_20 = arith.addi %scan3A_18, %scan3A_19 : i32
    %scan3A_21 = arith.constant 1 : i32
    scf.for %scan3A_26 = %scan3A_18 to %scan3A_20 step %scan3A_21  : i32 {
      "tpu.region"() ({
        %run_scoped3A_27 = tpu.sem_alloc : memref<!tpu.dma_semaphore, #tpu.memory_space<semaphore_mem>>
        %dma_start3A = arith.constant 0 : i32
        %dma_start3A_28 = tpu.memref_slice %arg7[%dma_start3A] : memref<128xf32, #tpu.memory_space<vmem>> -> memref<125xf32, #tpu.memory_space<vmem>>
        %dma_start3A_29 = arith.constant 0 : i32
        %dma_start3A_30 = tpu.memref_slice %arg6[%scan3A_26, %dma_start3A_29] : memref<40x125xi32, #tpu.memory_space<vmem>> -> memref<1x125xi32, #tpu.memory_space<vmem>>
        %dma_start3A_31 = tpu.memref_squeeze %dma_start3A_30 : memref<1x125xi32, #tpu.memory_space<vmem>> -> memref<125xi32, #tpu.memory_space<vmem>>
        %dma_start3A_32 = arith.constant 0 : i32
        %dma_start3A_33 = tpu.memref_slice %arg8[%dma_start3A_32] : memref<10240xf32, #tpu.memory_space<vmem_shared>> -> memref<10240xf32, #tpu.memory_space<vmem_shared>>
        tpu.enqueue_indirect_dma source(%dma_start3A_28 : memref<125xf32, #tpu.memory_space<vmem>>) target(%dma_start3A_33 : memref<10240xf32, #tpu.memory_space<vmem_shared>>) offsets(%dma_start3A_31 : memref<125xi32, #tpu.memory_space<vmem>>) semaphore(%run_scoped3A_27 : memref<!tpu.dma_semaphore, #tpu.memory_space<semaphore_mem>>) {add = true}
        %dma_wait3A = arith.constant 0 : i32
        %dma_wait3A_34 = tpu.memref_slice %arg7[%dma_wait3A] : memref<128xf32, #tpu.memory_space<vmem>> -> memref<125xf32, #tpu.memory_space<vmem>>
        %dma_wait3A_35 = arith.constant 0 : i32
        %dma_wait3A_36 = tpu.memref_slice %arg6[%scan3A_26, %dma_wait3A_35] : memref<40x125xi32, #tpu.memory_space<vmem>> -> memref<1x125xi32, #tpu.memory_space<vmem>>
        %dma_wait3A_37 = tpu.memref_squeeze %dma_wait3A_36 : memref<1x125xi32, #tpu.memory_space<vmem>> -> memref<125xi32, #tpu.memory_space<vmem>>
        %dma_wait3A_38 = arith.constant 0 : i32
        %dma_wait3A_39 = tpu.memref_slice %arg8[%dma_wait3A_38] : memref<10240xf32, #tpu.memory_space<vmem_shared>> -> memref<10240xf32, #tpu.memory_space<vmem_shared>>
        tpu.wait_indirect_dma semaphore(%run_scoped3A_27 : memref<!tpu.dma_semaphore, #tpu.memory_space<semaphore_mem>>) src(%dma_wait3A_34 : memref<125xf32, #tpu.memory_space<vmem>>) dst(%dma_wait3A_39 : memref<10240xf32, #tpu.memory_space<vmem_shared>>)
        tpu.yield
      }) : () -> ()
    }
    %scan3A_22 = arith.constant 40 : i32
    %barrier3A_23 = arith.constant 0 : index
    tpu.barrier barrier_id(%barrier3A_23)
    %eq3A = arith.constant 0 : i32
    %eq3A_24 = arith.cmpi eq, %arg1, %eq3A : i32
    %convert_element_type3A = arith.extui %eq3A_24 : i1 to i32
    %cond3A = arith.constant 0 : i32
    %cond3A_25 = arith.cmpi ne, %convert_element_type3A, %cond3A : i32
    scf.if %cond3A_25 {
      "tpu.region"() ({
        %run_scoped3A_26 = tpu.sem_alloc : memref<!tpu.dma_semaphore, #tpu.memory_space<semaphore_mem>>
        %dma_start3A = arith.constant 0 : i32
        %dma_start3A_27 = tpu.memref_slice %arg5[%arg0, %dma_start3A] : memref<2x10240xf32, #tpu.memory_space<hbm>> -> memref<1x10240xf32, #tpu.memory_space<hbm>>
        %dma_start3A_28 = tpu.memref_squeeze %dma_start3A_27 : memref<1x10240xf32, #tpu.memory_space<hbm>> -> memref<10240xf32, #tpu.memory_space<hbm>>
        tpu.enqueue_dma source(%arg8 : memref<10240xf32, #tpu.memory_space<vmem_shared>>) target(%dma_start3A_28 : memref<10240xf32, #tpu.memory_space<hbm>>) target_semaphore(%run_scoped3A_26 : memref<!tpu.dma_semaphore, #tpu.memory_space<semaphore_mem>>)
        %dma_wait3A = arith.constant 0 : i32
        %dma_wait3A_29 = tpu.memref_slice %arg5[%arg0, %dma_wait3A] : memref<2x10240xf32, #tpu.memory_space<hbm>> -> memref<1x10240xf32, #tpu.memory_space<hbm>>
        %dma_wait3A_30 = tpu.memref_squeeze %dma_wait3A_29 : memref<1x10240xf32, #tpu.memory_space<hbm>> -> memref<10240xf32, #tpu.memory_space<hbm>>
        tpu.wait_dma2 semaphore(%run_scoped3A_26 : memref<!tpu.dma_semaphore, #tpu.memory_space<semaphore_mem>>) src(%arg8 : memref<10240xf32, #tpu.memory_space<vmem_shared>>) dst(%dma_wait3A_30 : memref<10240xf32, #tpu.memory_space<hbm>>)
        tpu.yield
      }) : () -> ()
    } else {
    }
    return
  }
}

#map = affine_map<(d0, d1) -> (0, 0, 0)>
#map1 = affine_map<(d0, d1) -> (0, 0, 0, 0, 0)>
module attributes {stable_mosaic.version = 14 : i64} {
  func.func @_prop_body(%arg0: i32, %arg1: i32, %arg2: memref<2x10000x128xf32, #tpu.memory_space<hbm>>, %arg3: memref<2x16x5x80x50xi32, #tpu.memory_space<hbm>>, %arg4: memref<2x16x5x80x50xi32, #tpu.memory_space<hbm>>, %arg5: memref<2x10000x128xf32, #tpu.memory_space<hbm>>, %arg6: memref<80x50xi32, #tpu.memory_space<vmem>>, %arg7: memref<80x50xi32, #tpu.memory_space<vmem>>, %arg8: memref<50x128xf32, #tpu.memory_space<vmem>>, %arg9: memref<50x128xf32, #tpu.memory_space<vmem>>, %arg10: memref<50x128xf32, #tpu.memory_space<vmem>>, %arg11: memref<50x128xf32, #tpu.memory_space<vmem>>, %arg12: memref<!tpu.dma_semaphore, #tpu.memory_space<semaphore_mem>>, %arg13: memref<!tpu.dma_semaphore, #tpu.memory_space<semaphore_mem>>, %arg14: memref<!tpu.dma_semaphore, #tpu.memory_space<semaphore_mem>>, %arg15: memref<!tpu.dma_semaphore, #tpu.memory_space<semaphore_mem>>, %arg16: memref<!tpu.dma_semaphore, #tpu.memory_space<semaphore_mem>>, %arg17: memref<!tpu.dma_semaphore, #tpu.memory_space<semaphore_mem>>, %arg18: memref<!tpu.dma_semaphore, #tpu.memory_space<semaphore_mem>>, %arg19: memref<!tpu.dma_semaphore, #tpu.memory_space<semaphore_mem>>, %arg20: memref<10000x128xf32, #tpu.memory_space<vmem_shared>>) attributes {dimension_semantics = [#tpu.dimension_semantics<core_parallel>, #tpu.dimension_semantics<subcore_parallel>], iteration_bounds = array<i64: 2, 16>, scalar_prefetch = 0 : i64, scratch_operands = 15 : i64, tpu.core_type = #tpu.core_type<sc_vector_subcore>, window_params = [{transform_indices = #map}, {transform_indices = #map1}, {transform_indices = #map1}, {transform_indices = #map}]} {
    %lt3A = arith.constant 15 : i32
    %lt3A_0 = arith.cmpi slt, %arg1, %lt3A : i32
    %convert_element_type3A = arith.extui %lt3A_0 : i1 to i32
    %cond3A = arith.constant 0 : i32
    %cond3A_1 = arith.cmpi ne, %convert_element_type3A, %cond3A : i32
    scf.if %cond3A_1 {
      %mul3A = arith.constant 632 : i32
      %mul3A_353 = arith.muli %arg1, %mul3A : i32
      %mul3A_354 = arith.constant 632 : i32
      %mul3A_355 = arith.muli %arg1, %mul3A_354 : i32
      "tpu.region"() ({
        %run_scoped3A_356 = tpu.sem_alloc : memref<!tpu.dma_semaphore, #tpu.memory_space<semaphore_mem>>
        %dma_start3A_357 = arith.constant 0 : i32
        %dma_start3A_358 = tpu.memref_slice %arg20[%mul3A_355, %dma_start3A_357] : memref<10000x128xf32, #tpu.memory_space<vmem_shared>> -> memref<632x128xf32, #tpu.memory_space<vmem_shared>>
        %dma_start3A_359 = arith.constant 0 : i32
        %dma_start3A_360 = arith.constant 0 : i32
        %dma_start3A_361 = tpu.memref_slice %arg2[%arg0, %dma_start3A_359, %dma_start3A_360] : memref<2x10000x128xf32, #tpu.memory_space<hbm>> -> memref<1x10000x128xf32, #tpu.memory_space<hbm>>
        %dma_start3A_362 = tpu.memref_squeeze %dma_start3A_361 : memref<1x10000x128xf32, #tpu.memory_space<hbm>> -> memref<10000x128xf32, #tpu.memory_space<hbm>>
        %dma_start3A_363 = arith.constant 0 : i32
        %dma_start3A_364 = tpu.memref_slice %dma_start3A_362[%mul3A_353, %dma_start3A_363] : memref<10000x128xf32, #tpu.memory_space<hbm>> -> memref<632x128xf32, #tpu.memory_space<hbm>>
        tpu.enqueue_dma source(%dma_start3A_364 : memref<632x128xf32, #tpu.memory_space<hbm>>) target(%dma_start3A_358 : memref<632x128xf32, #tpu.memory_space<vmem_shared>>) target_semaphore(%run_scoped3A_356 : memref<!tpu.dma_semaphore, #tpu.memory_space<semaphore_mem>>)
        %dma_wait3A_365 = arith.constant 0 : i32
        %dma_wait3A_366 = tpu.memref_slice %arg20[%mul3A_355, %dma_wait3A_365] : memref<10000x128xf32, #tpu.memory_space<vmem_shared>> -> memref<632x128xf32, #tpu.memory_space<vmem_shared>>
        %dma_wait3A_367 = arith.constant 0 : i32
        %dma_wait3A_368 = arith.constant 0 : i32
        %dma_wait3A_369 = tpu.memref_slice %arg2[%arg0, %dma_wait3A_367, %dma_wait3A_368] : memref<2x10000x128xf32, #tpu.memory_space<hbm>> -> memref<1x10000x128xf32, #tpu.memory_space<hbm>>
        %dma_wait3A_370 = tpu.memref_squeeze %dma_wait3A_369 : memref<1x10000x128xf32, #tpu.memory_space<hbm>> -> memref<10000x128xf32, #tpu.memory_space<hbm>>
        %dma_wait3A_371 = arith.constant 0 : i32
        %dma_wait3A_372 = tpu.memref_slice %dma_wait3A_370[%mul3A_353, %dma_wait3A_371] : memref<10000x128xf32, #tpu.memory_space<hbm>> -> memref<632x128xf32, #tpu.memory_space<hbm>>
        tpu.wait_dma2 semaphore(%run_scoped3A_356 : memref<!tpu.dma_semaphore, #tpu.memory_space<semaphore_mem>>) src(%dma_wait3A_372 : memref<632x128xf32, #tpu.memory_space<hbm>>) dst(%dma_wait3A_366 : memref<632x128xf32, #tpu.memory_space<vmem_shared>>)
        tpu.yield
      }) : () -> ()
    } else {
    }
    %eq3A = arith.constant 15 : i32
    %eq3A_2 = arith.cmpi eq, %arg1, %eq3A : i32
    %convert_element_type3A_3 = arith.extui %eq3A_2 : i1 to i32
    %cond3A_4 = arith.constant 0 : i32
    %cond3A_5 = arith.cmpi ne, %convert_element_type3A_3, %cond3A_4 : i32
    scf.if %cond3A_5 {
      "tpu.region"() ({
        %run_scoped3A_353 = tpu.sem_alloc : memref<!tpu.dma_semaphore, #tpu.memory_space<semaphore_mem>>
        %dma_start3A_354 = arith.constant 9480 : i32
        %dma_start3A_355 = arith.constant 0 : i32
        %dma_start3A_356 = tpu.memref_slice %arg20[%dma_start3A_354, %dma_start3A_355] : memref<10000x128xf32, #tpu.memory_space<vmem_shared>> -> memref<520x128xf32, #tpu.memory_space<vmem_shared>>
        %dma_start3A_357 = arith.constant 0 : i32
        %dma_start3A_358 = arith.constant 0 : i32
        %dma_start3A_359 = tpu.memref_slice %arg2[%arg0, %dma_start3A_357, %dma_start3A_358] : memref<2x10000x128xf32, #tpu.memory_space<hbm>> -> memref<1x10000x128xf32, #tpu.memory_space<hbm>>
        %dma_start3A_360 = tpu.memref_squeeze %dma_start3A_359 : memref<1x10000x128xf32, #tpu.memory_space<hbm>> -> memref<10000x128xf32, #tpu.memory_space<hbm>>
        %dma_start3A_361 = arith.constant 9480 : i32
        %dma_start3A_362 = arith.constant 0 : i32
        %dma_start3A_363 = tpu.memref_slice %dma_start3A_360[%dma_start3A_361, %dma_start3A_362] : memref<10000x128xf32, #tpu.memory_space<hbm>> -> memref<520x128xf32, #tpu.memory_space<hbm>>
        tpu.enqueue_dma source(%dma_start3A_363 : memref<520x128xf32, #tpu.memory_space<hbm>>) target(%dma_start3A_356 : memref<520x128xf32, #tpu.memory_space<vmem_shared>>) target_semaphore(%run_scoped3A_353 : memref<!tpu.dma_semaphore, #tpu.memory_space<semaphore_mem>>)
        %dma_wait3A_364 = arith.constant 9480 : i32
        %dma_wait3A_365 = arith.constant 0 : i32
        %dma_wait3A_366 = tpu.memref_slice %arg20[%dma_wait3A_364, %dma_wait3A_365] : memref<10000x128xf32, #tpu.memory_space<vmem_shared>> -> memref<520x128xf32, #tpu.memory_space<vmem_shared>>
        %dma_wait3A_367 = arith.constant 0 : i32
        %dma_wait3A_368 = arith.constant 0 : i32
        %dma_wait3A_369 = tpu.memref_slice %arg2[%arg0, %dma_wait3A_367, %dma_wait3A_368] : memref<2x10000x128xf32, #tpu.memory_space<hbm>> -> memref<1x10000x128xf32, #tpu.memory_space<hbm>>
        %dma_wait3A_370 = tpu.memref_squeeze %dma_wait3A_369 : memref<1x10000x128xf32, #tpu.memory_space<hbm>> -> memref<10000x128xf32, #tpu.memory_space<hbm>>
        %dma_wait3A_371 = arith.constant 9480 : i32
        %dma_wait3A_372 = arith.constant 0 : i32
        %dma_wait3A_373 = tpu.memref_slice %dma_wait3A_370[%dma_wait3A_371, %dma_wait3A_372] : memref<10000x128xf32, #tpu.memory_space<hbm>> -> memref<520x128xf32, #tpu.memory_space<hbm>>
        tpu.wait_dma2 semaphore(%run_scoped3A_353 : memref<!tpu.dma_semaphore, #tpu.memory_space<semaphore_mem>>) src(%dma_wait3A_373 : memref<520x128xf32, #tpu.memory_space<hbm>>) dst(%dma_wait3A_366 : memref<520x128xf32, #tpu.memory_space<vmem_shared>>)
        tpu.yield
      }) : () -> ()
    } else {
    }
    %barrier3A = arith.constant 0 : index
    tpu.barrier barrier_id(%barrier3A)
    %run_scoped3A = arith.constant 0 : i32
    "tpu.region"() ({
      %run_scoped3A_353 = tpu.sem_alloc : memref<!tpu.dma_semaphore, #tpu.memory_space<semaphore_mem>>
      %dma_start3A_354 = arith.constant 0 : i32
      %dma_start3A_355 = arith.constant 0 : i32
      %dma_start3A_356 = tpu.memref_slice %arg3[%arg0, %arg1, %run_scoped3A, %dma_start3A_354, %dma_start3A_355] : memref<2x16x5x80x50xi32, #tpu.memory_space<hbm>> -> memref<1x1x1x80x50xi32, #tpu.memory_space<hbm>>
      %dma_start3A_357 = tpu.memref_squeeze %dma_start3A_356 : memref<1x1x1x80x50xi32, #tpu.memory_space<hbm>> -> memref<80x50xi32, #tpu.memory_space<hbm>>
      %dma_start3A_358 = arith.constant 0 : i32
      %dma_start3A_359 = arith.constant 0 : i32
      %dma_start3A_360 = tpu.memref_slice %arg3[%arg0, %arg1, %run_scoped3A, %dma_start3A_358, %dma_start3A_359] : memref<2x16x5x80x50xi32, #tpu.memory_space<hbm>> -> memref<1x1x1x80x50xi32, #tpu.memory_space<hbm>>
      %dma_start3A_361 = tpu.memref_squeeze %dma_start3A_360 : memref<1x1x1x80x50xi32, #tpu.memory_space<hbm>> -> memref<80x50xi32, #tpu.memory_space<hbm>>
      tpu.enqueue_dma source(%dma_start3A_361 : memref<80x50xi32, #tpu.memory_space<hbm>>) target(%arg6 : memref<80x50xi32, #tpu.memory_space<vmem>>) target_semaphore(%run_scoped3A_353 : memref<!tpu.dma_semaphore, #tpu.memory_space<semaphore_mem>>)
      %dma_wait3A_362 = arith.constant 0 : i32
      %dma_wait3A_363 = arith.constant 0 : i32
      %dma_wait3A_364 = tpu.memref_slice %arg3[%arg0, %arg1, %run_scoped3A, %dma_wait3A_362, %dma_wait3A_363] : memref<2x16x5x80x50xi32, #tpu.memory_space<hbm>> -> memref<1x1x1x80x50xi32, #tpu.memory_space<hbm>>
      %dma_wait3A_365 = tpu.memref_squeeze %dma_wait3A_364 : memref<1x1x1x80x50xi32, #tpu.memory_space<hbm>> -> memref<80x50xi32, #tpu.memory_space<hbm>>
      %dma_wait3A_366 = arith.constant 0 : i32
      %dma_wait3A_367 = arith.constant 0 : i32
      %dma_wait3A_368 = tpu.memref_slice %arg3[%arg0, %arg1, %run_scoped3A, %dma_wait3A_366, %dma_wait3A_367] : memref<2x16x5x80x50xi32, #tpu.memory_space<hbm>> -> memref<1x1x1x80x50xi32, #tpu.memory_space<hbm>>
      %dma_wait3A_369 = tpu.memref_squeeze %dma_wait3A_368 : memref<1x1x1x80x50xi32, #tpu.memory_space<hbm>> -> memref<80x50xi32, #tpu.memory_space<hbm>>
      tpu.wait_dma2 semaphore(%run_scoped3A_353 : memref<!tpu.dma_semaphore, #tpu.memory_space<semaphore_mem>>) src(%dma_wait3A_369 : memref<80x50xi32, #tpu.memory_space<hbm>>) dst(%arg6 : memref<80x50xi32, #tpu.memory_space<vmem>>)
      tpu.yield
    }) : () -> ()
    %run_scoped3A_6 = arith.constant 0 : i32
    "tpu.region"() ({
      %run_scoped3A_353 = tpu.sem_alloc : memref<!tpu.dma_semaphore, #tpu.memory_space<semaphore_mem>>
      %dma_start3A_354 = arith.constant 0 : i32
      %dma_start3A_355 = arith.constant 0 : i32
      %dma_start3A_356 = tpu.memref_slice %arg4[%arg0, %arg1, %run_scoped3A_6, %dma_start3A_354, %dma_start3A_355] : memref<2x16x5x80x50xi32, #tpu.memory_space<hbm>> -> memref<1x1x1x80x50xi32, #tpu.memory_space<hbm>>
      %dma_start3A_357 = tpu.memref_squeeze %dma_start3A_356 : memref<1x1x1x80x50xi32, #tpu.memory_space<hbm>> -> memref<80x50xi32, #tpu.memory_space<hbm>>
      %dma_start3A_358 = arith.constant 0 : i32
      %dma_start3A_359 = arith.constant 0 : i32
      %dma_start3A_360 = tpu.memref_slice %arg4[%arg0, %arg1, %run_scoped3A_6, %dma_start3A_358, %dma_start3A_359] : memref<2x16x5x80x50xi32, #tpu.memory_space<hbm>> -> memref<1x1x1x80x50xi32, #tpu.memory_space<hbm>>
      %dma_start3A_361 = tpu.memref_squeeze %dma_start3A_360 : memref<1x1x1x80x50xi32, #tpu.memory_space<hbm>> -> memref<80x50xi32, #tpu.memory_space<hbm>>
      tpu.enqueue_dma source(%dma_start3A_361 : memref<80x50xi32, #tpu.memory_space<hbm>>) target(%arg7 : memref<80x50xi32, #tpu.memory_space<vmem>>) target_semaphore(%run_scoped3A_353 : memref<!tpu.dma_semaphore, #tpu.memory_space<semaphore_mem>>)
      %dma_wait3A_362 = arith.constant 0 : i32
      %dma_wait3A_363 = arith.constant 0 : i32
      %dma_wait3A_364 = tpu.memref_slice %arg4[%arg0, %arg1, %run_scoped3A_6, %dma_wait3A_362, %dma_wait3A_363] : memref<2x16x5x80x50xi32, #tpu.memory_space<hbm>> -> memref<1x1x1x80x50xi32, #tpu.memory_space<hbm>>
      %dma_wait3A_365 = tpu.memref_squeeze %dma_wait3A_364 : memref<1x1x1x80x50xi32, #tpu.memory_space<hbm>> -> memref<80x50xi32, #tpu.memory_space<hbm>>
      %dma_wait3A_366 = arith.constant 0 : i32
      %dma_wait3A_367 = arith.constant 0 : i32
      %dma_wait3A_368 = tpu.memref_slice %arg4[%arg0, %arg1, %run_scoped3A_6, %dma_wait3A_366, %dma_wait3A_367] : memref<2x16x5x80x50xi32, #tpu.memory_space<hbm>> -> memref<1x1x1x80x50xi32, #tpu.memory_space<hbm>>
      %dma_wait3A_369 = tpu.memref_squeeze %dma_wait3A_368 : memref<1x1x1x80x50xi32, #tpu.memory_space<hbm>> -> memref<80x50xi32, #tpu.memory_space<hbm>>
      tpu.wait_dma2 semaphore(%run_scoped3A_353 : memref<!tpu.dma_semaphore, #tpu.memory_space<semaphore_mem>>) src(%dma_wait3A_369 : memref<80x50xi32, #tpu.memory_space<hbm>>) dst(%arg7 : memref<80x50xi32, #tpu.memory_space<vmem>>)
      tpu.yield
    }) : () -> ()
    %dma_start3A = arith.constant 0 : i32
    %dma_start3A_7 = arith.constant 0 : i32
    %dma_start3A_8 = tpu.memref_slice %arg6[%dma_start3A, %dma_start3A_7] : memref<80x50xi32, #tpu.memory_space<vmem>> -> memref<1x50xi32, #tpu.memory_space<vmem>>
    %dma_start3A_9 = tpu.memref_squeeze %dma_start3A_8 : memref<1x50xi32, #tpu.memory_space<vmem>> -> memref<50xi32, #tpu.memory_space<vmem>>
    %dma_start3A_10 = arith.constant 0 : i32
    %dma_start3A_11 = arith.constant 0 : i32
    %dma_start3A_12 = tpu.memref_slice %arg2[%arg0, %dma_start3A_10, %dma_start3A_11] : memref<2x10000x128xf32, #tpu.memory_space<hbm>> -> memref<1x10000x128xf32, #tpu.memory_space<hbm>>
    %dma_start3A_13 = tpu.memref_squeeze %dma_start3A_12 : memref<1x10000x128xf32, #tpu.memory_space<hbm>> -> memref<10000x128xf32, #tpu.memory_space<hbm>>
    %dma_start3A_14 = arith.constant 0 : i32
    %dma_start3A_15 = arith.constant 0 : i32
    %dma_start3A_16 = tpu.memref_slice %dma_start3A_13[%dma_start3A_14, %dma_start3A_15] : memref<10000x128xf32, #tpu.memory_space<hbm>> -> memref<10000x128xf32, #tpu.memory_space<hbm>>
    tpu.enqueue_indirect_dma source(%dma_start3A_16 : memref<10000x128xf32, #tpu.memory_space<hbm>>) target(%arg8 : memref<50x128xf32, #tpu.memory_space<vmem>>) offsets(%dma_start3A_9 : memref<50xi32, #tpu.memory_space<vmem>>) semaphore(%arg12 : memref<!tpu.dma_semaphore, #tpu.memory_space<semaphore_mem>>)
    %dma_start3A_17 = arith.constant 1 : i32
    %dma_start3A_18 = arith.constant 0 : i32
    %dma_start3A_19 = tpu.memref_slice %arg6[%dma_start3A_17, %dma_start3A_18] : memref<80x50xi32, #tpu.memory_space<vmem>> -> memref<1x50xi32, #tpu.memory_space<vmem>>
    %dma_start3A_20 = tpu.memref_squeeze %dma_start3A_19 : memref<1x50xi32, #tpu.memory_space<vmem>> -> memref<50xi32, #tpu.memory_space<vmem>>
    %dma_start3A_21 = arith.constant 0 : i32
    %dma_start3A_22 = arith.constant 0 : i32
    %dma_start3A_23 = tpu.memref_slice %arg2[%arg0, %dma_start3A_21, %dma_start3A_22] : memref<2x10000x128xf32, #tpu.memory_space<hbm>> -> memref<1x10000x128xf32, #tpu.memory_space<hbm>>
    %dma_start3A_24 = tpu.memref_squeeze %dma_start3A_23 : memref<1x10000x128xf32, #tpu.memory_space<hbm>> -> memref<10000x128xf32, #tpu.memory_space<hbm>>
    %dma_start3A_25 = arith.constant 0 : i32
    %dma_start3A_26 = arith.constant 0 : i32
    %dma_start3A_27 = tpu.memref_slice %dma_start3A_24[%dma_start3A_25, %dma_start3A_26] : memref<10000x128xf32, #tpu.memory_space<hbm>> -> memref<10000x128xf32, #tpu.memory_space<hbm>>
    tpu.enqueue_indirect_dma source(%dma_start3A_27 : memref<10000x128xf32, #tpu.memory_space<hbm>>) target(%arg9 : memref<50x128xf32, #tpu.memory_space<vmem>>) offsets(%dma_start3A_20 : memref<50xi32, #tpu.memory_space<vmem>>) semaphore(%arg13 : memref<!tpu.dma_semaphore, #tpu.memory_space<semaphore_mem>>)
    %dma_start3A_28 = arith.constant 2 : i32
    %dma_start3A_29 = arith.constant 0 : i32
    %dma_start3A_30 = tpu.memref_slice %arg6[%dma_start3A_28, %dma_start3A_29] : memref<80x50xi32, #tpu.memory_space<vmem>> -> memref<1x50xi32, #tpu.memory_space<vmem>>
    %dma_start3A_31 = tpu.memref_squeeze %dma_start3A_30 : memref<1x50xi32, #tpu.memory_space<vmem>> -> memref<50xi32, #tpu.memory_space<vmem>>
    %dma_start3A_32 = arith.constant 0 : i32
    %dma_start3A_33 = arith.constant 0 : i32
    %dma_start3A_34 = tpu.memref_slice %arg2[%arg0, %dma_start3A_32, %dma_start3A_33] : memref<2x10000x128xf32, #tpu.memory_space<hbm>> -> memref<1x10000x128xf32, #tpu.memory_space<hbm>>
    %dma_start3A_35 = tpu.memref_squeeze %dma_start3A_34 : memref<1x10000x128xf32, #tpu.memory_space<hbm>> -> memref<10000x128xf32, #tpu.memory_space<hbm>>
    %dma_start3A_36 = arith.constant 0 : i32
    %dma_start3A_37 = arith.constant 0 : i32
    %dma_start3A_38 = tpu.memref_slice %dma_start3A_35[%dma_start3A_36, %dma_start3A_37] : memref<10000x128xf32, #tpu.memory_space<hbm>> -> memref<10000x128xf32, #tpu.memory_space<hbm>>
    tpu.enqueue_indirect_dma source(%dma_start3A_38 : memref<10000x128xf32, #tpu.memory_space<hbm>>) target(%arg10 : memref<50x128xf32, #tpu.memory_space<vmem>>) offsets(%dma_start3A_31 : memref<50xi32, #tpu.memory_space<vmem>>) semaphore(%arg14 : memref<!tpu.dma_semaphore, #tpu.memory_space<semaphore_mem>>)
    %scan3A = arith.constant 0 : i32
    %scan3A_39 = arith.constant 20 : i32
    %scan3A_40 = arith.addi %scan3A, %scan3A_39 : i32
    %scan3A_41 = arith.constant 1 : i32
    scf.for %scan3A_353 = %scan3A to %scan3A_40 step %scan3A_41  : i32 {
      %mul3A = arith.constant 4 : i32
      %mul3A_354 = arith.muli %mul3A, %scan3A_353 : i32
      %add3A = arith.constant 0 : i32
      %add3A_355 = arith.addi %mul3A_354, %add3A : i32
      %dma_wait3A_356 = arith.constant 0 : i32
      %dma_wait3A_357 = arith.constant 0 : i32
      %dma_wait3A_358 = tpu.memref_slice %arg6[%dma_wait3A_356, %dma_wait3A_357] : memref<80x50xi32, #tpu.memory_space<vmem>> -> memref<1x50xi32, #tpu.memory_space<vmem>>
      %dma_wait3A_359 = tpu.memref_squeeze %dma_wait3A_358 : memref<1x50xi32, #tpu.memory_space<vmem>> -> memref<50xi32, #tpu.memory_space<vmem>>
      %dma_wait3A_360 = arith.constant 0 : i32
      %dma_wait3A_361 = arith.constant 0 : i32
      %dma_wait3A_362 = tpu.memref_slice %arg2[%arg0, %dma_wait3A_360, %dma_wait3A_361] : memref<2x10000x128xf32, #tpu.memory_space<hbm>> -> memref<1x10000x128xf32, #tpu.memory_space<hbm>>
      %dma_wait3A_363 = tpu.memref_squeeze %dma_wait3A_362 : memref<1x10000x128xf32, #tpu.memory_space<hbm>> -> memref<10000x128xf32, #tpu.memory_space<hbm>>
      %dma_wait3A_364 = arith.constant 0 : i32
      %dma_wait3A_365 = arith.constant 0 : i32
      %dma_wait3A_366 = tpu.memref_slice %dma_wait3A_363[%dma_wait3A_364, %dma_wait3A_365] : memref<10000x128xf32, #tpu.memory_space<hbm>> -> memref<10000x128xf32, #tpu.memory_space<hbm>>
      tpu.wait_indirect_dma semaphore(%arg12 : memref<!tpu.dma_semaphore, #tpu.memory_space<semaphore_mem>>) src(%dma_wait3A_366 : memref<10000x128xf32, #tpu.memory_space<hbm>>) dst(%arg8 : memref<50x128xf32, #tpu.memory_space<vmem>>)
      %dma_start3A_367 = arith.constant 0 : i32
      %dma_start3A_368 = tpu.memref_slice %arg7[%add3A_355, %dma_start3A_367] : memref<80x50xi32, #tpu.memory_space<vmem>> -> memref<1x50xi32, #tpu.memory_space<vmem>>
      %dma_start3A_369 = tpu.memref_squeeze %dma_start3A_368 : memref<1x50xi32, #tpu.memory_space<vmem>> -> memref<50xi32, #tpu.memory_space<vmem>>
      %dma_start3A_370 = arith.constant 0 : i32
      %dma_start3A_371 = arith.constant 0 : i32
      %dma_start3A_372 = tpu.memref_slice %arg20[%dma_start3A_370, %dma_start3A_371] : memref<10000x128xf32, #tpu.memory_space<vmem_shared>> -> memref<10000x128xf32, #tpu.memory_space<vmem_shared>>
      tpu.enqueue_indirect_dma source(%arg8 : memref<50x128xf32, #tpu.memory_space<vmem>>) target(%dma_start3A_372 : memref<10000x128xf32, #tpu.memory_space<vmem_shared>>) offsets(%dma_start3A_369 : memref<50xi32, #tpu.memory_space<vmem>>) semaphore(%arg16 : memref<!tpu.dma_semaphore, #tpu.memory_space<semaphore_mem>>) {add = true}
      %eq3A_373 = arith.constant 0 : i32
      %eq3A_374 = arith.cmpi eq, %scan3A_353, %eq3A_373 : i32
      %convert_element_type3A_375 = arith.extui %eq3A_374 : i1 to i32
      %cond3A_376 = arith.constant 0 : i32
      %cond3A_377 = arith.cmpi ne, %convert_element_type3A_375, %cond3A_376 : i32
      scf.if %cond3A_377 {
        %dma_start3A_460 = arith.constant 3 : i32
        %dma_start3A_461 = arith.constant 0 : i32
        %dma_start3A_462 = tpu.memref_slice %arg6[%dma_start3A_460, %dma_start3A_461] : memref<80x50xi32, #tpu.memory_space<vmem>> -> memref<1x50xi32, #tpu.memory_space<vmem>>
        %dma_start3A_463 = tpu.memref_squeeze %dma_start3A_462 : memref<1x50xi32, #tpu.memory_space<vmem>> -> memref<50xi32, #tpu.memory_space<vmem>>
        %dma_start3A_464 = arith.constant 0 : i32
        %dma_start3A_465 = arith.constant 0 : i32
        %dma_start3A_466 = tpu.memref_slice %arg2[%arg0, %dma_start3A_464, %dma_start3A_465] : memref<2x10000x128xf32, #tpu.memory_space<hbm>> -> memref<1x10000x128xf32, #tpu.memory_space<hbm>>
        %dma_start3A_467 = tpu.memref_squeeze %dma_start3A_466 : memref<1x10000x128xf32, #tpu.memory_space<hbm>> -> memref<10000x128xf32, #tpu.memory_space<hbm>>
        %dma_start3A_468 = arith.constant 0 : i32
        %dma_start3A_469 = arith.constant 0 : i32
        %dma_start3A_470 = tpu.memref_slice %dma_start3A_467[%dma_start3A_468, %dma_start3A_469] : memref<10000x128xf32, #tpu.memory_space<hbm>> -> memref<10000x128xf32, #tpu.memory_space<hbm>>
        tpu.enqueue_indirect_dma source(%dma_start3A_470 : memref<10000x128xf32, #tpu.memory_space<hbm>>) target(%arg11 : memref<50x128xf32, #tpu.memory_space<vmem>>) offsets(%dma_start3A_463 : memref<50xi32, #tpu.memory_space<vmem>>) semaphore(%arg15 : memref<!tpu.dma_semaphore, #tpu.memory_space<semaphore_mem>>)
      } else {
      }
      %gt3A = arith.constant 0 : i32
      %gt3A_378 = arith.cmpi sgt, %scan3A_353, %gt3A : i32
      %convert_element_type3A_379 = arith.extui %gt3A_378 : i1 to i32
      %cond3A_380 = arith.constant 0 : i32
      %cond3A_381 = arith.cmpi ne, %convert_element_type3A_379, %cond3A_380 : i32
      scf.if %cond3A_381 {
        %dma_wait3A_460 = arith.constant 0 : i32
        %dma_wait3A_461 = arith.constant 0 : i32
        %dma_wait3A_462 = tpu.memref_slice %arg7[%dma_wait3A_460, %dma_wait3A_461] : memref<80x50xi32, #tpu.memory_space<vmem>> -> memref<1x50xi32, #tpu.memory_space<vmem>>
        %dma_wait3A_463 = tpu.memref_squeeze %dma_wait3A_462 : memref<1x50xi32, #tpu.memory_space<vmem>> -> memref<50xi32, #tpu.memory_space<vmem>>
        %dma_wait3A_464 = arith.constant 0 : i32
        %dma_wait3A_465 = arith.constant 0 : i32
        %dma_wait3A_466 = tpu.memref_slice %arg20[%dma_wait3A_464, %dma_wait3A_465] : memref<10000x128xf32, #tpu.memory_space<vmem_shared>> -> memref<10000x128xf32, #tpu.memory_space<vmem_shared>>
        tpu.wait_indirect_dma semaphore(%arg19 : memref<!tpu.dma_semaphore, #tpu.memory_space<semaphore_mem>>) src(%arg11 : memref<50x128xf32, #tpu.memory_space<vmem>>) dst(%dma_wait3A_466 : memref<10000x128xf32, #tpu.memory_space<vmem_shared>>)
        %add3A_467 = arith.constant 3 : i32
        %add3A_468 = arith.addi %add3A_355, %add3A_467 : i32
        %dma_start3A_469 = arith.constant 0 : i32
        %dma_start3A_470 = tpu.memref_slice %arg6[%add3A_468, %dma_start3A_469] : memref<80x50xi32, #tpu.memory_space<vmem>> -> memref<1x50xi32, #tpu.memory_space<vmem>>
        %dma_start3A_471 = tpu.memref_squeeze %dma_start3A_470 : memref<1x50xi32, #tpu.memory_space<vmem>> -> memref<50xi32, #tpu.memory_space<vmem>>
        %dma_start3A_472 = arith.constant 0 : i32
        %dma_start3A_473 = arith.constant 0 : i32
        %dma_start3A_474 = tpu.memref_slice %arg2[%arg0, %dma_start3A_472, %dma_start3A_473] : memref<2x10000x128xf32, #tpu.memory_space<hbm>> -> memref<1x10000x128xf32, #tpu.memory_space<hbm>>
        %dma_start3A_475 = tpu.memref_squeeze %dma_start3A_474 : memref<1x10000x128xf32, #tpu.memory_space<hbm>> -> memref<10000x128xf32, #tpu.memory_space<hbm>>
        %dma_start3A_476 = arith.constant 0 : i32
        %dma_start3A_477 = arith.constant 0 : i32
        %dma_start3A_478 = tpu.memref_slice %dma_start3A_475[%dma_start3A_476, %dma_start3A_477] : memref<10000x128xf32, #tpu.memory_space<hbm>> -> memref<10000x128xf32, #tpu.memory_space<hbm>>
        tpu.enqueue_indirect_dma source(%dma_start3A_478 : memref<10000x128xf32, #tpu.memory_space<hbm>>) target(%arg11 : memref<50x128xf32, #tpu.memory_space<vmem>>) offsets(%dma_start3A_471 : memref<50xi32, #tpu.memory_space<vmem>>) semaphore(%arg15 : memref<!tpu.dma_semaphore, #tpu.memory_space<semaphore_mem>>)
      } else {
      }
      %mul3A_382 = arith.constant 4 : i32
      %mul3A_383 = arith.muli %mul3A_382, %scan3A_353 : i32
      %add3A_384 = arith.constant 1 : i32
      %add3A_385 = arith.addi %mul3A_383, %add3A_384 : i32
      %dma_wait3A_386 = arith.constant 0 : i32
      %dma_wait3A_387 = arith.constant 0 : i32
      %dma_wait3A_388 = tpu.memref_slice %arg6[%dma_wait3A_386, %dma_wait3A_387] : memref<80x50xi32, #tpu.memory_space<vmem>> -> memref<1x50xi32, #tpu.memory_space<vmem>>
      %dma_wait3A_389 = tpu.memref_squeeze %dma_wait3A_388 : memref<1x50xi32, #tpu.memory_space<vmem>> -> memref<50xi32, #tpu.memory_space<vmem>>
      %dma_wait3A_390 = arith.constant 0 : i32
      %dma_wait3A_391 = arith.constant 0 : i32
      %dma_wait3A_392 = tpu.memref_slice %arg2[%arg0, %dma_wait3A_390, %dma_wait3A_391] : memref<2x10000x128xf32, #tpu.memory_space<hbm>> -> memref<1x10000x128xf32, #tpu.memory_space<hbm>>
      %dma_wait3A_393 = tpu.memref_squeeze %dma_wait3A_392 : memref<1x10000x128xf32, #tpu.memory_space<hbm>> -> memref<10000x128xf32, #tpu.memory_space<hbm>>
      %dma_wait3A_394 = arith.constant 0 : i32
      %dma_wait3A_395 = arith.constant 0 : i32
      %dma_wait3A_396 = tpu.memref_slice %dma_wait3A_393[%dma_wait3A_394, %dma_wait3A_395] : memref<10000x128xf32, #tpu.memory_space<hbm>> -> memref<10000x128xf32, #tpu.memory_space<hbm>>
      tpu.wait_indirect_dma semaphore(%arg13 : memref<!tpu.dma_semaphore, #tpu.memory_space<semaphore_mem>>) src(%dma_wait3A_396 : memref<10000x128xf32, #tpu.memory_space<hbm>>) dst(%arg9 : memref<50x128xf32, #tpu.memory_space<vmem>>)
      %dma_start3A_397 = arith.constant 0 : i32
      %dma_start3A_398 = tpu.memref_slice %arg7[%add3A_385, %dma_start3A_397] : memref<80x50xi32, #tpu.memory_space<vmem>> -> memref<1x50xi32, #tpu.memory_space<vmem>>
      %dma_start3A_399 = tpu.memref_squeeze %dma_start3A_398 : memref<1x50xi32, #tpu.memory_space<vmem>> -> memref<50xi32, #tpu.memory_space<vmem>>
      %dma_start3A_400 = arith.constant 0 : i32
      %dma_start3A_401 = arith.constant 0 : i32
      %dma_start3A_402 = tpu.memref_slice %arg20[%dma_start3A_400, %dma_start3A_401] : memref<10000x128xf32, #tpu.memory_space<vmem_shared>> -> memref<10000x128xf32, #tpu.memory_space<vmem_shared>>
      tpu.enqueue_indirect_dma source(%arg9 : memref<50x128xf32, #tpu.memory_space<vmem>>) target(%dma_start3A_402 : memref<10000x128xf32, #tpu.memory_space<vmem_shared>>) offsets(%dma_start3A_399 : memref<50xi32, #tpu.memory_space<vmem>>) semaphore(%arg17 : memref<!tpu.dma_semaphore, #tpu.memory_space<semaphore_mem>>) {add = true}
      %lt3A_403 = arith.constant 19 : i32
      %lt3A_404 = arith.cmpi slt, %scan3A_353, %lt3A_403 : i32
      %convert_element_type3A_405 = arith.extui %lt3A_404 : i1 to i32
      %cond3A_406 = arith.constant 0 : i32
      %cond3A_407 = arith.cmpi ne, %convert_element_type3A_405, %cond3A_406 : i32
      scf.if %cond3A_407 {
        %dma_wait3A_460 = arith.constant 0 : i32
        %dma_wait3A_461 = arith.constant 0 : i32
        %dma_wait3A_462 = tpu.memref_slice %arg7[%dma_wait3A_460, %dma_wait3A_461] : memref<80x50xi32, #tpu.memory_space<vmem>> -> memref<1x50xi32, #tpu.memory_space<vmem>>
        %dma_wait3A_463 = tpu.memref_squeeze %dma_wait3A_462 : memref<1x50xi32, #tpu.memory_space<vmem>> -> memref<50xi32, #tpu.memory_space<vmem>>
        %dma_wait3A_464 = arith.constant 0 : i32
        %dma_wait3A_465 = arith.constant 0 : i32
        %dma_wait3A_466 = tpu.memref_slice %arg20[%dma_wait3A_464, %dma_wait3A_465] : memref<10000x128xf32, #tpu.memory_space<vmem_shared>> -> memref<10000x128xf32, #tpu.memory_space<vmem_shared>>
        tpu.wait_indirect_dma semaphore(%arg16 : memref<!tpu.dma_semaphore, #tpu.memory_space<semaphore_mem>>) src(%arg8 : memref<50x128xf32, #tpu.memory_space<vmem>>) dst(%dma_wait3A_466 : memref<10000x128xf32, #tpu.memory_space<vmem_shared>>)
        %add3A_467 = arith.constant 3 : i32
        %add3A_468 = arith.addi %add3A_385, %add3A_467 : i32
        %dma_start3A_469 = arith.constant 0 : i32
        %dma_start3A_470 = tpu.memref_slice %arg6[%add3A_468, %dma_start3A_469] : memref<80x50xi32, #tpu.memory_space<vmem>> -> memref<1x50xi32, #tpu.memory_space<vmem>>
        %dma_start3A_471 = tpu.memref_squeeze %dma_start3A_470 : memref<1x50xi32, #tpu.memory_space<vmem>> -> memref<50xi32, #tpu.memory_space<vmem>>
        %dma_start3A_472 = arith.constant 0 : i32
        %dma_start3A_473 = arith.constant 0 : i32
        %dma_start3A_474 = tpu.memref_slice %arg2[%arg0, %dma_start3A_472, %dma_start3A_473] : memref<2x10000x128xf32, #tpu.memory_space<hbm>> -> memref<1x10000x128xf32, #tpu.memory_space<hbm>>
        %dma_start3A_475 = tpu.memref_squeeze %dma_start3A_474 : memref<1x10000x128xf32, #tpu.memory_space<hbm>> -> memref<10000x128xf32, #tpu.memory_space<hbm>>
        %dma_start3A_476 = arith.constant 0 : i32
        %dma_start3A_477 = arith.constant 0 : i32
        %dma_start3A_478 = tpu.memref_slice %dma_start3A_475[%dma_start3A_476, %dma_start3A_477] : memref<10000x128xf32, #tpu.memory_space<hbm>> -> memref<10000x128xf32, #tpu.memory_space<hbm>>
        tpu.enqueue_indirect_dma source(%dma_start3A_478 : memref<10000x128xf32, #tpu.memory_space<hbm>>) target(%arg8 : memref<50x128xf32, #tpu.memory_space<vmem>>) offsets(%dma_start3A_471 : memref<50xi32, #tpu.memory_space<vmem>>) semaphore(%arg12 : memref<!tpu.dma_semaphore, #tpu.memory_space<semaphore_mem>>)
      } else {
      }
      %mul3A_408 = arith.constant 4 : i32
      %mul3A_409 = arith.muli %mul3A_408, %scan3A_353 : i32
      %add3A_410 = arith.constant 2 : i32
      %add3A_411 = arith.addi %mul3A_409, %add3A_410 : i32
      %dma_wait3A_412 = arith.constant 0 : i32
      %dma_wait3A_413 = arith.constant 0 : i32
      %dma_wait3A_414 = tpu.memref_slice %arg6[%dma_wait3A_412, %dma_wait3A_413] : memref<80x50xi32, #tpu.memory_space<vmem>> -> memref<1x50xi32, #tpu.memory_space<vmem>>
      %dma_wait3A_415 = tpu.memref_squeeze %dma_wait3A_414 : memref<1x50xi32, #tpu.memory_space<vmem>> -> memref<50xi32, #tpu.memory_space<vmem>>
      %dma_wait3A_416 = arith.constant 0 : i32
      %dma_wait3A_417 = arith.constant 0 : i32
      %dma_wait3A_418 = tpu.memref_slice %arg2[%arg0, %dma_wait3A_416, %dma_wait3A_417] : memref<2x10000x128xf32, #tpu.memory_space<hbm>> -> memref<1x10000x128xf32, #tpu.memory_space<hbm>>
      %dma_wait3A_419 = tpu.memref_squeeze %dma_wait3A_418 : memref<1x10000x128xf32, #tpu.memory_space<hbm>> -> memref<10000x128xf32, #tpu.memory_space<hbm>>
      %dma_wait3A_420 = arith.constant 0 : i32
      %dma_wait3A_421 = arith.constant 0 : i32
      %dma_wait3A_422 = tpu.memref_slice %dma_wait3A_419[%dma_wait3A_420, %dma_wait3A_421] : memref<10000x128xf32, #tpu.memory_space<hbm>> -> memref<10000x128xf32, #tpu.memory_space<hbm>>
      tpu.wait_indirect_dma semaphore(%arg14 : memref<!tpu.dma_semaphore, #tpu.memory_space<semaphore_mem>>) src(%dma_wait3A_422 : memref<10000x128xf32, #tpu.memory_space<hbm>>) dst(%arg10 : memref<50x128xf32, #tpu.memory_space<vmem>>)
      %dma_start3A_423 = arith.constant 0 : i32
      %dma_start3A_424 = tpu.memref_slice %arg7[%add3A_411, %dma_start3A_423] : memref<80x50xi32, #tpu.memory_space<vmem>> -> memref<1x50xi32, #tpu.memory_space<vmem>>
      %dma_start3A_425 = tpu.memref_squeeze %dma_start3A_424 : memref<1x50xi32, #tpu.memory_space<vmem>> -> memref<50xi32, #tpu.memory_space<vmem>>
      %dma_start3A_426 = arith.constant 0 : i32
      %dma_start3A_427 = arith.constant 0 : i32
      %dma_start3A_428 = tpu.memref_slice %arg20[%dma_start3A_426, %dma_start3A_427] : memref<10000x128xf32, #tpu.memory_space<vmem_shared>> -> memref<10000x128xf32, #tpu.memory_space<vmem_shared>>
      tpu.enqueue_indirect_dma source(%arg10 : memref<50x128xf32, #tpu.memory_space<vmem>>) target(%dma_start3A_428 : memref<10000x128xf32, #tpu.memory_space<vmem_shared>>) offsets(%dma_start3A_425 : memref<50xi32, #tpu.memory_space<vmem>>) semaphore(%arg18 : memref<!tpu.dma_semaphore, #tpu.memory_space<semaphore_mem>>) {add = true}
      %lt3A_429 = arith.constant 19 : i32
      %lt3A_430 = arith.cmpi slt, %scan3A_353, %lt3A_429 : i32
      %convert_element_type3A_431 = arith.extui %lt3A_430 : i1 to i32
      %cond3A_432 = arith.constant 0 : i32
      %cond3A_433 = arith.cmpi ne, %convert_element_type3A_431, %cond3A_432 : i32
      scf.if %cond3A_433 {
        %dma_wait3A_460 = arith.constant 0 : i32
        %dma_wait3A_461 = arith.constant 0 : i32
        %dma_wait3A_462 = tpu.memref_slice %arg7[%dma_wait3A_460, %dma_wait3A_461] : memref<80x50xi32, #tpu.memory_space<vmem>> -> memref<1x50xi32, #tpu.memory_space<vmem>>
        %dma_wait3A_463 = tpu.memref_squeeze %dma_wait3A_462 : memref<1x50xi32, #tpu.memory_space<vmem>> -> memref<50xi32, #tpu.memory_space<vmem>>
        %dma_wait3A_464 = arith.constant 0 : i32
        %dma_wait3A_465 = arith.constant 0 : i32
        %dma_wait3A_466 = tpu.memref_slice %arg20[%dma_wait3A_464, %dma_wait3A_465] : memref<10000x128xf32, #tpu.memory_space<vmem_shared>> -> memref<10000x128xf32, #tpu.memory_space<vmem_shared>>
        tpu.wait_indirect_dma semaphore(%arg17 : memref<!tpu.dma_semaphore, #tpu.memory_space<semaphore_mem>>) src(%arg9 : memref<50x128xf32, #tpu.memory_space<vmem>>) dst(%dma_wait3A_466 : memref<10000x128xf32, #tpu.memory_space<vmem_shared>>)
        %add3A_467 = arith.constant 3 : i32
        %add3A_468 = arith.addi %add3A_411, %add3A_467 : i32
        %dma_start3A_469 = arith.constant 0 : i32
        %dma_start3A_470 = tpu.memref_slice %arg6[%add3A_468, %dma_start3A_469] : memref<80x50xi32, #tpu.memory_space<vmem>> -> memref<1x50xi32, #tpu.memory_space<vmem>>
        %dma_start3A_471 = tpu.memref_squeeze %dma_start3A_470 : memref<1x50xi32, #tpu.memory_space<vmem>> -> memref<50xi32, #tpu.memory_space<vmem>>
        %dma_start3A_472 = arith.constant 0 : i32
        %dma_start3A_473 = arith.constant 0 : i32
        %dma_start3A_474 = tpu.memref_slice %arg2[%arg0, %dma_start3A_472, %dma_start3A_473] : memref<2x10000x128xf32, #tpu.memory_space<hbm>> -> memref<1x10000x128xf32, #tpu.memory_space<hbm>>
        %dma_start3A_475 = tpu.memref_squeeze %dma_start3A_474 : memref<1x10000x128xf32, #tpu.memory_space<hbm>> -> memref<10000x128xf32, #tpu.memory_space<hbm>>
        %dma_start3A_476 = arith.constant 0 : i32
        %dma_start3A_477 = arith.constant 0 : i32
        %dma_start3A_478 = tpu.memref_slice %dma_start3A_475[%dma_start3A_476, %dma_start3A_477] : memref<10000x128xf32, #tpu.memory_space<hbm>> -> memref<10000x128xf32, #tpu.memory_space<hbm>>
        tpu.enqueue_indirect_dma source(%dma_start3A_478 : memref<10000x128xf32, #tpu.memory_space<hbm>>) target(%arg9 : memref<50x128xf32, #tpu.memory_space<vmem>>) offsets(%dma_start3A_471 : memref<50xi32, #tpu.memory_space<vmem>>) semaphore(%arg13 : memref<!tpu.dma_semaphore, #tpu.memory_space<semaphore_mem>>)
      } else {
      }
      %mul3A_434 = arith.constant 4 : i32
      %mul3A_435 = arith.muli %mul3A_434, %scan3A_353 : i32
      %add3A_436 = arith.constant 3 : i32
      %add3A_437 = arith.addi %mul3A_435, %add3A_436 : i32
      %dma_wait3A_438 = arith.constant 0 : i32
      %dma_wait3A_439 = arith.constant 0 : i32
      %dma_wait3A_440 = tpu.memref_slice %arg6[%dma_wait3A_438, %dma_wait3A_439] : memref<80x50xi32, #tpu.memory_space<vmem>> -> memref<1x50xi32, #tpu.memory_space<vmem>>
      %dma_wait3A_441 = tpu.memref_squeeze %dma_wait3A_440 : memref<1x50xi32, #tpu.memory_space<vmem>> -> memref<50xi32, #tpu.memory_space<vmem>>
      %dma_wait3A_442 = arith.constant 0 : i32
      %dma_wait3A_443 = arith.constant 0 : i32
      %dma_wait3A_444 = tpu.memref_slice %arg2[%arg0, %dma_wait3A_442, %dma_wait3A_443] : memref<2x10000x128xf32, #tpu.memory_space<hbm>> -> memref<1x10000x128xf32, #tpu.memory_space<hbm>>
      %dma_wait3A_445 = tpu.memref_squeeze %dma_wait3A_444 : memref<1x10000x128xf32, #tpu.memory_space<hbm>> -> memref<10000x128xf32, #tpu.memory_space<hbm>>
      %dma_wait3A_446 = arith.constant 0 : i32
      %dma_wait3A_447 = arith.constant 0 : i32
      %dma_wait3A_448 = tpu.memref_slice %dma_wait3A_445[%dma_wait3A_446, %dma_wait3A_447] : memref<10000x128xf32, #tpu.memory_space<hbm>> -> memref<10000x128xf32, #tpu.memory_space<hbm>>
      tpu.wait_indirect_dma semaphore(%arg15 : memref<!tpu.dma_semaphore, #tpu.memory_space<semaphore_mem>>) src(%dma_wait3A_448 : memref<10000x128xf32, #tpu.memory_space<hbm>>) dst(%arg11 : memref<50x128xf32, #tpu.memory_space<vmem>>)
      %dma_start3A_449 = arith.constant 0 : i32
      %dma_start3A_450 = tpu.memref_slice %arg7[%add3A_437, %dma_start3A_449] : memref<80x50xi32, #tpu.memory_space<vmem>> -> memref<1x50xi32, #tpu.memory_space<vmem>>
      %dma_start3A_451 = tpu.memref_squeeze %dma_start3A_450 : memref<1x50xi32, #tpu.memory_space<vmem>> -> memref<50xi32, #tpu.memory_space<vmem>>
      %dma_start3A_452 = arith.constant 0 : i32
      %dma_start3A_453 = arith.constant 0 : i32
      %dma_start3A_454 = tpu.memref_slice %arg20[%dma_start3A_452, %dma_start3A_453] : memref<10000x128xf32, #tpu.memory_space<vmem_shared>> -> memref<10000x128xf32, #tpu.memory_space<vmem_shared>>
      tpu.enqueue_indirect_dma source(%arg11 : memref<50x128xf32, #tpu.memory_space<vmem>>) target(%dma_start3A_454 : memref<10000x128xf32, #tpu.memory_space<vmem_shared>>) offsets(%dma_start3A_451 : memref<50xi32, #tpu.memory_space<vmem>>) semaphore(%arg19 : memref<!tpu.dma_semaphore, #tpu.memory_space<semaphore_mem>>) {add = true}
      %lt3A_455 = arith.constant 19 : i32
      %lt3A_456 = arith.cmpi slt, %scan3A_353, %lt3A_455 : i32
      %convert_element_type3A_457 = arith.extui %lt3A_456 : i1 to i32
      %cond3A_458 = arith.constant 0 : i32
      %cond3A_459 = arith.cmpi ne, %convert_element_type3A_457, %cond3A_458 : i32
      scf.if %cond3A_459 {
        %dma_wait3A_460 = arith.constant 0 : i32
        %dma_wait3A_461 = arith.constant 0 : i32
        %dma_wait3A_462 = tpu.memref_slice %arg7[%dma_wait3A_460, %dma_wait3A_461] : memref<80x50xi32, #tpu.memory_space<vmem>> -> memref<1x50xi32, #tpu.memory_space<vmem>>
        %dma_wait3A_463 = tpu.memref_squeeze %dma_wait3A_462 : memref<1x50xi32, #tpu.memory_space<vmem>> -> memref<50xi32, #tpu.memory_space<vmem>>
        %dma_wait3A_464 = arith.constant 0 : i32
        %dma_wait3A_465 = arith.constant 0 : i32
        %dma_wait3A_466 = tpu.memref_slice %arg20[%dma_wait3A_464, %dma_wait3A_465] : memref<10000x128xf32, #tpu.memory_space<vmem_shared>> -> memref<10000x128xf32, #tpu.memory_space<vmem_shared>>
        tpu.wait_indirect_dma semaphore(%arg18 : memref<!tpu.dma_semaphore, #tpu.memory_space<semaphore_mem>>) src(%arg10 : memref<50x128xf32, #tpu.memory_space<vmem>>) dst(%dma_wait3A_466 : memref<10000x128xf32, #tpu.memory_space<vmem_shared>>)
        %add3A_467 = arith.constant 3 : i32
        %add3A_468 = arith.addi %add3A_437, %add3A_467 : i32
        %dma_start3A_469 = arith.constant 0 : i32
        %dma_start3A_470 = tpu.memref_slice %arg6[%add3A_468, %dma_start3A_469] : memref<80x50xi32, #tpu.memory_space<vmem>> -> memref<1x50xi32, #tpu.memory_space<vmem>>
        %dma_start3A_471 = tpu.memref_squeeze %dma_start3A_470 : memref<1x50xi32, #tpu.memory_space<vmem>> -> memref<50xi32, #tpu.memory_space<vmem>>
        %dma_start3A_472 = arith.constant 0 : i32
        %dma_start3A_473 = arith.constant 0 : i32
        %dma_start3A_474 = tpu.memref_slice %arg2[%arg0, %dma_start3A_472, %dma_start3A_473] : memref<2x10000x128xf32, #tpu.memory_space<hbm>> -> memref<1x10000x128xf32, #tpu.memory_space<hbm>>
        %dma_start3A_475 = tpu.memref_squeeze %dma_start3A_474 : memref<1x10000x128xf32, #tpu.memory_space<hbm>> -> memref<10000x128xf32, #tpu.memory_space<hbm>>
        %dma_start3A_476 = arith.constant 0 : i32
        %dma_start3A_477 = arith.constant 0 : i32
        %dma_start3A_478 = tpu.memref_slice %dma_start3A_475[%dma_start3A_476, %dma_start3A_477] : memref<10000x128xf32, #tpu.memory_space<hbm>> -> memref<10000x128xf32, #tpu.memory_space<hbm>>
        tpu.enqueue_indirect_dma source(%dma_start3A_478 : memref<10000x128xf32, #tpu.memory_space<hbm>>) target(%arg10 : memref<50x128xf32, #tpu.memory_space<vmem>>) offsets(%dma_start3A_471 : memref<50xi32, #tpu.memory_space<vmem>>) semaphore(%arg14 : memref<!tpu.dma_semaphore, #tpu.memory_space<semaphore_mem>>)
      } else {
      }
    }
    %scan3A_42 = arith.constant 20 : i32
    %dma_wait3A = arith.constant 0 : i32
    %dma_wait3A_43 = arith.constant 0 : i32
    %dma_wait3A_44 = tpu.memref_slice %arg7[%dma_wait3A, %dma_wait3A_43] : memref<80x50xi32, #tpu.memory_space<vmem>> -> memref<1x50xi32, #tpu.memory_space<vmem>>
    %dma_wait3A_45 = tpu.memref_squeeze %dma_wait3A_44 : memref<1x50xi32, #tpu.memory_space<vmem>> -> memref<50xi32, #tpu.memory_space<vmem>>
    %dma_wait3A_46 = arith.constant 0 : i32
    %dma_wait3A_47 = arith.constant 0 : i32
    %dma_wait3A_48 = tpu.memref_slice %arg20[%dma_wait3A_46, %dma_wait3A_47] : memref<10000x128xf32, #tpu.memory_space<vmem_shared>> -> memref<10000x128xf32, #tpu.memory_space<vmem_shared>>
    tpu.wait_indirect_dma semaphore(%arg16 : memref<!tpu.dma_semaphore, #tpu.memory_space<semaphore_mem>>) src(%arg8 : memref<50x128xf32, #tpu.memory_space<vmem>>) dst(%dma_wait3A_48 : memref<10000x128xf32, #tpu.memory_space<vmem_shared>>)
    %dma_wait3A_49 = arith.constant 0 : i32
    %dma_wait3A_50 = arith.constant 0 : i32
    %dma_wait3A_51 = tpu.memref_slice %arg7[%dma_wait3A_49, %dma_wait3A_50] : memref<80x50xi32, #tpu.memory_space<vmem>> -> memref<1x50xi32, #tpu.memory_space<vmem>>
    %dma_wait3A_52 = tpu.memref_squeeze %dma_wait3A_51 : memref<1x50xi32, #tpu.memory_space<vmem>> -> memref<50xi32, #tpu.memory_space<vmem>>
    %dma_wait3A_53 = arith.constant 0 : i32
    %dma_wait3A_54 = arith.constant 0 : i32
    %dma_wait3A_55 = tpu.memref_slice %arg20[%dma_wait3A_53, %dma_wait3A_54] : memref<10000x128xf32, #tpu.memory_space<vmem_shared>> -> memref<10000x128xf32, #tpu.memory_space<vmem_shared>>
    tpu.wait_indirect_dma semaphore(%arg17 : memref<!tpu.dma_semaphore, #tpu.memory_space<semaphore_mem>>) src(%arg9 : memref<50x128xf32, #tpu.memory_space<vmem>>) dst(%dma_wait3A_55 : memref<10000x128xf32, #tpu.memory_space<vmem_shared>>)
    %dma_wait3A_56 = arith.constant 0 : i32
    %dma_wait3A_57 = arith.constant 0 : i32
    %dma_wait3A_58 = tpu.memref_slice %arg7[%dma_wait3A_56, %dma_wait3A_57] : memref<80x50xi32, #tpu.memory_space<vmem>> -> memref<1x50xi32, #tpu.memory_space<vmem>>
    %dma_wait3A_59 = tpu.memref_squeeze %dma_wait3A_58 : memref<1x50xi32, #tpu.memory_space<vmem>> -> memref<50xi32, #tpu.memory_space<vmem>>
    %dma_wait3A_60 = arith.constant 0 : i32
    %dma_wait3A_61 = arith.constant 0 : i32
    %dma_wait3A_62 = tpu.memref_slice %arg20[%dma_wait3A_60, %dma_wait3A_61] : memref<10000x128xf32, #tpu.memory_space<vmem_shared>> -> memref<10000x128xf32, #tpu.memory_space<vmem_shared>>
    tpu.wait_indirect_dma semaphore(%arg18 : memref<!tpu.dma_semaphore, #tpu.memory_space<semaphore_mem>>) src(%arg10 : memref<50x128xf32, #tpu.memory_space<vmem>>) dst(%dma_wait3A_62 : memref<10000x128xf32, #tpu.memory_space<vmem_shared>>)
    %dma_wait3A_63 = arith.constant 0 : i32
    %dma_wait3A_64 = arith.constant 0 : i32
    %dma_wait3A_65 = tpu.memref_slice %arg7[%dma_wait3A_63, %dma_wait3A_64] : memref<80x50xi32, #tpu.memory_space<vmem>> -> memref<1x50xi32, #tpu.memory_space<vmem>>
    %dma_wait3A_66 = tpu.memref_squeeze %dma_wait3A_65 : memref<1x50xi32, #tpu.memory_space<vmem>> -> memref<50xi32, #tpu.memory_space<vmem>>
    %dma_wait3A_67 = arith.constant 0 : i32
    %dma_wait3A_68 = arith.constant 0 : i32
    %dma_wait3A_69 = tpu.memref_slice %arg20[%dma_wait3A_67, %dma_wait3A_68] : memref<10000x128xf32, #tpu.memory_space<vmem_shared>> -> memref<10000x128xf32, #tpu.memory_space<vmem_shared>>
    tpu.wait_indirect_dma semaphore(%arg19 : memref<!tpu.dma_semaphore, #tpu.memory_space<semaphore_mem>>) src(%arg11 : memref<50x128xf32, #tpu.memory_space<vmem>>) dst(%dma_wait3A_69 : memref<10000x128xf32, #tpu.memory_space<vmem_shared>>)
    %run_scoped3A_70 = arith.constant 1 : i32
    "tpu.region"() ({
      %run_scoped3A_353 = tpu.sem_alloc : memref<!tpu.dma_semaphore, #tpu.memory_space<semaphore_mem>>
      %dma_start3A_354 = arith.constant 0 : i32
      %dma_start3A_355 = arith.constant 0 : i32
      %dma_start3A_356 = tpu.memref_slice %arg3[%arg0, %arg1, %run_scoped3A_70, %dma_start3A_354, %dma_start3A_355] : memref<2x16x5x80x50xi32, #tpu.memory_space<hbm>> -> memref<1x1x1x80x50xi32, #tpu.memory_space<hbm>>
      %dma_start3A_357 = tpu.memref_squeeze %dma_start3A_356 : memref<1x1x1x80x50xi32, #tpu.memory_space<hbm>> -> memref<80x50xi32, #tpu.memory_space<hbm>>
      %dma_start3A_358 = arith.constant 0 : i32
      %dma_start3A_359 = arith.constant 0 : i32
      %dma_start3A_360 = tpu.memref_slice %arg3[%arg0, %arg1, %run_scoped3A_70, %dma_start3A_358, %dma_start3A_359] : memref<2x16x5x80x50xi32, #tpu.memory_space<hbm>> -> memref<1x1x1x80x50xi32, #tpu.memory_space<hbm>>
      %dma_start3A_361 = tpu.memref_squeeze %dma_start3A_360 : memref<1x1x1x80x50xi32, #tpu.memory_space<hbm>> -> memref<80x50xi32, #tpu.memory_space<hbm>>
      tpu.enqueue_dma source(%dma_start3A_361 : memref<80x50xi32, #tpu.memory_space<hbm>>) target(%arg6 : memref<80x50xi32, #tpu.memory_space<vmem>>) target_semaphore(%run_scoped3A_353 : memref<!tpu.dma_semaphore, #tpu.memory_space<semaphore_mem>>)
      %dma_wait3A_362 = arith.constant 0 : i32
      %dma_wait3A_363 = arith.constant 0 : i32
      %dma_wait3A_364 = tpu.memref_slice %arg3[%arg0, %arg1, %run_scoped3A_70, %dma_wait3A_362, %dma_wait3A_363] : memref<2x16x5x80x50xi32, #tpu.memory_space<hbm>> -> memref<1x1x1x80x50xi32, #tpu.memory_space<hbm>>
      %dma_wait3A_365 = tpu.memref_squeeze %dma_wait3A_364 : memref<1x1x1x80x50xi32, #tpu.memory_space<hbm>> -> memref<80x50xi32, #tpu.memory_space<hbm>>
      %dma_wait3A_366 = arith.constant 0 : i32
      %dma_wait3A_367 = arith.constant 0 : i32
      %dma_wait3A_368 = tpu.memref_slice %arg3[%arg0, %arg1, %run_scoped3A_70, %dma_wait3A_366, %dma_wait3A_367] : memref<2x16x5x80x50xi32, #tpu.memory_space<hbm>> -> memref<1x1x1x80x50xi32, #tpu.memory_space<hbm>>
      %dma_wait3A_369 = tpu.memref_squeeze %dma_wait3A_368 : memref<1x1x1x80x50xi32, #tpu.memory_space<hbm>> -> memref<80x50xi32, #tpu.memory_space<hbm>>
      tpu.wait_dma2 semaphore(%run_scoped3A_353 : memref<!tpu.dma_semaphore, #tpu.memory_space<semaphore_mem>>) src(%dma_wait3A_369 : memref<80x50xi32, #tpu.memory_space<hbm>>) dst(%arg6 : memref<80x50xi32, #tpu.memory_space<vmem>>)
      tpu.yield
    }) : () -> ()
    %run_scoped3A_71 = arith.constant 1 : i32
    "tpu.region"() ({
      %run_scoped3A_353 = tpu.sem_alloc : memref<!tpu.dma_semaphore, #tpu.memory_space<semaphore_mem>>
      %dma_start3A_354 = arith.constant 0 : i32
      %dma_start3A_355 = arith.constant 0 : i32
      %dma_start3A_356 = tpu.memref_slice %arg4[%arg0, %arg1, %run_scoped3A_71, %dma_start3A_354, %dma_start3A_355] : memref<2x16x5x80x50xi32, #tpu.memory_space<hbm>> -> memref<1x1x1x80x50xi32, #tpu.memory_space<hbm>>
      %dma_start3A_357 = tpu.memref_squeeze %dma_start3A_356 : memref<1x1x1x80x50xi32, #tpu.memory_space<hbm>> -> memref<80x50xi32, #tpu.memory_space<hbm>>
      %dma_start3A_358 = arith.constant 0 : i32
      %dma_start3A_359 = arith.constant 0 : i32
      %dma_start3A_360 = tpu.memref_slice %arg4[%arg0, %arg1, %run_scoped3A_71, %dma_start3A_358, %dma_start3A_359] : memref<2x16x5x80x50xi32, #tpu.memory_space<hbm>> -> memref<1x1x1x80x50xi32, #tpu.memory_space<hbm>>
      %dma_start3A_361 = tpu.memref_squeeze %dma_start3A_360 : memref<1x1x1x80x50xi32, #tpu.memory_space<hbm>> -> memref<80x50xi32, #tpu.memory_space<hbm>>
      tpu.enqueue_dma source(%dma_start3A_361 : memref<80x50xi32, #tpu.memory_space<hbm>>) target(%arg7 : memref<80x50xi32, #tpu.memory_space<vmem>>) target_semaphore(%run_scoped3A_353 : memref<!tpu.dma_semaphore, #tpu.memory_space<semaphore_mem>>)
      %dma_wait3A_362 = arith.constant 0 : i32
      %dma_wait3A_363 = arith.constant 0 : i32
      %dma_wait3A_364 = tpu.memref_slice %arg4[%arg0, %arg1, %run_scoped3A_71, %dma_wait3A_362, %dma_wait3A_363] : memref<2x16x5x80x50xi32, #tpu.memory_space<hbm>> -> memref<1x1x1x80x50xi32, #tpu.memory_space<hbm>>
      %dma_wait3A_365 = tpu.memref_squeeze %dma_wait3A_364 : memref<1x1x1x80x50xi32, #tpu.memory_space<hbm>> -> memref<80x50xi32, #tpu.memory_space<hbm>>
      %dma_wait3A_366 = arith.constant 0 : i32
      %dma_wait3A_367 = arith.constant 0 : i32
      %dma_wait3A_368 = tpu.memref_slice %arg4[%arg0, %arg1, %run_scoped3A_71, %dma_wait3A_366, %dma_wait3A_367] : memref<2x16x5x80x50xi32, #tpu.memory_space<hbm>> -> memref<1x1x1x80x50xi32, #tpu.memory_space<hbm>>
      %dma_wait3A_369 = tpu.memref_squeeze %dma_wait3A_368 : memref<1x1x1x80x50xi32, #tpu.memory_space<hbm>> -> memref<80x50xi32, #tpu.memory_space<hbm>>
      tpu.wait_dma2 semaphore(%run_scoped3A_353 : memref<!tpu.dma_semaphore, #tpu.memory_space<semaphore_mem>>) src(%dma_wait3A_369 : memref<80x50xi32, #tpu.memory_space<hbm>>) dst(%arg7 : memref<80x50xi32, #tpu.memory_space<vmem>>)
      tpu.yield
    }) : () -> ()
    %dma_start3A_72 = arith.constant 0 : i32
    %dma_start3A_73 = arith.constant 0 : i32
    %dma_start3A_74 = tpu.memref_slice %arg6[%dma_start3A_72, %dma_start3A_73] : memref<80x50xi32, #tpu.memory_space<vmem>> -> memref<1x50xi32, #tpu.memory_space<vmem>>
    %dma_start3A_75 = tpu.memref_squeeze %dma_start3A_74 : memref<1x50xi32, #tpu.memory_space<vmem>> -> memref<50xi32, #tpu.memory_space<vmem>>
    %dma_start3A_76 = arith.constant 0 : i32
    %dma_start3A_77 = arith.constant 0 : i32
    %dma_start3A_78 = tpu.memref_slice %arg2[%arg0, %dma_start3A_76, %dma_start3A_77] : memref<2x10000x128xf32, #tpu.memory_space<hbm>> -> memref<1x10000x128xf32, #tpu.memory_space<hbm>>
    %dma_start3A_79 = tpu.memref_squeeze %dma_start3A_78 : memref<1x10000x128xf32, #tpu.memory_space<hbm>> -> memref<10000x128xf32, #tpu.memory_space<hbm>>
    %dma_start3A_80 = arith.constant 0 : i32
    %dma_start3A_81 = arith.constant 0 : i32
    %dma_start3A_82 = tpu.memref_slice %dma_start3A_79[%dma_start3A_80, %dma_start3A_81] : memref<10000x128xf32, #tpu.memory_space<hbm>> -> memref<10000x128xf32, #tpu.memory_space<hbm>>
    tpu.enqueue_indirect_dma source(%dma_start3A_82 : memref<10000x128xf32, #tpu.memory_space<hbm>>) target(%arg8 : memref<50x128xf32, #tpu.memory_space<vmem>>) offsets(%dma_start3A_75 : memref<50xi32, #tpu.memory_space<vmem>>) semaphore(%arg12 : memref<!tpu.dma_semaphore, #tpu.memory_space<semaphore_mem>>)
    %dma_start3A_83 = arith.constant 1 : i32
    %dma_start3A_84 = arith.constant 0 : i32
    %dma_start3A_85 = tpu.memref_slice %arg6[%dma_start3A_83, %dma_start3A_84] : memref<80x50xi32, #tpu.memory_space<vmem>> -> memref<1x50xi32, #tpu.memory_space<vmem>>
    %dma_start3A_86 = tpu.memref_squeeze %dma_start3A_85 : memref<1x50xi32, #tpu.memory_space<vmem>> -> memref<50xi32, #tpu.memory_space<vmem>>
    %dma_start3A_87 = arith.constant 0 : i32
    %dma_start3A_88 = arith.constant 0 : i32
    %dma_start3A_89 = tpu.memref_slice %arg2[%arg0, %dma_start3A_87, %dma_start3A_88] : memref<2x10000x128xf32, #tpu.memory_space<hbm>> -> memref<1x10000x128xf32, #tpu.memory_space<hbm>>
    %dma_start3A_90 = tpu.memref_squeeze %dma_start3A_89 : memref<1x10000x128xf32, #tpu.memory_space<hbm>> -> memref<10000x128xf32, #tpu.memory_space<hbm>>
    %dma_start3A_91 = arith.constant 0 : i32
    %dma_start3A_92 = arith.constant 0 : i32
    %dma_start3A_93 = tpu.memref_slice %dma_start3A_90[%dma_start3A_91, %dma_start3A_92] : memref<10000x128xf32, #tpu.memory_space<hbm>> -> memref<10000x128xf32, #tpu.memory_space<hbm>>
    tpu.enqueue_indirect_dma source(%dma_start3A_93 : memref<10000x128xf32, #tpu.memory_space<hbm>>) target(%arg9 : memref<50x128xf32, #tpu.memory_space<vmem>>) offsets(%dma_start3A_86 : memref<50xi32, #tpu.memory_space<vmem>>) semaphore(%arg13 : memref<!tpu.dma_semaphore, #tpu.memory_space<semaphore_mem>>)
    %dma_start3A_94 = arith.constant 2 : i32
    %dma_start3A_95 = arith.constant 0 : i32
    %dma_start3A_96 = tpu.memref_slice %arg6[%dma_start3A_94, %dma_start3A_95] : memref<80x50xi32, #tpu.memory_space<vmem>> -> memref<1x50xi32, #tpu.memory_space<vmem>>
    %dma_start3A_97 = tpu.memref_squeeze %dma_start3A_96 : memref<1x50xi32, #tpu.memory_space<vmem>> -> memref<50xi32, #tpu.memory_space<vmem>>
    %dma_start3A_98 = arith.constant 0 : i32
    %dma_start3A_99 = arith.constant 0 : i32
    %dma_start3A_100 = tpu.memref_slice %arg2[%arg0, %dma_start3A_98, %dma_start3A_99] : memref<2x10000x128xf32, #tpu.memory_space<hbm>> -> memref<1x10000x128xf32, #tpu.memory_space<hbm>>
    %dma_start3A_101 = tpu.memref_squeeze %dma_start3A_100 : memref<1x10000x128xf32, #tpu.memory_space<hbm>> -> memref<10000x128xf32, #tpu.memory_space<hbm>>
    %dma_start3A_102 = arith.constant 0 : i32
    %dma_start3A_103 = arith.constant 0 : i32
    %dma_start3A_104 = tpu.memref_slice %dma_start3A_101[%dma_start3A_102, %dma_start3A_103] : memref<10000x128xf32, #tpu.memory_space<hbm>> -> memref<10000x128xf32, #tpu.memory_space<hbm>>
    tpu.enqueue_indirect_dma source(%dma_start3A_104 : memref<10000x128xf32, #tpu.memory_space<hbm>>) target(%arg10 : memref<50x128xf32, #tpu.memory_space<vmem>>) offsets(%dma_start3A_97 : memref<50xi32, #tpu.memory_space<vmem>>) semaphore(%arg14 : memref<!tpu.dma_semaphore, #tpu.memory_space<semaphore_mem>>)
    %scan3A_105 = arith.constant 0 : i32
    %scan3A_106 = arith.constant 20 : i32
    %scan3A_107 = arith.addi %scan3A_105, %scan3A_106 : i32
    %scan3A_108 = arith.constant 1 : i32
    scf.for %scan3A_353 = %scan3A_105 to %scan3A_107 step %scan3A_108  : i32 {
      %mul3A = arith.constant 4 : i32
      %mul3A_354 = arith.muli %mul3A, %scan3A_353 : i32
      %add3A = arith.constant 0 : i32
      %add3A_355 = arith.addi %mul3A_354, %add3A : i32
      %dma_wait3A_356 = arith.constant 0 : i32
      %dma_wait3A_357 = arith.constant 0 : i32
      %dma_wait3A_358 = tpu.memref_slice %arg6[%dma_wait3A_356, %dma_wait3A_357] : memref<80x50xi32, #tpu.memory_space<vmem>> -> memref<1x50xi32, #tpu.memory_space<vmem>>
      %dma_wait3A_359 = tpu.memref_squeeze %dma_wait3A_358 : memref<1x50xi32, #tpu.memory_space<vmem>> -> memref<50xi32, #tpu.memory_space<vmem>>
      %dma_wait3A_360 = arith.constant 0 : i32
      %dma_wait3A_361 = arith.constant 0 : i32
      %dma_wait3A_362 = tpu.memref_slice %arg2[%arg0, %dma_wait3A_360, %dma_wait3A_361] : memref<2x10000x128xf32, #tpu.memory_space<hbm>> -> memref<1x10000x128xf32, #tpu.memory_space<hbm>>
      %dma_wait3A_363 = tpu.memref_squeeze %dma_wait3A_362 : memref<1x10000x128xf32, #tpu.memory_space<hbm>> -> memref<10000x128xf32, #tpu.memory_space<hbm>>
      %dma_wait3A_364 = arith.constant 0 : i32
      %dma_wait3A_365 = arith.constant 0 : i32
      %dma_wait3A_366 = tpu.memref_slice %dma_wait3A_363[%dma_wait3A_364, %dma_wait3A_365] : memref<10000x128xf32, #tpu.memory_space<hbm>> -> memref<10000x128xf32, #tpu.memory_space<hbm>>
      tpu.wait_indirect_dma semaphore(%arg12 : memref<!tpu.dma_semaphore, #tpu.memory_space<semaphore_mem>>) src(%dma_wait3A_366 : memref<10000x128xf32, #tpu.memory_space<hbm>>) dst(%arg8 : memref<50x128xf32, #tpu.memory_space<vmem>>)
      %dma_start3A_367 = arith.constant 0 : i32
      %dma_start3A_368 = tpu.memref_slice %arg7[%add3A_355, %dma_start3A_367] : memref<80x50xi32, #tpu.memory_space<vmem>> -> memref<1x50xi32, #tpu.memory_space<vmem>>
      %dma_start3A_369 = tpu.memref_squeeze %dma_start3A_368 : memref<1x50xi32, #tpu.memory_space<vmem>> -> memref<50xi32, #tpu.memory_space<vmem>>
      %dma_start3A_370 = arith.constant 0 : i32
      %dma_start3A_371 = arith.constant 0 : i32
      %dma_start3A_372 = tpu.memref_slice %arg20[%dma_start3A_370, %dma_start3A_371] : memref<10000x128xf32, #tpu.memory_space<vmem_shared>> -> memref<10000x128xf32, #tpu.memory_space<vmem_shared>>
      tpu.enqueue_indirect_dma source(%arg8 : memref<50x128xf32, #tpu.memory_space<vmem>>) target(%dma_start3A_372 : memref<10000x128xf32, #tpu.memory_space<vmem_shared>>) offsets(%dma_start3A_369 : memref<50xi32, #tpu.memory_space<vmem>>) semaphore(%arg16 : memref<!tpu.dma_semaphore, #tpu.memory_space<semaphore_mem>>) {add = true}
      %eq3A_373 = arith.constant 0 : i32
      %eq3A_374 = arith.cmpi eq, %scan3A_353, %eq3A_373 : i32
      %convert_element_type3A_375 = arith.extui %eq3A_374 : i1 to i32
      %cond3A_376 = arith.constant 0 : i32
      %cond3A_377 = arith.cmpi ne, %convert_element_type3A_375, %cond3A_376 : i32
      scf.if %cond3A_377 {
        %dma_start3A_460 = arith.constant 3 : i32
        %dma_start3A_461 = arith.constant 0 : i32
        %dma_start3A_462 = tpu.memref_slice %arg6[%dma_start3A_460, %dma_start3A_461] : memref<80x50xi32, #tpu.memory_space<vmem>> -> memref<1x50xi32, #tpu.memory_space<vmem>>
        %dma_start3A_463 = tpu.memref_squeeze %dma_start3A_462 : memref<1x50xi32, #tpu.memory_space<vmem>> -> memref<50xi32, #tpu.memory_space<vmem>>
        %dma_start3A_464 = arith.constant 0 : i32
        %dma_start3A_465 = arith.constant 0 : i32
        %dma_start3A_466 = tpu.memref_slice %arg2[%arg0, %dma_start3A_464, %dma_start3A_465] : memref<2x10000x128xf32, #tpu.memory_space<hbm>> -> memref<1x10000x128xf32, #tpu.memory_space<hbm>>
        %dma_start3A_467 = tpu.memref_squeeze %dma_start3A_466 : memref<1x10000x128xf32, #tpu.memory_space<hbm>> -> memref<10000x128xf32, #tpu.memory_space<hbm>>
        %dma_start3A_468 = arith.constant 0 : i32
        %dma_start3A_469 = arith.constant 0 : i32
        %dma_start3A_470 = tpu.memref_slice %dma_start3A_467[%dma_start3A_468, %dma_start3A_469] : memref<10000x128xf32, #tpu.memory_space<hbm>> -> memref<10000x128xf32, #tpu.memory_space<hbm>>
        tpu.enqueue_indirect_dma source(%dma_start3A_470 : memref<10000x128xf32, #tpu.memory_space<hbm>>) target(%arg11 : memref<50x128xf32, #tpu.memory_space<vmem>>) offsets(%dma_start3A_463 : memref<50xi32, #tpu.memory_space<vmem>>) semaphore(%arg15 : memref<!tpu.dma_semaphore, #tpu.memory_space<semaphore_mem>>)
      } else {
      }
      %gt3A = arith.constant 0 : i32
      %gt3A_378 = arith.cmpi sgt, %scan3A_353, %gt3A : i32
      %convert_element_type3A_379 = arith.extui %gt3A_378 : i1 to i32
      %cond3A_380 = arith.constant 0 : i32
      %cond3A_381 = arith.cmpi ne, %convert_element_type3A_379, %cond3A_380 : i32
      scf.if %cond3A_381 {
        %dma_wait3A_460 = arith.constant 0 : i32
        %dma_wait3A_461 = arith.constant 0 : i32
        %dma_wait3A_462 = tpu.memref_slice %arg7[%dma_wait3A_460, %dma_wait3A_461] : memref<80x50xi32, #tpu.memory_space<vmem>> -> memref<1x50xi32, #tpu.memory_space<vmem>>
        %dma_wait3A_463 = tpu.memref_squeeze %dma_wait3A_462 : memref<1x50xi32, #tpu.memory_space<vmem>> -> memref<50xi32, #tpu.memory_space<vmem>>
        %dma_wait3A_464 = arith.constant 0 : i32
        %dma_wait3A_465 = arith.constant 0 : i32
        %dma_wait3A_466 = tpu.memref_slice %arg20[%dma_wait3A_464, %dma_wait3A_465] : memref<10000x128xf32, #tpu.memory_space<vmem_shared>> -> memref<10000x128xf32, #tpu.memory_space<vmem_shared>>
        tpu.wait_indirect_dma semaphore(%arg19 : memref<!tpu.dma_semaphore, #tpu.memory_space<semaphore_mem>>) src(%arg11 : memref<50x128xf32, #tpu.memory_space<vmem>>) dst(%dma_wait3A_466 : memref<10000x128xf32, #tpu.memory_space<vmem_shared>>)
        %add3A_467 = arith.constant 3 : i32
        %add3A_468 = arith.addi %add3A_355, %add3A_467 : i32
        %dma_start3A_469 = arith.constant 0 : i32
        %dma_start3A_470 = tpu.memref_slice %arg6[%add3A_468, %dma_start3A_469] : memref<80x50xi32, #tpu.memory_space<vmem>> -> memref<1x50xi32, #tpu.memory_space<vmem>>
        %dma_start3A_471 = tpu.memref_squeeze %dma_start3A_470 : memref<1x50xi32, #tpu.memory_space<vmem>> -> memref<50xi32, #tpu.memory_space<vmem>>
        %dma_start3A_472 = arith.constant 0 : i32
        %dma_start3A_473 = arith.constant 0 : i32
        %dma_start3A_474 = tpu.memref_slice %arg2[%arg0, %dma_start3A_472, %dma_start3A_473] : memref<2x10000x128xf32, #tpu.memory_space<hbm>> -> memref<1x10000x128xf32, #tpu.memory_space<hbm>>
        %dma_start3A_475 = tpu.memref_squeeze %dma_start3A_474 : memref<1x10000x128xf32, #tpu.memory_space<hbm>> -> memref<10000x128xf32, #tpu.memory_space<hbm>>
        %dma_start3A_476 = arith.constant 0 : i32
        %dma_start3A_477 = arith.constant 0 : i32
        %dma_start3A_478 = tpu.memref_slice %dma_start3A_475[%dma_start3A_476, %dma_start3A_477] : memref<10000x128xf32, #tpu.memory_space<hbm>> -> memref<10000x128xf32, #tpu.memory_space<hbm>>
        tpu.enqueue_indirect_dma source(%dma_start3A_478 : memref<10000x128xf32, #tpu.memory_space<hbm>>) target(%arg11 : memref<50x128xf32, #tpu.memory_space<vmem>>) offsets(%dma_start3A_471 : memref<50xi32, #tpu.memory_space<vmem>>) semaphore(%arg15 : memref<!tpu.dma_semaphore, #tpu.memory_space<semaphore_mem>>)
      } else {
      }
      %mul3A_382 = arith.constant 4 : i32
      %mul3A_383 = arith.muli %mul3A_382, %scan3A_353 : i32
      %add3A_384 = arith.constant 1 : i32
      %add3A_385 = arith.addi %mul3A_383, %add3A_384 : i32
      %dma_wait3A_386 = arith.constant 0 : i32
      %dma_wait3A_387 = arith.constant 0 : i32
      %dma_wait3A_388 = tpu.memref_slice %arg6[%dma_wait3A_386, %dma_wait3A_387] : memref<80x50xi32, #tpu.memory_space<vmem>> -> memref<1x50xi32, #tpu.memory_space<vmem>>
      %dma_wait3A_389 = tpu.memref_squeeze %dma_wait3A_388 : memref<1x50xi32, #tpu.memory_space<vmem>> -> memref<50xi32, #tpu.memory_space<vmem>>
      %dma_wait3A_390 = arith.constant 0 : i32
      %dma_wait3A_391 = arith.constant 0 : i32
      %dma_wait3A_392 = tpu.memref_slice %arg2[%arg0, %dma_wait3A_390, %dma_wait3A_391] : memref<2x10000x128xf32, #tpu.memory_space<hbm>> -> memref<1x10000x128xf32, #tpu.memory_space<hbm>>
      %dma_wait3A_393 = tpu.memref_squeeze %dma_wait3A_392 : memref<1x10000x128xf32, #tpu.memory_space<hbm>> -> memref<10000x128xf32, #tpu.memory_space<hbm>>
      %dma_wait3A_394 = arith.constant 0 : i32
      %dma_wait3A_395 = arith.constant 0 : i32
      %dma_wait3A_396 = tpu.memref_slice %dma_wait3A_393[%dma_wait3A_394, %dma_wait3A_395] : memref<10000x128xf32, #tpu.memory_space<hbm>> -> memref<10000x128xf32, #tpu.memory_space<hbm>>
      tpu.wait_indirect_dma semaphore(%arg13 : memref<!tpu.dma_semaphore, #tpu.memory_space<semaphore_mem>>) src(%dma_wait3A_396 : memref<10000x128xf32, #tpu.memory_space<hbm>>) dst(%arg9 : memref<50x128xf32, #tpu.memory_space<vmem>>)
      %dma_start3A_397 = arith.constant 0 : i32
      %dma_start3A_398 = tpu.memref_slice %arg7[%add3A_385, %dma_start3A_397] : memref<80x50xi32, #tpu.memory_space<vmem>> -> memref<1x50xi32, #tpu.memory_space<vmem>>
      %dma_start3A_399 = tpu.memref_squeeze %dma_start3A_398 : memref<1x50xi32, #tpu.memory_space<vmem>> -> memref<50xi32, #tpu.memory_space<vmem>>
      %dma_start3A_400 = arith.constant 0 : i32
      %dma_start3A_401 = arith.constant 0 : i32
      %dma_start3A_402 = tpu.memref_slice %arg20[%dma_start3A_400, %dma_start3A_401] : memref<10000x128xf32, #tpu.memory_space<vmem_shared>> -> memref<10000x128xf32, #tpu.memory_space<vmem_shared>>
      tpu.enqueue_indirect_dma source(%arg9 : memref<50x128xf32, #tpu.memory_space<vmem>>) target(%dma_start3A_402 : memref<10000x128xf32, #tpu.memory_space<vmem_shared>>) offsets(%dma_start3A_399 : memref<50xi32, #tpu.memory_space<vmem>>) semaphore(%arg17 : memref<!tpu.dma_semaphore, #tpu.memory_space<semaphore_mem>>) {add = true}
      %lt3A_403 = arith.constant 19 : i32
      %lt3A_404 = arith.cmpi slt, %scan3A_353, %lt3A_403 : i32
      %convert_element_type3A_405 = arith.extui %lt3A_404 : i1 to i32
      %cond3A_406 = arith.constant 0 : i32
      %cond3A_407 = arith.cmpi ne, %convert_element_type3A_405, %cond3A_406 : i32
      scf.if %cond3A_407 {
        %dma_wait3A_460 = arith.constant 0 : i32
        %dma_wait3A_461 = arith.constant 0 : i32
        %dma_wait3A_462 = tpu.memref_slice %arg7[%dma_wait3A_460, %dma_wait3A_461] : memref<80x50xi32, #tpu.memory_space<vmem>> -> memref<1x50xi32, #tpu.memory_space<vmem>>
        %dma_wait3A_463 = tpu.memref_squeeze %dma_wait3A_462 : memref<1x50xi32, #tpu.memory_space<vmem>> -> memref<50xi32, #tpu.memory_space<vmem>>
        %dma_wait3A_464 = arith.constant 0 : i32
        %dma_wait3A_465 = arith.constant 0 : i32
        %dma_wait3A_466 = tpu.memref_slice %arg20[%dma_wait3A_464, %dma_wait3A_465] : memref<10000x128xf32, #tpu.memory_space<vmem_shared>> -> memref<10000x128xf32, #tpu.memory_space<vmem_shared>>
        tpu.wait_indirect_dma semaphore(%arg16 : memref<!tpu.dma_semaphore, #tpu.memory_space<semaphore_mem>>) src(%arg8 : memref<50x128xf32, #tpu.memory_space<vmem>>) dst(%dma_wait3A_466 : memref<10000x128xf32, #tpu.memory_space<vmem_shared>>)
        %add3A_467 = arith.constant 3 : i32
        %add3A_468 = arith.addi %add3A_385, %add3A_467 : i32
        %dma_start3A_469 = arith.constant 0 : i32
        %dma_start3A_470 = tpu.memref_slice %arg6[%add3A_468, %dma_start3A_469] : memref<80x50xi32, #tpu.memory_space<vmem>> -> memref<1x50xi32, #tpu.memory_space<vmem>>
        %dma_start3A_471 = tpu.memref_squeeze %dma_start3A_470 : memref<1x50xi32, #tpu.memory_space<vmem>> -> memref<50xi32, #tpu.memory_space<vmem>>
        %dma_start3A_472 = arith.constant 0 : i32
        %dma_start3A_473 = arith.constant 0 : i32
        %dma_start3A_474 = tpu.memref_slice %arg2[%arg0, %dma_start3A_472, %dma_start3A_473] : memref<2x10000x128xf32, #tpu.memory_space<hbm>> -> memref<1x10000x128xf32, #tpu.memory_space<hbm>>
        %dma_start3A_475 = tpu.memref_squeeze %dma_start3A_474 : memref<1x10000x128xf32, #tpu.memory_space<hbm>> -> memref<10000x128xf32, #tpu.memory_space<hbm>>
        %dma_start3A_476 = arith.constant 0 : i32
        %dma_start3A_477 = arith.constant 0 : i32
        %dma_start3A_478 = tpu.memref_slice %dma_start3A_475[%dma_start3A_476, %dma_start3A_477] : memref<10000x128xf32, #tpu.memory_space<hbm>> -> memref<10000x128xf32, #tpu.memory_space<hbm>>
        tpu.enqueue_indirect_dma source(%dma_start3A_478 : memref<10000x128xf32, #tpu.memory_space<hbm>>) target(%arg8 : memref<50x128xf32, #tpu.memory_space<vmem>>) offsets(%dma_start3A_471 : memref<50xi32, #tpu.memory_space<vmem>>) semaphore(%arg12 : memref<!tpu.dma_semaphore, #tpu.memory_space<semaphore_mem>>)
      } else {
      }
      %mul3A_408 = arith.constant 4 : i32
      %mul3A_409 = arith.muli %mul3A_408, %scan3A_353 : i32
      %add3A_410 = arith.constant 2 : i32
      %add3A_411 = arith.addi %mul3A_409, %add3A_410 : i32
      %dma_wait3A_412 = arith.constant 0 : i32
      %dma_wait3A_413 = arith.constant 0 : i32
      %dma_wait3A_414 = tpu.memref_slice %arg6[%dma_wait3A_412, %dma_wait3A_413] : memref<80x50xi32, #tpu.memory_space<vmem>> -> memref<1x50xi32, #tpu.memory_space<vmem>>
      %dma_wait3A_415 = tpu.memref_squeeze %dma_wait3A_414 : memref<1x50xi32, #tpu.memory_space<vmem>> -> memref<50xi32, #tpu.memory_space<vmem>>
      %dma_wait3A_416 = arith.constant 0 : i32
      %dma_wait3A_417 = arith.constant 0 : i32
      %dma_wait3A_418 = tpu.memref_slice %arg2[%arg0, %dma_wait3A_416, %dma_wait3A_417] : memref<2x10000x128xf32, #tpu.memory_space<hbm>> -> memref<1x10000x128xf32, #tpu.memory_space<hbm>>
      %dma_wait3A_419 = tpu.memref_squeeze %dma_wait3A_418 : memref<1x10000x128xf32, #tpu.memory_space<hbm>> -> memref<10000x128xf32, #tpu.memory_space<hbm>>
      %dma_wait3A_420 = arith.constant 0 : i32
      %dma_wait3A_421 = arith.constant 0 : i32
      %dma_wait3A_422 = tpu.memref_slice %dma_wait3A_419[%dma_wait3A_420, %dma_wait3A_421] : memref<10000x128xf32, #tpu.memory_space<hbm>> -> memref<10000x128xf32, #tpu.memory_space<hbm>>
      tpu.wait_indirect_dma semaphore(%arg14 : memref<!tpu.dma_semaphore, #tpu.memory_space<semaphore_mem>>) src(%dma_wait3A_422 : memref<10000x128xf32, #tpu.memory_space<hbm>>) dst(%arg10 : memref<50x128xf32, #tpu.memory_space<vmem>>)
      %dma_start3A_423 = arith.constant 0 : i32
      %dma_start3A_424 = tpu.memref_slice %arg7[%add3A_411, %dma_start3A_423] : memref<80x50xi32, #tpu.memory_space<vmem>> -> memref<1x50xi32, #tpu.memory_space<vmem>>
      %dma_start3A_425 = tpu.memref_squeeze %dma_start3A_424 : memref<1x50xi32, #tpu.memory_space<vmem>> -> memref<50xi32, #tpu.memory_space<vmem>>
      %dma_start3A_426 = arith.constant 0 : i32
      %dma_start3A_427 = arith.constant 0 : i32
      %dma_start3A_428 = tpu.memref_slice %arg20[%dma_start3A_426, %dma_start3A_427] : memref<10000x128xf32, #tpu.memory_space<vmem_shared>> -> memref<10000x128xf32, #tpu.memory_space<vmem_shared>>
      tpu.enqueue_indirect_dma source(%arg10 : memref<50x128xf32, #tpu.memory_space<vmem>>) target(%dma_start3A_428 : memref<10000x128xf32, #tpu.memory_space<vmem_shared>>) offsets(%dma_start3A_425 : memref<50xi32, #tpu.memory_space<vmem>>) semaphore(%arg18 : memref<!tpu.dma_semaphore, #tpu.memory_space<semaphore_mem>>) {add = true}
      %lt3A_429 = arith.constant 19 : i32
      %lt3A_430 = arith.cmpi slt, %scan3A_353, %lt3A_429 : i32
      %convert_element_type3A_431 = arith.extui %lt3A_430 : i1 to i32
      %cond3A_432 = arith.constant 0 : i32
      %cond3A_433 = arith.cmpi ne, %convert_element_type3A_431, %cond3A_432 : i32
      scf.if %cond3A_433 {
        %dma_wait3A_460 = arith.constant 0 : i32
        %dma_wait3A_461 = arith.constant 0 : i32
        %dma_wait3A_462 = tpu.memref_slice %arg7[%dma_wait3A_460, %dma_wait3A_461] : memref<80x50xi32, #tpu.memory_space<vmem>> -> memref<1x50xi32, #tpu.memory_space<vmem>>
        %dma_wait3A_463 = tpu.memref_squeeze %dma_wait3A_462 : memref<1x50xi32, #tpu.memory_space<vmem>> -> memref<50xi32, #tpu.memory_space<vmem>>
        %dma_wait3A_464 = arith.constant 0 : i32
        %dma_wait3A_465 = arith.constant 0 : i32
        %dma_wait3A_466 = tpu.memref_slice %arg20[%dma_wait3A_464, %dma_wait3A_465] : memref<10000x128xf32, #tpu.memory_space<vmem_shared>> -> memref<10000x128xf32, #tpu.memory_space<vmem_shared>>
        tpu.wait_indirect_dma semaphore(%arg17 : memref<!tpu.dma_semaphore, #tpu.memory_space<semaphore_mem>>) src(%arg9 : memref<50x128xf32, #tpu.memory_space<vmem>>) dst(%dma_wait3A_466 : memref<10000x128xf32, #tpu.memory_space<vmem_shared>>)
        %add3A_467 = arith.constant 3 : i32
        %add3A_468 = arith.addi %add3A_411, %add3A_467 : i32
        %dma_start3A_469 = arith.constant 0 : i32
        %dma_start3A_470 = tpu.memref_slice %arg6[%add3A_468, %dma_start3A_469] : memref<80x50xi32, #tpu.memory_space<vmem>> -> memref<1x50xi32, #tpu.memory_space<vmem>>
        %dma_start3A_471 = tpu.memref_squeeze %dma_start3A_470 : memref<1x50xi32, #tpu.memory_space<vmem>> -> memref<50xi32, #tpu.memory_space<vmem>>
        %dma_start3A_472 = arith.constant 0 : i32
        %dma_start3A_473 = arith.constant 0 : i32
        %dma_start3A_474 = tpu.memref_slice %arg2[%arg0, %dma_start3A_472, %dma_start3A_473] : memref<2x10000x128xf32, #tpu.memory_space<hbm>> -> memref<1x10000x128xf32, #tpu.memory_space<hbm>>
        %dma_start3A_475 = tpu.memref_squeeze %dma_start3A_474 : memref<1x10000x128xf32, #tpu.memory_space<hbm>> -> memref<10000x128xf32, #tpu.memory_space<hbm>>
        %dma_start3A_476 = arith.constant 0 : i32
        %dma_start3A_477 = arith.constant 0 : i32
        %dma_start3A_478 = tpu.memref_slice %dma_start3A_475[%dma_start3A_476, %dma_start3A_477] : memref<10000x128xf32, #tpu.memory_space<hbm>> -> memref<10000x128xf32, #tpu.memory_space<hbm>>
        tpu.enqueue_indirect_dma source(%dma_start3A_478 : memref<10000x128xf32, #tpu.memory_space<hbm>>) target(%arg9 : memref<50x128xf32, #tpu.memory_space<vmem>>) offsets(%dma_start3A_471 : memref<50xi32, #tpu.memory_space<vmem>>) semaphore(%arg13 : memref<!tpu.dma_semaphore, #tpu.memory_space<semaphore_mem>>)
      } else {
      }
      %mul3A_434 = arith.constant 4 : i32
      %mul3A_435 = arith.muli %mul3A_434, %scan3A_353 : i32
      %add3A_436 = arith.constant 3 : i32
      %add3A_437 = arith.addi %mul3A_435, %add3A_436 : i32
      %dma_wait3A_438 = arith.constant 0 : i32
      %dma_wait3A_439 = arith.constant 0 : i32
      %dma_wait3A_440 = tpu.memref_slice %arg6[%dma_wait3A_438, %dma_wait3A_439] : memref<80x50xi32, #tpu.memory_space<vmem>> -> memref<1x50xi32, #tpu.memory_space<vmem>>
      %dma_wait3A_441 = tpu.memref_squeeze %dma_wait3A_440 : memref<1x50xi32, #tpu.memory_space<vmem>> -> memref<50xi32, #tpu.memory_space<vmem>>
      %dma_wait3A_442 = arith.constant 0 : i32
      %dma_wait3A_443 = arith.constant 0 : i32
      %dma_wait3A_444 = tpu.memref_slice %arg2[%arg0, %dma_wait3A_442, %dma_wait3A_443] : memref<2x10000x128xf32, #tpu.memory_space<hbm>> -> memref<1x10000x128xf32, #tpu.memory_space<hbm>>
      %dma_wait3A_445 = tpu.memref_squeeze %dma_wait3A_444 : memref<1x10000x128xf32, #tpu.memory_space<hbm>> -> memref<10000x128xf32, #tpu.memory_space<hbm>>
      %dma_wait3A_446 = arith.constant 0 : i32
      %dma_wait3A_447 = arith.constant 0 : i32
      %dma_wait3A_448 = tpu.memref_slice %dma_wait3A_445[%dma_wait3A_446, %dma_wait3A_447] : memref<10000x128xf32, #tpu.memory_space<hbm>> -> memref<10000x128xf32, #tpu.memory_space<hbm>>
      tpu.wait_indirect_dma semaphore(%arg15 : memref<!tpu.dma_semaphore, #tpu.memory_space<semaphore_mem>>) src(%dma_wait3A_448 : memref<10000x128xf32, #tpu.memory_space<hbm>>) dst(%arg11 : memref<50x128xf32, #tpu.memory_space<vmem>>)
      %dma_start3A_449 = arith.constant 0 : i32
      %dma_start3A_450 = tpu.memref_slice %arg7[%add3A_437, %dma_start3A_449] : memref<80x50xi32, #tpu.memory_space<vmem>> -> memref<1x50xi32, #tpu.memory_space<vmem>>
      %dma_start3A_451 = tpu.memref_squeeze %dma_start3A_450 : memref<1x50xi32, #tpu.memory_space<vmem>> -> memref<50xi32, #tpu.memory_space<vmem>>
      %dma_start3A_452 = arith.constant 0 : i32
      %dma_start3A_453 = arith.constant 0 : i32
      %dma_start3A_454 = tpu.memref_slice %arg20[%dma_start3A_452, %dma_start3A_453] : memref<10000x128xf32, #tpu.memory_space<vmem_shared>> -> memref<10000x128xf32, #tpu.memory_space<vmem_shared>>
      tpu.enqueue_indirect_dma source(%arg11 : memref<50x128xf32, #tpu.memory_space<vmem>>) target(%dma_start3A_454 : memref<10000x128xf32, #tpu.memory_space<vmem_shared>>) offsets(%dma_start3A_451 : memref<50xi32, #tpu.memory_space<vmem>>) semaphore(%arg19 : memref<!tpu.dma_semaphore, #tpu.memory_space<semaphore_mem>>) {add = true}
      %lt3A_455 = arith.constant 19 : i32
      %lt3A_456 = arith.cmpi slt, %scan3A_353, %lt3A_455 : i32
      %convert_element_type3A_457 = arith.extui %lt3A_456 : i1 to i32
      %cond3A_458 = arith.constant 0 : i32
      %cond3A_459 = arith.cmpi ne, %convert_element_type3A_457, %cond3A_458 : i32
      scf.if %cond3A_459 {
        %dma_wait3A_460 = arith.constant 0 : i32
        %dma_wait3A_461 = arith.constant 0 : i32
        %dma_wait3A_462 = tpu.memref_slice %arg7[%dma_wait3A_460, %dma_wait3A_461] : memref<80x50xi32, #tpu.memory_space<vmem>> -> memref<1x50xi32, #tpu.memory_space<vmem>>
        %dma_wait3A_463 = tpu.memref_squeeze %dma_wait3A_462 : memref<1x50xi32, #tpu.memory_space<vmem>> -> memref<50xi32, #tpu.memory_space<vmem>>
        %dma_wait3A_464 = arith.constant 0 : i32
        %dma_wait3A_465 = arith.constant 0 : i32
        %dma_wait3A_466 = tpu.memref_slice %arg20[%dma_wait3A_464, %dma_wait3A_465] : memref<10000x128xf32, #tpu.memory_space<vmem_shared>> -> memref<10000x128xf32, #tpu.memory_space<vmem_shared>>
        tpu.wait_indirect_dma semaphore(%arg18 : memref<!tpu.dma_semaphore, #tpu.memory_space<semaphore_mem>>) src(%arg10 : memref<50x128xf32, #tpu.memory_space<vmem>>) dst(%dma_wait3A_466 : memref<10000x128xf32, #tpu.memory_space<vmem_shared>>)
        %add3A_467 = arith.constant 3 : i32
        %add3A_468 = arith.addi %add3A_437, %add3A_467 : i32
        %dma_start3A_469 = arith.constant 0 : i32
        %dma_start3A_470 = tpu.memref_slice %arg6[%add3A_468, %dma_start3A_469] : memref<80x50xi32, #tpu.memory_space<vmem>> -> memref<1x50xi32, #tpu.memory_space<vmem>>
        %dma_start3A_471 = tpu.memref_squeeze %dma_start3A_470 : memref<1x50xi32, #tpu.memory_space<vmem>> -> memref<50xi32, #tpu.memory_space<vmem>>
        %dma_start3A_472 = arith.constant 0 : i32
        %dma_start3A_473 = arith.constant 0 : i32
        %dma_start3A_474 = tpu.memref_slice %arg2[%arg0, %dma_start3A_472, %dma_start3A_473] : memref<2x10000x128xf32, #tpu.memory_space<hbm>> -> memref<1x10000x128xf32, #tpu.memory_space<hbm>>
        %dma_start3A_475 = tpu.memref_squeeze %dma_start3A_474 : memref<1x10000x128xf32, #tpu.memory_space<hbm>> -> memref<10000x128xf32, #tpu.memory_space<hbm>>
        %dma_start3A_476 = arith.constant 0 : i32
        %dma_start3A_477 = arith.constant 0 : i32
        %dma_start3A_478 = tpu.memref_slice %dma_start3A_475[%dma_start3A_476, %dma_start3A_477] : memref<10000x128xf32, #tpu.memory_space<hbm>> -> memref<10000x128xf32, #tpu.memory_space<hbm>>
        tpu.enqueue_indirect_dma source(%dma_start3A_478 : memref<10000x128xf32, #tpu.memory_space<hbm>>) target(%arg10 : memref<50x128xf32, #tpu.memory_space<vmem>>) offsets(%dma_start3A_471 : memref<50xi32, #tpu.memory_space<vmem>>) semaphore(%arg14 : memref<!tpu.dma_semaphore, #tpu.memory_space<semaphore_mem>>)
      } else {
      }
    }
    %scan3A_109 = arith.constant 20 : i32
    %dma_wait3A_110 = arith.constant 0 : i32
    %dma_wait3A_111 = arith.constant 0 : i32
    %dma_wait3A_112 = tpu.memref_slice %arg7[%dma_wait3A_110, %dma_wait3A_111] : memref<80x50xi32, #tpu.memory_space<vmem>> -> memref<1x50xi32, #tpu.memory_space<vmem>>
    %dma_wait3A_113 = tpu.memref_squeeze %dma_wait3A_112 : memref<1x50xi32, #tpu.memory_space<vmem>> -> memref<50xi32, #tpu.memory_space<vmem>>
    %dma_wait3A_114 = arith.constant 0 : i32
    %dma_wait3A_115 = arith.constant 0 : i32
    %dma_wait3A_116 = tpu.memref_slice %arg20[%dma_wait3A_114, %dma_wait3A_115] : memref<10000x128xf32, #tpu.memory_space<vmem_shared>> -> memref<10000x128xf32, #tpu.memory_space<vmem_shared>>
    tpu.wait_indirect_dma semaphore(%arg16 : memref<!tpu.dma_semaphore, #tpu.memory_space<semaphore_mem>>) src(%arg8 : memref<50x128xf32, #tpu.memory_space<vmem>>) dst(%dma_wait3A_116 : memref<10000x128xf32, #tpu.memory_space<vmem_shared>>)
    %dma_wait3A_117 = arith.constant 0 : i32
    %dma_wait3A_118 = arith.constant 0 : i32
    %dma_wait3A_119 = tpu.memref_slice %arg7[%dma_wait3A_117, %dma_wait3A_118] : memref<80x50xi32, #tpu.memory_space<vmem>> -> memref<1x50xi32, #tpu.memory_space<vmem>>
    %dma_wait3A_120 = tpu.memref_squeeze %dma_wait3A_119 : memref<1x50xi32, #tpu.memory_space<vmem>> -> memref<50xi32, #tpu.memory_space<vmem>>
    %dma_wait3A_121 = arith.constant 0 : i32
    %dma_wait3A_122 = arith.constant 0 : i32
    %dma_wait3A_123 = tpu.memref_slice %arg20[%dma_wait3A_121, %dma_wait3A_122] : memref<10000x128xf32, #tpu.memory_space<vmem_shared>> -> memref<10000x128xf32, #tpu.memory_space<vmem_shared>>
    tpu.wait_indirect_dma semaphore(%arg17 : memref<!tpu.dma_semaphore, #tpu.memory_space<semaphore_mem>>) src(%arg9 : memref<50x128xf32, #tpu.memory_space<vmem>>) dst(%dma_wait3A_123 : memref<10000x128xf32, #tpu.memory_space<vmem_shared>>)
    %dma_wait3A_124 = arith.constant 0 : i32
    %dma_wait3A_125 = arith.constant 0 : i32
    %dma_wait3A_126 = tpu.memref_slice %arg7[%dma_wait3A_124, %dma_wait3A_125] : memref<80x50xi32, #tpu.memory_space<vmem>> -> memref<1x50xi32, #tpu.memory_space<vmem>>
    %dma_wait3A_127 = tpu.memref_squeeze %dma_wait3A_126 : memref<1x50xi32, #tpu.memory_space<vmem>> -> memref<50xi32, #tpu.memory_space<vmem>>
    %dma_wait3A_128 = arith.constant 0 : i32
    %dma_wait3A_129 = arith.constant 0 : i32
    %dma_wait3A_130 = tpu.memref_slice %arg20[%dma_wait3A_128, %dma_wait3A_129] : memref<10000x128xf32, #tpu.memory_space<vmem_shared>> -> memref<10000x128xf32, #tpu.memory_space<vmem_shared>>
    tpu.wait_indirect_dma semaphore(%arg18 : memref<!tpu.dma_semaphore, #tpu.memory_space<semaphore_mem>>) src(%arg10 : memref<50x128xf32, #tpu.memory_space<vmem>>) dst(%dma_wait3A_130 : memref<10000x128xf32, #tpu.memory_space<vmem_shared>>)
    %dma_wait3A_131 = arith.constant 0 : i32
    %dma_wait3A_132 = arith.constant 0 : i32
    %dma_wait3A_133 = tpu.memref_slice %arg7[%dma_wait3A_131, %dma_wait3A_132] : memref<80x50xi32, #tpu.memory_space<vmem>> -> memref<1x50xi32, #tpu.memory_space<vmem>>
    %dma_wait3A_134 = tpu.memref_squeeze %dma_wait3A_133 : memref<1x50xi32, #tpu.memory_space<vmem>> -> memref<50xi32, #tpu.memory_space<vmem>>
    %dma_wait3A_135 = arith.constant 0 : i32
    %dma_wait3A_136 = arith.constant 0 : i32
    %dma_wait3A_137 = tpu.memref_slice %arg20[%dma_wait3A_135, %dma_wait3A_136] : memref<10000x128xf32, #tpu.memory_space<vmem_shared>> -> memref<10000x128xf32, #tpu.memory_space<vmem_shared>>
    tpu.wait_indirect_dma semaphore(%arg19 : memref<!tpu.dma_semaphore, #tpu.memory_space<semaphore_mem>>) src(%arg11 : memref<50x128xf32, #tpu.memory_space<vmem>>) dst(%dma_wait3A_137 : memref<10000x128xf32, #tpu.memory_space<vmem_shared>>)
    %run_scoped3A_138 = arith.constant 2 : i32
    "tpu.region"() ({
      %run_scoped3A_353 = tpu.sem_alloc : memref<!tpu.dma_semaphore, #tpu.memory_space<semaphore_mem>>
      %dma_start3A_354 = arith.constant 0 : i32
      %dma_start3A_355 = arith.constant 0 : i32
      %dma_start3A_356 = tpu.memref_slice %arg3[%arg0, %arg1, %run_scoped3A_138, %dma_start3A_354, %dma_start3A_355] : memref<2x16x5x80x50xi32, #tpu.memory_space<hbm>> -> memref<1x1x1x80x50xi32, #tpu.memory_space<hbm>>
      %dma_start3A_357 = tpu.memref_squeeze %dma_start3A_356 : memref<1x1x1x80x50xi32, #tpu.memory_space<hbm>> -> memref<80x50xi32, #tpu.memory_space<hbm>>
      %dma_start3A_358 = arith.constant 0 : i32
      %dma_start3A_359 = arith.constant 0 : i32
      %dma_start3A_360 = tpu.memref_slice %arg3[%arg0, %arg1, %run_scoped3A_138, %dma_start3A_358, %dma_start3A_359] : memref<2x16x5x80x50xi32, #tpu.memory_space<hbm>> -> memref<1x1x1x80x50xi32, #tpu.memory_space<hbm>>
      %dma_start3A_361 = tpu.memref_squeeze %dma_start3A_360 : memref<1x1x1x80x50xi32, #tpu.memory_space<hbm>> -> memref<80x50xi32, #tpu.memory_space<hbm>>
      tpu.enqueue_dma source(%dma_start3A_361 : memref<80x50xi32, #tpu.memory_space<hbm>>) target(%arg6 : memref<80x50xi32, #tpu.memory_space<vmem>>) target_semaphore(%run_scoped3A_353 : memref<!tpu.dma_semaphore, #tpu.memory_space<semaphore_mem>>)
      %dma_wait3A_362 = arith.constant 0 : i32
      %dma_wait3A_363 = arith.constant 0 : i32
      %dma_wait3A_364 = tpu.memref_slice %arg3[%arg0, %arg1, %run_scoped3A_138, %dma_wait3A_362, %dma_wait3A_363] : memref<2x16x5x80x50xi32, #tpu.memory_space<hbm>> -> memref<1x1x1x80x50xi32, #tpu.memory_space<hbm>>
      %dma_wait3A_365 = tpu.memref_squeeze %dma_wait3A_364 : memref<1x1x1x80x50xi32, #tpu.memory_space<hbm>> -> memref<80x50xi32, #tpu.memory_space<hbm>>
      %dma_wait3A_366 = arith.constant 0 : i32
      %dma_wait3A_367 = arith.constant 0 : i32
      %dma_wait3A_368 = tpu.memref_slice %arg3[%arg0, %arg1, %run_scoped3A_138, %dma_wait3A_366, %dma_wait3A_367] : memref<2x16x5x80x50xi32, #tpu.memory_space<hbm>> -> memref<1x1x1x80x50xi32, #tpu.memory_space<hbm>>
      %dma_wait3A_369 = tpu.memref_squeeze %dma_wait3A_368 : memref<1x1x1x80x50xi32, #tpu.memory_space<hbm>> -> memref<80x50xi32, #tpu.memory_space<hbm>>
      tpu.wait_dma2 semaphore(%run_scoped3A_353 : memref<!tpu.dma_semaphore, #tpu.memory_space<semaphore_mem>>) src(%dma_wait3A_369 : memref<80x50xi32, #tpu.memory_space<hbm>>) dst(%arg6 : memref<80x50xi32, #tpu.memory_space<vmem>>)
      tpu.yield
    }) : () -> ()
    %run_scoped3A_139 = arith.constant 2 : i32
    "tpu.region"() ({
      %run_scoped3A_353 = tpu.sem_alloc : memref<!tpu.dma_semaphore, #tpu.memory_space<semaphore_mem>>
      %dma_start3A_354 = arith.constant 0 : i32
      %dma_start3A_355 = arith.constant 0 : i32
      %dma_start3A_356 = tpu.memref_slice %arg4[%arg0, %arg1, %run_scoped3A_139, %dma_start3A_354, %dma_start3A_355] : memref<2x16x5x80x50xi32, #tpu.memory_space<hbm>> -> memref<1x1x1x80x50xi32, #tpu.memory_space<hbm>>
      %dma_start3A_357 = tpu.memref_squeeze %dma_start3A_356 : memref<1x1x1x80x50xi32, #tpu.memory_space<hbm>> -> memref<80x50xi32, #tpu.memory_space<hbm>>
      %dma_start3A_358 = arith.constant 0 : i32
      %dma_start3A_359 = arith.constant 0 : i32
      %dma_start3A_360 = tpu.memref_slice %arg4[%arg0, %arg1, %run_scoped3A_139, %dma_start3A_358, %dma_start3A_359] : memref<2x16x5x80x50xi32, #tpu.memory_space<hbm>> -> memref<1x1x1x80x50xi32, #tpu.memory_space<hbm>>
      %dma_start3A_361 = tpu.memref_squeeze %dma_start3A_360 : memref<1x1x1x80x50xi32, #tpu.memory_space<hbm>> -> memref<80x50xi32, #tpu.memory_space<hbm>>
      tpu.enqueue_dma source(%dma_start3A_361 : memref<80x50xi32, #tpu.memory_space<hbm>>) target(%arg7 : memref<80x50xi32, #tpu.memory_space<vmem>>) target_semaphore(%run_scoped3A_353 : memref<!tpu.dma_semaphore, #tpu.memory_space<semaphore_mem>>)
      %dma_wait3A_362 = arith.constant 0 : i32
      %dma_wait3A_363 = arith.constant 0 : i32
      %dma_wait3A_364 = tpu.memref_slice %arg4[%arg0, %arg1, %run_scoped3A_139, %dma_wait3A_362, %dma_wait3A_363] : memref<2x16x5x80x50xi32, #tpu.memory_space<hbm>> -> memref<1x1x1x80x50xi32, #tpu.memory_space<hbm>>
      %dma_wait3A_365 = tpu.memref_squeeze %dma_wait3A_364 : memref<1x1x1x80x50xi32, #tpu.memory_space<hbm>> -> memref<80x50xi32, #tpu.memory_space<hbm>>
      %dma_wait3A_366 = arith.constant 0 : i32
      %dma_wait3A_367 = arith.constant 0 : i32
      %dma_wait3A_368 = tpu.memref_slice %arg4[%arg0, %arg1, %run_scoped3A_139, %dma_wait3A_366, %dma_wait3A_367] : memref<2x16x5x80x50xi32, #tpu.memory_space<hbm>> -> memref<1x1x1x80x50xi32, #tpu.memory_space<hbm>>
      %dma_wait3A_369 = tpu.memref_squeeze %dma_wait3A_368 : memref<1x1x1x80x50xi32, #tpu.memory_space<hbm>> -> memref<80x50xi32, #tpu.memory_space<hbm>>
      tpu.wait_dma2 semaphore(%run_scoped3A_353 : memref<!tpu.dma_semaphore, #tpu.memory_space<semaphore_mem>>) src(%dma_wait3A_369 : memref<80x50xi32, #tpu.memory_space<hbm>>) dst(%arg7 : memref<80x50xi32, #tpu.memory_space<vmem>>)
      tpu.yield
    }) : () -> ()
    %dma_start3A_140 = arith.constant 0 : i32
    %dma_start3A_141 = arith.constant 0 : i32
    %dma_start3A_142 = tpu.memref_slice %arg6[%dma_start3A_140, %dma_start3A_141] : memref<80x50xi32, #tpu.memory_space<vmem>> -> memref<1x50xi32, #tpu.memory_space<vmem>>
    %dma_start3A_143 = tpu.memref_squeeze %dma_start3A_142 : memref<1x50xi32, #tpu.memory_space<vmem>> -> memref<50xi32, #tpu.memory_space<vmem>>
    %dma_start3A_144 = arith.constant 0 : i32
    %dma_start3A_145 = arith.constant 0 : i32
    %dma_start3A_146 = tpu.memref_slice %arg2[%arg0, %dma_start3A_144, %dma_start3A_145] : memref<2x10000x128xf32, #tpu.memory_space<hbm>> -> memref<1x10000x128xf32, #tpu.memory_space<hbm>>
    %dma_start3A_147 = tpu.memref_squeeze %dma_start3A_146 : memref<1x10000x128xf32, #tpu.memory_space<hbm>> -> memref<10000x128xf32, #tpu.memory_space<hbm>>
    %dma_start3A_148 = arith.constant 0 : i32
    %dma_start3A_149 = arith.constant 0 : i32
    %dma_start3A_150 = tpu.memref_slice %dma_start3A_147[%dma_start3A_148, %dma_start3A_149] : memref<10000x128xf32, #tpu.memory_space<hbm>> -> memref<10000x128xf32, #tpu.memory_space<hbm>>
    tpu.enqueue_indirect_dma source(%dma_start3A_150 : memref<10000x128xf32, #tpu.memory_space<hbm>>) target(%arg8 : memref<50x128xf32, #tpu.memory_space<vmem>>) offsets(%dma_start3A_143 : memref<50xi32, #tpu.memory_space<vmem>>) semaphore(%arg12 : memref<!tpu.dma_semaphore, #tpu.memory_space<semaphore_mem>>)
    %dma_start3A_151 = arith.constant 1 : i32
    %dma_start3A_152 = arith.constant 0 : i32
    %dma_start3A_153 = tpu.memref_slice %arg6[%dma_start3A_151, %dma_start3A_152] : memref<80x50xi32, #tpu.memory_space<vmem>> -> memref<1x50xi32, #tpu.memory_space<vmem>>
    %dma_start3A_154 = tpu.memref_squeeze %dma_start3A_153 : memref<1x50xi32, #tpu.memory_space<vmem>> -> memref<50xi32, #tpu.memory_space<vmem>>
    %dma_start3A_155 = arith.constant 0 : i32
    %dma_start3A_156 = arith.constant 0 : i32
    %dma_start3A_157 = tpu.memref_slice %arg2[%arg0, %dma_start3A_155, %dma_start3A_156] : memref<2x10000x128xf32, #tpu.memory_space<hbm>> -> memref<1x10000x128xf32, #tpu.memory_space<hbm>>
    %dma_start3A_158 = tpu.memref_squeeze %dma_start3A_157 : memref<1x10000x128xf32, #tpu.memory_space<hbm>> -> memref<10000x128xf32, #tpu.memory_space<hbm>>
    %dma_start3A_159 = arith.constant 0 : i32
    %dma_start3A_160 = arith.constant 0 : i32
    %dma_start3A_161 = tpu.memref_slice %dma_start3A_158[%dma_start3A_159, %dma_start3A_160] : memref<10000x128xf32, #tpu.memory_space<hbm>> -> memref<10000x128xf32, #tpu.memory_space<hbm>>
    tpu.enqueue_indirect_dma source(%dma_start3A_161 : memref<10000x128xf32, #tpu.memory_space<hbm>>) target(%arg9 : memref<50x128xf32, #tpu.memory_space<vmem>>) offsets(%dma_start3A_154 : memref<50xi32, #tpu.memory_space<vmem>>) semaphore(%arg13 : memref<!tpu.dma_semaphore, #tpu.memory_space<semaphore_mem>>)
    %dma_start3A_162 = arith.constant 2 : i32
    %dma_start3A_163 = arith.constant 0 : i32
    %dma_start3A_164 = tpu.memref_slice %arg6[%dma_start3A_162, %dma_start3A_163] : memref<80x50xi32, #tpu.memory_space<vmem>> -> memref<1x50xi32, #tpu.memory_space<vmem>>
    %dma_start3A_165 = tpu.memref_squeeze %dma_start3A_164 : memref<1x50xi32, #tpu.memory_space<vmem>> -> memref<50xi32, #tpu.memory_space<vmem>>
    %dma_start3A_166 = arith.constant 0 : i32
    %dma_start3A_167 = arith.constant 0 : i32
    %dma_start3A_168 = tpu.memref_slice %arg2[%arg0, %dma_start3A_166, %dma_start3A_167] : memref<2x10000x128xf32, #tpu.memory_space<hbm>> -> memref<1x10000x128xf32, #tpu.memory_space<hbm>>
    %dma_start3A_169 = tpu.memref_squeeze %dma_start3A_168 : memref<1x10000x128xf32, #tpu.memory_space<hbm>> -> memref<10000x128xf32, #tpu.memory_space<hbm>>
    %dma_start3A_170 = arith.constant 0 : i32
    %dma_start3A_171 = arith.constant 0 : i32
    %dma_start3A_172 = tpu.memref_slice %dma_start3A_169[%dma_start3A_170, %dma_start3A_171] : memref<10000x128xf32, #tpu.memory_space<hbm>> -> memref<10000x128xf32, #tpu.memory_space<hbm>>
    tpu.enqueue_indirect_dma source(%dma_start3A_172 : memref<10000x128xf32, #tpu.memory_space<hbm>>) target(%arg10 : memref<50x128xf32, #tpu.memory_space<vmem>>) offsets(%dma_start3A_165 : memref<50xi32, #tpu.memory_space<vmem>>) semaphore(%arg14 : memref<!tpu.dma_semaphore, #tpu.memory_space<semaphore_mem>>)
    %scan3A_173 = arith.constant 0 : i32
    %scan3A_174 = arith.constant 20 : i32
    %scan3A_175 = arith.addi %scan3A_173, %scan3A_174 : i32
    %scan3A_176 = arith.constant 1 : i32
    scf.for %scan3A_353 = %scan3A_173 to %scan3A_175 step %scan3A_176  : i32 {
      %mul3A = arith.constant 4 : i32
      %mul3A_354 = arith.muli %mul3A, %scan3A_353 : i32
      %add3A = arith.constant 0 : i32
      %add3A_355 = arith.addi %mul3A_354, %add3A : i32
      %dma_wait3A_356 = arith.constant 0 : i32
      %dma_wait3A_357 = arith.constant 0 : i32
      %dma_wait3A_358 = tpu.memref_slice %arg6[%dma_wait3A_356, %dma_wait3A_357] : memref<80x50xi32, #tpu.memory_space<vmem>> -> memref<1x50xi32, #tpu.memory_space<vmem>>
      %dma_wait3A_359 = tpu.memref_squeeze %dma_wait3A_358 : memref<1x50xi32, #tpu.memory_space<vmem>> -> memref<50xi32, #tpu.memory_space<vmem>>
      %dma_wait3A_360 = arith.constant 0 : i32
      %dma_wait3A_361 = arith.constant 0 : i32
      %dma_wait3A_362 = tpu.memref_slice %arg2[%arg0, %dma_wait3A_360, %dma_wait3A_361] : memref<2x10000x128xf32, #tpu.memory_space<hbm>> -> memref<1x10000x128xf32, #tpu.memory_space<hbm>>
      %dma_wait3A_363 = tpu.memref_squeeze %dma_wait3A_362 : memref<1x10000x128xf32, #tpu.memory_space<hbm>> -> memref<10000x128xf32, #tpu.memory_space<hbm>>
      %dma_wait3A_364 = arith.constant 0 : i32
      %dma_wait3A_365 = arith.constant 0 : i32
      %dma_wait3A_366 = tpu.memref_slice %dma_wait3A_363[%dma_wait3A_364, %dma_wait3A_365] : memref<10000x128xf32, #tpu.memory_space<hbm>> -> memref<10000x128xf32, #tpu.memory_space<hbm>>
      tpu.wait_indirect_dma semaphore(%arg12 : memref<!tpu.dma_semaphore, #tpu.memory_space<semaphore_mem>>) src(%dma_wait3A_366 : memref<10000x128xf32, #tpu.memory_space<hbm>>) dst(%arg8 : memref<50x128xf32, #tpu.memory_space<vmem>>)
      %dma_start3A_367 = arith.constant 0 : i32
      %dma_start3A_368 = tpu.memref_slice %arg7[%add3A_355, %dma_start3A_367] : memref<80x50xi32, #tpu.memory_space<vmem>> -> memref<1x50xi32, #tpu.memory_space<vmem>>
      %dma_start3A_369 = tpu.memref_squeeze %dma_start3A_368 : memref<1x50xi32, #tpu.memory_space<vmem>> -> memref<50xi32, #tpu.memory_space<vmem>>
      %dma_start3A_370 = arith.constant 0 : i32
      %dma_start3A_371 = arith.constant 0 : i32
      %dma_start3A_372 = tpu.memref_slice %arg20[%dma_start3A_370, %dma_start3A_371] : memref<10000x128xf32, #tpu.memory_space<vmem_shared>> -> memref<10000x128xf32, #tpu.memory_space<vmem_shared>>
      tpu.enqueue_indirect_dma source(%arg8 : memref<50x128xf32, #tpu.memory_space<vmem>>) target(%dma_start3A_372 : memref<10000x128xf32, #tpu.memory_space<vmem_shared>>) offsets(%dma_start3A_369 : memref<50xi32, #tpu.memory_space<vmem>>) semaphore(%arg16 : memref<!tpu.dma_semaphore, #tpu.memory_space<semaphore_mem>>) {add = true}
      %eq3A_373 = arith.constant 0 : i32
      %eq3A_374 = arith.cmpi eq, %scan3A_353, %eq3A_373 : i32
      %convert_element_type3A_375 = arith.extui %eq3A_374 : i1 to i32
      %cond3A_376 = arith.constant 0 : i32
      %cond3A_377 = arith.cmpi ne, %convert_element_type3A_375, %cond3A_376 : i32
      scf.if %cond3A_377 {
        %dma_start3A_460 = arith.constant 3 : i32
        %dma_start3A_461 = arith.constant 0 : i32
        %dma_start3A_462 = tpu.memref_slice %arg6[%dma_start3A_460, %dma_start3A_461] : memref<80x50xi32, #tpu.memory_space<vmem>> -> memref<1x50xi32, #tpu.memory_space<vmem>>
        %dma_start3A_463 = tpu.memref_squeeze %dma_start3A_462 : memref<1x50xi32, #tpu.memory_space<vmem>> -> memref<50xi32, #tpu.memory_space<vmem>>
        %dma_start3A_464 = arith.constant 0 : i32
        %dma_start3A_465 = arith.constant 0 : i32
        %dma_start3A_466 = tpu.memref_slice %arg2[%arg0, %dma_start3A_464, %dma_start3A_465] : memref<2x10000x128xf32, #tpu.memory_space<hbm>> -> memref<1x10000x128xf32, #tpu.memory_space<hbm>>
        %dma_start3A_467 = tpu.memref_squeeze %dma_start3A_466 : memref<1x10000x128xf32, #tpu.memory_space<hbm>> -> memref<10000x128xf32, #tpu.memory_space<hbm>>
        %dma_start3A_468 = arith.constant 0 : i32
        %dma_start3A_469 = arith.constant 0 : i32
        %dma_start3A_470 = tpu.memref_slice %dma_start3A_467[%dma_start3A_468, %dma_start3A_469] : memref<10000x128xf32, #tpu.memory_space<hbm>> -> memref<10000x128xf32, #tpu.memory_space<hbm>>
        tpu.enqueue_indirect_dma source(%dma_start3A_470 : memref<10000x128xf32, #tpu.memory_space<hbm>>) target(%arg11 : memref<50x128xf32, #tpu.memory_space<vmem>>) offsets(%dma_start3A_463 : memref<50xi32, #tpu.memory_space<vmem>>) semaphore(%arg15 : memref<!tpu.dma_semaphore, #tpu.memory_space<semaphore_mem>>)
      } else {
      }
      %gt3A = arith.constant 0 : i32
      %gt3A_378 = arith.cmpi sgt, %scan3A_353, %gt3A : i32
      %convert_element_type3A_379 = arith.extui %gt3A_378 : i1 to i32
      %cond3A_380 = arith.constant 0 : i32
      %cond3A_381 = arith.cmpi ne, %convert_element_type3A_379, %cond3A_380 : i32
      scf.if %cond3A_381 {
        %dma_wait3A_460 = arith.constant 0 : i32
        %dma_wait3A_461 = arith.constant 0 : i32
        %dma_wait3A_462 = tpu.memref_slice %arg7[%dma_wait3A_460, %dma_wait3A_461] : memref<80x50xi32, #tpu.memory_space<vmem>> -> memref<1x50xi32, #tpu.memory_space<vmem>>
        %dma_wait3A_463 = tpu.memref_squeeze %dma_wait3A_462 : memref<1x50xi32, #tpu.memory_space<vmem>> -> memref<50xi32, #tpu.memory_space<vmem>>
        %dma_wait3A_464 = arith.constant 0 : i32
        %dma_wait3A_465 = arith.constant 0 : i32
        %dma_wait3A_466 = tpu.memref_slice %arg20[%dma_wait3A_464, %dma_wait3A_465] : memref<10000x128xf32, #tpu.memory_space<vmem_shared>> -> memref<10000x128xf32, #tpu.memory_space<vmem_shared>>
        tpu.wait_indirect_dma semaphore(%arg19 : memref<!tpu.dma_semaphore, #tpu.memory_space<semaphore_mem>>) src(%arg11 : memref<50x128xf32, #tpu.memory_space<vmem>>) dst(%dma_wait3A_466 : memref<10000x128xf32, #tpu.memory_space<vmem_shared>>)
        %add3A_467 = arith.constant 3 : i32
        %add3A_468 = arith.addi %add3A_355, %add3A_467 : i32
        %dma_start3A_469 = arith.constant 0 : i32
        %dma_start3A_470 = tpu.memref_slice %arg6[%add3A_468, %dma_start3A_469] : memref<80x50xi32, #tpu.memory_space<vmem>> -> memref<1x50xi32, #tpu.memory_space<vmem>>
        %dma_start3A_471 = tpu.memref_squeeze %dma_start3A_470 : memref<1x50xi32, #tpu.memory_space<vmem>> -> memref<50xi32, #tpu.memory_space<vmem>>
        %dma_start3A_472 = arith.constant 0 : i32
        %dma_start3A_473 = arith.constant 0 : i32
        %dma_start3A_474 = tpu.memref_slice %arg2[%arg0, %dma_start3A_472, %dma_start3A_473] : memref<2x10000x128xf32, #tpu.memory_space<hbm>> -> memref<1x10000x128xf32, #tpu.memory_space<hbm>>
        %dma_start3A_475 = tpu.memref_squeeze %dma_start3A_474 : memref<1x10000x128xf32, #tpu.memory_space<hbm>> -> memref<10000x128xf32, #tpu.memory_space<hbm>>
        %dma_start3A_476 = arith.constant 0 : i32
        %dma_start3A_477 = arith.constant 0 : i32
        %dma_start3A_478 = tpu.memref_slice %dma_start3A_475[%dma_start3A_476, %dma_start3A_477] : memref<10000x128xf32, #tpu.memory_space<hbm>> -> memref<10000x128xf32, #tpu.memory_space<hbm>>
        tpu.enqueue_indirect_dma source(%dma_start3A_478 : memref<10000x128xf32, #tpu.memory_space<hbm>>) target(%arg11 : memref<50x128xf32, #tpu.memory_space<vmem>>) offsets(%dma_start3A_471 : memref<50xi32, #tpu.memory_space<vmem>>) semaphore(%arg15 : memref<!tpu.dma_semaphore, #tpu.memory_space<semaphore_mem>>)
      } else {
      }
      %mul3A_382 = arith.constant 4 : i32
      %mul3A_383 = arith.muli %mul3A_382, %scan3A_353 : i32
      %add3A_384 = arith.constant 1 : i32
      %add3A_385 = arith.addi %mul3A_383, %add3A_384 : i32
      %dma_wait3A_386 = arith.constant 0 : i32
      %dma_wait3A_387 = arith.constant 0 : i32
      %dma_wait3A_388 = tpu.memref_slice %arg6[%dma_wait3A_386, %dma_wait3A_387] : memref<80x50xi32, #tpu.memory_space<vmem>> -> memref<1x50xi32, #tpu.memory_space<vmem>>
      %dma_wait3A_389 = tpu.memref_squeeze %dma_wait3A_388 : memref<1x50xi32, #tpu.memory_space<vmem>> -> memref<50xi32, #tpu.memory_space<vmem>>
      %dma_wait3A_390 = arith.constant 0 : i32
      %dma_wait3A_391 = arith.constant 0 : i32
      %dma_wait3A_392 = tpu.memref_slice %arg2[%arg0, %dma_wait3A_390, %dma_wait3A_391] : memref<2x10000x128xf32, #tpu.memory_space<hbm>> -> memref<1x10000x128xf32, #tpu.memory_space<hbm>>
      %dma_wait3A_393 = tpu.memref_squeeze %dma_wait3A_392 : memref<1x10000x128xf32, #tpu.memory_space<hbm>> -> memref<10000x128xf32, #tpu.memory_space<hbm>>
      %dma_wait3A_394 = arith.constant 0 : i32
      %dma_wait3A_395 = arith.constant 0 : i32
      %dma_wait3A_396 = tpu.memref_slice %dma_wait3A_393[%dma_wait3A_394, %dma_wait3A_395] : memref<10000x128xf32, #tpu.memory_space<hbm>> -> memref<10000x128xf32, #tpu.memory_space<hbm>>
      tpu.wait_indirect_dma semaphore(%arg13 : memref<!tpu.dma_semaphore, #tpu.memory_space<semaphore_mem>>) src(%dma_wait3A_396 : memref<10000x128xf32, #tpu.memory_space<hbm>>) dst(%arg9 : memref<50x128xf32, #tpu.memory_space<vmem>>)
      %dma_start3A_397 = arith.constant 0 : i32
      %dma_start3A_398 = tpu.memref_slice %arg7[%add3A_385, %dma_start3A_397] : memref<80x50xi32, #tpu.memory_space<vmem>> -> memref<1x50xi32, #tpu.memory_space<vmem>>
      %dma_start3A_399 = tpu.memref_squeeze %dma_start3A_398 : memref<1x50xi32, #tpu.memory_space<vmem>> -> memref<50xi32, #tpu.memory_space<vmem>>
      %dma_start3A_400 = arith.constant 0 : i32
      %dma_start3A_401 = arith.constant 0 : i32
      %dma_start3A_402 = tpu.memref_slice %arg20[%dma_start3A_400, %dma_start3A_401] : memref<10000x128xf32, #tpu.memory_space<vmem_shared>> -> memref<10000x128xf32, #tpu.memory_space<vmem_shared>>
      tpu.enqueue_indirect_dma source(%arg9 : memref<50x128xf32, #tpu.memory_space<vmem>>) target(%dma_start3A_402 : memref<10000x128xf32, #tpu.memory_space<vmem_shared>>) offsets(%dma_start3A_399 : memref<50xi32, #tpu.memory_space<vmem>>) semaphore(%arg17 : memref<!tpu.dma_semaphore, #tpu.memory_space<semaphore_mem>>) {add = true}
      %lt3A_403 = arith.constant 19 : i32
      %lt3A_404 = arith.cmpi slt, %scan3A_353, %lt3A_403 : i32
      %convert_element_type3A_405 = arith.extui %lt3A_404 : i1 to i32
      %cond3A_406 = arith.constant 0 : i32
      %cond3A_407 = arith.cmpi ne, %convert_element_type3A_405, %cond3A_406 : i32
      scf.if %cond3A_407 {
        %dma_wait3A_460 = arith.constant 0 : i32
        %dma_wait3A_461 = arith.constant 0 : i32
        %dma_wait3A_462 = tpu.memref_slice %arg7[%dma_wait3A_460, %dma_wait3A_461] : memref<80x50xi32, #tpu.memory_space<vmem>> -> memref<1x50xi32, #tpu.memory_space<vmem>>
        %dma_wait3A_463 = tpu.memref_squeeze %dma_wait3A_462 : memref<1x50xi32, #tpu.memory_space<vmem>> -> memref<50xi32, #tpu.memory_space<vmem>>
        %dma_wait3A_464 = arith.constant 0 : i32
        %dma_wait3A_465 = arith.constant 0 : i32
        %dma_wait3A_466 = tpu.memref_slice %arg20[%dma_wait3A_464, %dma_wait3A_465] : memref<10000x128xf32, #tpu.memory_space<vmem_shared>> -> memref<10000x128xf32, #tpu.memory_space<vmem_shared>>
        tpu.wait_indirect_dma semaphore(%arg16 : memref<!tpu.dma_semaphore, #tpu.memory_space<semaphore_mem>>) src(%arg8 : memref<50x128xf32, #tpu.memory_space<vmem>>) dst(%dma_wait3A_466 : memref<10000x128xf32, #tpu.memory_space<vmem_shared>>)
        %add3A_467 = arith.constant 3 : i32
        %add3A_468 = arith.addi %add3A_385, %add3A_467 : i32
        %dma_start3A_469 = arith.constant 0 : i32
        %dma_start3A_470 = tpu.memref_slice %arg6[%add3A_468, %dma_start3A_469] : memref<80x50xi32, #tpu.memory_space<vmem>> -> memref<1x50xi32, #tpu.memory_space<vmem>>
        %dma_start3A_471 = tpu.memref_squeeze %dma_start3A_470 : memref<1x50xi32, #tpu.memory_space<vmem>> -> memref<50xi32, #tpu.memory_space<vmem>>
        %dma_start3A_472 = arith.constant 0 : i32
        %dma_start3A_473 = arith.constant 0 : i32
        %dma_start3A_474 = tpu.memref_slice %arg2[%arg0, %dma_start3A_472, %dma_start3A_473] : memref<2x10000x128xf32, #tpu.memory_space<hbm>> -> memref<1x10000x128xf32, #tpu.memory_space<hbm>>
        %dma_start3A_475 = tpu.memref_squeeze %dma_start3A_474 : memref<1x10000x128xf32, #tpu.memory_space<hbm>> -> memref<10000x128xf32, #tpu.memory_space<hbm>>
        %dma_start3A_476 = arith.constant 0 : i32
        %dma_start3A_477 = arith.constant 0 : i32
        %dma_start3A_478 = tpu.memref_slice %dma_start3A_475[%dma_start3A_476, %dma_start3A_477] : memref<10000x128xf32, #tpu.memory_space<hbm>> -> memref<10000x128xf32, #tpu.memory_space<hbm>>
        tpu.enqueue_indirect_dma source(%dma_start3A_478 : memref<10000x128xf32, #tpu.memory_space<hbm>>) target(%arg8 : memref<50x128xf32, #tpu.memory_space<vmem>>) offsets(%dma_start3A_471 : memref<50xi32, #tpu.memory_space<vmem>>) semaphore(%arg12 : memref<!tpu.dma_semaphore, #tpu.memory_space<semaphore_mem>>)
      } else {
      }
      %mul3A_408 = arith.constant 4 : i32
      %mul3A_409 = arith.muli %mul3A_408, %scan3A_353 : i32
      %add3A_410 = arith.constant 2 : i32
      %add3A_411 = arith.addi %mul3A_409, %add3A_410 : i32
      %dma_wait3A_412 = arith.constant 0 : i32
      %dma_wait3A_413 = arith.constant 0 : i32
      %dma_wait3A_414 = tpu.memref_slice %arg6[%dma_wait3A_412, %dma_wait3A_413] : memref<80x50xi32, #tpu.memory_space<vmem>> -> memref<1x50xi32, #tpu.memory_space<vmem>>
      %dma_wait3A_415 = tpu.memref_squeeze %dma_wait3A_414 : memref<1x50xi32, #tpu.memory_space<vmem>> -> memref<50xi32, #tpu.memory_space<vmem>>
      %dma_wait3A_416 = arith.constant 0 : i32
      %dma_wait3A_417 = arith.constant 0 : i32
      %dma_wait3A_418 = tpu.memref_slice %arg2[%arg0, %dma_wait3A_416, %dma_wait3A_417] : memref<2x10000x128xf32, #tpu.memory_space<hbm>> -> memref<1x10000x128xf32, #tpu.memory_space<hbm>>
      %dma_wait3A_419 = tpu.memref_squeeze %dma_wait3A_418 : memref<1x10000x128xf32, #tpu.memory_space<hbm>> -> memref<10000x128xf32, #tpu.memory_space<hbm>>
      %dma_wait3A_420 = arith.constant 0 : i32
      %dma_wait3A_421 = arith.constant 0 : i32
      %dma_wait3A_422 = tpu.memref_slice %dma_wait3A_419[%dma_wait3A_420, %dma_wait3A_421] : memref<10000x128xf32, #tpu.memory_space<hbm>> -> memref<10000x128xf32, #tpu.memory_space<hbm>>
      tpu.wait_indirect_dma semaphore(%arg14 : memref<!tpu.dma_semaphore, #tpu.memory_space<semaphore_mem>>) src(%dma_wait3A_422 : memref<10000x128xf32, #tpu.memory_space<hbm>>) dst(%arg10 : memref<50x128xf32, #tpu.memory_space<vmem>>)
      %dma_start3A_423 = arith.constant 0 : i32
      %dma_start3A_424 = tpu.memref_slice %arg7[%add3A_411, %dma_start3A_423] : memref<80x50xi32, #tpu.memory_space<vmem>> -> memref<1x50xi32, #tpu.memory_space<vmem>>
      %dma_start3A_425 = tpu.memref_squeeze %dma_start3A_424 : memref<1x50xi32, #tpu.memory_space<vmem>> -> memref<50xi32, #tpu.memory_space<vmem>>
      %dma_start3A_426 = arith.constant 0 : i32
      %dma_start3A_427 = arith.constant 0 : i32
      %dma_start3A_428 = tpu.memref_slice %arg20[%dma_start3A_426, %dma_start3A_427] : memref<10000x128xf32, #tpu.memory_space<vmem_shared>> -> memref<10000x128xf32, #tpu.memory_space<vmem_shared>>
      tpu.enqueue_indirect_dma source(%arg10 : memref<50x128xf32, #tpu.memory_space<vmem>>) target(%dma_start3A_428 : memref<10000x128xf32, #tpu.memory_space<vmem_shared>>) offsets(%dma_start3A_425 : memref<50xi32, #tpu.memory_space<vmem>>) semaphore(%arg18 : memref<!tpu.dma_semaphore, #tpu.memory_space<semaphore_mem>>) {add = true}
      %lt3A_429 = arith.constant 19 : i32
      %lt3A_430 = arith.cmpi slt, %scan3A_353, %lt3A_429 : i32
      %convert_element_type3A_431 = arith.extui %lt3A_430 : i1 to i32
      %cond3A_432 = arith.constant 0 : i32
      %cond3A_433 = arith.cmpi ne, %convert_element_type3A_431, %cond3A_432 : i32
      scf.if %cond3A_433 {
        %dma_wait3A_460 = arith.constant 0 : i32
        %dma_wait3A_461 = arith.constant 0 : i32
        %dma_wait3A_462 = tpu.memref_slice %arg7[%dma_wait3A_460, %dma_wait3A_461] : memref<80x50xi32, #tpu.memory_space<vmem>> -> memref<1x50xi32, #tpu.memory_space<vmem>>
        %dma_wait3A_463 = tpu.memref_squeeze %dma_wait3A_462 : memref<1x50xi32, #tpu.memory_space<vmem>> -> memref<50xi32, #tpu.memory_space<vmem>>
        %dma_wait3A_464 = arith.constant 0 : i32
        %dma_wait3A_465 = arith.constant 0 : i32
        %dma_wait3A_466 = tpu.memref_slice %arg20[%dma_wait3A_464, %dma_wait3A_465] : memref<10000x128xf32, #tpu.memory_space<vmem_shared>> -> memref<10000x128xf32, #tpu.memory_space<vmem_shared>>
        tpu.wait_indirect_dma semaphore(%arg17 : memref<!tpu.dma_semaphore, #tpu.memory_space<semaphore_mem>>) src(%arg9 : memref<50x128xf32, #tpu.memory_space<vmem>>) dst(%dma_wait3A_466 : memref<10000x128xf32, #tpu.memory_space<vmem_shared>>)
        %add3A_467 = arith.constant 3 : i32
        %add3A_468 = arith.addi %add3A_411, %add3A_467 : i32
        %dma_start3A_469 = arith.constant 0 : i32
        %dma_start3A_470 = tpu.memref_slice %arg6[%add3A_468, %dma_start3A_469] : memref<80x50xi32, #tpu.memory_space<vmem>> -> memref<1x50xi32, #tpu.memory_space<vmem>>
        %dma_start3A_471 = tpu.memref_squeeze %dma_start3A_470 : memref<1x50xi32, #tpu.memory_space<vmem>> -> memref<50xi32, #tpu.memory_space<vmem>>
        %dma_start3A_472 = arith.constant 0 : i32
        %dma_start3A_473 = arith.constant 0 : i32
        %dma_start3A_474 = tpu.memref_slice %arg2[%arg0, %dma_start3A_472, %dma_start3A_473] : memref<2x10000x128xf32, #tpu.memory_space<hbm>> -> memref<1x10000x128xf32, #tpu.memory_space<hbm>>
        %dma_start3A_475 = tpu.memref_squeeze %dma_start3A_474 : memref<1x10000x128xf32, #tpu.memory_space<hbm>> -> memref<10000x128xf32, #tpu.memory_space<hbm>>
        %dma_start3A_476 = arith.constant 0 : i32
        %dma_start3A_477 = arith.constant 0 : i32
        %dma_start3A_478 = tpu.memref_slice %dma_start3A_475[%dma_start3A_476, %dma_start3A_477] : memref<10000x128xf32, #tpu.memory_space<hbm>> -> memref<10000x128xf32, #tpu.memory_space<hbm>>
        tpu.enqueue_indirect_dma source(%dma_start3A_478 : memref<10000x128xf32, #tpu.memory_space<hbm>>) target(%arg9 : memref<50x128xf32, #tpu.memory_space<vmem>>) offsets(%dma_start3A_471 : memref<50xi32, #tpu.memory_space<vmem>>) semaphore(%arg13 : memref<!tpu.dma_semaphore, #tpu.memory_space<semaphore_mem>>)
      } else {
      }
      %mul3A_434 = arith.constant 4 : i32
      %mul3A_435 = arith.muli %mul3A_434, %scan3A_353 : i32
      %add3A_436 = arith.constant 3 : i32
      %add3A_437 = arith.addi %mul3A_435, %add3A_436 : i32
      %dma_wait3A_438 = arith.constant 0 : i32
      %dma_wait3A_439 = arith.constant 0 : i32
      %dma_wait3A_440 = tpu.memref_slice %arg6[%dma_wait3A_438, %dma_wait3A_439] : memref<80x50xi32, #tpu.memory_space<vmem>> -> memref<1x50xi32, #tpu.memory_space<vmem>>
      %dma_wait3A_441 = tpu.memref_squeeze %dma_wait3A_440 : memref<1x50xi32, #tpu.memory_space<vmem>> -> memref<50xi32, #tpu.memory_space<vmem>>
      %dma_wait3A_442 = arith.constant 0 : i32
      %dma_wait3A_443 = arith.constant 0 : i32
      %dma_wait3A_444 = tpu.memref_slice %arg2[%arg0, %dma_wait3A_442, %dma_wait3A_443] : memref<2x10000x128xf32, #tpu.memory_space<hbm>> -> memref<1x10000x128xf32, #tpu.memory_space<hbm>>
      %dma_wait3A_445 = tpu.memref_squeeze %dma_wait3A_444 : memref<1x10000x128xf32, #tpu.memory_space<hbm>> -> memref<10000x128xf32, #tpu.memory_space<hbm>>
      %dma_wait3A_446 = arith.constant 0 : i32
      %dma_wait3A_447 = arith.constant 0 : i32
      %dma_wait3A_448 = tpu.memref_slice %dma_wait3A_445[%dma_wait3A_446, %dma_wait3A_447] : memref<10000x128xf32, #tpu.memory_space<hbm>> -> memref<10000x128xf32, #tpu.memory_space<hbm>>
      tpu.wait_indirect_dma semaphore(%arg15 : memref<!tpu.dma_semaphore, #tpu.memory_space<semaphore_mem>>) src(%dma_wait3A_448 : memref<10000x128xf32, #tpu.memory_space<hbm>>) dst(%arg11 : memref<50x128xf32, #tpu.memory_space<vmem>>)
      %dma_start3A_449 = arith.constant 0 : i32
      %dma_start3A_450 = tpu.memref_slice %arg7[%add3A_437, %dma_start3A_449] : memref<80x50xi32, #tpu.memory_space<vmem>> -> memref<1x50xi32, #tpu.memory_space<vmem>>
      %dma_start3A_451 = tpu.memref_squeeze %dma_start3A_450 : memref<1x50xi32, #tpu.memory_space<vmem>> -> memref<50xi32, #tpu.memory_space<vmem>>
      %dma_start3A_452 = arith.constant 0 : i32
      %dma_start3A_453 = arith.constant 0 : i32
      %dma_start3A_454 = tpu.memref_slice %arg20[%dma_start3A_452, %dma_start3A_453] : memref<10000x128xf32, #tpu.memory_space<vmem_shared>> -> memref<10000x128xf32, #tpu.memory_space<vmem_shared>>
      tpu.enqueue_indirect_dma source(%arg11 : memref<50x128xf32, #tpu.memory_space<vmem>>) target(%dma_start3A_454 : memref<10000x128xf32, #tpu.memory_space<vmem_shared>>) offsets(%dma_start3A_451 : memref<50xi32, #tpu.memory_space<vmem>>) semaphore(%arg19 : memref<!tpu.dma_semaphore, #tpu.memory_space<semaphore_mem>>) {add = true}
      %lt3A_455 = arith.constant 19 : i32
      %lt3A_456 = arith.cmpi slt, %scan3A_353, %lt3A_455 : i32
      %convert_element_type3A_457 = arith.extui %lt3A_456 : i1 to i32
      %cond3A_458 = arith.constant 0 : i32
      %cond3A_459 = arith.cmpi ne, %convert_element_type3A_457, %cond3A_458 : i32
      scf.if %cond3A_459 {
        %dma_wait3A_460 = arith.constant 0 : i32
        %dma_wait3A_461 = arith.constant 0 : i32
        %dma_wait3A_462 = tpu.memref_slice %arg7[%dma_wait3A_460, %dma_wait3A_461] : memref<80x50xi32, #tpu.memory_space<vmem>> -> memref<1x50xi32, #tpu.memory_space<vmem>>
        %dma_wait3A_463 = tpu.memref_squeeze %dma_wait3A_462 : memref<1x50xi32, #tpu.memory_space<vmem>> -> memref<50xi32, #tpu.memory_space<vmem>>
        %dma_wait3A_464 = arith.constant 0 : i32
        %dma_wait3A_465 = arith.constant 0 : i32
        %dma_wait3A_466 = tpu.memref_slice %arg20[%dma_wait3A_464, %dma_wait3A_465] : memref<10000x128xf32, #tpu.memory_space<vmem_shared>> -> memref<10000x128xf32, #tpu.memory_space<vmem_shared>>
        tpu.wait_indirect_dma semaphore(%arg18 : memref<!tpu.dma_semaphore, #tpu.memory_space<semaphore_mem>>) src(%arg10 : memref<50x128xf32, #tpu.memory_space<vmem>>) dst(%dma_wait3A_466 : memref<10000x128xf32, #tpu.memory_space<vmem_shared>>)
        %add3A_467 = arith.constant 3 : i32
        %add3A_468 = arith.addi %add3A_437, %add3A_467 : i32
        %dma_start3A_469 = arith.constant 0 : i32
        %dma_start3A_470 = tpu.memref_slice %arg6[%add3A_468, %dma_start3A_469] : memref<80x50xi32, #tpu.memory_space<vmem>> -> memref<1x50xi32, #tpu.memory_space<vmem>>
        %dma_start3A_471 = tpu.memref_squeeze %dma_start3A_470 : memref<1x50xi32, #tpu.memory_space<vmem>> -> memref<50xi32, #tpu.memory_space<vmem>>
        %dma_start3A_472 = arith.constant 0 : i32
        %dma_start3A_473 = arith.constant 0 : i32
        %dma_start3A_474 = tpu.memref_slice %arg2[%arg0, %dma_start3A_472, %dma_start3A_473] : memref<2x10000x128xf32, #tpu.memory_space<hbm>> -> memref<1x10000x128xf32, #tpu.memory_space<hbm>>
        %dma_start3A_475 = tpu.memref_squeeze %dma_start3A_474 : memref<1x10000x128xf32, #tpu.memory_space<hbm>> -> memref<10000x128xf32, #tpu.memory_space<hbm>>
        %dma_start3A_476 = arith.constant 0 : i32
        %dma_start3A_477 = arith.constant 0 : i32
        %dma_start3A_478 = tpu.memref_slice %dma_start3A_475[%dma_start3A_476, %dma_start3A_477] : memref<10000x128xf32, #tpu.memory_space<hbm>> -> memref<10000x128xf32, #tpu.memory_space<hbm>>
        tpu.enqueue_indirect_dma source(%dma_start3A_478 : memref<10000x128xf32, #tpu.memory_space<hbm>>) target(%arg10 : memref<50x128xf32, #tpu.memory_space<vmem>>) offsets(%dma_start3A_471 : memref<50xi32, #tpu.memory_space<vmem>>) semaphore(%arg14 : memref<!tpu.dma_semaphore, #tpu.memory_space<semaphore_mem>>)
      } else {
      }
    }
    %scan3A_177 = arith.constant 20 : i32
    %dma_wait3A_178 = arith.constant 0 : i32
    %dma_wait3A_179 = arith.constant 0 : i32
    %dma_wait3A_180 = tpu.memref_slice %arg7[%dma_wait3A_178, %dma_wait3A_179] : memref<80x50xi32, #tpu.memory_space<vmem>> -> memref<1x50xi32, #tpu.memory_space<vmem>>
    %dma_wait3A_181 = tpu.memref_squeeze %dma_wait3A_180 : memref<1x50xi32, #tpu.memory_space<vmem>> -> memref<50xi32, #tpu.memory_space<vmem>>
    %dma_wait3A_182 = arith.constant 0 : i32
    %dma_wait3A_183 = arith.constant 0 : i32
    %dma_wait3A_184 = tpu.memref_slice %arg20[%dma_wait3A_182, %dma_wait3A_183] : memref<10000x128xf32, #tpu.memory_space<vmem_shared>> -> memref<10000x128xf32, #tpu.memory_space<vmem_shared>>
    tpu.wait_indirect_dma semaphore(%arg16 : memref<!tpu.dma_semaphore, #tpu.memory_space<semaphore_mem>>) src(%arg8 : memref<50x128xf32, #tpu.memory_space<vmem>>) dst(%dma_wait3A_184 : memref<10000x128xf32, #tpu.memory_space<vmem_shared>>)
    %dma_wait3A_185 = arith.constant 0 : i32
    %dma_wait3A_186 = arith.constant 0 : i32
    %dma_wait3A_187 = tpu.memref_slice %arg7[%dma_wait3A_185, %dma_wait3A_186] : memref<80x50xi32, #tpu.memory_space<vmem>> -> memref<1x50xi32, #tpu.memory_space<vmem>>
    %dma_wait3A_188 = tpu.memref_squeeze %dma_wait3A_187 : memref<1x50xi32, #tpu.memory_space<vmem>> -> memref<50xi32, #tpu.memory_space<vmem>>
    %dma_wait3A_189 = arith.constant 0 : i32
    %dma_wait3A_190 = arith.constant 0 : i32
    %dma_wait3A_191 = tpu.memref_slice %arg20[%dma_wait3A_189, %dma_wait3A_190] : memref<10000x128xf32, #tpu.memory_space<vmem_shared>> -> memref<10000x128xf32, #tpu.memory_space<vmem_shared>>
    tpu.wait_indirect_dma semaphore(%arg17 : memref<!tpu.dma_semaphore, #tpu.memory_space<semaphore_mem>>) src(%arg9 : memref<50x128xf32, #tpu.memory_space<vmem>>) dst(%dma_wait3A_191 : memref<10000x128xf32, #tpu.memory_space<vmem_shared>>)
    %dma_wait3A_192 = arith.constant 0 : i32
    %dma_wait3A_193 = arith.constant 0 : i32
    %dma_wait3A_194 = tpu.memref_slice %arg7[%dma_wait3A_192, %dma_wait3A_193] : memref<80x50xi32, #tpu.memory_space<vmem>> -> memref<1x50xi32, #tpu.memory_space<vmem>>
    %dma_wait3A_195 = tpu.memref_squeeze %dma_wait3A_194 : memref<1x50xi32, #tpu.memory_space<vmem>> -> memref<50xi32, #tpu.memory_space<vmem>>
    %dma_wait3A_196 = arith.constant 0 : i32
    %dma_wait3A_197 = arith.constant 0 : i32
    %dma_wait3A_198 = tpu.memref_slice %arg20[%dma_wait3A_196, %dma_wait3A_197] : memref<10000x128xf32, #tpu.memory_space<vmem_shared>> -> memref<10000x128xf32, #tpu.memory_space<vmem_shared>>
    tpu.wait_indirect_dma semaphore(%arg18 : memref<!tpu.dma_semaphore, #tpu.memory_space<semaphore_mem>>) src(%arg10 : memref<50x128xf32, #tpu.memory_space<vmem>>) dst(%dma_wait3A_198 : memref<10000x128xf32, #tpu.memory_space<vmem_shared>>)
    %dma_wait3A_199 = arith.constant 0 : i32
    %dma_wait3A_200 = arith.constant 0 : i32
    %dma_wait3A_201 = tpu.memref_slice %arg7[%dma_wait3A_199, %dma_wait3A_200] : memref<80x50xi32, #tpu.memory_space<vmem>> -> memref<1x50xi32, #tpu.memory_space<vmem>>
    %dma_wait3A_202 = tpu.memref_squeeze %dma_wait3A_201 : memref<1x50xi32, #tpu.memory_space<vmem>> -> memref<50xi32, #tpu.memory_space<vmem>>
    %dma_wait3A_203 = arith.constant 0 : i32
    %dma_wait3A_204 = arith.constant 0 : i32
    %dma_wait3A_205 = tpu.memref_slice %arg20[%dma_wait3A_203, %dma_wait3A_204] : memref<10000x128xf32, #tpu.memory_space<vmem_shared>> -> memref<10000x128xf32, #tpu.memory_space<vmem_shared>>
    tpu.wait_indirect_dma semaphore(%arg19 : memref<!tpu.dma_semaphore, #tpu.memory_space<semaphore_mem>>) src(%arg11 : memref<50x128xf32, #tpu.memory_space<vmem>>) dst(%dma_wait3A_205 : memref<10000x128xf32, #tpu.memory_space<vmem_shared>>)
    %run_scoped3A_206 = arith.constant 3 : i32
    "tpu.region"() ({
      %run_scoped3A_353 = tpu.sem_alloc : memref<!tpu.dma_semaphore, #tpu.memory_space<semaphore_mem>>
      %dma_start3A_354 = arith.constant 0 : i32
      %dma_start3A_355 = arith.constant 0 : i32
      %dma_start3A_356 = tpu.memref_slice %arg3[%arg0, %arg1, %run_scoped3A_206, %dma_start3A_354, %dma_start3A_355] : memref<2x16x5x80x50xi32, #tpu.memory_space<hbm>> -> memref<1x1x1x80x50xi32, #tpu.memory_space<hbm>>
      %dma_start3A_357 = tpu.memref_squeeze %dma_start3A_356 : memref<1x1x1x80x50xi32, #tpu.memory_space<hbm>> -> memref<80x50xi32, #tpu.memory_space<hbm>>
      %dma_start3A_358 = arith.constant 0 : i32
      %dma_start3A_359 = arith.constant 0 : i32
      %dma_start3A_360 = tpu.memref_slice %arg3[%arg0, %arg1, %run_scoped3A_206, %dma_start3A_358, %dma_start3A_359] : memref<2x16x5x80x50xi32, #tpu.memory_space<hbm>> -> memref<1x1x1x80x50xi32, #tpu.memory_space<hbm>>
      %dma_start3A_361 = tpu.memref_squeeze %dma_start3A_360 : memref<1x1x1x80x50xi32, #tpu.memory_space<hbm>> -> memref<80x50xi32, #tpu.memory_space<hbm>>
      tpu.enqueue_dma source(%dma_start3A_361 : memref<80x50xi32, #tpu.memory_space<hbm>>) target(%arg6 : memref<80x50xi32, #tpu.memory_space<vmem>>) target_semaphore(%run_scoped3A_353 : memref<!tpu.dma_semaphore, #tpu.memory_space<semaphore_mem>>)
      %dma_wait3A_362 = arith.constant 0 : i32
      %dma_wait3A_363 = arith.constant 0 : i32
      %dma_wait3A_364 = tpu.memref_slice %arg3[%arg0, %arg1, %run_scoped3A_206, %dma_wait3A_362, %dma_wait3A_363] : memref<2x16x5x80x50xi32, #tpu.memory_space<hbm>> -> memref<1x1x1x80x50xi32, #tpu.memory_space<hbm>>
      %dma_wait3A_365 = tpu.memref_squeeze %dma_wait3A_364 : memref<1x1x1x80x50xi32, #tpu.memory_space<hbm>> -> memref<80x50xi32, #tpu.memory_space<hbm>>
      %dma_wait3A_366 = arith.constant 0 : i32
      %dma_wait3A_367 = arith.constant 0 : i32
      %dma_wait3A_368 = tpu.memref_slice %arg3[%arg0, %arg1, %run_scoped3A_206, %dma_wait3A_366, %dma_wait3A_367] : memref<2x16x5x80x50xi32, #tpu.memory_space<hbm>> -> memref<1x1x1x80x50xi32, #tpu.memory_space<hbm>>
      %dma_wait3A_369 = tpu.memref_squeeze %dma_wait3A_368 : memref<1x1x1x80x50xi32, #tpu.memory_space<hbm>> -> memref<80x50xi32, #tpu.memory_space<hbm>>
      tpu.wait_dma2 semaphore(%run_scoped3A_353 : memref<!tpu.dma_semaphore, #tpu.memory_space<semaphore_mem>>) src(%dma_wait3A_369 : memref<80x50xi32, #tpu.memory_space<hbm>>) dst(%arg6 : memref<80x50xi32, #tpu.memory_space<vmem>>)
      tpu.yield
    }) : () -> ()
    %run_scoped3A_207 = arith.constant 3 : i32
    "tpu.region"() ({
      %run_scoped3A_353 = tpu.sem_alloc : memref<!tpu.dma_semaphore, #tpu.memory_space<semaphore_mem>>
      %dma_start3A_354 = arith.constant 0 : i32
      %dma_start3A_355 = arith.constant 0 : i32
      %dma_start3A_356 = tpu.memref_slice %arg4[%arg0, %arg1, %run_scoped3A_207, %dma_start3A_354, %dma_start3A_355] : memref<2x16x5x80x50xi32, #tpu.memory_space<hbm>> -> memref<1x1x1x80x50xi32, #tpu.memory_space<hbm>>
      %dma_start3A_357 = tpu.memref_squeeze %dma_start3A_356 : memref<1x1x1x80x50xi32, #tpu.memory_space<hbm>> -> memref<80x50xi32, #tpu.memory_space<hbm>>
      %dma_start3A_358 = arith.constant 0 : i32
      %dma_start3A_359 = arith.constant 0 : i32
      %dma_start3A_360 = tpu.memref_slice %arg4[%arg0, %arg1, %run_scoped3A_207, %dma_start3A_358, %dma_start3A_359] : memref<2x16x5x80x50xi32, #tpu.memory_space<hbm>> -> memref<1x1x1x80x50xi32, #tpu.memory_space<hbm>>
      %dma_start3A_361 = tpu.memref_squeeze %dma_start3A_360 : memref<1x1x1x80x50xi32, #tpu.memory_space<hbm>> -> memref<80x50xi32, #tpu.memory_space<hbm>>
      tpu.enqueue_dma source(%dma_start3A_361 : memref<80x50xi32, #tpu.memory_space<hbm>>) target(%arg7 : memref<80x50xi32, #tpu.memory_space<vmem>>) target_semaphore(%run_scoped3A_353 : memref<!tpu.dma_semaphore, #tpu.memory_space<semaphore_mem>>)
      %dma_wait3A_362 = arith.constant 0 : i32
      %dma_wait3A_363 = arith.constant 0 : i32
      %dma_wait3A_364 = tpu.memref_slice %arg4[%arg0, %arg1, %run_scoped3A_207, %dma_wait3A_362, %dma_wait3A_363] : memref<2x16x5x80x50xi32, #tpu.memory_space<hbm>> -> memref<1x1x1x80x50xi32, #tpu.memory_space<hbm>>
      %dma_wait3A_365 = tpu.memref_squeeze %dma_wait3A_364 : memref<1x1x1x80x50xi32, #tpu.memory_space<hbm>> -> memref<80x50xi32, #tpu.memory_space<hbm>>
      %dma_wait3A_366 = arith.constant 0 : i32
      %dma_wait3A_367 = arith.constant 0 : i32
      %dma_wait3A_368 = tpu.memref_slice %arg4[%arg0, %arg1, %run_scoped3A_207, %dma_wait3A_366, %dma_wait3A_367] : memref<2x16x5x80x50xi32, #tpu.memory_space<hbm>> -> memref<1x1x1x80x50xi32, #tpu.memory_space<hbm>>
      %dma_wait3A_369 = tpu.memref_squeeze %dma_wait3A_368 : memref<1x1x1x80x50xi32, #tpu.memory_space<hbm>> -> memref<80x50xi32, #tpu.memory_space<hbm>>
      tpu.wait_dma2 semaphore(%run_scoped3A_353 : memref<!tpu.dma_semaphore, #tpu.memory_space<semaphore_mem>>) src(%dma_wait3A_369 : memref<80x50xi32, #tpu.memory_space<hbm>>) dst(%arg7 : memref<80x50xi32, #tpu.memory_space<vmem>>)
      tpu.yield
    }) : () -> ()
    %dma_start3A_208 = arith.constant 0 : i32
    %dma_start3A_209 = arith.constant 0 : i32
    %dma_start3A_210 = tpu.memref_slice %arg6[%dma_start3A_208, %dma_start3A_209] : memref<80x50xi32, #tpu.memory_space<vmem>> -> memref<1x50xi32, #tpu.memory_space<vmem>>
    %dma_start3A_211 = tpu.memref_squeeze %dma_start3A_210 : memref<1x50xi32, #tpu.memory_space<vmem>> -> memref<50xi32, #tpu.memory_space<vmem>>
    %dma_start3A_212 = arith.constant 0 : i32
    %dma_start3A_213 = arith.constant 0 : i32
    %dma_start3A_214 = tpu.memref_slice %arg2[%arg0, %dma_start3A_212, %dma_start3A_213] : memref<2x10000x128xf32, #tpu.memory_space<hbm>> -> memref<1x10000x128xf32, #tpu.memory_space<hbm>>
    %dma_start3A_215 = tpu.memref_squeeze %dma_start3A_214 : memref<1x10000x128xf32, #tpu.memory_space<hbm>> -> memref<10000x128xf32, #tpu.memory_space<hbm>>
    %dma_start3A_216 = arith.constant 0 : i32
    %dma_start3A_217 = arith.constant 0 : i32
    %dma_start3A_218 = tpu.memref_slice %dma_start3A_215[%dma_start3A_216, %dma_start3A_217] : memref<10000x128xf32, #tpu.memory_space<hbm>> -> memref<10000x128xf32, #tpu.memory_space<hbm>>
    tpu.enqueue_indirect_dma source(%dma_start3A_218 : memref<10000x128xf32, #tpu.memory_space<hbm>>) target(%arg8 : memref<50x128xf32, #tpu.memory_space<vmem>>) offsets(%dma_start3A_211 : memref<50xi32, #tpu.memory_space<vmem>>) semaphore(%arg12 : memref<!tpu.dma_semaphore, #tpu.memory_space<semaphore_mem>>)
    %dma_start3A_219 = arith.constant 1 : i32
    %dma_start3A_220 = arith.constant 0 : i32
    %dma_start3A_221 = tpu.memref_slice %arg6[%dma_start3A_219, %dma_start3A_220] : memref<80x50xi32, #tpu.memory_space<vmem>> -> memref<1x50xi32, #tpu.memory_space<vmem>>
    %dma_start3A_222 = tpu.memref_squeeze %dma_start3A_221 : memref<1x50xi32, #tpu.memory_space<vmem>> -> memref<50xi32, #tpu.memory_space<vmem>>
    %dma_start3A_223 = arith.constant 0 : i32
    %dma_start3A_224 = arith.constant 0 : i32
    %dma_start3A_225 = tpu.memref_slice %arg2[%arg0, %dma_start3A_223, %dma_start3A_224] : memref<2x10000x128xf32, #tpu.memory_space<hbm>> -> memref<1x10000x128xf32, #tpu.memory_space<hbm>>
    %dma_start3A_226 = tpu.memref_squeeze %dma_start3A_225 : memref<1x10000x128xf32, #tpu.memory_space<hbm>> -> memref<10000x128xf32, #tpu.memory_space<hbm>>
    %dma_start3A_227 = arith.constant 0 : i32
    %dma_start3A_228 = arith.constant 0 : i32
    %dma_start3A_229 = tpu.memref_slice %dma_start3A_226[%dma_start3A_227, %dma_start3A_228] : memref<10000x128xf32, #tpu.memory_space<hbm>> -> memref<10000x128xf32, #tpu.memory_space<hbm>>
    tpu.enqueue_indirect_dma source(%dma_start3A_229 : memref<10000x128xf32, #tpu.memory_space<hbm>>) target(%arg9 : memref<50x128xf32, #tpu.memory_space<vmem>>) offsets(%dma_start3A_222 : memref<50xi32, #tpu.memory_space<vmem>>) semaphore(%arg13 : memref<!tpu.dma_semaphore, #tpu.memory_space<semaphore_mem>>)
    %dma_start3A_230 = arith.constant 2 : i32
    %dma_start3A_231 = arith.constant 0 : i32
    %dma_start3A_232 = tpu.memref_slice %arg6[%dma_start3A_230, %dma_start3A_231] : memref<80x50xi32, #tpu.memory_space<vmem>> -> memref<1x50xi32, #tpu.memory_space<vmem>>
    %dma_start3A_233 = tpu.memref_squeeze %dma_start3A_232 : memref<1x50xi32, #tpu.memory_space<vmem>> -> memref<50xi32, #tpu.memory_space<vmem>>
    %dma_start3A_234 = arith.constant 0 : i32
    %dma_start3A_235 = arith.constant 0 : i32
    %dma_start3A_236 = tpu.memref_slice %arg2[%arg0, %dma_start3A_234, %dma_start3A_235] : memref<2x10000x128xf32, #tpu.memory_space<hbm>> -> memref<1x10000x128xf32, #tpu.memory_space<hbm>>
    %dma_start3A_237 = tpu.memref_squeeze %dma_start3A_236 : memref<1x10000x128xf32, #tpu.memory_space<hbm>> -> memref<10000x128xf32, #tpu.memory_space<hbm>>
    %dma_start3A_238 = arith.constant 0 : i32
    %dma_start3A_239 = arith.constant 0 : i32
    %dma_start3A_240 = tpu.memref_slice %dma_start3A_237[%dma_start3A_238, %dma_start3A_239] : memref<10000x128xf32, #tpu.memory_space<hbm>> -> memref<10000x128xf32, #tpu.memory_space<hbm>>
    tpu.enqueue_indirect_dma source(%dma_start3A_240 : memref<10000x128xf32, #tpu.memory_space<hbm>>) target(%arg10 : memref<50x128xf32, #tpu.memory_space<vmem>>) offsets(%dma_start3A_233 : memref<50xi32, #tpu.memory_space<vmem>>) semaphore(%arg14 : memref<!tpu.dma_semaphore, #tpu.memory_space<semaphore_mem>>)
    %scan3A_241 = arith.constant 0 : i32
    %scan3A_242 = arith.constant 20 : i32
    %scan3A_243 = arith.addi %scan3A_241, %scan3A_242 : i32
    %scan3A_244 = arith.constant 1 : i32
    scf.for %scan3A_353 = %scan3A_241 to %scan3A_243 step %scan3A_244  : i32 {
      %mul3A = arith.constant 4 : i32
      %mul3A_354 = arith.muli %mul3A, %scan3A_353 : i32
      %add3A = arith.constant 0 : i32
      %add3A_355 = arith.addi %mul3A_354, %add3A : i32
      %dma_wait3A_356 = arith.constant 0 : i32
      %dma_wait3A_357 = arith.constant 0 : i32
      %dma_wait3A_358 = tpu.memref_slice %arg6[%dma_wait3A_356, %dma_wait3A_357] : memref<80x50xi32, #tpu.memory_space<vmem>> -> memref<1x50xi32, #tpu.memory_space<vmem>>
      %dma_wait3A_359 = tpu.memref_squeeze %dma_wait3A_358 : memref<1x50xi32, #tpu.memory_space<vmem>> -> memref<50xi32, #tpu.memory_space<vmem>>
      %dma_wait3A_360 = arith.constant 0 : i32
      %dma_wait3A_361 = arith.constant 0 : i32
      %dma_wait3A_362 = tpu.memref_slice %arg2[%arg0, %dma_wait3A_360, %dma_wait3A_361] : memref<2x10000x128xf32, #tpu.memory_space<hbm>> -> memref<1x10000x128xf32, #tpu.memory_space<hbm>>
      %dma_wait3A_363 = tpu.memref_squeeze %dma_wait3A_362 : memref<1x10000x128xf32, #tpu.memory_space<hbm>> -> memref<10000x128xf32, #tpu.memory_space<hbm>>
      %dma_wait3A_364 = arith.constant 0 : i32
      %dma_wait3A_365 = arith.constant 0 : i32
      %dma_wait3A_366 = tpu.memref_slice %dma_wait3A_363[%dma_wait3A_364, %dma_wait3A_365] : memref<10000x128xf32, #tpu.memory_space<hbm>> -> memref<10000x128xf32, #tpu.memory_space<hbm>>
      tpu.wait_indirect_dma semaphore(%arg12 : memref<!tpu.dma_semaphore, #tpu.memory_space<semaphore_mem>>) src(%dma_wait3A_366 : memref<10000x128xf32, #tpu.memory_space<hbm>>) dst(%arg8 : memref<50x128xf32, #tpu.memory_space<vmem>>)
      %dma_start3A_367 = arith.constant 0 : i32
      %dma_start3A_368 = tpu.memref_slice %arg7[%add3A_355, %dma_start3A_367] : memref<80x50xi32, #tpu.memory_space<vmem>> -> memref<1x50xi32, #tpu.memory_space<vmem>>
      %dma_start3A_369 = tpu.memref_squeeze %dma_start3A_368 : memref<1x50xi32, #tpu.memory_space<vmem>> -> memref<50xi32, #tpu.memory_space<vmem>>
      %dma_start3A_370 = arith.constant 0 : i32
      %dma_start3A_371 = arith.constant 0 : i32
      %dma_start3A_372 = tpu.memref_slice %arg20[%dma_start3A_370, %dma_start3A_371] : memref<10000x128xf32, #tpu.memory_space<vmem_shared>> -> memref<10000x128xf32, #tpu.memory_space<vmem_shared>>
      tpu.enqueue_indirect_dma source(%arg8 : memref<50x128xf32, #tpu.memory_space<vmem>>) target(%dma_start3A_372 : memref<10000x128xf32, #tpu.memory_space<vmem_shared>>) offsets(%dma_start3A_369 : memref<50xi32, #tpu.memory_space<vmem>>) semaphore(%arg16 : memref<!tpu.dma_semaphore, #tpu.memory_space<semaphore_mem>>) {add = true}
      %eq3A_373 = arith.constant 0 : i32
      %eq3A_374 = arith.cmpi eq, %scan3A_353, %eq3A_373 : i32
      %convert_element_type3A_375 = arith.extui %eq3A_374 : i1 to i32
      %cond3A_376 = arith.constant 0 : i32
      %cond3A_377 = arith.cmpi ne, %convert_element_type3A_375, %cond3A_376 : i32
      scf.if %cond3A_377 {
        %dma_start3A_460 = arith.constant 3 : i32
        %dma_start3A_461 = arith.constant 0 : i32
        %dma_start3A_462 = tpu.memref_slice %arg6[%dma_start3A_460, %dma_start3A_461] : memref<80x50xi32, #tpu.memory_space<vmem>> -> memref<1x50xi32, #tpu.memory_space<vmem>>
        %dma_start3A_463 = tpu.memref_squeeze %dma_start3A_462 : memref<1x50xi32, #tpu.memory_space<vmem>> -> memref<50xi32, #tpu.memory_space<vmem>>
        %dma_start3A_464 = arith.constant 0 : i32
        %dma_start3A_465 = arith.constant 0 : i32
        %dma_start3A_466 = tpu.memref_slice %arg2[%arg0, %dma_start3A_464, %dma_start3A_465] : memref<2x10000x128xf32, #tpu.memory_space<hbm>> -> memref<1x10000x128xf32, #tpu.memory_space<hbm>>
        %dma_start3A_467 = tpu.memref_squeeze %dma_start3A_466 : memref<1x10000x128xf32, #tpu.memory_space<hbm>> -> memref<10000x128xf32, #tpu.memory_space<hbm>>
        %dma_start3A_468 = arith.constant 0 : i32
        %dma_start3A_469 = arith.constant 0 : i32
        %dma_start3A_470 = tpu.memref_slice %dma_start3A_467[%dma_start3A_468, %dma_start3A_469] : memref<10000x128xf32, #tpu.memory_space<hbm>> -> memref<10000x128xf32, #tpu.memory_space<hbm>>
        tpu.enqueue_indirect_dma source(%dma_start3A_470 : memref<10000x128xf32, #tpu.memory_space<hbm>>) target(%arg11 : memref<50x128xf32, #tpu.memory_space<vmem>>) offsets(%dma_start3A_463 : memref<50xi32, #tpu.memory_space<vmem>>) semaphore(%arg15 : memref<!tpu.dma_semaphore, #tpu.memory_space<semaphore_mem>>)
      } else {
      }
      %gt3A = arith.constant 0 : i32
      %gt3A_378 = arith.cmpi sgt, %scan3A_353, %gt3A : i32
      %convert_element_type3A_379 = arith.extui %gt3A_378 : i1 to i32
      %cond3A_380 = arith.constant 0 : i32
      %cond3A_381 = arith.cmpi ne, %convert_element_type3A_379, %cond3A_380 : i32
      scf.if %cond3A_381 {
        %dma_wait3A_460 = arith.constant 0 : i32
        %dma_wait3A_461 = arith.constant 0 : i32
        %dma_wait3A_462 = tpu.memref_slice %arg7[%dma_wait3A_460, %dma_wait3A_461] : memref<80x50xi32, #tpu.memory_space<vmem>> -> memref<1x50xi32, #tpu.memory_space<vmem>>
        %dma_wait3A_463 = tpu.memref_squeeze %dma_wait3A_462 : memref<1x50xi32, #tpu.memory_space<vmem>> -> memref<50xi32, #tpu.memory_space<vmem>>
        %dma_wait3A_464 = arith.constant 0 : i32
        %dma_wait3A_465 = arith.constant 0 : i32
        %dma_wait3A_466 = tpu.memref_slice %arg20[%dma_wait3A_464, %dma_wait3A_465] : memref<10000x128xf32, #tpu.memory_space<vmem_shared>> -> memref<10000x128xf32, #tpu.memory_space<vmem_shared>>
        tpu.wait_indirect_dma semaphore(%arg19 : memref<!tpu.dma_semaphore, #tpu.memory_space<semaphore_mem>>) src(%arg11 : memref<50x128xf32, #tpu.memory_space<vmem>>) dst(%dma_wait3A_466 : memref<10000x128xf32, #tpu.memory_space<vmem_shared>>)
        %add3A_467 = arith.constant 3 : i32
        %add3A_468 = arith.addi %add3A_355, %add3A_467 : i32
        %dma_start3A_469 = arith.constant 0 : i32
        %dma_start3A_470 = tpu.memref_slice %arg6[%add3A_468, %dma_start3A_469] : memref<80x50xi32, #tpu.memory_space<vmem>> -> memref<1x50xi32, #tpu.memory_space<vmem>>
        %dma_start3A_471 = tpu.memref_squeeze %dma_start3A_470 : memref<1x50xi32, #tpu.memory_space<vmem>> -> memref<50xi32, #tpu.memory_space<vmem>>
        %dma_start3A_472 = arith.constant 0 : i32
        %dma_start3A_473 = arith.constant 0 : i32
        %dma_start3A_474 = tpu.memref_slice %arg2[%arg0, %dma_start3A_472, %dma_start3A_473] : memref<2x10000x128xf32, #tpu.memory_space<hbm>> -> memref<1x10000x128xf32, #tpu.memory_space<hbm>>
        %dma_start3A_475 = tpu.memref_squeeze %dma_start3A_474 : memref<1x10000x128xf32, #tpu.memory_space<hbm>> -> memref<10000x128xf32, #tpu.memory_space<hbm>>
        %dma_start3A_476 = arith.constant 0 : i32
        %dma_start3A_477 = arith.constant 0 : i32
        %dma_start3A_478 = tpu.memref_slice %dma_start3A_475[%dma_start3A_476, %dma_start3A_477] : memref<10000x128xf32, #tpu.memory_space<hbm>> -> memref<10000x128xf32, #tpu.memory_space<hbm>>
        tpu.enqueue_indirect_dma source(%dma_start3A_478 : memref<10000x128xf32, #tpu.memory_space<hbm>>) target(%arg11 : memref<50x128xf32, #tpu.memory_space<vmem>>) offsets(%dma_start3A_471 : memref<50xi32, #tpu.memory_space<vmem>>) semaphore(%arg15 : memref<!tpu.dma_semaphore, #tpu.memory_space<semaphore_mem>>)
      } else {
      }
      %mul3A_382 = arith.constant 4 : i32
      %mul3A_383 = arith.muli %mul3A_382, %scan3A_353 : i32
      %add3A_384 = arith.constant 1 : i32
      %add3A_385 = arith.addi %mul3A_383, %add3A_384 : i32
      %dma_wait3A_386 = arith.constant 0 : i32
      %dma_wait3A_387 = arith.constant 0 : i32
      %dma_wait3A_388 = tpu.memref_slice %arg6[%dma_wait3A_386, %dma_wait3A_387] : memref<80x50xi32, #tpu.memory_space<vmem>> -> memref<1x50xi32, #tpu.memory_space<vmem>>
      %dma_wait3A_389 = tpu.memref_squeeze %dma_wait3A_388 : memref<1x50xi32, #tpu.memory_space<vmem>> -> memref<50xi32, #tpu.memory_space<vmem>>
      %dma_wait3A_390 = arith.constant 0 : i32
      %dma_wait3A_391 = arith.constant 0 : i32
      %dma_wait3A_392 = tpu.memref_slice %arg2[%arg0, %dma_wait3A_390, %dma_wait3A_391] : memref<2x10000x128xf32, #tpu.memory_space<hbm>> -> memref<1x10000x128xf32, #tpu.memory_space<hbm>>
      %dma_wait3A_393 = tpu.memref_squeeze %dma_wait3A_392 : memref<1x10000x128xf32, #tpu.memory_space<hbm>> -> memref<10000x128xf32, #tpu.memory_space<hbm>>
      %dma_wait3A_394 = arith.constant 0 : i32
      %dma_wait3A_395 = arith.constant 0 : i32
      %dma_wait3A_396 = tpu.memref_slice %dma_wait3A_393[%dma_wait3A_394, %dma_wait3A_395] : memref<10000x128xf32, #tpu.memory_space<hbm>> -> memref<10000x128xf32, #tpu.memory_space<hbm>>
      tpu.wait_indirect_dma semaphore(%arg13 : memref<!tpu.dma_semaphore, #tpu.memory_space<semaphore_mem>>) src(%dma_wait3A_396 : memref<10000x128xf32, #tpu.memory_space<hbm>>) dst(%arg9 : memref<50x128xf32, #tpu.memory_space<vmem>>)
      %dma_start3A_397 = arith.constant 0 : i32
      %dma_start3A_398 = tpu.memref_slice %arg7[%add3A_385, %dma_start3A_397] : memref<80x50xi32, #tpu.memory_space<vmem>> -> memref<1x50xi32, #tpu.memory_space<vmem>>
      %dma_start3A_399 = tpu.memref_squeeze %dma_start3A_398 : memref<1x50xi32, #tpu.memory_space<vmem>> -> memref<50xi32, #tpu.memory_space<vmem>>
      %dma_start3A_400 = arith.constant 0 : i32
      %dma_start3A_401 = arith.constant 0 : i32
      %dma_start3A_402 = tpu.memref_slice %arg20[%dma_start3A_400, %dma_start3A_401] : memref<10000x128xf32, #tpu.memory_space<vmem_shared>> -> memref<10000x128xf32, #tpu.memory_space<vmem_shared>>
      tpu.enqueue_indirect_dma source(%arg9 : memref<50x128xf32, #tpu.memory_space<vmem>>) target(%dma_start3A_402 : memref<10000x128xf32, #tpu.memory_space<vmem_shared>>) offsets(%dma_start3A_399 : memref<50xi32, #tpu.memory_space<vmem>>) semaphore(%arg17 : memref<!tpu.dma_semaphore, #tpu.memory_space<semaphore_mem>>) {add = true}
      %lt3A_403 = arith.constant 19 : i32
      %lt3A_404 = arith.cmpi slt, %scan3A_353, %lt3A_403 : i32
      %convert_element_type3A_405 = arith.extui %lt3A_404 : i1 to i32
      %cond3A_406 = arith.constant 0 : i32
      %cond3A_407 = arith.cmpi ne, %convert_element_type3A_405, %cond3A_406 : i32
      scf.if %cond3A_407 {
        %dma_wait3A_460 = arith.constant 0 : i32
        %dma_wait3A_461 = arith.constant 0 : i32
        %dma_wait3A_462 = tpu.memref_slice %arg7[%dma_wait3A_460, %dma_wait3A_461] : memref<80x50xi32, #tpu.memory_space<vmem>> -> memref<1x50xi32, #tpu.memory_space<vmem>>
        %dma_wait3A_463 = tpu.memref_squeeze %dma_wait3A_462 : memref<1x50xi32, #tpu.memory_space<vmem>> -> memref<50xi32, #tpu.memory_space<vmem>>
        %dma_wait3A_464 = arith.constant 0 : i32
        %dma_wait3A_465 = arith.constant 0 : i32
        %dma_wait3A_466 = tpu.memref_slice %arg20[%dma_wait3A_464, %dma_wait3A_465] : memref<10000x128xf32, #tpu.memory_space<vmem_shared>> -> memref<10000x128xf32, #tpu.memory_space<vmem_shared>>
        tpu.wait_indirect_dma semaphore(%arg16 : memref<!tpu.dma_semaphore, #tpu.memory_space<semaphore_mem>>) src(%arg8 : memref<50x128xf32, #tpu.memory_space<vmem>>) dst(%dma_wait3A_466 : memref<10000x128xf32, #tpu.memory_space<vmem_shared>>)
        %add3A_467 = arith.constant 3 : i32
        %add3A_468 = arith.addi %add3A_385, %add3A_467 : i32
        %dma_start3A_469 = arith.constant 0 : i32
        %dma_start3A_470 = tpu.memref_slice %arg6[%add3A_468, %dma_start3A_469] : memref<80x50xi32, #tpu.memory_space<vmem>> -> memref<1x50xi32, #tpu.memory_space<vmem>>
        %dma_start3A_471 = tpu.memref_squeeze %dma_start3A_470 : memref<1x50xi32, #tpu.memory_space<vmem>> -> memref<50xi32, #tpu.memory_space<vmem>>
        %dma_start3A_472 = arith.constant 0 : i32
        %dma_start3A_473 = arith.constant 0 : i32
        %dma_start3A_474 = tpu.memref_slice %arg2[%arg0, %dma_start3A_472, %dma_start3A_473] : memref<2x10000x128xf32, #tpu.memory_space<hbm>> -> memref<1x10000x128xf32, #tpu.memory_space<hbm>>
        %dma_start3A_475 = tpu.memref_squeeze %dma_start3A_474 : memref<1x10000x128xf32, #tpu.memory_space<hbm>> -> memref<10000x128xf32, #tpu.memory_space<hbm>>
        %dma_start3A_476 = arith.constant 0 : i32
        %dma_start3A_477 = arith.constant 0 : i32
        %dma_start3A_478 = tpu.memref_slice %dma_start3A_475[%dma_start3A_476, %dma_start3A_477] : memref<10000x128xf32, #tpu.memory_space<hbm>> -> memref<10000x128xf32, #tpu.memory_space<hbm>>
        tpu.enqueue_indirect_dma source(%dma_start3A_478 : memref<10000x128xf32, #tpu.memory_space<hbm>>) target(%arg8 : memref<50x128xf32, #tpu.memory_space<vmem>>) offsets(%dma_start3A_471 : memref<50xi32, #tpu.memory_space<vmem>>) semaphore(%arg12 : memref<!tpu.dma_semaphore, #tpu.memory_space<semaphore_mem>>)
      } else {
      }
      %mul3A_408 = arith.constant 4 : i32
      %mul3A_409 = arith.muli %mul3A_408, %scan3A_353 : i32
      %add3A_410 = arith.constant 2 : i32
      %add3A_411 = arith.addi %mul3A_409, %add3A_410 : i32
      %dma_wait3A_412 = arith.constant 0 : i32
      %dma_wait3A_413 = arith.constant 0 : i32
      %dma_wait3A_414 = tpu.memref_slice %arg6[%dma_wait3A_412, %dma_wait3A_413] : memref<80x50xi32, #tpu.memory_space<vmem>> -> memref<1x50xi32, #tpu.memory_space<vmem>>
      %dma_wait3A_415 = tpu.memref_squeeze %dma_wait3A_414 : memref<1x50xi32, #tpu.memory_space<vmem>> -> memref<50xi32, #tpu.memory_space<vmem>>
      %dma_wait3A_416 = arith.constant 0 : i32
      %dma_wait3A_417 = arith.constant 0 : i32
      %dma_wait3A_418 = tpu.memref_slice %arg2[%arg0, %dma_wait3A_416, %dma_wait3A_417] : memref<2x10000x128xf32, #tpu.memory_space<hbm>> -> memref<1x10000x128xf32, #tpu.memory_space<hbm>>
      %dma_wait3A_419 = tpu.memref_squeeze %dma_wait3A_418 : memref<1x10000x128xf32, #tpu.memory_space<hbm>> -> memref<10000x128xf32, #tpu.memory_space<hbm>>
      %dma_wait3A_420 = arith.constant 0 : i32
      %dma_wait3A_421 = arith.constant 0 : i32
      %dma_wait3A_422 = tpu.memref_slice %dma_wait3A_419[%dma_wait3A_420, %dma_wait3A_421] : memref<10000x128xf32, #tpu.memory_space<hbm>> -> memref<10000x128xf32, #tpu.memory_space<hbm>>
      tpu.wait_indirect_dma semaphore(%arg14 : memref<!tpu.dma_semaphore, #tpu.memory_space<semaphore_mem>>) src(%dma_wait3A_422 : memref<10000x128xf32, #tpu.memory_space<hbm>>) dst(%arg10 : memref<50x128xf32, #tpu.memory_space<vmem>>)
      %dma_start3A_423 = arith.constant 0 : i32
      %dma_start3A_424 = tpu.memref_slice %arg7[%add3A_411, %dma_start3A_423] : memref<80x50xi32, #tpu.memory_space<vmem>> -> memref<1x50xi32, #tpu.memory_space<vmem>>
      %dma_start3A_425 = tpu.memref_squeeze %dma_start3A_424 : memref<1x50xi32, #tpu.memory_space<vmem>> -> memref<50xi32, #tpu.memory_space<vmem>>
      %dma_start3A_426 = arith.constant 0 : i32
      %dma_start3A_427 = arith.constant 0 : i32
      %dma_start3A_428 = tpu.memref_slice %arg20[%dma_start3A_426, %dma_start3A_427] : memref<10000x128xf32, #tpu.memory_space<vmem_shared>> -> memref<10000x128xf32, #tpu.memory_space<vmem_shared>>
      tpu.enqueue_indirect_dma source(%arg10 : memref<50x128xf32, #tpu.memory_space<vmem>>) target(%dma_start3A_428 : memref<10000x128xf32, #tpu.memory_space<vmem_shared>>) offsets(%dma_start3A_425 : memref<50xi32, #tpu.memory_space<vmem>>) semaphore(%arg18 : memref<!tpu.dma_semaphore, #tpu.memory_space<semaphore_mem>>) {add = true}
      %lt3A_429 = arith.constant 19 : i32
      %lt3A_430 = arith.cmpi slt, %scan3A_353, %lt3A_429 : i32
      %convert_element_type3A_431 = arith.extui %lt3A_430 : i1 to i32
      %cond3A_432 = arith.constant 0 : i32
      %cond3A_433 = arith.cmpi ne, %convert_element_type3A_431, %cond3A_432 : i32
      scf.if %cond3A_433 {
        %dma_wait3A_460 = arith.constant 0 : i32
        %dma_wait3A_461 = arith.constant 0 : i32
        %dma_wait3A_462 = tpu.memref_slice %arg7[%dma_wait3A_460, %dma_wait3A_461] : memref<80x50xi32, #tpu.memory_space<vmem>> -> memref<1x50xi32, #tpu.memory_space<vmem>>
        %dma_wait3A_463 = tpu.memref_squeeze %dma_wait3A_462 : memref<1x50xi32, #tpu.memory_space<vmem>> -> memref<50xi32, #tpu.memory_space<vmem>>
        %dma_wait3A_464 = arith.constant 0 : i32
        %dma_wait3A_465 = arith.constant 0 : i32
        %dma_wait3A_466 = tpu.memref_slice %arg20[%dma_wait3A_464, %dma_wait3A_465] : memref<10000x128xf32, #tpu.memory_space<vmem_shared>> -> memref<10000x128xf32, #tpu.memory_space<vmem_shared>>
        tpu.wait_indirect_dma semaphore(%arg17 : memref<!tpu.dma_semaphore, #tpu.memory_space<semaphore_mem>>) src(%arg9 : memref<50x128xf32, #tpu.memory_space<vmem>>) dst(%dma_wait3A_466 : memref<10000x128xf32, #tpu.memory_space<vmem_shared>>)
        %add3A_467 = arith.constant 3 : i32
        %add3A_468 = arith.addi %add3A_411, %add3A_467 : i32
        %dma_start3A_469 = arith.constant 0 : i32
        %dma_start3A_470 = tpu.memref_slice %arg6[%add3A_468, %dma_start3A_469] : memref<80x50xi32, #tpu.memory_space<vmem>> -> memref<1x50xi32, #tpu.memory_space<vmem>>
        %dma_start3A_471 = tpu.memref_squeeze %dma_start3A_470 : memref<1x50xi32, #tpu.memory_space<vmem>> -> memref<50xi32, #tpu.memory_space<vmem>>
        %dma_start3A_472 = arith.constant 0 : i32
        %dma_start3A_473 = arith.constant 0 : i32
        %dma_start3A_474 = tpu.memref_slice %arg2[%arg0, %dma_start3A_472, %dma_start3A_473] : memref<2x10000x128xf32, #tpu.memory_space<hbm>> -> memref<1x10000x128xf32, #tpu.memory_space<hbm>>
        %dma_start3A_475 = tpu.memref_squeeze %dma_start3A_474 : memref<1x10000x128xf32, #tpu.memory_space<hbm>> -> memref<10000x128xf32, #tpu.memory_space<hbm>>
        %dma_start3A_476 = arith.constant 0 : i32
        %dma_start3A_477 = arith.constant 0 : i32
        %dma_start3A_478 = tpu.memref_slice %dma_start3A_475[%dma_start3A_476, %dma_start3A_477] : memref<10000x128xf32, #tpu.memory_space<hbm>> -> memref<10000x128xf32, #tpu.memory_space<hbm>>
        tpu.enqueue_indirect_dma source(%dma_start3A_478 : memref<10000x128xf32, #tpu.memory_space<hbm>>) target(%arg9 : memref<50x128xf32, #tpu.memory_space<vmem>>) offsets(%dma_start3A_471 : memref<50xi32, #tpu.memory_space<vmem>>) semaphore(%arg13 : memref<!tpu.dma_semaphore, #tpu.memory_space<semaphore_mem>>)
      } else {
      }
      %mul3A_434 = arith.constant 4 : i32
      %mul3A_435 = arith.muli %mul3A_434, %scan3A_353 : i32
      %add3A_436 = arith.constant 3 : i32
      %add3A_437 = arith.addi %mul3A_435, %add3A_436 : i32
      %dma_wait3A_438 = arith.constant 0 : i32
      %dma_wait3A_439 = arith.constant 0 : i32
      %dma_wait3A_440 = tpu.memref_slice %arg6[%dma_wait3A_438, %dma_wait3A_439] : memref<80x50xi32, #tpu.memory_space<vmem>> -> memref<1x50xi32, #tpu.memory_space<vmem>>
      %dma_wait3A_441 = tpu.memref_squeeze %dma_wait3A_440 : memref<1x50xi32, #tpu.memory_space<vmem>> -> memref<50xi32, #tpu.memory_space<vmem>>
      %dma_wait3A_442 = arith.constant 0 : i32
      %dma_wait3A_443 = arith.constant 0 : i32
      %dma_wait3A_444 = tpu.memref_slice %arg2[%arg0, %dma_wait3A_442, %dma_wait3A_443] : memref<2x10000x128xf32, #tpu.memory_space<hbm>> -> memref<1x10000x128xf32, #tpu.memory_space<hbm>>
      %dma_wait3A_445 = tpu.memref_squeeze %dma_wait3A_444 : memref<1x10000x128xf32, #tpu.memory_space<hbm>> -> memref<10000x128xf32, #tpu.memory_space<hbm>>
      %dma_wait3A_446 = arith.constant 0 : i32
      %dma_wait3A_447 = arith.constant 0 : i32
      %dma_wait3A_448 = tpu.memref_slice %dma_wait3A_445[%dma_wait3A_446, %dma_wait3A_447] : memref<10000x128xf32, #tpu.memory_space<hbm>> -> memref<10000x128xf32, #tpu.memory_space<hbm>>
      tpu.wait_indirect_dma semaphore(%arg15 : memref<!tpu.dma_semaphore, #tpu.memory_space<semaphore_mem>>) src(%dma_wait3A_448 : memref<10000x128xf32, #tpu.memory_space<hbm>>) dst(%arg11 : memref<50x128xf32, #tpu.memory_space<vmem>>)
      %dma_start3A_449 = arith.constant 0 : i32
      %dma_start3A_450 = tpu.memref_slice %arg7[%add3A_437, %dma_start3A_449] : memref<80x50xi32, #tpu.memory_space<vmem>> -> memref<1x50xi32, #tpu.memory_space<vmem>>
      %dma_start3A_451 = tpu.memref_squeeze %dma_start3A_450 : memref<1x50xi32, #tpu.memory_space<vmem>> -> memref<50xi32, #tpu.memory_space<vmem>>
      %dma_start3A_452 = arith.constant 0 : i32
      %dma_start3A_453 = arith.constant 0 : i32
      %dma_start3A_454 = tpu.memref_slice %arg20[%dma_start3A_452, %dma_start3A_453] : memref<10000x128xf32, #tpu.memory_space<vmem_shared>> -> memref<10000x128xf32, #tpu.memory_space<vmem_shared>>
      tpu.enqueue_indirect_dma source(%arg11 : memref<50x128xf32, #tpu.memory_space<vmem>>) target(%dma_start3A_454 : memref<10000x128xf32, #tpu.memory_space<vmem_shared>>) offsets(%dma_start3A_451 : memref<50xi32, #tpu.memory_space<vmem>>) semaphore(%arg19 : memref<!tpu.dma_semaphore, #tpu.memory_space<semaphore_mem>>) {add = true}
      %lt3A_455 = arith.constant 19 : i32
      %lt3A_456 = arith.cmpi slt, %scan3A_353, %lt3A_455 : i32
      %convert_element_type3A_457 = arith.extui %lt3A_456 : i1 to i32
      %cond3A_458 = arith.constant 0 : i32
      %cond3A_459 = arith.cmpi ne, %convert_element_type3A_457, %cond3A_458 : i32
      scf.if %cond3A_459 {
        %dma_wait3A_460 = arith.constant 0 : i32
        %dma_wait3A_461 = arith.constant 0 : i32
        %dma_wait3A_462 = tpu.memref_slice %arg7[%dma_wait3A_460, %dma_wait3A_461] : memref<80x50xi32, #tpu.memory_space<vmem>> -> memref<1x50xi32, #tpu.memory_space<vmem>>
        %dma_wait3A_463 = tpu.memref_squeeze %dma_wait3A_462 : memref<1x50xi32, #tpu.memory_space<vmem>> -> memref<50xi32, #tpu.memory_space<vmem>>
        %dma_wait3A_464 = arith.constant 0 : i32
        %dma_wait3A_465 = arith.constant 0 : i32
        %dma_wait3A_466 = tpu.memref_slice %arg20[%dma_wait3A_464, %dma_wait3A_465] : memref<10000x128xf32, #tpu.memory_space<vmem_shared>> -> memref<10000x128xf32, #tpu.memory_space<vmem_shared>>
        tpu.wait_indirect_dma semaphore(%arg18 : memref<!tpu.dma_semaphore, #tpu.memory_space<semaphore_mem>>) src(%arg10 : memref<50x128xf32, #tpu.memory_space<vmem>>) dst(%dma_wait3A_466 : memref<10000x128xf32, #tpu.memory_space<vmem_shared>>)
        %add3A_467 = arith.constant 3 : i32
        %add3A_468 = arith.addi %add3A_437, %add3A_467 : i32
        %dma_start3A_469 = arith.constant 0 : i32
        %dma_start3A_470 = tpu.memref_slice %arg6[%add3A_468, %dma_start3A_469] : memref<80x50xi32, #tpu.memory_space<vmem>> -> memref<1x50xi32, #tpu.memory_space<vmem>>
        %dma_start3A_471 = tpu.memref_squeeze %dma_start3A_470 : memref<1x50xi32, #tpu.memory_space<vmem>> -> memref<50xi32, #tpu.memory_space<vmem>>
        %dma_start3A_472 = arith.constant 0 : i32
        %dma_start3A_473 = arith.constant 0 : i32
        %dma_start3A_474 = tpu.memref_slice %arg2[%arg0, %dma_start3A_472, %dma_start3A_473] : memref<2x10000x128xf32, #tpu.memory_space<hbm>> -> memref<1x10000x128xf32, #tpu.memory_space<hbm>>
        %dma_start3A_475 = tpu.memref_squeeze %dma_start3A_474 : memref<1x10000x128xf32, #tpu.memory_space<hbm>> -> memref<10000x128xf32, #tpu.memory_space<hbm>>
        %dma_start3A_476 = arith.constant 0 : i32
        %dma_start3A_477 = arith.constant 0 : i32
        %dma_start3A_478 = tpu.memref_slice %dma_start3A_475[%dma_start3A_476, %dma_start3A_477] : memref<10000x128xf32, #tpu.memory_space<hbm>> -> memref<10000x128xf32, #tpu.memory_space<hbm>>
        tpu.enqueue_indirect_dma source(%dma_start3A_478 : memref<10000x128xf32, #tpu.memory_space<hbm>>) target(%arg10 : memref<50x128xf32, #tpu.memory_space<vmem>>) offsets(%dma_start3A_471 : memref<50xi32, #tpu.memory_space<vmem>>) semaphore(%arg14 : memref<!tpu.dma_semaphore, #tpu.memory_space<semaphore_mem>>)
      } else {
      }
    }
    %scan3A_245 = arith.constant 20 : i32
    %dma_wait3A_246 = arith.constant 0 : i32
    %dma_wait3A_247 = arith.constant 0 : i32
    %dma_wait3A_248 = tpu.memref_slice %arg7[%dma_wait3A_246, %dma_wait3A_247] : memref<80x50xi32, #tpu.memory_space<vmem>> -> memref<1x50xi32, #tpu.memory_space<vmem>>
    %dma_wait3A_249 = tpu.memref_squeeze %dma_wait3A_248 : memref<1x50xi32, #tpu.memory_space<vmem>> -> memref<50xi32, #tpu.memory_space<vmem>>
    %dma_wait3A_250 = arith.constant 0 : i32
    %dma_wait3A_251 = arith.constant 0 : i32
    %dma_wait3A_252 = tpu.memref_slice %arg20[%dma_wait3A_250, %dma_wait3A_251] : memref<10000x128xf32, #tpu.memory_space<vmem_shared>> -> memref<10000x128xf32, #tpu.memory_space<vmem_shared>>
    tpu.wait_indirect_dma semaphore(%arg16 : memref<!tpu.dma_semaphore, #tpu.memory_space<semaphore_mem>>) src(%arg8 : memref<50x128xf32, #tpu.memory_space<vmem>>) dst(%dma_wait3A_252 : memref<10000x128xf32, #tpu.memory_space<vmem_shared>>)
    %dma_wait3A_253 = arith.constant 0 : i32
    %dma_wait3A_254 = arith.constant 0 : i32
    %dma_wait3A_255 = tpu.memref_slice %arg7[%dma_wait3A_253, %dma_wait3A_254] : memref<80x50xi32, #tpu.memory_space<vmem>> -> memref<1x50xi32, #tpu.memory_space<vmem>>
    %dma_wait3A_256 = tpu.memref_squeeze %dma_wait3A_255 : memref<1x50xi32, #tpu.memory_space<vmem>> -> memref<50xi32, #tpu.memory_space<vmem>>
    %dma_wait3A_257 = arith.constant 0 : i32
    %dma_wait3A_258 = arith.constant 0 : i32
    %dma_wait3A_259 = tpu.memref_slice %arg20[%dma_wait3A_257, %dma_wait3A_258] : memref<10000x128xf32, #tpu.memory_space<vmem_shared>> -> memref<10000x128xf32, #tpu.memory_space<vmem_shared>>
    tpu.wait_indirect_dma semaphore(%arg17 : memref<!tpu.dma_semaphore, #tpu.memory_space<semaphore_mem>>) src(%arg9 : memref<50x128xf32, #tpu.memory_space<vmem>>) dst(%dma_wait3A_259 : memref<10000x128xf32, #tpu.memory_space<vmem_shared>>)
    %dma_wait3A_260 = arith.constant 0 : i32
    %dma_wait3A_261 = arith.constant 0 : i32
    %dma_wait3A_262 = tpu.memref_slice %arg7[%dma_wait3A_260, %dma_wait3A_261] : memref<80x50xi32, #tpu.memory_space<vmem>> -> memref<1x50xi32, #tpu.memory_space<vmem>>
    %dma_wait3A_263 = tpu.memref_squeeze %dma_wait3A_262 : memref<1x50xi32, #tpu.memory_space<vmem>> -> memref<50xi32, #tpu.memory_space<vmem>>
    %dma_wait3A_264 = arith.constant 0 : i32
    %dma_wait3A_265 = arith.constant 0 : i32
    %dma_wait3A_266 = tpu.memref_slice %arg20[%dma_wait3A_264, %dma_wait3A_265] : memref<10000x128xf32, #tpu.memory_space<vmem_shared>> -> memref<10000x128xf32, #tpu.memory_space<vmem_shared>>
    tpu.wait_indirect_dma semaphore(%arg18 : memref<!tpu.dma_semaphore, #tpu.memory_space<semaphore_mem>>) src(%arg10 : memref<50x128xf32, #tpu.memory_space<vmem>>) dst(%dma_wait3A_266 : memref<10000x128xf32, #tpu.memory_space<vmem_shared>>)
    %dma_wait3A_267 = arith.constant 0 : i32
    %dma_wait3A_268 = arith.constant 0 : i32
    %dma_wait3A_269 = tpu.memref_slice %arg7[%dma_wait3A_267, %dma_wait3A_268] : memref<80x50xi32, #tpu.memory_space<vmem>> -> memref<1x50xi32, #tpu.memory_space<vmem>>
    %dma_wait3A_270 = tpu.memref_squeeze %dma_wait3A_269 : memref<1x50xi32, #tpu.memory_space<vmem>> -> memref<50xi32, #tpu.memory_space<vmem>>
    %dma_wait3A_271 = arith.constant 0 : i32
    %dma_wait3A_272 = arith.constant 0 : i32
    %dma_wait3A_273 = tpu.memref_slice %arg20[%dma_wait3A_271, %dma_wait3A_272] : memref<10000x128xf32, #tpu.memory_space<vmem_shared>> -> memref<10000x128xf32, #tpu.memory_space<vmem_shared>>
    tpu.wait_indirect_dma semaphore(%arg19 : memref<!tpu.dma_semaphore, #tpu.memory_space<semaphore_mem>>) src(%arg11 : memref<50x128xf32, #tpu.memory_space<vmem>>) dst(%dma_wait3A_273 : memref<10000x128xf32, #tpu.memory_space<vmem_shared>>)
    %run_scoped3A_274 = arith.constant 4 : i32
    "tpu.region"() ({
      %run_scoped3A_353 = tpu.sem_alloc : memref<!tpu.dma_semaphore, #tpu.memory_space<semaphore_mem>>
      %dma_start3A_354 = arith.constant 0 : i32
      %dma_start3A_355 = arith.constant 0 : i32
      %dma_start3A_356 = tpu.memref_slice %arg3[%arg0, %arg1, %run_scoped3A_274, %dma_start3A_354, %dma_start3A_355] : memref<2x16x5x80x50xi32, #tpu.memory_space<hbm>> -> memref<1x1x1x80x50xi32, #tpu.memory_space<hbm>>
      %dma_start3A_357 = tpu.memref_squeeze %dma_start3A_356 : memref<1x1x1x80x50xi32, #tpu.memory_space<hbm>> -> memref<80x50xi32, #tpu.memory_space<hbm>>
      %dma_start3A_358 = arith.constant 0 : i32
      %dma_start3A_359 = arith.constant 0 : i32
      %dma_start3A_360 = tpu.memref_slice %arg3[%arg0, %arg1, %run_scoped3A_274, %dma_start3A_358, %dma_start3A_359] : memref<2x16x5x80x50xi32, #tpu.memory_space<hbm>> -> memref<1x1x1x80x50xi32, #tpu.memory_space<hbm>>
      %dma_start3A_361 = tpu.memref_squeeze %dma_start3A_360 : memref<1x1x1x80x50xi32, #tpu.memory_space<hbm>> -> memref<80x50xi32, #tpu.memory_space<hbm>>
      tpu.enqueue_dma source(%dma_start3A_361 : memref<80x50xi32, #tpu.memory_space<hbm>>) target(%arg6 : memref<80x50xi32, #tpu.memory_space<vmem>>) target_semaphore(%run_scoped3A_353 : memref<!tpu.dma_semaphore, #tpu.memory_space<semaphore_mem>>)
      %dma_wait3A_362 = arith.constant 0 : i32
      %dma_wait3A_363 = arith.constant 0 : i32
      %dma_wait3A_364 = tpu.memref_slice %arg3[%arg0, %arg1, %run_scoped3A_274, %dma_wait3A_362, %dma_wait3A_363] : memref<2x16x5x80x50xi32, #tpu.memory_space<hbm>> -> memref<1x1x1x80x50xi32, #tpu.memory_space<hbm>>
      %dma_wait3A_365 = tpu.memref_squeeze %dma_wait3A_364 : memref<1x1x1x80x50xi32, #tpu.memory_space<hbm>> -> memref<80x50xi32, #tpu.memory_space<hbm>>
      %dma_wait3A_366 = arith.constant 0 : i32
      %dma_wait3A_367 = arith.constant 0 : i32
      %dma_wait3A_368 = tpu.memref_slice %arg3[%arg0, %arg1, %run_scoped3A_274, %dma_wait3A_366, %dma_wait3A_367] : memref<2x16x5x80x50xi32, #tpu.memory_space<hbm>> -> memref<1x1x1x80x50xi32, #tpu.memory_space<hbm>>
      %dma_wait3A_369 = tpu.memref_squeeze %dma_wait3A_368 : memref<1x1x1x80x50xi32, #tpu.memory_space<hbm>> -> memref<80x50xi32, #tpu.memory_space<hbm>>
      tpu.wait_dma2 semaphore(%run_scoped3A_353 : memref<!tpu.dma_semaphore, #tpu.memory_space<semaphore_mem>>) src(%dma_wait3A_369 : memref<80x50xi32, #tpu.memory_space<hbm>>) dst(%arg6 : memref<80x50xi32, #tpu.memory_space<vmem>>)
      tpu.yield
    }) : () -> ()
    %run_scoped3A_275 = arith.constant 4 : i32
    "tpu.region"() ({
      %run_scoped3A_353 = tpu.sem_alloc : memref<!tpu.dma_semaphore, #tpu.memory_space<semaphore_mem>>
      %dma_start3A_354 = arith.constant 0 : i32
      %dma_start3A_355 = arith.constant 0 : i32
      %dma_start3A_356 = tpu.memref_slice %arg4[%arg0, %arg1, %run_scoped3A_275, %dma_start3A_354, %dma_start3A_355] : memref<2x16x5x80x50xi32, #tpu.memory_space<hbm>> -> memref<1x1x1x80x50xi32, #tpu.memory_space<hbm>>
      %dma_start3A_357 = tpu.memref_squeeze %dma_start3A_356 : memref<1x1x1x80x50xi32, #tpu.memory_space<hbm>> -> memref<80x50xi32, #tpu.memory_space<hbm>>
      %dma_start3A_358 = arith.constant 0 : i32
      %dma_start3A_359 = arith.constant 0 : i32
      %dma_start3A_360 = tpu.memref_slice %arg4[%arg0, %arg1, %run_scoped3A_275, %dma_start3A_358, %dma_start3A_359] : memref<2x16x5x80x50xi32, #tpu.memory_space<hbm>> -> memref<1x1x1x80x50xi32, #tpu.memory_space<hbm>>
      %dma_start3A_361 = tpu.memref_squeeze %dma_start3A_360 : memref<1x1x1x80x50xi32, #tpu.memory_space<hbm>> -> memref<80x50xi32, #tpu.memory_space<hbm>>
      tpu.enqueue_dma source(%dma_start3A_361 : memref<80x50xi32, #tpu.memory_space<hbm>>) target(%arg7 : memref<80x50xi32, #tpu.memory_space<vmem>>) target_semaphore(%run_scoped3A_353 : memref<!tpu.dma_semaphore, #tpu.memory_space<semaphore_mem>>)
      %dma_wait3A_362 = arith.constant 0 : i32
      %dma_wait3A_363 = arith.constant 0 : i32
      %dma_wait3A_364 = tpu.memref_slice %arg4[%arg0, %arg1, %run_scoped3A_275, %dma_wait3A_362, %dma_wait3A_363] : memref<2x16x5x80x50xi32, #tpu.memory_space<hbm>> -> memref<1x1x1x80x50xi32, #tpu.memory_space<hbm>>
      %dma_wait3A_365 = tpu.memref_squeeze %dma_wait3A_364 : memref<1x1x1x80x50xi32, #tpu.memory_space<hbm>> -> memref<80x50xi32, #tpu.memory_space<hbm>>
      %dma_wait3A_366 = arith.constant 0 : i32
      %dma_wait3A_367 = arith.constant 0 : i32
      %dma_wait3A_368 = tpu.memref_slice %arg4[%arg0, %arg1, %run_scoped3A_275, %dma_wait3A_366, %dma_wait3A_367] : memref<2x16x5x80x50xi32, #tpu.memory_space<hbm>> -> memref<1x1x1x80x50xi32, #tpu.memory_space<hbm>>
      %dma_wait3A_369 = tpu.memref_squeeze %dma_wait3A_368 : memref<1x1x1x80x50xi32, #tpu.memory_space<hbm>> -> memref<80x50xi32, #tpu.memory_space<hbm>>
      tpu.wait_dma2 semaphore(%run_scoped3A_353 : memref<!tpu.dma_semaphore, #tpu.memory_space<semaphore_mem>>) src(%dma_wait3A_369 : memref<80x50xi32, #tpu.memory_space<hbm>>) dst(%arg7 : memref<80x50xi32, #tpu.memory_space<vmem>>)
      tpu.yield
    }) : () -> ()
    %dma_start3A_276 = arith.constant 0 : i32
    %dma_start3A_277 = arith.constant 0 : i32
    %dma_start3A_278 = tpu.memref_slice %arg6[%dma_start3A_276, %dma_start3A_277] : memref<80x50xi32, #tpu.memory_space<vmem>> -> memref<1x50xi32, #tpu.memory_space<vmem>>
    %dma_start3A_279 = tpu.memref_squeeze %dma_start3A_278 : memref<1x50xi32, #tpu.memory_space<vmem>> -> memref<50xi32, #tpu.memory_space<vmem>>
    %dma_start3A_280 = arith.constant 0 : i32
    %dma_start3A_281 = arith.constant 0 : i32
    %dma_start3A_282 = tpu.memref_slice %arg2[%arg0, %dma_start3A_280, %dma_start3A_281] : memref<2x10000x128xf32, #tpu.memory_space<hbm>> -> memref<1x10000x128xf32, #tpu.memory_space<hbm>>
    %dma_start3A_283 = tpu.memref_squeeze %dma_start3A_282 : memref<1x10000x128xf32, #tpu.memory_space<hbm>> -> memref<10000x128xf32, #tpu.memory_space<hbm>>
    %dma_start3A_284 = arith.constant 0 : i32
    %dma_start3A_285 = arith.constant 0 : i32
    %dma_start3A_286 = tpu.memref_slice %dma_start3A_283[%dma_start3A_284, %dma_start3A_285] : memref<10000x128xf32, #tpu.memory_space<hbm>> -> memref<10000x128xf32, #tpu.memory_space<hbm>>
    tpu.enqueue_indirect_dma source(%dma_start3A_286 : memref<10000x128xf32, #tpu.memory_space<hbm>>) target(%arg8 : memref<50x128xf32, #tpu.memory_space<vmem>>) offsets(%dma_start3A_279 : memref<50xi32, #tpu.memory_space<vmem>>) semaphore(%arg12 : memref<!tpu.dma_semaphore, #tpu.memory_space<semaphore_mem>>)
    %dma_start3A_287 = arith.constant 1 : i32
    %dma_start3A_288 = arith.constant 0 : i32
    %dma_start3A_289 = tpu.memref_slice %arg6[%dma_start3A_287, %dma_start3A_288] : memref<80x50xi32, #tpu.memory_space<vmem>> -> memref<1x50xi32, #tpu.memory_space<vmem>>
    %dma_start3A_290 = tpu.memref_squeeze %dma_start3A_289 : memref<1x50xi32, #tpu.memory_space<vmem>> -> memref<50xi32, #tpu.memory_space<vmem>>
    %dma_start3A_291 = arith.constant 0 : i32
    %dma_start3A_292 = arith.constant 0 : i32
    %dma_start3A_293 = tpu.memref_slice %arg2[%arg0, %dma_start3A_291, %dma_start3A_292] : memref<2x10000x128xf32, #tpu.memory_space<hbm>> -> memref<1x10000x128xf32, #tpu.memory_space<hbm>>
    %dma_start3A_294 = tpu.memref_squeeze %dma_start3A_293 : memref<1x10000x128xf32, #tpu.memory_space<hbm>> -> memref<10000x128xf32, #tpu.memory_space<hbm>>
    %dma_start3A_295 = arith.constant 0 : i32
    %dma_start3A_296 = arith.constant 0 : i32
    %dma_start3A_297 = tpu.memref_slice %dma_start3A_294[%dma_start3A_295, %dma_start3A_296] : memref<10000x128xf32, #tpu.memory_space<hbm>> -> memref<10000x128xf32, #tpu.memory_space<hbm>>
    tpu.enqueue_indirect_dma source(%dma_start3A_297 : memref<10000x128xf32, #tpu.memory_space<hbm>>) target(%arg9 : memref<50x128xf32, #tpu.memory_space<vmem>>) offsets(%dma_start3A_290 : memref<50xi32, #tpu.memory_space<vmem>>) semaphore(%arg13 : memref<!tpu.dma_semaphore, #tpu.memory_space<semaphore_mem>>)
    %dma_start3A_298 = arith.constant 2 : i32
    %dma_start3A_299 = arith.constant 0 : i32
    %dma_start3A_300 = tpu.memref_slice %arg6[%dma_start3A_298, %dma_start3A_299] : memref<80x50xi32, #tpu.memory_space<vmem>> -> memref<1x50xi32, #tpu.memory_space<vmem>>
    %dma_start3A_301 = tpu.memref_squeeze %dma_start3A_300 : memref<1x50xi32, #tpu.memory_space<vmem>> -> memref<50xi32, #tpu.memory_space<vmem>>
    %dma_start3A_302 = arith.constant 0 : i32
    %dma_start3A_303 = arith.constant 0 : i32
    %dma_start3A_304 = tpu.memref_slice %arg2[%arg0, %dma_start3A_302, %dma_start3A_303] : memref<2x10000x128xf32, #tpu.memory_space<hbm>> -> memref<1x10000x128xf32, #tpu.memory_space<hbm>>
    %dma_start3A_305 = tpu.memref_squeeze %dma_start3A_304 : memref<1x10000x128xf32, #tpu.memory_space<hbm>> -> memref<10000x128xf32, #tpu.memory_space<hbm>>
    %dma_start3A_306 = arith.constant 0 : i32
    %dma_start3A_307 = arith.constant 0 : i32
    %dma_start3A_308 = tpu.memref_slice %dma_start3A_305[%dma_start3A_306, %dma_start3A_307] : memref<10000x128xf32, #tpu.memory_space<hbm>> -> memref<10000x128xf32, #tpu.memory_space<hbm>>
    tpu.enqueue_indirect_dma source(%dma_start3A_308 : memref<10000x128xf32, #tpu.memory_space<hbm>>) target(%arg10 : memref<50x128xf32, #tpu.memory_space<vmem>>) offsets(%dma_start3A_301 : memref<50xi32, #tpu.memory_space<vmem>>) semaphore(%arg14 : memref<!tpu.dma_semaphore, #tpu.memory_space<semaphore_mem>>)
    %scan3A_309 = arith.constant 0 : i32
    %scan3A_310 = arith.constant 20 : i32
    %scan3A_311 = arith.addi %scan3A_309, %scan3A_310 : i32
    %scan3A_312 = arith.constant 1 : i32
    scf.for %scan3A_353 = %scan3A_309 to %scan3A_311 step %scan3A_312  : i32 {
      %mul3A = arith.constant 4 : i32
      %mul3A_354 = arith.muli %mul3A, %scan3A_353 : i32
      %add3A = arith.constant 0 : i32
      %add3A_355 = arith.addi %mul3A_354, %add3A : i32
      %dma_wait3A_356 = arith.constant 0 : i32
      %dma_wait3A_357 = arith.constant 0 : i32
      %dma_wait3A_358 = tpu.memref_slice %arg6[%dma_wait3A_356, %dma_wait3A_357] : memref<80x50xi32, #tpu.memory_space<vmem>> -> memref<1x50xi32, #tpu.memory_space<vmem>>
      %dma_wait3A_359 = tpu.memref_squeeze %dma_wait3A_358 : memref<1x50xi32, #tpu.memory_space<vmem>> -> memref<50xi32, #tpu.memory_space<vmem>>
      %dma_wait3A_360 = arith.constant 0 : i32
      %dma_wait3A_361 = arith.constant 0 : i32
      %dma_wait3A_362 = tpu.memref_slice %arg2[%arg0, %dma_wait3A_360, %dma_wait3A_361] : memref<2x10000x128xf32, #tpu.memory_space<hbm>> -> memref<1x10000x128xf32, #tpu.memory_space<hbm>>
      %dma_wait3A_363 = tpu.memref_squeeze %dma_wait3A_362 : memref<1x10000x128xf32, #tpu.memory_space<hbm>> -> memref<10000x128xf32, #tpu.memory_space<hbm>>
      %dma_wait3A_364 = arith.constant 0 : i32
      %dma_wait3A_365 = arith.constant 0 : i32
      %dma_wait3A_366 = tpu.memref_slice %dma_wait3A_363[%dma_wait3A_364, %dma_wait3A_365] : memref<10000x128xf32, #tpu.memory_space<hbm>> -> memref<10000x128xf32, #tpu.memory_space<hbm>>
      tpu.wait_indirect_dma semaphore(%arg12 : memref<!tpu.dma_semaphore, #tpu.memory_space<semaphore_mem>>) src(%dma_wait3A_366 : memref<10000x128xf32, #tpu.memory_space<hbm>>) dst(%arg8 : memref<50x128xf32, #tpu.memory_space<vmem>>)
      %dma_start3A_367 = arith.constant 0 : i32
      %dma_start3A_368 = tpu.memref_slice %arg7[%add3A_355, %dma_start3A_367] : memref<80x50xi32, #tpu.memory_space<vmem>> -> memref<1x50xi32, #tpu.memory_space<vmem>>
      %dma_start3A_369 = tpu.memref_squeeze %dma_start3A_368 : memref<1x50xi32, #tpu.memory_space<vmem>> -> memref<50xi32, #tpu.memory_space<vmem>>
      %dma_start3A_370 = arith.constant 0 : i32
      %dma_start3A_371 = arith.constant 0 : i32
      %dma_start3A_372 = tpu.memref_slice %arg20[%dma_start3A_370, %dma_start3A_371] : memref<10000x128xf32, #tpu.memory_space<vmem_shared>> -> memref<10000x128xf32, #tpu.memory_space<vmem_shared>>
      tpu.enqueue_indirect_dma source(%arg8 : memref<50x128xf32, #tpu.memory_space<vmem>>) target(%dma_start3A_372 : memref<10000x128xf32, #tpu.memory_space<vmem_shared>>) offsets(%dma_start3A_369 : memref<50xi32, #tpu.memory_space<vmem>>) semaphore(%arg16 : memref<!tpu.dma_semaphore, #tpu.memory_space<semaphore_mem>>) {add = true}
      %eq3A_373 = arith.constant 0 : i32
      %eq3A_374 = arith.cmpi eq, %scan3A_353, %eq3A_373 : i32
      %convert_element_type3A_375 = arith.extui %eq3A_374 : i1 to i32
      %cond3A_376 = arith.constant 0 : i32
      %cond3A_377 = arith.cmpi ne, %convert_element_type3A_375, %cond3A_376 : i32
      scf.if %cond3A_377 {
        %dma_start3A_460 = arith.constant 3 : i32
        %dma_start3A_461 = arith.constant 0 : i32
        %dma_start3A_462 = tpu.memref_slice %arg6[%dma_start3A_460, %dma_start3A_461] : memref<80x50xi32, #tpu.memory_space<vmem>> -> memref<1x50xi32, #tpu.memory_space<vmem>>
        %dma_start3A_463 = tpu.memref_squeeze %dma_start3A_462 : memref<1x50xi32, #tpu.memory_space<vmem>> -> memref<50xi32, #tpu.memory_space<vmem>>
        %dma_start3A_464 = arith.constant 0 : i32
        %dma_start3A_465 = arith.constant 0 : i32
        %dma_start3A_466 = tpu.memref_slice %arg2[%arg0, %dma_start3A_464, %dma_start3A_465] : memref<2x10000x128xf32, #tpu.memory_space<hbm>> -> memref<1x10000x128xf32, #tpu.memory_space<hbm>>
        %dma_start3A_467 = tpu.memref_squeeze %dma_start3A_466 : memref<1x10000x128xf32, #tpu.memory_space<hbm>> -> memref<10000x128xf32, #tpu.memory_space<hbm>>
        %dma_start3A_468 = arith.constant 0 : i32
        %dma_start3A_469 = arith.constant 0 : i32
        %dma_start3A_470 = tpu.memref_slice %dma_start3A_467[%dma_start3A_468, %dma_start3A_469] : memref<10000x128xf32, #tpu.memory_space<hbm>> -> memref<10000x128xf32, #tpu.memory_space<hbm>>
        tpu.enqueue_indirect_dma source(%dma_start3A_470 : memref<10000x128xf32, #tpu.memory_space<hbm>>) target(%arg11 : memref<50x128xf32, #tpu.memory_space<vmem>>) offsets(%dma_start3A_463 : memref<50xi32, #tpu.memory_space<vmem>>) semaphore(%arg15 : memref<!tpu.dma_semaphore, #tpu.memory_space<semaphore_mem>>)
      } else {
      }
      %gt3A = arith.constant 0 : i32
      %gt3A_378 = arith.cmpi sgt, %scan3A_353, %gt3A : i32
      %convert_element_type3A_379 = arith.extui %gt3A_378 : i1 to i32
      %cond3A_380 = arith.constant 0 : i32
      %cond3A_381 = arith.cmpi ne, %convert_element_type3A_379, %cond3A_380 : i32
      scf.if %cond3A_381 {
        %dma_wait3A_460 = arith.constant 0 : i32
        %dma_wait3A_461 = arith.constant 0 : i32
        %dma_wait3A_462 = tpu.memref_slice %arg7[%dma_wait3A_460, %dma_wait3A_461] : memref<80x50xi32, #tpu.memory_space<vmem>> -> memref<1x50xi32, #tpu.memory_space<vmem>>
        %dma_wait3A_463 = tpu.memref_squeeze %dma_wait3A_462 : memref<1x50xi32, #tpu.memory_space<vmem>> -> memref<50xi32, #tpu.memory_space<vmem>>
        %dma_wait3A_464 = arith.constant 0 : i32
        %dma_wait3A_465 = arith.constant 0 : i32
        %dma_wait3A_466 = tpu.memref_slice %arg20[%dma_wait3A_464, %dma_wait3A_465] : memref<10000x128xf32, #tpu.memory_space<vmem_shared>> -> memref<10000x128xf32, #tpu.memory_space<vmem_shared>>
        tpu.wait_indirect_dma semaphore(%arg19 : memref<!tpu.dma_semaphore, #tpu.memory_space<semaphore_mem>>) src(%arg11 : memref<50x128xf32, #tpu.memory_space<vmem>>) dst(%dma_wait3A_466 : memref<10000x128xf32, #tpu.memory_space<vmem_shared>>)
        %add3A_467 = arith.constant 3 : i32
        %add3A_468 = arith.addi %add3A_355, %add3A_467 : i32
        %dma_start3A_469 = arith.constant 0 : i32
        %dma_start3A_470 = tpu.memref_slice %arg6[%add3A_468, %dma_start3A_469] : memref<80x50xi32, #tpu.memory_space<vmem>> -> memref<1x50xi32, #tpu.memory_space<vmem>>
        %dma_start3A_471 = tpu.memref_squeeze %dma_start3A_470 : memref<1x50xi32, #tpu.memory_space<vmem>> -> memref<50xi32, #tpu.memory_space<vmem>>
        %dma_start3A_472 = arith.constant 0 : i32
        %dma_start3A_473 = arith.constant 0 : i32
        %dma_start3A_474 = tpu.memref_slice %arg2[%arg0, %dma_start3A_472, %dma_start3A_473] : memref<2x10000x128xf32, #tpu.memory_space<hbm>> -> memref<1x10000x128xf32, #tpu.memory_space<hbm>>
        %dma_start3A_475 = tpu.memref_squeeze %dma_start3A_474 : memref<1x10000x128xf32, #tpu.memory_space<hbm>> -> memref<10000x128xf32, #tpu.memory_space<hbm>>
        %dma_start3A_476 = arith.constant 0 : i32
        %dma_start3A_477 = arith.constant 0 : i32
        %dma_start3A_478 = tpu.memref_slice %dma_start3A_475[%dma_start3A_476, %dma_start3A_477] : memref<10000x128xf32, #tpu.memory_space<hbm>> -> memref<10000x128xf32, #tpu.memory_space<hbm>>
        tpu.enqueue_indirect_dma source(%dma_start3A_478 : memref<10000x128xf32, #tpu.memory_space<hbm>>) target(%arg11 : memref<50x128xf32, #tpu.memory_space<vmem>>) offsets(%dma_start3A_471 : memref<50xi32, #tpu.memory_space<vmem>>) semaphore(%arg15 : memref<!tpu.dma_semaphore, #tpu.memory_space<semaphore_mem>>)
      } else {
      }
      %mul3A_382 = arith.constant 4 : i32
      %mul3A_383 = arith.muli %mul3A_382, %scan3A_353 : i32
      %add3A_384 = arith.constant 1 : i32
      %add3A_385 = arith.addi %mul3A_383, %add3A_384 : i32
      %dma_wait3A_386 = arith.constant 0 : i32
      %dma_wait3A_387 = arith.constant 0 : i32
      %dma_wait3A_388 = tpu.memref_slice %arg6[%dma_wait3A_386, %dma_wait3A_387] : memref<80x50xi32, #tpu.memory_space<vmem>> -> memref<1x50xi32, #tpu.memory_space<vmem>>
      %dma_wait3A_389 = tpu.memref_squeeze %dma_wait3A_388 : memref<1x50xi32, #tpu.memory_space<vmem>> -> memref<50xi32, #tpu.memory_space<vmem>>
      %dma_wait3A_390 = arith.constant 0 : i32
      %dma_wait3A_391 = arith.constant 0 : i32
      %dma_wait3A_392 = tpu.memref_slice %arg2[%arg0, %dma_wait3A_390, %dma_wait3A_391] : memref<2x10000x128xf32, #tpu.memory_space<hbm>> -> memref<1x10000x128xf32, #tpu.memory_space<hbm>>
      %dma_wait3A_393 = tpu.memref_squeeze %dma_wait3A_392 : memref<1x10000x128xf32, #tpu.memory_space<hbm>> -> memref<10000x128xf32, #tpu.memory_space<hbm>>
      %dma_wait3A_394 = arith.constant 0 : i32
      %dma_wait3A_395 = arith.constant 0 : i32
      %dma_wait3A_396 = tpu.memref_slice %dma_wait3A_393[%dma_wait3A_394, %dma_wait3A_395] : memref<10000x128xf32, #tpu.memory_space<hbm>> -> memref<10000x128xf32, #tpu.memory_space<hbm>>
      tpu.wait_indirect_dma semaphore(%arg13 : memref<!tpu.dma_semaphore, #tpu.memory_space<semaphore_mem>>) src(%dma_wait3A_396 : memref<10000x128xf32, #tpu.memory_space<hbm>>) dst(%arg9 : memref<50x128xf32, #tpu.memory_space<vmem>>)
      %dma_start3A_397 = arith.constant 0 : i32
      %dma_start3A_398 = tpu.memref_slice %arg7[%add3A_385, %dma_start3A_397] : memref<80x50xi32, #tpu.memory_space<vmem>> -> memref<1x50xi32, #tpu.memory_space<vmem>>
      %dma_start3A_399 = tpu.memref_squeeze %dma_start3A_398 : memref<1x50xi32, #tpu.memory_space<vmem>> -> memref<50xi32, #tpu.memory_space<vmem>>
      %dma_start3A_400 = arith.constant 0 : i32
      %dma_start3A_401 = arith.constant 0 : i32
      %dma_start3A_402 = tpu.memref_slice %arg20[%dma_start3A_400, %dma_start3A_401] : memref<10000x128xf32, #tpu.memory_space<vmem_shared>> -> memref<10000x128xf32, #tpu.memory_space<vmem_shared>>
      tpu.enqueue_indirect_dma source(%arg9 : memref<50x128xf32, #tpu.memory_space<vmem>>) target(%dma_start3A_402 : memref<10000x128xf32, #tpu.memory_space<vmem_shared>>) offsets(%dma_start3A_399 : memref<50xi32, #tpu.memory_space<vmem>>) semaphore(%arg17 : memref<!tpu.dma_semaphore, #tpu.memory_space<semaphore_mem>>) {add = true}
      %lt3A_403 = arith.constant 19 : i32
      %lt3A_404 = arith.cmpi slt, %scan3A_353, %lt3A_403 : i32
      %convert_element_type3A_405 = arith.extui %lt3A_404 : i1 to i32
      %cond3A_406 = arith.constant 0 : i32
      %cond3A_407 = arith.cmpi ne, %convert_element_type3A_405, %cond3A_406 : i32
      scf.if %cond3A_407 {
        %dma_wait3A_460 = arith.constant 0 : i32
        %dma_wait3A_461 = arith.constant 0 : i32
        %dma_wait3A_462 = tpu.memref_slice %arg7[%dma_wait3A_460, %dma_wait3A_461] : memref<80x50xi32, #tpu.memory_space<vmem>> -> memref<1x50xi32, #tpu.memory_space<vmem>>
        %dma_wait3A_463 = tpu.memref_squeeze %dma_wait3A_462 : memref<1x50xi32, #tpu.memory_space<vmem>> -> memref<50xi32, #tpu.memory_space<vmem>>
        %dma_wait3A_464 = arith.constant 0 : i32
        %dma_wait3A_465 = arith.constant 0 : i32
        %dma_wait3A_466 = tpu.memref_slice %arg20[%dma_wait3A_464, %dma_wait3A_465] : memref<10000x128xf32, #tpu.memory_space<vmem_shared>> -> memref<10000x128xf32, #tpu.memory_space<vmem_shared>>
        tpu.wait_indirect_dma semaphore(%arg16 : memref<!tpu.dma_semaphore, #tpu.memory_space<semaphore_mem>>) src(%arg8 : memref<50x128xf32, #tpu.memory_space<vmem>>) dst(%dma_wait3A_466 : memref<10000x128xf32, #tpu.memory_space<vmem_shared>>)
        %add3A_467 = arith.constant 3 : i32
        %add3A_468 = arith.addi %add3A_385, %add3A_467 : i32
        %dma_start3A_469 = arith.constant 0 : i32
        %dma_start3A_470 = tpu.memref_slice %arg6[%add3A_468, %dma_start3A_469] : memref<80x50xi32, #tpu.memory_space<vmem>> -> memref<1x50xi32, #tpu.memory_space<vmem>>
        %dma_start3A_471 = tpu.memref_squeeze %dma_start3A_470 : memref<1x50xi32, #tpu.memory_space<vmem>> -> memref<50xi32, #tpu.memory_space<vmem>>
        %dma_start3A_472 = arith.constant 0 : i32
        %dma_start3A_473 = arith.constant 0 : i32
        %dma_start3A_474 = tpu.memref_slice %arg2[%arg0, %dma_start3A_472, %dma_start3A_473] : memref<2x10000x128xf32, #tpu.memory_space<hbm>> -> memref<1x10000x128xf32, #tpu.memory_space<hbm>>
        %dma_start3A_475 = tpu.memref_squeeze %dma_start3A_474 : memref<1x10000x128xf32, #tpu.memory_space<hbm>> -> memref<10000x128xf32, #tpu.memory_space<hbm>>
        %dma_start3A_476 = arith.constant 0 : i32
        %dma_start3A_477 = arith.constant 0 : i32
        %dma_start3A_478 = tpu.memref_slice %dma_start3A_475[%dma_start3A_476, %dma_start3A_477] : memref<10000x128xf32, #tpu.memory_space<hbm>> -> memref<10000x128xf32, #tpu.memory_space<hbm>>
        tpu.enqueue_indirect_dma source(%dma_start3A_478 : memref<10000x128xf32, #tpu.memory_space<hbm>>) target(%arg8 : memref<50x128xf32, #tpu.memory_space<vmem>>) offsets(%dma_start3A_471 : memref<50xi32, #tpu.memory_space<vmem>>) semaphore(%arg12 : memref<!tpu.dma_semaphore, #tpu.memory_space<semaphore_mem>>)
      } else {
      }
      %mul3A_408 = arith.constant 4 : i32
      %mul3A_409 = arith.muli %mul3A_408, %scan3A_353 : i32
      %add3A_410 = arith.constant 2 : i32
      %add3A_411 = arith.addi %mul3A_409, %add3A_410 : i32
      %dma_wait3A_412 = arith.constant 0 : i32
      %dma_wait3A_413 = arith.constant 0 : i32
      %dma_wait3A_414 = tpu.memref_slice %arg6[%dma_wait3A_412, %dma_wait3A_413] : memref<80x50xi32, #tpu.memory_space<vmem>> -> memref<1x50xi32, #tpu.memory_space<vmem>>
      %dma_wait3A_415 = tpu.memref_squeeze %dma_wait3A_414 : memref<1x50xi32, #tpu.memory_space<vmem>> -> memref<50xi32, #tpu.memory_space<vmem>>
      %dma_wait3A_416 = arith.constant 0 : i32
      %dma_wait3A_417 = arith.constant 0 : i32
      %dma_wait3A_418 = tpu.memref_slice %arg2[%arg0, %dma_wait3A_416, %dma_wait3A_417] : memref<2x10000x128xf32, #tpu.memory_space<hbm>> -> memref<1x10000x128xf32, #tpu.memory_space<hbm>>
      %dma_wait3A_419 = tpu.memref_squeeze %dma_wait3A_418 : memref<1x10000x128xf32, #tpu.memory_space<hbm>> -> memref<10000x128xf32, #tpu.memory_space<hbm>>
      %dma_wait3A_420 = arith.constant 0 : i32
      %dma_wait3A_421 = arith.constant 0 : i32
      %dma_wait3A_422 = tpu.memref_slice %dma_wait3A_419[%dma_wait3A_420, %dma_wait3A_421] : memref<10000x128xf32, #tpu.memory_space<hbm>> -> memref<10000x128xf32, #tpu.memory_space<hbm>>
      tpu.wait_indirect_dma semaphore(%arg14 : memref<!tpu.dma_semaphore, #tpu.memory_space<semaphore_mem>>) src(%dma_wait3A_422 : memref<10000x128xf32, #tpu.memory_space<hbm>>) dst(%arg10 : memref<50x128xf32, #tpu.memory_space<vmem>>)
      %dma_start3A_423 = arith.constant 0 : i32
      %dma_start3A_424 = tpu.memref_slice %arg7[%add3A_411, %dma_start3A_423] : memref<80x50xi32, #tpu.memory_space<vmem>> -> memref<1x50xi32, #tpu.memory_space<vmem>>
      %dma_start3A_425 = tpu.memref_squeeze %dma_start3A_424 : memref<1x50xi32, #tpu.memory_space<vmem>> -> memref<50xi32, #tpu.memory_space<vmem>>
      %dma_start3A_426 = arith.constant 0 : i32
      %dma_start3A_427 = arith.constant 0 : i32
      %dma_start3A_428 = tpu.memref_slice %arg20[%dma_start3A_426, %dma_start3A_427] : memref<10000x128xf32, #tpu.memory_space<vmem_shared>> -> memref<10000x128xf32, #tpu.memory_space<vmem_shared>>
      tpu.enqueue_indirect_dma source(%arg10 : memref<50x128xf32, #tpu.memory_space<vmem>>) target(%dma_start3A_428 : memref<10000x128xf32, #tpu.memory_space<vmem_shared>>) offsets(%dma_start3A_425 : memref<50xi32, #tpu.memory_space<vmem>>) semaphore(%arg18 : memref<!tpu.dma_semaphore, #tpu.memory_space<semaphore_mem>>) {add = true}
      %lt3A_429 = arith.constant 19 : i32
      %lt3A_430 = arith.cmpi slt, %scan3A_353, %lt3A_429 : i32
      %convert_element_type3A_431 = arith.extui %lt3A_430 : i1 to i32
      %cond3A_432 = arith.constant 0 : i32
      %cond3A_433 = arith.cmpi ne, %convert_element_type3A_431, %cond3A_432 : i32
      scf.if %cond3A_433 {
        %dma_wait3A_460 = arith.constant 0 : i32
        %dma_wait3A_461 = arith.constant 0 : i32
        %dma_wait3A_462 = tpu.memref_slice %arg7[%dma_wait3A_460, %dma_wait3A_461] : memref<80x50xi32, #tpu.memory_space<vmem>> -> memref<1x50xi32, #tpu.memory_space<vmem>>
        %dma_wait3A_463 = tpu.memref_squeeze %dma_wait3A_462 : memref<1x50xi32, #tpu.memory_space<vmem>> -> memref<50xi32, #tpu.memory_space<vmem>>
        %dma_wait3A_464 = arith.constant 0 : i32
        %dma_wait3A_465 = arith.constant 0 : i32
        %dma_wait3A_466 = tpu.memref_slice %arg20[%dma_wait3A_464, %dma_wait3A_465] : memref<10000x128xf32, #tpu.memory_space<vmem_shared>> -> memref<10000x128xf32, #tpu.memory_space<vmem_shared>>
        tpu.wait_indirect_dma semaphore(%arg17 : memref<!tpu.dma_semaphore, #tpu.memory_space<semaphore_mem>>) src(%arg9 : memref<50x128xf32, #tpu.memory_space<vmem>>) dst(%dma_wait3A_466 : memref<10000x128xf32, #tpu.memory_space<vmem_shared>>)
        %add3A_467 = arith.constant 3 : i32
        %add3A_468 = arith.addi %add3A_411, %add3A_467 : i32
        %dma_start3A_469 = arith.constant 0 : i32
        %dma_start3A_470 = tpu.memref_slice %arg6[%add3A_468, %dma_start3A_469] : memref<80x50xi32, #tpu.memory_space<vmem>> -> memref<1x50xi32, #tpu.memory_space<vmem>>
        %dma_start3A_471 = tpu.memref_squeeze %dma_start3A_470 : memref<1x50xi32, #tpu.memory_space<vmem>> -> memref<50xi32, #tpu.memory_space<vmem>>
        %dma_start3A_472 = arith.constant 0 : i32
        %dma_start3A_473 = arith.constant 0 : i32
        %dma_start3A_474 = tpu.memref_slice %arg2[%arg0, %dma_start3A_472, %dma_start3A_473] : memref<2x10000x128xf32, #tpu.memory_space<hbm>> -> memref<1x10000x128xf32, #tpu.memory_space<hbm>>
        %dma_start3A_475 = tpu.memref_squeeze %dma_start3A_474 : memref<1x10000x128xf32, #tpu.memory_space<hbm>> -> memref<10000x128xf32, #tpu.memory_space<hbm>>
        %dma_start3A_476 = arith.constant 0 : i32
        %dma_start3A_477 = arith.constant 0 : i32
        %dma_start3A_478 = tpu.memref_slice %dma_start3A_475[%dma_start3A_476, %dma_start3A_477] : memref<10000x128xf32, #tpu.memory_space<hbm>> -> memref<10000x128xf32, #tpu.memory_space<hbm>>
        tpu.enqueue_indirect_dma source(%dma_start3A_478 : memref<10000x128xf32, #tpu.memory_space<hbm>>) target(%arg9 : memref<50x128xf32, #tpu.memory_space<vmem>>) offsets(%dma_start3A_471 : memref<50xi32, #tpu.memory_space<vmem>>) semaphore(%arg13 : memref<!tpu.dma_semaphore, #tpu.memory_space<semaphore_mem>>)
      } else {
      }
      %mul3A_434 = arith.constant 4 : i32
      %mul3A_435 = arith.muli %mul3A_434, %scan3A_353 : i32
      %add3A_436 = arith.constant 3 : i32
      %add3A_437 = arith.addi %mul3A_435, %add3A_436 : i32
      %dma_wait3A_438 = arith.constant 0 : i32
      %dma_wait3A_439 = arith.constant 0 : i32
      %dma_wait3A_440 = tpu.memref_slice %arg6[%dma_wait3A_438, %dma_wait3A_439] : memref<80x50xi32, #tpu.memory_space<vmem>> -> memref<1x50xi32, #tpu.memory_space<vmem>>
      %dma_wait3A_441 = tpu.memref_squeeze %dma_wait3A_440 : memref<1x50xi32, #tpu.memory_space<vmem>> -> memref<50xi32, #tpu.memory_space<vmem>>
      %dma_wait3A_442 = arith.constant 0 : i32
      %dma_wait3A_443 = arith.constant 0 : i32
      %dma_wait3A_444 = tpu.memref_slice %arg2[%arg0, %dma_wait3A_442, %dma_wait3A_443] : memref<2x10000x128xf32, #tpu.memory_space<hbm>> -> memref<1x10000x128xf32, #tpu.memory_space<hbm>>
      %dma_wait3A_445 = tpu.memref_squeeze %dma_wait3A_444 : memref<1x10000x128xf32, #tpu.memory_space<hbm>> -> memref<10000x128xf32, #tpu.memory_space<hbm>>
      %dma_wait3A_446 = arith.constant 0 : i32
      %dma_wait3A_447 = arith.constant 0 : i32
      %dma_wait3A_448 = tpu.memref_slice %dma_wait3A_445[%dma_wait3A_446, %dma_wait3A_447] : memref<10000x128xf32, #tpu.memory_space<hbm>> -> memref<10000x128xf32, #tpu.memory_space<hbm>>
      tpu.wait_indirect_dma semaphore(%arg15 : memref<!tpu.dma_semaphore, #tpu.memory_space<semaphore_mem>>) src(%dma_wait3A_448 : memref<10000x128xf32, #tpu.memory_space<hbm>>) dst(%arg11 : memref<50x128xf32, #tpu.memory_space<vmem>>)
      %dma_start3A_449 = arith.constant 0 : i32
      %dma_start3A_450 = tpu.memref_slice %arg7[%add3A_437, %dma_start3A_449] : memref<80x50xi32, #tpu.memory_space<vmem>> -> memref<1x50xi32, #tpu.memory_space<vmem>>
      %dma_start3A_451 = tpu.memref_squeeze %dma_start3A_450 : memref<1x50xi32, #tpu.memory_space<vmem>> -> memref<50xi32, #tpu.memory_space<vmem>>
      %dma_start3A_452 = arith.constant 0 : i32
      %dma_start3A_453 = arith.constant 0 : i32
      %dma_start3A_454 = tpu.memref_slice %arg20[%dma_start3A_452, %dma_start3A_453] : memref<10000x128xf32, #tpu.memory_space<vmem_shared>> -> memref<10000x128xf32, #tpu.memory_space<vmem_shared>>
      tpu.enqueue_indirect_dma source(%arg11 : memref<50x128xf32, #tpu.memory_space<vmem>>) target(%dma_start3A_454 : memref<10000x128xf32, #tpu.memory_space<vmem_shared>>) offsets(%dma_start3A_451 : memref<50xi32, #tpu.memory_space<vmem>>) semaphore(%arg19 : memref<!tpu.dma_semaphore, #tpu.memory_space<semaphore_mem>>) {add = true}
      %lt3A_455 = arith.constant 19 : i32
      %lt3A_456 = arith.cmpi slt, %scan3A_353, %lt3A_455 : i32
      %convert_element_type3A_457 = arith.extui %lt3A_456 : i1 to i32
      %cond3A_458 = arith.constant 0 : i32
      %cond3A_459 = arith.cmpi ne, %convert_element_type3A_457, %cond3A_458 : i32
      scf.if %cond3A_459 {
        %dma_wait3A_460 = arith.constant 0 : i32
        %dma_wait3A_461 = arith.constant 0 : i32
        %dma_wait3A_462 = tpu.memref_slice %arg7[%dma_wait3A_460, %dma_wait3A_461] : memref<80x50xi32, #tpu.memory_space<vmem>> -> memref<1x50xi32, #tpu.memory_space<vmem>>
        %dma_wait3A_463 = tpu.memref_squeeze %dma_wait3A_462 : memref<1x50xi32, #tpu.memory_space<vmem>> -> memref<50xi32, #tpu.memory_space<vmem>>
        %dma_wait3A_464 = arith.constant 0 : i32
        %dma_wait3A_465 = arith.constant 0 : i32
        %dma_wait3A_466 = tpu.memref_slice %arg20[%dma_wait3A_464, %dma_wait3A_465] : memref<10000x128xf32, #tpu.memory_space<vmem_shared>> -> memref<10000x128xf32, #tpu.memory_space<vmem_shared>>
        tpu.wait_indirect_dma semaphore(%arg18 : memref<!tpu.dma_semaphore, #tpu.memory_space<semaphore_mem>>) src(%arg10 : memref<50x128xf32, #tpu.memory_space<vmem>>) dst(%dma_wait3A_466 : memref<10000x128xf32, #tpu.memory_space<vmem_shared>>)
        %add3A_467 = arith.constant 3 : i32
        %add3A_468 = arith.addi %add3A_437, %add3A_467 : i32
        %dma_start3A_469 = arith.constant 0 : i32
        %dma_start3A_470 = tpu.memref_slice %arg6[%add3A_468, %dma_start3A_469] : memref<80x50xi32, #tpu.memory_space<vmem>> -> memref<1x50xi32, #tpu.memory_space<vmem>>
        %dma_start3A_471 = tpu.memref_squeeze %dma_start3A_470 : memref<1x50xi32, #tpu.memory_space<vmem>> -> memref<50xi32, #tpu.memory_space<vmem>>
        %dma_start3A_472 = arith.constant 0 : i32
        %dma_start3A_473 = arith.constant 0 : i32
        %dma_start3A_474 = tpu.memref_slice %arg2[%arg0, %dma_start3A_472, %dma_start3A_473] : memref<2x10000x128xf32, #tpu.memory_space<hbm>> -> memref<1x10000x128xf32, #tpu.memory_space<hbm>>
        %dma_start3A_475 = tpu.memref_squeeze %dma_start3A_474 : memref<1x10000x128xf32, #tpu.memory_space<hbm>> -> memref<10000x128xf32, #tpu.memory_space<hbm>>
        %dma_start3A_476 = arith.constant 0 : i32
        %dma_start3A_477 = arith.constant 0 : i32
        %dma_start3A_478 = tpu.memref_slice %dma_start3A_475[%dma_start3A_476, %dma_start3A_477] : memref<10000x128xf32, #tpu.memory_space<hbm>> -> memref<10000x128xf32, #tpu.memory_space<hbm>>
        tpu.enqueue_indirect_dma source(%dma_start3A_478 : memref<10000x128xf32, #tpu.memory_space<hbm>>) target(%arg10 : memref<50x128xf32, #tpu.memory_space<vmem>>) offsets(%dma_start3A_471 : memref<50xi32, #tpu.memory_space<vmem>>) semaphore(%arg14 : memref<!tpu.dma_semaphore, #tpu.memory_space<semaphore_mem>>)
      } else {
      }
    }
    %scan3A_313 = arith.constant 20 : i32
    %dma_wait3A_314 = arith.constant 0 : i32
    %dma_wait3A_315 = arith.constant 0 : i32
    %dma_wait3A_316 = tpu.memref_slice %arg7[%dma_wait3A_314, %dma_wait3A_315] : memref<80x50xi32, #tpu.memory_space<vmem>> -> memref<1x50xi32, #tpu.memory_space<vmem>>
    %dma_wait3A_317 = tpu.memref_squeeze %dma_wait3A_316 : memref<1x50xi32, #tpu.memory_space<vmem>> -> memref<50xi32, #tpu.memory_space<vmem>>
    %dma_wait3A_318 = arith.constant 0 : i32
    %dma_wait3A_319 = arith.constant 0 : i32
    %dma_wait3A_320 = tpu.memref_slice %arg20[%dma_wait3A_318, %dma_wait3A_319] : memref<10000x128xf32, #tpu.memory_space<vmem_shared>> -> memref<10000x128xf32, #tpu.memory_space<vmem_shared>>
    tpu.wait_indirect_dma semaphore(%arg16 : memref<!tpu.dma_semaphore, #tpu.memory_space<semaphore_mem>>) src(%arg8 : memref<50x128xf32, #tpu.memory_space<vmem>>) dst(%dma_wait3A_320 : memref<10000x128xf32, #tpu.memory_space<vmem_shared>>)
    %dma_wait3A_321 = arith.constant 0 : i32
    %dma_wait3A_322 = arith.constant 0 : i32
    %dma_wait3A_323 = tpu.memref_slice %arg7[%dma_wait3A_321, %dma_wait3A_322] : memref<80x50xi32, #tpu.memory_space<vmem>> -> memref<1x50xi32, #tpu.memory_space<vmem>>
    %dma_wait3A_324 = tpu.memref_squeeze %dma_wait3A_323 : memref<1x50xi32, #tpu.memory_space<vmem>> -> memref<50xi32, #tpu.memory_space<vmem>>
    %dma_wait3A_325 = arith.constant 0 : i32
    %dma_wait3A_326 = arith.constant 0 : i32
    %dma_wait3A_327 = tpu.memref_slice %arg20[%dma_wait3A_325, %dma_wait3A_326] : memref<10000x128xf32, #tpu.memory_space<vmem_shared>> -> memref<10000x128xf32, #tpu.memory_space<vmem_shared>>
    tpu.wait_indirect_dma semaphore(%arg17 : memref<!tpu.dma_semaphore, #tpu.memory_space<semaphore_mem>>) src(%arg9 : memref<50x128xf32, #tpu.memory_space<vmem>>) dst(%dma_wait3A_327 : memref<10000x128xf32, #tpu.memory_space<vmem_shared>>)
    %dma_wait3A_328 = arith.constant 0 : i32
    %dma_wait3A_329 = arith.constant 0 : i32
    %dma_wait3A_330 = tpu.memref_slice %arg7[%dma_wait3A_328, %dma_wait3A_329] : memref<80x50xi32, #tpu.memory_space<vmem>> -> memref<1x50xi32, #tpu.memory_space<vmem>>
    %dma_wait3A_331 = tpu.memref_squeeze %dma_wait3A_330 : memref<1x50xi32, #tpu.memory_space<vmem>> -> memref<50xi32, #tpu.memory_space<vmem>>
    %dma_wait3A_332 = arith.constant 0 : i32
    %dma_wait3A_333 = arith.constant 0 : i32
    %dma_wait3A_334 = tpu.memref_slice %arg20[%dma_wait3A_332, %dma_wait3A_333] : memref<10000x128xf32, #tpu.memory_space<vmem_shared>> -> memref<10000x128xf32, #tpu.memory_space<vmem_shared>>
    tpu.wait_indirect_dma semaphore(%arg18 : memref<!tpu.dma_semaphore, #tpu.memory_space<semaphore_mem>>) src(%arg10 : memref<50x128xf32, #tpu.memory_space<vmem>>) dst(%dma_wait3A_334 : memref<10000x128xf32, #tpu.memory_space<vmem_shared>>)
    %dma_wait3A_335 = arith.constant 0 : i32
    %dma_wait3A_336 = arith.constant 0 : i32
    %dma_wait3A_337 = tpu.memref_slice %arg7[%dma_wait3A_335, %dma_wait3A_336] : memref<80x50xi32, #tpu.memory_space<vmem>> -> memref<1x50xi32, #tpu.memory_space<vmem>>
    %dma_wait3A_338 = tpu.memref_squeeze %dma_wait3A_337 : memref<1x50xi32, #tpu.memory_space<vmem>> -> memref<50xi32, #tpu.memory_space<vmem>>
    %dma_wait3A_339 = arith.constant 0 : i32
    %dma_wait3A_340 = arith.constant 0 : i32
    %dma_wait3A_341 = tpu.memref_slice %arg20[%dma_wait3A_339, %dma_wait3A_340] : memref<10000x128xf32, #tpu.memory_space<vmem_shared>> -> memref<10000x128xf32, #tpu.memory_space<vmem_shared>>
    tpu.wait_indirect_dma semaphore(%arg19 : memref<!tpu.dma_semaphore, #tpu.memory_space<semaphore_mem>>) src(%arg11 : memref<50x128xf32, #tpu.memory_space<vmem>>) dst(%dma_wait3A_341 : memref<10000x128xf32, #tpu.memory_space<vmem_shared>>)
    %barrier3A_342 = arith.constant 0 : index
    tpu.barrier barrier_id(%barrier3A_342)
    %lt3A_343 = arith.constant 15 : i32
    %lt3A_344 = arith.cmpi slt, %arg1, %lt3A_343 : i32
    %convert_element_type3A_345 = arith.extui %lt3A_344 : i1 to i32
    %cond3A_346 = arith.constant 0 : i32
    %cond3A_347 = arith.cmpi ne, %convert_element_type3A_345, %cond3A_346 : i32
    scf.if %cond3A_347 {
      %mul3A = arith.constant 632 : i32
      %mul3A_353 = arith.muli %arg1, %mul3A : i32
      %mul3A_354 = arith.constant 632 : i32
      %mul3A_355 = arith.muli %arg1, %mul3A_354 : i32
      "tpu.region"() ({
        %run_scoped3A_356 = tpu.sem_alloc : memref<!tpu.dma_semaphore, #tpu.memory_space<semaphore_mem>>
        %dma_start3A_357 = arith.constant 0 : i32
        %dma_start3A_358 = arith.constant 0 : i32
        %dma_start3A_359 = tpu.memref_slice %arg5[%arg0, %dma_start3A_357, %dma_start3A_358] : memref<2x10000x128xf32, #tpu.memory_space<hbm>> -> memref<1x10000x128xf32, #tpu.memory_space<hbm>>
        %dma_start3A_360 = tpu.memref_squeeze %dma_start3A_359 : memref<1x10000x128xf32, #tpu.memory_space<hbm>> -> memref<10000x128xf32, #tpu.memory_space<hbm>>
        %dma_start3A_361 = arith.constant 0 : i32
        %dma_start3A_362 = tpu.memref_slice %dma_start3A_360[%mul3A_355, %dma_start3A_361] : memref<10000x128xf32, #tpu.memory_space<hbm>> -> memref<632x128xf32, #tpu.memory_space<hbm>>
        %dma_start3A_363 = arith.constant 0 : i32
        %dma_start3A_364 = tpu.memref_slice %arg20[%mul3A_353, %dma_start3A_363] : memref<10000x128xf32, #tpu.memory_space<vmem_shared>> -> memref<632x128xf32, #tpu.memory_space<vmem_shared>>
        tpu.enqueue_dma source(%dma_start3A_364 : memref<632x128xf32, #tpu.memory_space<vmem_shared>>) target(%dma_start3A_362 : memref<632x128xf32, #tpu.memory_space<hbm>>) target_semaphore(%run_scoped3A_356 : memref<!tpu.dma_semaphore, #tpu.memory_space<semaphore_mem>>)
        %dma_wait3A_365 = arith.constant 0 : i32
        %dma_wait3A_366 = arith.constant 0 : i32
        %dma_wait3A_367 = tpu.memref_slice %arg5[%arg0, %dma_wait3A_365, %dma_wait3A_366] : memref<2x10000x128xf32, #tpu.memory_space<hbm>> -> memref<1x10000x128xf32, #tpu.memory_space<hbm>>
        %dma_wait3A_368 = tpu.memref_squeeze %dma_wait3A_367 : memref<1x10000x128xf32, #tpu.memory_space<hbm>> -> memref<10000x128xf32, #tpu.memory_space<hbm>>
        %dma_wait3A_369 = arith.constant 0 : i32
        %dma_wait3A_370 = tpu.memref_slice %dma_wait3A_368[%mul3A_355, %dma_wait3A_369] : memref<10000x128xf32, #tpu.memory_space<hbm>> -> memref<632x128xf32, #tpu.memory_space<hbm>>
        %dma_wait3A_371 = arith.constant 0 : i32
        %dma_wait3A_372 = tpu.memref_slice %arg20[%mul3A_353, %dma_wait3A_371] : memref<10000x128xf32, #tpu.memory_space<vmem_shared>> -> memref<632x128xf32, #tpu.memory_space<vmem_shared>>
        tpu.wait_dma2 semaphore(%run_scoped3A_356 : memref<!tpu.dma_semaphore, #tpu.memory_space<semaphore_mem>>) src(%dma_wait3A_372 : memref<632x128xf32, #tpu.memory_space<vmem_shared>>) dst(%dma_wait3A_370 : memref<632x128xf32, #tpu.memory_space<hbm>>)
        tpu.yield
      }) : () -> ()
    } else {
    }
    %eq3A_348 = arith.constant 15 : i32
    %eq3A_349 = arith.cmpi eq, %arg1, %eq3A_348 : i32
    %convert_element_type3A_350 = arith.extui %eq3A_349 : i1 to i32
    %cond3A_351 = arith.constant 0 : i32
    %cond3A_352 = arith.cmpi ne, %convert_element_type3A_350, %cond3A_351 : i32
    scf.if %cond3A_352 {
      "tpu.region"() ({
        %run_scoped3A_353 = tpu.sem_alloc : memref<!tpu.dma_semaphore, #tpu.memory_space<semaphore_mem>>
        %dma_start3A_354 = arith.constant 0 : i32
        %dma_start3A_355 = arith.constant 0 : i32
        %dma_start3A_356 = tpu.memref_slice %arg5[%arg0, %dma_start3A_354, %dma_start3A_355] : memref<2x10000x128xf32, #tpu.memory_space<hbm>> -> memref<1x10000x128xf32, #tpu.memory_space<hbm>>
        %dma_start3A_357 = tpu.memref_squeeze %dma_start3A_356 : memref<1x10000x128xf32, #tpu.memory_space<hbm>> -> memref<10000x128xf32, #tpu.memory_space<hbm>>
        %dma_start3A_358 = arith.constant 9480 : i32
        %dma_start3A_359 = arith.constant 0 : i32
        %dma_start3A_360 = tpu.memref_slice %dma_start3A_357[%dma_start3A_358, %dma_start3A_359] : memref<10000x128xf32, #tpu.memory_space<hbm>> -> memref<520x128xf32, #tpu.memory_space<hbm>>
        %dma_start3A_361 = arith.constant 9480 : i32
        %dma_start3A_362 = arith.constant 0 : i32
        %dma_start3A_363 = tpu.memref_slice %arg20[%dma_start3A_361, %dma_start3A_362] : memref<10000x128xf32, #tpu.memory_space<vmem_shared>> -> memref<520x128xf32, #tpu.memory_space<vmem_shared>>
        tpu.enqueue_dma source(%dma_start3A_363 : memref<520x128xf32, #tpu.memory_space<vmem_shared>>) target(%dma_start3A_360 : memref<520x128xf32, #tpu.memory_space<hbm>>) target_semaphore(%run_scoped3A_353 : memref<!tpu.dma_semaphore, #tpu.memory_space<semaphore_mem>>)
        %dma_wait3A_364 = arith.constant 0 : i32
        %dma_wait3A_365 = arith.constant 0 : i32
        %dma_wait3A_366 = tpu.memref_slice %arg5[%arg0, %dma_wait3A_364, %dma_wait3A_365] : memref<2x10000x128xf32, #tpu.memory_space<hbm>> -> memref<1x10000x128xf32, #tpu.memory_space<hbm>>
        %dma_wait3A_367 = tpu.memref_squeeze %dma_wait3A_366 : memref<1x10000x128xf32, #tpu.memory_space<hbm>> -> memref<10000x128xf32, #tpu.memory_space<hbm>>
        %dma_wait3A_368 = arith.constant 9480 : i32
        %dma_wait3A_369 = arith.constant 0 : i32
        %dma_wait3A_370 = tpu.memref_slice %dma_wait3A_367[%dma_wait3A_368, %dma_wait3A_369] : memref<10000x128xf32, #tpu.memory_space<hbm>> -> memref<520x128xf32, #tpu.memory_space<hbm>>
        %dma_wait3A_371 = arith.constant 9480 : i32
        %dma_wait3A_372 = arith.constant 0 : i32
        %dma_wait3A_373 = tpu.memref_slice %arg20[%dma_wait3A_371, %dma_wait3A_372] : memref<10000x128xf32, #tpu.memory_space<vmem_shared>> -> memref<520x128xf32, #tpu.memory_space<vmem_shared>>
        tpu.wait_dma2 semaphore(%run_scoped3A_353 : memref<!tpu.dma_semaphore, #tpu.memory_space<semaphore_mem>>) src(%dma_wait3A_373 : memref<520x128xf32, #tpu.memory_space<vmem_shared>>) dst(%dma_wait3A_370 : memref<520x128xf32, #tpu.memory_space<hbm>>)
        tpu.yield
      }) : () -> ()
    } else {
    }
    return
  }
}

module attributes {stable_mosaic.version = 14 : i64} {
  func.func @_tc1_body(%arg0: i32, %arg1: memref<1000x128xf32, #tpu.memory_space<vmem>>, %arg2: memref<128x256xf32, #tpu.memory_space<vmem>>, %arg3: memref<128xf32, #tpu.memory_space<vmem>>, %arg4: memref<1000x128xf32, #tpu.memory_space<vmem>>, %arg5: memref<1000x128xf32, #tpu.memory_space<vmem>>, %arg6: memref<1000x128xf32, #tpu.memory_space<vmem>>, %arg7: memref<1000x128xf32, #tpu.memory_space<vmem>>) attributes {dimension_semantics = [#tpu.dimension_semantics<arbitrary>], iteration_bounds = array<i64: 20>, scalar_prefetch = 0 : i64, scratch_operands = 0 : i64, tpu.core_type = #tpu.core_type<tc>, window_params = [{transform_indices = @transform_0, window_bounds = array<i64: 1000, 128>}, {pipeline_mode = #tpu.pipeline_mode<synchronous>, transform_indices = @transform_1, window_bounds = array<i64: 128, 256>}, {pipeline_mode = #tpu.pipeline_mode<synchronous>, transform_indices = @transform_2, window_bounds = array<i64: 128>}, {transform_indices = @transform_3, window_bounds = array<i64: 1000, 128>}, {transform_indices = @transform_4, window_bounds = array<i64: 1000, 128>}, {transform_indices = @transform_5, window_bounds = array<i64: 1000, 128>}, {transform_indices = @transform_6, window_bounds = array<i64: 1000, 128>}]} {
    %get3A = arith.constant 0 : index
    %get3A_0 = arith.constant 0 : index
    %get3A_1 = vector.load %arg1[%get3A, %get3A_0] : memref<1000x128xf32, #tpu.memory_space<vmem>>, vector<1000x128xf32>
    %get3A_2 = arith.constant 0 : index
    %get3A_3 = arith.constant 0 : index
    %get3A_4 = vector.load %arg2[%get3A_2, %get3A_3] : memref<128x256xf32, #tpu.memory_space<vmem>>, vector<128x256xf32>
    %dot_general3A = arith.constant dense<0.000000e+00> : vector<1000x256xf32>
    %dot_general3A_5 = tpu.matmul %get3A_1, %get3A_4, %dot_general3A {dimension_numbers = #tpu.dot_dimension_numbers<[1], [0], [0], [1], [0, 0, 1, 1], [], []>, transpose_lhs_hint = false} : vector<1000x128xf32>, vector<128x256xf32>, vector<1000x256xf32> -> vector<1000x256xf32>
    %slice3A = vector.extract_strided_slice %dot_general3A_5 {offsets = [0, 0], sizes = [1000, 128], strides = [1, 1]} : vector<1000x256xf32> to vector<1000x128xf32>
    %get3A_6 = arith.constant 0 : index
    %get3A_7 = vector.load %arg3[%get3A_6] : memref<128xf32, #tpu.memory_space<vmem>>, vector<128xf32>
    %broadcast_in_dim3A = vector.shape_cast %get3A_7 : vector<128xf32> to vector<1x128xf32>
    %add3A = vector.broadcast %broadcast_in_dim3A : vector<1x128xf32> to vector<1000x128xf32>
    %add3A_8 = arith.addf %slice3A, %add3A : vector<1000x128xf32>
    %swap3A = arith.constant 0 : index
    %swap3A_9 = arith.constant 0 : index
    %swap3A_10 = vector.load %arg5[%swap3A, %swap3A_9] : memref<1000x128xf32, #tpu.memory_space<vmem>>, vector<1000x128xf32>
    tpu.vector_store %arg5[%swap3A, %swap3A_9], %add3A_8 {strides = array<i32>} : memref<1000x128xf32, #tpu.memory_space<vmem>>, vector<1000x128xf32>,
    %get3A_11 = arith.constant 0 : index
    %get3A_12 = arith.constant 0 : index
    %get3A_13 = vector.load %arg4[%get3A_11, %get3A_12] : memref<1000x128xf32, #tpu.memory_space<vmem>>, vector<1000x128xf32>
    %rsqrt3A = math.rsqrt %get3A_13 : vector<1000x128xf32>
    %swap3A_14 = arith.constant 0 : index
    %swap3A_15 = arith.constant 0 : index
    %swap3A_16 = vector.load %arg7[%swap3A_14, %swap3A_15] : memref<1000x128xf32, #tpu.memory_space<vmem>>, vector<1000x128xf32>
    tpu.vector_store %arg7[%swap3A_14, %swap3A_15], %rsqrt3A {strides = array<i32>} : memref<1000x128xf32, #tpu.memory_space<vmem>>, vector<1000x128xf32>,
    %slice3A_17 = vector.extract_strided_slice %dot_general3A_5 {offsets = [0, 128], sizes = [1000, 128], strides = [1, 1]} : vector<1000x256xf32> to vector<1000x128xf32>
    %mul3A = arith.mulf %slice3A_17, %rsqrt3A : vector<1000x128xf32>
    %swap3A_18 = arith.constant 0 : index
    %swap3A_19 = arith.constant 0 : index
    %swap3A_20 = vector.load %arg6[%swap3A_18, %swap3A_19] : memref<1000x128xf32, #tpu.memory_space<vmem>>, vector<1000x128xf32>
    tpu.vector_store %arg6[%swap3A_18, %swap3A_19], %mul3A {strides = array<i32>} : memref<1000x128xf32, #tpu.memory_space<vmem>>, vector<1000x128xf32>,
    return
  }
  func.func @transform_0(%arg0: i32) -> (i32, i32) {
    %c0_i32 = arith.constant 0 : i32
    %c0_i32_0 = arith.constant 0 : i32
    return %arg0, %c0_i32 : i32, i32
  }
  func.func @transform_1(%arg0: i32) -> (i32, i32) {
    %c0_i32 = arith.constant 0 : i32
    %c0_i32_0 = arith.constant 0 : i32
    %c0_i32_1 = arith.constant 0 : i32
    return %c0_i32, %c0_i32_0 : i32, i32
  }
  func.func @transform_2(%arg0: i32) -> i32 {
    %c0_i32 = arith.constant 0 : i32
    %c0_i32_0 = arith.constant 0 : i32
    return %c0_i32 : i32
  }
  func.func @transform_3(%arg0: i32) -> (i32, i32) {
    %c0_i32 = arith.constant 0 : i32
    %c0_i32_0 = arith.constant 0 : i32
    return %arg0, %c0_i32 : i32, i32
  }
  func.func @transform_4(%arg0: i32) -> (i32, i32) {
    %c0_i32 = arith.constant 0 : i32
    %c0_i32_0 = arith.constant 0 : i32
    return %arg0, %c0_i32 : i32, i32
  }
  func.func @transform_5(%arg0: i32) -> (i32, i32) {
    %c0_i32 = arith.constant 0 : i32
    %c0_i32_0 = arith.constant 0 : i32
    return %arg0, %c0_i32 : i32, i32
  }
  func.func @transform_6(%arg0: i32) -> (i32, i32) {
    %c0_i32 = arith.constant 0 : i32
    %c0_i32_0 = arith.constant 0 : i32
    return %arg0, %c0_i32 : i32, i32
  }
}

module attributes {stable_mosaic.version = 14 : i64} {
  func.func @_tc2_body(%arg0: i32, %arg1: memref<1000x128xf32, #tpu.memory_space<vmem>>, %arg2: memref<1000x128xf32, #tpu.memory_space<vmem>>, %arg3: memref<1000x128xf32, #tpu.memory_space<vmem>>, %arg4: memref<128xf32, #tpu.memory_space<vmem>>, %arg5: memref<128x128xf32, #tpu.memory_space<vmem>>, %arg6: memref<1000x128xf32, #tpu.memory_space<vmem>>) attributes {dimension_semantics = [#tpu.dimension_semantics<arbitrary>], iteration_bounds = array<i64: 20>, scalar_prefetch = 0 : i64, scratch_operands = 0 : i64, tpu.core_type = #tpu.core_type<tc>, window_params = [{transform_indices = @transform_0, window_bounds = array<i64: 1000, 128>}, {transform_indices = @transform_1, window_bounds = array<i64: 1000, 128>}, {transform_indices = @transform_2, window_bounds = array<i64: 1000, 128>}, {pipeline_mode = #tpu.pipeline_mode<synchronous>, transform_indices = @transform_3, window_bounds = array<i64: 128>}, {pipeline_mode = #tpu.pipeline_mode<synchronous>, transform_indices = @transform_4, window_bounds = array<i64: 128, 128>}, {transform_indices = @transform_5, window_bounds = array<i64: 1000, 128>}]} {
    %get3A = arith.constant 0 : index
    %get3A_0 = arith.constant 0 : index
    %get3A_1 = vector.load %arg2[%get3A, %get3A_0] : memref<1000x128xf32, #tpu.memory_space<vmem>>, vector<1000x128xf32>
    %get3A_2 = arith.constant 0 : index
    %get3A_3 = arith.constant 0 : index
    %get3A_4 = vector.load %arg1[%get3A_2, %get3A_3] : memref<1000x128xf32, #tpu.memory_space<vmem>>, vector<1000x128xf32>
    %mul3A = arith.mulf %get3A_4, %get3A_1 : vector<1000x128xf32>
    %get3A_5 = arith.constant 0 : index
    %get3A_6 = vector.load %arg4[%get3A_5] : memref<128xf32, #tpu.memory_space<vmem>>, vector<128xf32>
    %broadcast_in_dim3A = vector.shape_cast %get3A_6 : vector<128xf32> to vector<1x128xf32>
    %add3A = vector.broadcast %broadcast_in_dim3A : vector<1x128xf32> to vector<1000x128xf32>
    %add3A_7 = arith.addf %mul3A, %add3A : vector<1000x128xf32>
    %max3A = arith.constant 0.000000e+00 : f32
    %max3A_8 = vector.broadcast %max3A : f32 to vector<1000x128xf32>
    %max3A_9 = arith.maximumf %add3A_7, %max3A_8 : vector<1000x128xf32>
    %mul3A_10 = arith.constant 5.000000e-01 : f32
    %mul3A_11 = vector.broadcast %mul3A_10 : f32 to vector<1000x128xf32>
    %mul3A_12 = arith.mulf %mul3A_11, %max3A_9 : vector<1000x128xf32>
    %get3A_13 = arith.constant 0 : index
    %get3A_14 = arith.constant 0 : index
    %get3A_15 = vector.load %arg3[%get3A_13, %get3A_14] : memref<1000x128xf32, #tpu.memory_space<vmem>>, vector<1000x128xf32>
    %mul3A_16 = arith.constant 5.000000e-01 : f32
    %mul3A_17 = vector.broadcast %mul3A_16 : f32 to vector<1000x128xf32>
    %mul3A_18 = arith.mulf %mul3A_17, %get3A_15 : vector<1000x128xf32>
    %add3A_19 = arith.addf %mul3A_12, %mul3A_18 : vector<1000x128xf32>
    %get3A_20 = arith.constant 0 : index
    %get3A_21 = arith.constant 0 : index
    %get3A_22 = vector.load %arg5[%get3A_20, %get3A_21] : memref<128x128xf32, #tpu.memory_space<vmem>>, vector<128x128xf32>
    %dot_general3A = arith.constant dense<0.000000e+00> : vector<1000x128xf32>
    %dot_general3A_23 = tpu.matmul %add3A_19, %get3A_22, %dot_general3A {dimension_numbers = #tpu.dot_dimension_numbers<[1], [0], [0], [1], [0, 0, 1, 1], [], []>, transpose_lhs_hint = false} : vector<1000x128xf32>, vector<128x128xf32>, vector<1000x128xf32> -> vector<1000x128xf32>
    %mul3A_24 = arith.mulf %dot_general3A_23, %get3A_1 : vector<1000x128xf32>
    %swap3A = arith.constant 0 : index
    %swap3A_25 = arith.constant 0 : index
    %swap3A_26 = vector.load %arg6[%swap3A, %swap3A_25] : memref<1000x128xf32, #tpu.memory_space<vmem>>, vector<1000x128xf32>
    tpu.vector_store %arg6[%swap3A, %swap3A_25], %mul3A_24 {strides = array<i32>} : memref<1000x128xf32, #tpu.memory_space<vmem>>, vector<1000x128xf32>,
    return
  }
  func.func @transform_0(%arg0: i32) -> (i32, i32) {
    %c0_i32 = arith.constant 0 : i32
    %c0_i32_0 = arith.constant 0 : i32
    return %arg0, %c0_i32 : i32, i32
  }
  func.func @transform_1(%arg0: i32) -> (i32, i32) {
    %c0_i32 = arith.constant 0 : i32
    %c0_i32_0 = arith.constant 0 : i32
    return %arg0, %c0_i32 : i32, i32
  }
  func.func @transform_2(%arg0: i32) -> (i32, i32) {
    %c0_i32 = arith.constant 0 : i32
    %c0_i32_0 = arith.constant 0 : i32
    return %arg0, %c0_i32 : i32, i32
  }
  func.func @transform_3(%arg0: i32) -> i32 {
    %c0_i32 = arith.constant 0 : i32
    %c0_i32_0 = arith.constant 0 : i32
    return %c0_i32 : i32
  }
  func.func @transform_4(%arg0: i32) -> (i32, i32) {
    %c0_i32 = arith.constant 0 : i32
    %c0_i32_0 = arith.constant 0 : i32
    %c0_i32_1 = arith.constant 0 : i32
    return %c0_i32, %c0_i32_0 : i32, i32
  }
  func.func @transform_5(%arg0: i32) -> (i32, i32) {
    %c0_i32 = arith.constant 0 : i32
    %c0_i32_0 = arith.constant 0 : i32
    return %arg0, %c0_i32 : i32, i32
  }
}

module attributes {stable_mosaic.version = 14 : i64} {
  func.func @_tc3_body(%arg0: i32, %arg1: memref<1000x128xf32, #tpu.memory_space<vmem>>, %arg2: memref<1000x128xf32, #tpu.memory_space<vmem>>, %arg3: memref<1000x128xf32, #tpu.memory_space<vmem>>, %arg4: memref<128xf32, #tpu.memory_space<vmem>>, %arg5: memref<1000x128xf32, #tpu.memory_space<vmem>>) attributes {dimension_semantics = [#tpu.dimension_semantics<arbitrary>], iteration_bounds = array<i64: 20>, scalar_prefetch = 0 : i64, scratch_operands = 0 : i64, tpu.core_type = #tpu.core_type<tc>, window_params = [{transform_indices = @transform_0, window_bounds = array<i64: 1000, 128>}, {transform_indices = @transform_1, window_bounds = array<i64: 1000, 128>}, {transform_indices = @transform_2, window_bounds = array<i64: 1000, 128>}, {pipeline_mode = #tpu.pipeline_mode<synchronous>, transform_indices = @transform_3, window_bounds = array<i64: 128>}, {transform_indices = @transform_4, window_bounds = array<i64: 1000, 128>}]} {
    %get3A = arith.constant 0 : index
    %get3A_0 = arith.constant 0 : index
    %get3A_1 = vector.load %arg1[%get3A, %get3A_0] : memref<1000x128xf32, #tpu.memory_space<vmem>>, vector<1000x128xf32>
    %get3A_2 = arith.constant 0 : index
    %get3A_3 = arith.constant 0 : index
    %get3A_4 = vector.load %arg2[%get3A_2, %get3A_3] : memref<1000x128xf32, #tpu.memory_space<vmem>>, vector<1000x128xf32>
    %mul3A = arith.mulf %get3A_1, %get3A_4 : vector<1000x128xf32>
    %get3A_5 = arith.constant 0 : index
    %get3A_6 = vector.load %arg4[%get3A_5] : memref<128xf32, #tpu.memory_space<vmem>>, vector<128xf32>
    %broadcast_in_dim3A = vector.shape_cast %get3A_6 : vector<128xf32> to vector<1x128xf32>
    %add3A = vector.broadcast %broadcast_in_dim3A : vector<1x128xf32> to vector<1000x128xf32>
    %add3A_7 = arith.addf %mul3A, %add3A : vector<1000x128xf32>
    %max3A = arith.constant 0.000000e+00 : f32
    %max3A_8 = vector.broadcast %max3A : f32 to vector<1000x128xf32>
    %max3A_9 = arith.maximumf %add3A_7, %max3A_8 : vector<1000x128xf32>
    %mul3A_10 = arith.constant 5.000000e-01 : f32
    %mul3A_11 = vector.broadcast %mul3A_10 : f32 to vector<1000x128xf32>
    %mul3A_12 = arith.mulf %mul3A_11, %max3A_9 : vector<1000x128xf32>
    %get3A_13 = arith.constant 0 : index
    %get3A_14 = arith.constant 0 : index
    %get3A_15 = vector.load %arg3[%get3A_13, %get3A_14] : memref<1000x128xf32, #tpu.memory_space<vmem>>, vector<1000x128xf32>
    %mul3A_16 = arith.constant 5.000000e-01 : f32
    %mul3A_17 = vector.broadcast %mul3A_16 : f32 to vector<1000x128xf32>
    %mul3A_18 = arith.mulf %mul3A_17, %get3A_15 : vector<1000x128xf32>
    %add3A_19 = arith.addf %mul3A_12, %mul3A_18 : vector<1000x128xf32>
    %mul3A_20 = arith.mulf %add3A_19, %add3A_19 : vector<1000x128xf32>
    %reduce_sum3A = arith.constant dense<0.000000e+00> : vector<1000xf32>
    %reduce_sum3A_21 = vector.multi_reduction <add>, %mul3A_20, %reduce_sum3A [1] : vector<1000x128xf32> to vector<1000xf32>
    %broadcast_in_dim3A_22 = vector.shape_cast %reduce_sum3A_21 : vector<1000xf32> to vector<1000x1xf32>
    %sqrt3A = math.sqrt %broadcast_in_dim3A_22 : vector<1000x1xf32>
    %max3A_23 = arith.constant 9.99999996E-13 : f32
    %max3A_24 = vector.broadcast %max3A_23 : f32 to vector<1000x1xf32>
    %max3A_25 = arith.maximumf %sqrt3A, %max3A_24 : vector<1000x1xf32>
    %div3A = vector.broadcast %max3A_25 : vector<1000x1xf32> to vector<1000x128xf32>
    %div3A_26 = arith.divf %add3A_19, %div3A : vector<1000x128xf32>
    %swap3A = arith.constant 0 : index
    %swap3A_27 = arith.constant 0 : index
    %swap3A_28 = vector.load %arg5[%swap3A, %swap3A_27] : memref<1000x128xf32, #tpu.memory_space<vmem>>, vector<1000x128xf32>
    tpu.vector_store %arg5[%swap3A, %swap3A_27], %div3A_26 {strides = array<i32>} : memref<1000x128xf32, #tpu.memory_space<vmem>>, vector<1000x128xf32>,
    return
  }
  func.func @transform_0(%arg0: i32) -> (i32, i32) {
    %c0_i32 = arith.constant 0 : i32
    %c0_i32_0 = arith.constant 0 : i32
    return %arg0, %c0_i32 : i32, i32
  }
  func.func @transform_1(%arg0: i32) -> (i32, i32) {
    %c0_i32 = arith.constant 0 : i32
    %c0_i32_0 = arith.constant 0 : i32
    return %arg0, %c0_i32 : i32, i32
  }
  func.func @transform_2(%arg0: i32) -> (i32, i32) {
    %c0_i32 = arith.constant 0 : i32
    %c0_i32_0 = arith.constant 0 : i32
    return %arg0, %c0_i32 : i32, i32
  }
  func.func @transform_3(%arg0: i32) -> i32 {
    %c0_i32 = arith.constant 0 : i32
    %c0_i32_0 = arith.constant 0 : i32
    return %c0_i32 : i32
  }
  func.func @transform_4(%arg0: i32) -> (i32, i32) {
    %c0_i32 = arith.constant 0 : i32
    %c0_i32_0 = arith.constant 0 : i32
    return %arg0, %c0_i32 : i32, i32
  }
}

</mosaic_0001>

<sc_bundles>
// kernel: closed_call.20.cloned.1.call-start
scs
__scs_entry_jumppad:
0x0: {  	(pc) =	sbr.rel $0x88, $3  }
0x1: {  	(tag) =	ssettag $0x0;
	lr =	simm.s32 $0x1  }
0x2: {  	[smem:$0x3F97] =	sst lr;
	_ =	strace $0xD0000000  }
0x3: {  	_ = 	snop  }
0x4: {  	_ = 	snop  }
0x5: {  	_ = 	snop  }
0x6: {  	_ = 	snop  }
0x7: {  	_ = 	snop  }
__scs_overlays_trampoline_lowered:
0x8: {  	[smem:$0x3FA6] =	sst s0  }
0x9: {  	[smem:$0x3FA7] =	sst s1  }
0xa: {  	[smem:$0x3FA8] =	sst s2  }
0xb: {  	[smem:$0x3FA9] =	sst s3  }
0xc: {  	[smem:$0x3FAA] =	sst s4  }
0xd: {  	[smem:$0x3FAB] =	sst s5  }
0xe: {  	[smem:$0x3FAC] =	sst s6  }
0xf: {  	[smem:$0x3FAD] =	sst s7  }
0x10: {  	[smem:$0x3FAE] =	sst s8  }
0x11: {  	[smem:$0x3FAF] =	sst s9;
	s0 =	simm.s32 @!p0 $0x0  }
0x12: {  	s1 =	sld [smem:$0x3F95];
	s0 =	simm.s32 @p0 $0x1  }
0x13: {  	[smem:$0x3FB0] =	sst s0;
	s0 =	simm.s32 @!p1 $0x0  }
0x14: {  	s2 =	sld [smem:$0x3F94];
	s0 =	simm.s32 @p1 $0x1  }
0x15: {  	[smem:$0x3FB1] =	sst s0;
	s0 =	simm.s32 @!p2 $0x0  }
0x16: {  	s3 =	sld [smem:$0x3FDB];
	s0 =	simm.s32 @p2 $0x1  }
0x17: {  	s4 =	simm.s32 $0x1BF5;
	[smem:$0x3FB3] =	sst s0  }
0x18: {  	s0 =	sld [smem:$0x3F96];
	_ =	swait.ge [sflag:s4], $0x0  }
0x19: {  	s7 =	sld [smem:$0x3F97]  }
0x1a: {  	s8 =	sadd.s32 $0xFFFFE003, lr  }
0x1b: {  	s9 =	sadd.s32 $0xFFFFFEF7, lr;
	s5 =	simm.s32 $0xFFFFFFFF;
	p2 =	slt.u32 s8, $0xFFFFF086  }
0x1c: {  	p1 =	slt.u32 s9, $0xF7A;
	s5 =	simm.s32 @!p2 $0x0  }
0x1d: {  	s5 =	simm.s32 @p1 $0x1;
	p0 =	seq.s32 s7, s2  }
0x1e: {  	s7 =	smul.u32 @!p0 $0xF7A, s2;
	p2 =	seq.s32 @!p0 s5, $0x0  }
0x1f: {  	s9 =	smul.u32 $0xF7A, s1;
	s8 =	simm.s32 @!p0 $0x1BF5;
	p2 =	por !p2, p0  }
0x20: {  	[sflag:s8] =	ssyncset.s32 @!p0 $0xFFFFF086;
	s6 =	sadd.s32 @!p0 s3, s7;
	s7 =	simm.s32 @!p0 $0x108  }
0x21: {  	s3 =	sadd.s32 s3, s9;
	s6 =	sadd.s32 @!p0 $0x88, s6;
	s7 =	simm.s32 @p2 $0x1082  }
0x22: {  	[simem:s7], [sflag:s8] =	dma.local @!p0 [hbm:s6], $0xF7A  }
0x23: {  	s9 =	sor.u32 $0xD0000000, s2;
	s6 =	simm.s32 $0x108;
	_ =	swait.ge @!p0 [sflag:s8], $0x0  }
0x24: {  	s3 =	sadd.s32 $0x88, s3;
	s6 =	simm.s32 @!p1 $0x1082;
	[sflag:s4] =	ssyncset.s32 $0xFFFFF086  }
0x25: {  	[simem:s6], [sflag:s4] =	dma.local [hbm:s3], $0xF7A  }
0x26: {  	[smem:$0x3F97] =	sst s1;
	(tag) =	ssettag s2;
	_ =	strace s9  }
0x27: {  	s1 =	sld [smem:$0x3FA7]  }
0x28: {  	s2 =	sld [smem:$0x3FA8]  }
0x29: {  	s4 =	sld [smem:$0x3FAA]  }
0x2a: {  	p0 =	seq.s32 s5, $0x0;
	s5 =	sld [smem:$0x3FAB]  }
0x2b: {  	s6 =	sld [smem:$0x3FAC]  }
0x2c: {  	s7 =	sld [smem:$0x3FAD]  }
0x2d: {  	s3 =	simm.s32 $0x108;
	s8 =	sld [smem:$0x3FAE]  }
0x2e: {  	s3 =	simm.s32 @!p0 $0x1082;
	s9 =	sld [smem:$0x3FAF]  }
0x2f: {  	lr =	sadd.s32 s0, s3;
	s0 =	sld [smem:$0x3FA6]  }
0x30: {  	s3 =	sld [smem:$0x3FA9]  }
0x31: {  	[smem:$0x3FB2] =	sst s10  }
0x32: {  	s10 =	sld [smem:$0x3FB0];
	_ =	sdelay $0x3  }
0x33: {  	p0 =	seq.s32 s10, $0x1;
	s10 =	sld [smem:$0x3FB2];
	_ =	sdelay $0x3  }
0x34: {  	[smem:$0x3FB2] =	sst s10  }
0x35: {  	s10 =	sld [smem:$0x3FB1];
	_ =	sdelay $0x3  }
0x36: {  	p1 =	seq.s32 s10, $0x1;
	s10 =	sld [smem:$0x3FB2];
	_ =	sdelay $0x3  }
0x37: {  	[smem:$0x3FB2] =	sst s10  }
0x38: {  	s10 =	sld [smem:$0x3FB3]  }
0x39: {  	_ = 	snop;
	(pc) =	sbr.ind lr, $3  }
0x3a: {  	_ = 	snop  }
0x3b: {  	_ = 	snop  }
0x3c: {  	p2 =	seq.s32 s10, $0x1;
	s10 =	sld [smem:$0x3FB2]  }
0x3d: {  	_ =	shalt  }
0x3e: {  	_ =	shalt  }
0x3f: {  	_ =	shalt  }
0x40: {  	_ =	shalt  }
0x41: {  	_ =	shalt  }
0x42: {  	_ =	shalt  }
0x43: {  	_ =	shalt  }
0x44: {  	_ =	shalt  }
0x45: {  	_ =	shalt  }
0x46: {  	_ =	shalt  }
0x47: {  	_ =	shalt  }
0x48: {  	_ =	shalt  }
0x49: {  	_ =	shalt  }
0x4a: {  	_ =	shalt  }
0x4b: {  	_ =	shalt  }
0x4c: {  	_ =	shalt  }
0x4d: {  	_ =	shalt  }
0x4e: {  	_ =	shalt  }
0x4f: {  	_ =	shalt  }
0x50: {  	_ =	shalt  }
0x51: {  	_ =	shalt  }
0x52: {  	_ =	shalt  }
0x53: {  	_ =	shalt  }
0x54: {  	_ =	shalt  }
0x55: {  	_ =	shalt  }
0x56: {  	_ =	shalt  }
0x57: {  	_ =	shalt  }
0x58: {  	_ =	shalt  }
0x59: {  	_ =	shalt  }
0x5a: {  	_ =	shalt  }
0x5b: {  	_ =	shalt  }
0x5c: {  	_ =	shalt  }
0x5d: {  	_ =	shalt  }
0x5e: {  	_ =	shalt  }
0x5f: {  	_ =	shalt  }
0x60: {  	_ =	shalt  }
0x61: {  	_ =	shalt  }
0x62: {  	_ =	shalt  }
0x63: {  	_ =	shalt  }
0x64: {  	_ =	shalt  }
0x65: {  	_ =	shalt  }
0x66: {  	_ =	shalt  }
0x67: {  	_ =	shalt  }
0x68: {  	_ =	shalt  }
0x69: {  	_ =	shalt  }
0x6a: {  	_ =	shalt  }
0x6b: {  	_ =	shalt  }
0x6c: {  	_ =	shalt  }
0x6d: {  	_ =	shalt  }
0x6e: {  	_ =	shalt  }
0x6f: {  	_ =	shalt  }
0x70: {  	_ =	shalt  }
0x71: {  	_ =	shalt  }
0x72: {  	_ =	shalt  }
0x73: {  	_ =	shalt  }
0x74: {  	_ =	shalt  }
0x75: {  	_ =	shalt  }
0x76: {  	_ =	shalt  }
0x77: {  	_ =	shalt  }
0x78: {  	_ =	shalt  }
0x79: {  	_ =	shalt  }
0x7a: {  	_ =	shalt  }
0x7b: {  	_ =	shalt  }
0x7c: {  	_ =	shalt  }
0x7d: {  	_ =	shalt  }
0x7e: {  	_ =	shalt  }
0x7f: {  	_ =	shalt  }
0x80: {  	_ =	shalt  }
0x81: {  	_ =	shalt  }
0x82: {  	_ =	shalt  }
0x83: {  	_ =	shalt  }
0x84: {  	_ =	shalt  }
0x85: {  	_ =	shalt  }
0x86: {  	_ =	shalt  }
0x87: {  	_ =	shalt  }
.Lfunc_end0:
.L_simem_size_0:
called_computation_lowered:
.L_overlay_start_0:
0x88: {  	s2 =	sld [smem:$0x3FD9]  }
0x89: {  	s3 =	sld [smem:$0x3FFE];
	_ =	sdelay $0x1  }
0x8a: {  	s1 =	srdreg.scid  }
0x8b: {  	s0 =	sand.u32 $0x1, s1  }
0x8c: {  	s16 =	sshll.u32 s0, $0xA;
	s2 =	sadd.s32 s3, s2  }
0x8d: {  	s2 =	sadd.s32 s2, s16  }
0x8e: {  	[smem:$0x3FBE] =	sst s2  }
0x8f: {  	_ = 	snop  }
0x90: {  	(tm) =	ssettm $0x1  }
0x91: {  	s17 =	sld [smem:$0x3FFB];
	_ =	sdelay $0x3  }
0x92: {  	_ =	strace s17  }
0x93: {  	s2 =	sld [smem:$0x3FFC];
	_ =	sdelay $0x3  }
0x94: {  	_ =	strace s2  }
0x95: {  	s2 =	sld [smem:$0x3FFD];
	_ =	sdelay $0x3  }
0x96: {  	_ =	strace s2  }
0x97: {  	_ =	strace $0x8FFFFFFF  }
0x98: {  	s18 =	sld [smem:$0x3FDB];
	_ =	sdelay $0x1  }
0x99: {  	s19 =	simm.s32 $_scs_section_size  }
0x9a: {  	s4 =	simm.s32 $_size__tile_overlayer_lowered;
	s5 =	simm.s32 $_tile_overlayer_lowered  }
0x9b: {  	s22 =	simm.s32 $0x1BFF;
	s21 =	sshll.u32 s5, $0x1;
	s2 =	sadd.s32 s19, s18  }
0x9c: {  	s6 =	simm.s32 $0x0;
	s20 =	sshll.u32 s4, $0x1;
	s4 =	sadd.s32 s21, s2  }
0x9d: {  	[timem:s6], [sflag:s22] =	dma.local [hbm:s4], s20  }
0x9e: {  	_ =	swait.ge [sflag:s22], s20  }
0x9f: {  	s3 =	ssub.s32 $0x0, s20;
	[sflag:s22] =	ssyncset.done $0x0  }
0xa0: {  	[sflag:s22] =	ssyncadd.s32 s3;
	_ =	sdelay $0x1  }
0xa1: {  	s23 =	simm.s32 $0x1B8B  }
0xa2: {  	_ =	swait.ge [sflag:s23], $0x1  }
0xa3: {  	[sflag:s23] =	ssyncset.done $0x0  }
0xa4: {  	s25 =	simm.s32 $0x1B8E;
	s24 =	sld [smem:$0x3FFE];
	[sflag:s23] =	ssyncadd.s32 $0xFFFFFFFF  }
0xa5: {  	s26 =	simm.s32 $execute0_lowered;
	[smem:$0x3FD2] =	sst s25  }
0xa6: {  	s4 =	sshll.u32 s26, $0x1;
	_ =	strace $0x80000049;
	[dreg:$0x1] =	wrdreg $0xFFFFFFFF  }
0xa7: {  	s28 =	simm.s32 $_size_execute0_lowered;
	s2 =	sadd.s32 s2, s4;
	[dreg:$0x0] =	wrdreg $0x0  }
0xa8: {  	s4 =	sshll.u32 s28, $0x1;
	[dreg:$0x2] =	wrdreg s2  }
0xa9: {  	[dreg:$0x3] =	wrdreg s4  }
0xaa: {  	[dreg:$0x4] =	wrdreg $0xC0  }
0xab: {  	_ =	task [dreg:s6], $0x5FFFF  }
0xac: {  	[dreg:$0x1] =	wrdreg $0xFFFFFFFF  }
0xad: {  	[dreg:$0x0] =	wrdreg $0x60  }
0xae: {  	[dreg:$0x2] =	wrdreg s24  }
0xaf: {  	[dreg:$0x3] =	wrdreg $0xC0000  }
0xb0: {  	[dreg:$0x4] =	wrdreg $0x9  }
0xb1: {  	_ =	task.clear_ibuf [dreg:s6], $0x5FFFF;
	_ =	strace $0x90000049  }
0xb2: {  	s29 =	simm.s32 $0x9;
	_ =	strace $0x8000004B  }
0xb3: {  	_ =	swait.ge [sflag:s29], $0x1  }
0xb4: {  	[sflag:s29] =	ssyncadd.s32 $0xFFFFFFFF  }
0xb5: {  	_ =	strace $0x9000004B  }
0xb6: {  	_ =	sfence  }
0xb7: {  	s30 =	sld [smem:$0x0];
	_ =	sdelay $0x2  }
0xb8: {  	s31 =	sshll.u32 s1, $0xD;
	s1 =	sshrl.u32 s1, $0x2  }
0xb9: {  	s3 =	sand.u32 $0x4000, s31;
	s1 =	sadd.s32 s1, s30  }
0xba: {  	s0 =	sor.u32 s3, s0;
	s1 =	sshll.u32 s1, $0x11  }
0xbb: {  	s0 =	sor.u32 s1, s0  }
0xbc: {  	s0 =	sadd.s32 $0x8F2B, s0  }
0xbd: {  	[sflag:s0] =	ssyncadd.remote.s32 $0x1  }
0xbe: {  	_ =	sfence.sel $0xFFFF  }
0xbf: {  	[dreg:$0x0] =	wrdreg $0xFFFFFFFF;
	(pc) =	sbr.abs _section_cstart, $3  }
0xc0: {  	[dreg:$0x1] =	wrdreg $0xFFFFFFFF  }
0xc1: {  	_ =	task.clear_ibuf [dreg:s6], $0x2FFFF;
	_ =	strace $0x9FFFFFFF  }
0xc2: {  	(tm) =	ssettm $0x7FFFFFFF  }
0xc3: {  	_ =	shalt  }
tec
execute0_lowered:
.L_overlay_start_1:
0x0: {  	(tag) =	ssettag $0x1  }
0x1: {  	s0 =	rddreg [dreg:$0x0]  }
0x2: {  	s1 =	rddreg [dreg:$0x1];
	s2 =	srdreg.scid;
	s4 =	simm.s32 $0x0  }
0x3: {  	s9 =	stileid.u32;
	s28 =	simm.s32 $0x6C00;
	s30 =	simm.s32 $0x8800  }
0x4: {  	s31 =	simm.s32 $0x1;
	s11 =	simm.s32 $0x2900;
	s12 =	smul.u32 $0x4F000, s9  }
0x5: {  	s2 =	sand.u32 $0x1, s2;
	[smem:$0x7FF] =	sst s4;
	s8 =	smul.u32 $0xC800, s9  }
0x6: {  	s6 =	sadd.s32 $0x85400, s0;
	s7 =	sadd.s32 $0x5000, s0;
	s10 =	smul.u32 $0x2780, s9  }
0x7: {  	s16 =	sadd.s32 $0x128400, s1;
	p0 =	seq.s32 s9, $0xF;
	s3 =	smul.u32 $0x27100, s2  }
0x8: {  	_ =	strace $0x8000004A;
	s5 =	smul.u32 $0xC8000, s2;
	s2 =	ssub.s32 $0x2, s2  }
0x9: {  	[dreg:$0x5] =	wrdreg s16;
	s16 =	simm.s32 $0x7;
	s13 =	sshrl.u32 s2, $0x1  }
0xa: {  	s4 =	sshrl.u32 s12, $0x2;
	[dreg:$0x4] =	wrdreg s10;
	s12 =	simm.s32 $0x6  }
0xb: {  	s0 =	sadd.s32 s3, s0;
	s2 =	ssub.s32 s2, s13;
	s14 =	sadd.s32 s4, s1  }
0xc: {  	s15 =	sadd.s32 s8, s5;
	s13 =	simm.s32 $0x280;
	[dreg:$0x3] =	wrdreg s14  }
0xd: {  	s5 =	sadd.s32 $0x153800, s0;
	s3 =	sshrl.u32 s15, $0x3;
	s26 =	sadd.s32 $0x37000, s0  }
0xe: {  	s2 =	smax.u32 s2, $0x1;
	s0 =	sadd.s32 $0x178880, s0;
	[dreg:$0x10] =	wrdreg s26  }
0xf: {  	s14 =	simm.s32 $0x4;
	s15 =	simm.s32 $0x2980;
	[dreg:$0x11] =	wrdreg s2  }
0x10: {  	s17 =	sadd.s32 s6, s3;
	s18 =	sadd.s32 $0x500, s3;
	[dreg:$0x13] =	wrdreg s0  }
0x11: {  	s19 =	sadd.s32 s7, s3;
	s21 =	sadd.s32 $0xA00, s3;
	[dreg:$0x6] =	wrdreg s17  }
0x12: {  	s23 =	sadd.s32 $0xF00, s3;
	s29 =	sadd.s32 s10, s5;
	[dreg:$0x7] =	wrdreg s19  }
0x13: {  	s3 =	sadd.s32 $0x1400, s3;
	s20 =	sadd.s32 s6, s18;
	[dreg:$0x12] =	wrdreg s29  }
0x14: {  	s2 =	simm.s32 $0xA400;
	s4 =	sadd.s32 s7, s18;
	[dreg:$0x8] =	wrdreg s20  }
0x15: {  	s10 =	simm.s32 $0x3;
	s22 =	sadd.s32 s6, s21;
	[dreg:$0x9] =	wrdreg s4  }
0x16: {  	s8 =	sadd.s32 s7, s21;
	s24 =	sadd.s32 s6, s23;
	[dreg:$0xa] =	wrdreg s22  }
0x17: {  	s25 =	sadd.s32 s6, s3;
	s3 =	sadd.s32 s7, s3;
	[dreg:$0xb] =	wrdreg s8  }
.Ltmp0:
0x18: {  	s17 =	simm.s32 $0x300;
	[dreg:$0xc] =	wrdreg s24;
	(pc) =	sbr.rel .LBB2_1-.Ltmp0, $4  }
0x19: {  	s19 =	simm.s32 $0x8;
	s4 =	sadd.s32 s7, s23;
	[dreg:$0xe] =	wrdreg s25  }
0x1a: {  	[dreg:$0xf] =	wrdreg s3;
	s22 =	simm.s32 $0x9;
	s23 =	simm.s32 $0x2800  }
0x1b: {  	s24 =	simm.s32 $0x32;
	s25 =	simm.s32 $0x5000;
	s8 =	simm.s32 $0x5  }
0x1c: {  	s20 =	simm.s32 $0x0;
	[dreg:$0xd] =	wrdreg s4;
	s4 =	simm.s32 $0x2  }
.LBB2_16:
0x1d: {  	_ =	swait.ge [sflag:s8], $0x1900  }
0x1e: {  	[sflag:s8] =	ssyncset.done $0x0  }
0x1f: {  	[sflag:s8] =	ssyncadd.s32 $0xFFFFE700  }
0x20: {  	_ =	swait.ge [sflag:s12], $0x1900  }
0x21: {  	[sflag:s12] =	ssyncset.done $0x0  }
0x22: {  	[sflag:s12] =	ssyncadd.s32 $0xFFFFE700  }
0x23: {  	_ =	swait.ge [sflag:s16], $0x1900  }
0x24: {  	[sflag:s16] =	ssyncset.done $0x0  }
0x25: {  	[sflag:s16] =	ssyncadd.s32 $0xFFFFE700  }
0x26: {  	_ =	swait.ge [sflag:s19], $0x1900  }
0x27: {  	[sflag:s19] =	ssyncset.done $0x0  }
0x28: {  	[sflag:s19] =	ssyncadd.s32 $0xFFFFE700  }
0x29: {  	[bflag:$0x0] =	sbarrier.arrive $0xFFFF  }
0x2a: {  	s9 =	rddreg [dreg:$0x10]  }
0x2b: {  	s7 =	simm.s32 @p0 $0x1FC9;
	s0 =	sadd.s32 @p0 $0x25080, s9  }
0x2c: {  	[hbm:s0], [sflag:s7] =	dma.local @p0 [spmem:s21], $0x2080  }
0x2d: {  	s0 =	simm.s32 @p0 $0x9  }
0x2e: {  	_ =	swait.ge @p0 [sflag:s0], $0x2080  }
0x2f: {  	[sflag:s0] =	ssyncset.done @p0 $0x0  }
0x30: {  	[sflag:s0] =	ssyncadd.s32 @p0 $0xFFFFDF80;
	s0 =	rddreg [dreg:$0x4]  }
0x31: {  	s0 =	sadd.s32 @!p0 s0, s9  }
0x32: {  	[hbm:s0], [sflag:s6] =	dma.local @!p0 [spmem:s3], $0x2780  }
0x33: {  	s0 =	simm.s32 @!p0 $0x9  }
0x34: {  	_ =	swait.ge @!p0 [sflag:s0], $0x2780  }
0x35: {  	s20 =	sadd.s32 $0x1, s20;
	s29 =	rddreg [dreg:$0x11]  }
0x36: {  	p1 =	sne.s32 s20, s29  }
.Ltmp1:
0x37: {  	_ = 	snop;
	(pc) =	sbr.rel @!p1 .LBB2_17-.Ltmp1, $3  }
0x38: {  	_ =	sdelay $0x1  }
0x39: {  	[sflag:s0] =	ssyncset.done @!p0 $0x0  }
0x3a: {  	[sflag:s0] =	ssyncadd.s32 @!p0 $0xFFFFD880  }
.LBB2_1:
0x3b: {  	s0 =	rddreg [dreg:$0x5]  }
0x3c: {  	s3 =	simm.s32 @p0 $0x1FC9;
	s21 =	sshrl.u32 @p0 s0, $0x3;
	s0 =	rddreg [dreg:$0x13]  }
0x3d: {  	[spmem:s21], [sflag:s3] =	dma.local @p0 [hbm:s0], $0x2080  }
0x3e: {  	s3 =	simm.s32 @p0 $0x9;
	s0 =	stileid.u32  }
0x3f: {  	s18 =	simm.s32 @!p0 $0x9;
	_ =	swait.ge @p0 [sflag:s3], $0x2080;
	s6 =	sshll.u32 @!p0 s0, $0x6  }
0x40: {  	[sflag:s3] =	ssyncset.done @p0 $0x0;
	s6 =	sor.u32 @!p0 $0x1C09, s6;
	s0 =	rddreg [dreg:$0x3]  }
0x41: {  	[sflag:s3] =	ssyncadd.s32 @p0 $0xFFFFDF80;
	s3 =	sshrl.u32 @!p0 s0, $0x3;
	s0 =	rddreg [dreg:$0x12]  }
0x42: {  	[spmem:s3], [sflag:s6] =	dma.local @!p0 [hbm:s0], $0x2780  }
0x43: {  	_ =	swait.ge @!p0 [sflag:s18], $0x2780  }
0x44: {  	[sflag:s18] =	ssyncset.done @!p0 $0x0  }
0x45: {  	[sflag:s18] =	ssyncadd.s32 @!p0 $0xFFFFD880  }
0x46: {  	[bflag:$0x0] =	sbarrier.arrive $0xFFFF  }
0x47: {  	s26 =	simm.s32 $0x0;
	s7 =	rddreg [dreg:$0x6]  }
0x48: {  	[tilespmem:s26], [sflag:$0x9] =	stream.linear.gather [hbm4b:s7+s26], $0x2800, $0x38;
	[tilespmem:$0x1F880] =	vst v63  }
0x49: {  	_ =	swait.ge [sflag:s22], $0x2800  }
0x4a: {  	[sflag:s22] =	ssyncset.done $0x0  }
0x4b: {  	s29 =	rddreg [dreg:$0x7];
	[sflag:s22] =	ssyncadd.s32 $0xFFFFD800  }
0x4c: {  	[tilespmem:s23], [sflag:$0x9] =	stream.linear.gather [hbm4b:s29+s26], $0x2800, $0x38;
	[tilespmem:$0x1F880] =	vst v63  }
0x4d: {  	_ =	swait.ge [sflag:s22], $0x2800  }
0x4e: {  	[sflag:s22] =	ssyncset.done $0x0  }
0x4f: {  	[sflag:s22] =	ssyncadd.s32 $0xFFFFD800  }
0x50: {  	[tilespmem:s25], [sflag:$0x1] =	stream.indirect.gather [hbm4b:s5+s24], $0x80, s26, s24, $0xb8;
	[tilespmem:$0x1F880] =	vst v63  }
0x51: {  	s7 =	simm.s32 $0x80  }
0x52: {  	[tilespmem:s28], [sflag:$0x2] =	stream.indirect.gather [hbm4b:s5+s24], $0x80, s7, s24, $0xb8;
	[tilespmem:$0x1F880] =	vst v63  }
0x53: {  	s9 =	simm.s32 $0x100  }
0x54: {  	[tilespmem:s30], [sflag:$0x3] =	stream.indirect.gather [hbm4b:s5+s24], $0x80, s9, s24, $0xb8;
	[tilespmem:$0x1F880] =	vst v63  }
0x55: {  	_ =	swait.ge [sflag:s31], $0x1900  }
0x56: {  	[sflag:s31] =	ssyncset.done $0x0  }
0x57: {  	[sflag:s31] =	ssyncadd.s32 $0xFFFFE700  }
0x58: {  	[spmem:s1] =	stream.indirect.scatter.add.f32 [tilespmem:s25], [sflag:$0x5], $0x80, s23, s24, $0xb8;
	[tilespmem:$0x1F880] =	vst v63  }
0x59: {  	s18 =	simm.s32 $0x180  }
0x5a: {  	[tilespmem:s2], [sflag:$0x4] =	stream.indirect.gather [hbm4b:s5+s24], $0x80, s18, s24, $0xb8;
	[tilespmem:$0x1F880] =	vst v63  }
0x5b: {  	_ =	swait.ge [sflag:s4], $0x1900  }
0x5c: {  	[sflag:s4] =	ssyncset.done $0x0  }
0x5d: {  	s26 =	simm.s32 $0x2880;
	[sflag:s4] =	ssyncadd.s32 $0xFFFFE700  }
0x5e: {  	[spmem:s1] =	stream.indirect.scatter.add.f32 [tilespmem:s28], [sflag:$0x6], $0x80, s26, s24, $0xb8;
	[tilespmem:$0x1F880] =	vst v63  }
0x5f: {  	_ =	swait.ge [sflag:s8], $0x1900  }
0x60: {  	[sflag:s8] =	ssyncset.done $0x0  }
0x61: {  	s29 =	simm.s32 $0x200;
	[sflag:s8] =	ssyncadd.s32 $0xFFFFE700  }
0x62: {  	[tilespmem:s25], [sflag:$0x1] =	stream.indirect.gather [hbm4b:s5+s24], $0x80, s29, s24, $0xb8;
	[tilespmem:$0x1F880] =	vst v63  }
0x63: {  	_ =	swait.ge [sflag:s10], $0x1900  }
0x64: {  	[sflag:s10] =	ssyncset.done $0x0  }
0x65: {  	[sflag:s10] =	ssyncadd.s32 $0xFFFFE700  }
0x66: {  	[spmem:s1] =	stream.indirect.scatter.add.f32 [tilespmem:s30], [sflag:$0x7], $0x80, s11, s24, $0xb8;
	[tilespmem:$0x1F880] =	vst v63  }
0x67: {  	_ =	swait.ge [sflag:s12], $0x1900  }
0x68: {  	[sflag:s12] =	ssyncset.done $0x0  }
0x69: {  	[sflag:s12] =	ssyncadd.s32 $0xFFFFE700  }
0x6a: {  	[tilespmem:s28], [sflag:$0x2] =	stream.indirect.gather [hbm4b:s5+s24], $0x80, s13, s24, $0xb8;
	[tilespmem:$0x1F880] =	vst v63  }
0x6b: {  	_ =	swait.ge [sflag:s14], $0x1900  }
0x6c: {  	[sflag:s14] =	ssyncset.done $0x0  }
0x6d: {  	[sflag:s14] =	ssyncadd.s32 $0xFFFFE700  }
0x6e: {  	[spmem:s1] =	stream.indirect.scatter.add.f32 [tilespmem:s2], [sflag:$0x8], $0x80, s15, s24, $0xb8;
	[tilespmem:$0x1F880] =	vst v63  }
0x6f: {  	_ =	swait.ge [sflag:s16], $0x1900  }
0x70: {  	[sflag:s16] =	ssyncset.done $0x0  }
0x71: {  	s18 =	simm.s32 $0x0;
	[sflag:s16] =	ssyncadd.s32 $0xFFFFE700  }
0x72: {  	[tilespmem:s30], [sflag:$0x3] =	stream.indirect.gather [hbm4b:s5+s24], $0x80, s17, s24, $0xb8;
	[tilespmem:$0x1F880] =	vst v63  }
.LBB2_2:
0x73: {  	_ =	swait.ge [sflag:s31], $0x1900  }
0x74: {  	s26 =	sshra.s32 s18, $0x2;
	[sflag:s31] =	ssyncset.done $0x0  }
0x75: {  	s29 =	sadd.s32 $0x2A00, s26;
	[sflag:s31] =	ssyncadd.s32 $0xFFFFE700  }
0x76: {  	[spmem:s1] =	stream.indirect.scatter.add.f32 [tilespmem:s25], [sflag:$0x5], $0x80, s29, s24, $0xb8;
	[tilespmem:$0x1F880] =	vst v63  }
0x77: {  	_ =	swait.ge [sflag:s19], $0x1900  }
0x78: {  	[sflag:s19] =	ssyncset.done $0x0  }
0x79: {  	s7 =	sadd.s32 $0x380, s26;
	[sflag:s19] =	ssyncadd.s32 $0xFFFFE700  }
0x7a: {  	[tilespmem:s2], [sflag:$0x4] =	stream.indirect.gather [hbm4b:s5+s24], $0x80, s7, s24, $0xb8;
	[tilespmem:$0x1F880] =	vst v63  }
0x7b: {  	_ =	swait.ge [sflag:s4], $0x1900  }
0x7c: {  	p1 =	seq.s32 s18, $0x9000;
	[sflag:s4] =	ssyncset.done $0x0  }
0x7d: {  	s9 =	sadd.s32 $0x2A80, s26;
	s29 =	simm.s32 @p1 $0x3;
	[sflag:s4] =	ssyncadd.s32 $0xFFFFE700  }
0x7e: {  	[spmem:s1] =	stream.indirect.scatter.add.f32 [tilespmem:s28], [sflag:$0x6], $0x80, s9, s24, $0xb8;
	[tilespmem:$0x1F880] =	vst v63  }
0x7f: {  	_ =	swait.ge @p1 [sflag:s29], $0x1900  }
0x80: {  	[sflag:s29] =	ssyncset.done @p1 $0x0  }
0x81: {  	[sflag:s29] =	ssyncadd.s32 @p1 $0xFFFFE700;
	s29 =	sshra.s32 @p1 s18, $0x2  }
0x82: {  	s0 =	simm.s32 @p1 $0x32;
	s7 =	simm.s32 @p1 $0x8800;
	s29 =	sadd.s32 @p1 $0x2B00, s29  }
0x83: {  	[spmem:s1] =	stream.indirect.scatter.add.f32 @p1 [tilespmem:s7], [sflag:$0x7], $0x80, s29, s0, $0xb8;
	[tilespmem:$0x1F880] =	vst v63  }
0x84: {  	s0 =	simm.s32 @!p1 $0x5  }
0x85: {  	_ =	swait.ge @!p1 [sflag:s0], $0x1900  }
0x86: {  	[sflag:s0] =	ssyncset.done @!p1 $0x0  }
0x87: {  	[sflag:s0] =	ssyncadd.s32 @!p1 $0xFFFFE700;
	s0 =	sshra.s32 @!p1 s18, $0x2  }
0x88: {  	s9 =	simm.s32 @!p1 $0x5000;
	s29 =	simm.s32 @!p1 $0x32;
	s7 =	sadd.s32 @!p1 $0x400, s0  }
0x89: {  	[tilespmem:s9], [sflag:$0x1] =	stream.indirect.gather @!p1 [hbm4b:s5+s29], $0x80, s7, s29, $0xb8;
	[tilespmem:$0x1F880] =	vst v63  }
0x8a: {  	s7 =	simm.s32 @!p1 $0x3  }
0x8b: {  	_ =	swait.ge @!p1 [sflag:s7], $0x1900  }
0x8c: {  	[sflag:s7] =	ssyncset.done @!p1 $0x0  }
0x8d: {  	s9 =	simm.s32 @!p1 $0x8800;
	[sflag:s7] =	ssyncadd.s32 @!p1 $0xFFFFE700;
	s7 =	sadd.s32 @!p1 $0x2B00, s0  }
0x8e: {  	[spmem:s1] =	stream.indirect.scatter.add.f32 @!p1 [tilespmem:s9], [sflag:$0x7], $0x80, s7, s29, $0xb8;
	[tilespmem:$0x1F880] =	vst v63  }
0x8f: {  	s7 =	simm.s32 @!p1 $0x6  }
0x90: {  	_ =	swait.ge @!p1 [sflag:s7], $0x1900  }
0x91: {  	[sflag:s7] =	ssyncset.done @!p1 $0x0  }
0x92: {  	s0 =	sadd.s32 @!p1 $0x480, s0;
	[sflag:s7] =	ssyncadd.s32 @!p1 $0xFFFFE700;
	s7 =	simm.s32 @!p1 $0x6C00  }
0x93: {  	[tilespmem:s7], [sflag:$0x2] =	stream.indirect.gather @!p1 [hbm4b:s5+s29], $0x80, s0, s29, $0xb8;
	[tilespmem:$0x1F880] =	vst v63  }
.Ltmp2:
0x94: {  	_ = 	snop;
	(pc) =	sbr.rel @p1 .LBB2_4-.Ltmp2, $4  }
0x95: {  	_ =	swait.ge [sflag:s14], $0x1900  }
0x96: {  	[sflag:s14] =	ssyncset.done $0x0  }
0x97: {  	s29 =	sadd.s32 $0x2B80, s26;
	[sflag:s14] =	ssyncadd.s32 $0xFFFFE700  }
0x98: {  	[spmem:s1] =	stream.indirect.scatter.add.f32 [tilespmem:s2], [sflag:$0x8], $0x80, s29, s24, $0xb8;
	[tilespmem:$0x1F880] =	vst v63  }
.Ltmp3:
0x99: {  	(pc) =	sbr.rel .LBB2_2-.Ltmp3, $4  }
0x9a: {  	_ =	swait.ge [sflag:s16], $0x1900  }
0x9b: {  	[sflag:s16] =	ssyncset.done $0x0  }
0x9c: {  	s0 =	sadd.s32 $0x500, s26;
	s18 =	sadd.s32 $0x800, s18;
	[sflag:s16] =	ssyncadd.s32 $0xFFFFE700  }
0x9d: {  	[tilespmem:s30], [sflag:$0x3] =	stream.indirect.gather [hbm4b:s5+s24], $0x80, s0, s24, $0xb8;
	[tilespmem:$0x1F880] =	vst v63  }
.LBB2_4:
0x9e: {  	_ =	swait.ge [sflag:s8], $0x1900  }
0x9f: {  	[sflag:s8] =	ssyncset.done $0x0  }
0xa0: {  	[sflag:s8] =	ssyncadd.s32 $0xFFFFE700  }
0xa1: {  	_ =	swait.ge [sflag:s12], $0x1900  }
0xa2: {  	[sflag:s12] =	ssyncset.done $0x0  }
0xa3: {  	[sflag:s12] =	ssyncadd.s32 $0xFFFFE700  }
0xa4: {  	_ =	swait.ge [sflag:s16], $0x1900  }
0xa5: {  	[sflag:s16] =	ssyncset.done $0x0  }
0xa6: {  	[sflag:s16] =	ssyncadd.s32 $0xFFFFE700  }
0xa7: {  	_ =	swait.ge [sflag:s19], $0x1900  }
0xa8: {  	[sflag:s19] =	ssyncset.done $0x0  }
0xa9: {  	s18 =	simm.s32 $0x0;
	s0 =	rddreg [dreg:$0x8];
	[sflag:s19] =	ssyncadd.s32 $0xFFFFE700  }
0xaa: {  	[tilespmem:s18], [sflag:$0x9] =	stream.linear.gather [hbm4b:s0+s18], $0x2800, $0x38;
	[tilespmem:$0x1F880] =	vst v63  }
0xab: {  	_ =	swait.ge [sflag:s22], $0x2800  }
0xac: {  	[sflag:s22] =	ssyncset.done $0x0  }
0xad: {  	s26 =	rddreg [dreg:$0x9];
	[sflag:s22] =	ssyncadd.s32 $0xFFFFD800  }
0xae: {  	[tilespmem:s23], [sflag:$0x9] =	stream.linear.gather [hbm4b:s26+s18], $0x2800, $0x38;
	[tilespmem:$0x1F880] =	vst v63  }
0xaf: {  	_ =	swait.ge [sflag:s22], $0x2800  }
0xb0: {  	[sflag:s22] =	ssyncset.done $0x0  }
0xb1: {  	[sflag:s22] =	ssyncadd.s32 $0xFFFFD800  }
0xb2: {  	[tilespmem:s25], [sflag:$0x1] =	stream.indirect.gather [hbm4b:s5+s24], $0x80, s18, s24, $0xb8;
	[tilespmem:$0x1F880] =	vst v63  }
0xb3: {  	s29 =	simm.s32 $0x80  }
0xb4: {  	[tilespmem:s28], [sflag:$0x2] =	stream.indirect.gather [hbm4b:s5+s24], $0x80, s29, s24, $0xb8;
	[tilespmem:$0x1F880] =	vst v63  }
0xb5: {  	s7 =	simm.s32 $0x100  }
0xb6: {  	[tilespmem:s30], [sflag:$0x3] =	stream.indirect.gather [hbm4b:s5+s24], $0x80, s7, s24, $0xb8;
	[tilespmem:$0x1F880] =	vst v63  }
0xb7: {  	_ =	swait.ge [sflag:s31], $0x1900  }
0xb8: {  	[sflag:s31] =	ssyncset.done $0x0  }
0xb9: {  	[sflag:s31] =	ssyncadd.s32 $0xFFFFE700  }
0xba: {  	[spmem:s1] =	stream.indirect.scatter.add.f32 [tilespmem:s25], [sflag:$0x5], $0x80, s23, s24, $0xb8;
	[tilespmem:$0x1F880] =	vst v63  }
0xbb: {  	s9 =	simm.s32 $0x180  }
0xbc: {  	[tilespmem:s2], [sflag:$0x4] =	stream.indirect.gather [hbm4b:s5+s24], $0x80, s9, s24, $0xb8;
	[tilespmem:$0x1F880] =	vst v63  }
0xbd: {  	_ =	swait.ge [sflag:s4], $0x1900  }
0xbe: {  	[sflag:s4] =	ssyncset.done $0x0  }
0xbf: {  	s26 =	simm.s32 $0x2880;
	[sflag:s4] =	ssyncadd.s32 $0xFFFFE700  }
0xc0: {  	[spmem:s1] =	stream.indirect.scatter.add.f32 [tilespmem:s28], [sflag:$0x6], $0x80, s26, s24, $0xb8;
	[tilespmem:$0x1F880] =	vst v63  }
0xc1: {  	_ =	swait.ge [sflag:s8], $0x1900  }
0xc2: {  	[sflag:s8] =	ssyncset.done $0x0  }
0xc3: {  	s29 =	simm.s32 $0x200;
	[sflag:s8] =	ssyncadd.s32 $0xFFFFE700  }
0xc4: {  	[tilespmem:s25], [sflag:$0x1] =	stream.indirect.gather [hbm4b:s5+s24], $0x80, s29, s24, $0xb8;
	[tilespmem:$0x1F880] =	vst v63  }
0xc5: {  	_ =	swait.ge [sflag:s10], $0x1900  }
0xc6: {  	[sflag:s10] =	ssyncset.done $0x0  }
0xc7: {  	[sflag:s10] =	ssyncadd.s32 $0xFFFFE700  }
0xc8: {  	[spmem:s1] =	stream.indirect.scatter.add.f32 [tilespmem:s30], [sflag:$0x7], $0x80, s11, s24, $0xb8;
	[tilespmem:$0x1F880] =	vst v63  }
0xc9: {  	_ =	swait.ge [sflag:s12], $0x1900  }
0xca: {  	[sflag:s12] =	ssyncset.done $0x0  }
0xcb: {  	[sflag:s12] =	ssyncadd.s32 $0xFFFFE700  }
0xcc: {  	[tilespmem:s28], [sflag:$0x2] =	stream.indirect.gather [hbm4b:s5+s24], $0x80, s13, s24, $0xb8;
	[tilespmem:$0x1F880] =	vst v63  }
0xcd: {  	_ =	swait.ge [sflag:s14], $0x1900  }
0xce: {  	[sflag:s14] =	ssyncset.done $0x0  }
0xcf: {  	[sflag:s14] =	ssyncadd.s32 $0xFFFFE700  }
0xd0: {  	[spmem:s1] =	stream.indirect.scatter.add.f32 [tilespmem:s2], [sflag:$0x8], $0x80, s15, s24, $0xb8;
	[tilespmem:$0x1F880] =	vst v63  }
0xd1: {  	_ =	swait.ge [sflag:s16], $0x1900  }
0xd2: {  	[sflag:s16] =	ssyncset.done $0x0  }
0xd3: {  	[sflag:s16] =	ssyncadd.s32 $0xFFFFE700  }
0xd4: {  	[tilespmem:s30], [sflag:$0x3] =	stream.indirect.gather [hbm4b:s5+s24], $0x80, s17, s24, $0xb8;
	[tilespmem:$0x1F880] =	vst v63  }
.LBB2_5:
0xd5: {  	_ =	swait.ge [sflag:s31], $0x1900  }
0xd6: {  	s26 =	sshra.s32 s18, $0x2;
	[sflag:s31] =	ssyncset.done $0x0  }
0xd7: {  	s0 =	sadd.s32 $0x2A00, s26;
	[sflag:s31] =	ssyncadd.s32 $0xFFFFE700  }
0xd8: {  	[spmem:s1] =	stream.indirect.scatter.add.f32 [tilespmem:s25], [sflag:$0x5], $0x80, s0, s24, $0xb8;
	[tilespmem:$0x1F880] =	vst v63  }
0xd9: {  	_ =	swait.ge [sflag:s19], $0x1900  }
0xda: {  	[sflag:s19] =	ssyncset.done $0x0  }
0xdb: {  	s7 =	sadd.s32 $0x380, s26;
	[sflag:s19] =	ssyncadd.s32 $0xFFFFE700  }
0xdc: {  	[tilespmem:s2], [sflag:$0x4] =	stream.indirect.gather [hbm4b:s5+s24], $0x80, s7, s24, $0xb8;
	[tilespmem:$0x1F880] =	vst v63  }
0xdd: {  	_ =	swait.ge [sflag:s4], $0x1900  }
0xde: {  	p1 =	seq.s32 s18, $0x9000;
	[sflag:s4] =	ssyncset.done $0x0  }
0xdf: {  	s9 =	sadd.s32 $0x2A80, s26;
	s0 =	simm.s32 @p1 $0x3;
	[sflag:s4] =	ssyncadd.s32 $0xFFFFE700  }
0xe0: {  	[spmem:s1] =	stream.indirect.scatter.add.f32 [tilespmem:s28], [sflag:$0x6], $0x80, s9, s24, $0xb8;
	[tilespmem:$0x1F880] =	vst v63  }
0xe1: {  	_ =	swait.ge @p1 [sflag:s0], $0x1900  }
0xe2: {  	[sflag:s0] =	ssyncset.done @p1 $0x0  }
0xe3: {  	[sflag:s0] =	ssyncadd.s32 @p1 $0xFFFFE700;
	s0 =	sshra.s32 @p1 s18, $0x2  }
0xe4: {  	s7 =	simm.s32 @p1 $0x32;
	s9 =	simm.s32 @p1 $0x8800;
	s0 =	sadd.s32 @p1 $0x2B00, s0  }
0xe5: {  	[spmem:s1] =	stream.indirect.scatter.add.f32 @p1 [tilespmem:s9], [sflag:$0x7], $0x80, s0, s7, $0xb8;
	[tilespmem:$0x1F880] =	vst v63  }
0xe6: {  	s0 =	simm.s32 @!p1 $0x5  }
0xe7: {  	_ =	swait.ge @!p1 [sflag:s0], $0x1900  }
0xe8: {  	[sflag:s0] =	ssyncset.done @!p1 $0x0  }
0xe9: {  	[sflag:s0] =	ssyncadd.s32 @!p1 $0xFFFFE700;
	s0 =	sshra.s32 @!p1 s18, $0x2  }
0xea: {  	s29 =	simm.s32 @!p1 $0x5000;
	s9 =	simm.s32 @!p1 $0x32;
	s7 =	sadd.s32 @!p1 $0x400, s0  }
0xeb: {  	[tilespmem:s29], [sflag:$0x1] =	stream.indirect.gather @!p1 [hbm4b:s5+s9], $0x80, s7, s9, $0xb8;
	[tilespmem:$0x1F880] =	vst v63  }
0xec: {  	s7 =	simm.s32 @!p1 $0x3  }
0xed: {  	_ =	swait.ge @!p1 [sflag:s7], $0x1900  }
0xee: {  	[sflag:s7] =	ssyncset.done @!p1 $0x0  }
0xef: {  	s29 =	simm.s32 @!p1 $0x8800;
	[sflag:s7] =	ssyncadd.s32 @!p1 $0xFFFFE700;
	s7 =	sadd.s32 @!p1 $0x2B00, s0  }
0xf0: {  	[spmem:s1] =	stream.indirect.scatter.add.f32 @!p1 [tilespmem:s29], [sflag:$0x7], $0x80, s7, s9, $0xb8;
	[tilespmem:$0x1F880] =	vst v63  }
0xf1: {  	s7 =	simm.s32 @!p1 $0x6  }
0xf2: {  	_ =	swait.ge @!p1 [sflag:s7], $0x1900  }
0xf3: {  	[sflag:s7] =	ssyncset.done @!p1 $0x0  }
0xf4: {  	s0 =	sadd.s32 @!p1 $0x480, s0;
	[sflag:s7] =	ssyncadd.s32 @!p1 $0xFFFFE700;
	s7 =	simm.s32 @!p1 $0x6C00  }
0xf5: {  	[tilespmem:s7], [sflag:$0x2] =	stream.indirect.gather @!p1 [hbm4b:s5+s9], $0x80, s0, s9, $0xb8;
	[tilespmem:$0x1F880] =	vst v63  }
.Ltmp4:
0xf6: {  	_ = 	snop;
	(pc) =	sbr.rel @p1 .LBB2_7-.Ltmp4, $4  }
0xf7: {  	_ =	swait.ge [sflag:s14], $0x1900  }
0xf8: {  	[sflag:s14] =	ssyncset.done $0x0  }
0xf9: {  	s29 =	sadd.s32 $0x2B80, s26;
	[sflag:s14] =	ssyncadd.s32 $0xFFFFE700  }
0xfa: {  	[spmem:s1] =	stream.indirect.scatter.add.f32 [tilespmem:s2], [sflag:$0x8], $0x80, s29, s24, $0xb8;
	[tilespmem:$0x1F880] =	vst v63  }
.Ltmp5:
0xfb: {  	(pc) =	sbr.rel .LBB2_5-.Ltmp5, $4  }
0xfc: {  	_ =	swait.ge [sflag:s16], $0x1900  }
0xfd: {  	[sflag:s16] =	ssyncset.done $0x0  }
0xfe: {  	s0 =	sadd.s32 $0x500, s26;
	s18 =	sadd.s32 $0x800, s18;
	[sflag:s16] =	ssyncadd.s32 $0xFFFFE700  }
0xff: {  	[tilespmem:s30], [sflag:$0x3] =	stream.indirect.gather [hbm4b:s5+s24], $0x80, s0, s24, $0xb8;
	[tilespmem:$0x1F880] =	vst v63  }
.LBB2_7:
0x100: {  	_ =	swait.ge [sflag:s8], $0x1900  }
0x101: {  	[sflag:s8] =	ssyncset.done $0x0  }
0x102: {  	[sflag:s8] =	ssyncadd.s32 $0xFFFFE700  }
0x103: {  	_ =	swait.ge [sflag:s12], $0x1900  }
0x104: {  	[sflag:s12] =	ssyncset.done $0x0  }
0x105: {  	[sflag:s12] =	ssyncadd.s32 $0xFFFFE700  }
0x106: {  	_ =	swait.ge [sflag:s16], $0x1900  }
0x107: {  	[sflag:s16] =	ssyncset.done $0x0  }
0x108: {  	[sflag:s16] =	ssyncadd.s32 $0xFFFFE700  }
0x109: {  	_ =	swait.ge [sflag:s19], $0x1900  }
0x10a: {  	[sflag:s19] =	ssyncset.done $0x0  }
0x10b: {  	s18 =	simm.s32 $0x0;
	s0 =	rddreg [dreg:$0xa];
	[sflag:s19] =	ssyncadd.s32 $0xFFFFE700  }
0x10c: {  	[tilespmem:s18], [sflag:$0x9] =	stream.linear.gather [hbm4b:s0+s18], $0x2800, $0x38;
	[tilespmem:$0x1F880] =	vst v63  }
0x10d: {  	_ =	swait.ge [sflag:s22], $0x2800  }
0x10e: {  	[sflag:s22] =	ssyncset.done $0x0  }
0x10f: {  	s26 =	rddreg [dreg:$0xb];
	[sflag:s22] =	ssyncadd.s32 $0xFFFFD800  }
0x110: {  	[tilespmem:s23], [sflag:$0x9] =	stream.linear.gather [hbm4b:s26+s18], $0x2800, $0x38;
	[tilespmem:$0x1F880] =	vst v63  }
0x111: {  	_ =	swait.ge [sflag:s22], $0x2800  }
0x112: {  	[sflag:s22] =	ssyncset.done $0x0  }
0x113: {  	[sflag:s22] =	ssyncadd.s32 $0xFFFFD800  }
0x114: {  	[tilespmem:s25], [sflag:$0x1] =	stream.indirect.gather [hbm4b:s5+s24], $0x80, s18, s24, $0xb8;
	[tilespmem:$0x1F880] =	vst v63  }
0x115: {  	s29 =	simm.s32 $0x80  }
0x116: {  	[tilespmem:s28], [sflag:$0x2] =	stream.indirect.gather [hbm4b:s5+s24], $0x80, s29, s24, $0xb8;
	[tilespmem:$0x1F880] =	vst v63  }
0x117: {  	s7 =	simm.s32 $0x100  }
0x118: {  	[tilespmem:s30], [sflag:$0x3] =	stream.indirect.gather [hbm4b:s5+s24], $0x80, s7, s24, $0xb8;
	[tilespmem:$0x1F880] =	vst v63  }
0x119: {  	_ =	swait.ge [sflag:s31], $0x1900  }
0x11a: {  	[sflag:s31] =	ssyncset.done $0x0  }
0x11b: {  	[sflag:s31] =	ssyncadd.s32 $0xFFFFE700  }
0x11c: {  	[spmem:s1] =	stream.indirect.scatter.add.f32 [tilespmem:s25], [sflag:$0x5], $0x80, s23, s24, $0xb8;
	[tilespmem:$0x1F880] =	vst v63  }
0x11d: {  	s9 =	simm.s32 $0x180  }
0x11e: {  	[tilespmem:s2], [sflag:$0x4] =	stream.indirect.gather [hbm4b:s5+s24], $0x80, s9, s24, $0xb8;
	[tilespmem:$0x1F880] =	vst v63  }
0x11f: {  	_ =	swait.ge [sflag:s4], $0x1900  }
0x120: {  	[sflag:s4] =	ssyncset.done $0x0  }
0x121: {  	s26 =	simm.s32 $0x2880;
	[sflag:s4] =	ssyncadd.s32 $0xFFFFE700  }
0x122: {  	[spmem:s1] =	stream.indirect.scatter.add.f32 [tilespmem:s28], [sflag:$0x6], $0x80, s26, s24, $0xb8;
	[tilespmem:$0x1F880] =	vst v63  }
0x123: {  	_ =	swait.ge [sflag:s8], $0x1900  }
0x124: {  	[sflag:s8] =	ssyncset.done $0x0  }
0x125: {  	s29 =	simm.s32 $0x200;
	[sflag:s8] =	ssyncadd.s32 $0xFFFFE700  }
0x126: {  	[tilespmem:s25], [sflag:$0x1] =	stream.indirect.gather [hbm4b:s5+s24], $0x80, s29, s24, $0xb8;
	[tilespmem:$0x1F880] =	vst v63  }
0x127: {  	_ =	swait.ge [sflag:s10], $0x1900  }
0x128: {  	[sflag:s10] =	ssyncset.done $0x0  }
0x129: {  	[sflag:s10] =	ssyncadd.s32 $0xFFFFE700  }
0x12a: {  	[spmem:s1] =	stream.indirect.scatter.add.f32 [tilespmem:s30], [sflag:$0x7], $0x80, s11, s24, $0xb8;
	[tilespmem:$0x1F880] =	vst v63  }
0x12b: {  	_ =	swait.ge [sflag:s12], $0x1900  }
0x12c: {  	[sflag:s12] =	ssyncset.done $0x0  }
0x12d: {  	[sflag:s12] =	ssyncadd.s32 $0xFFFFE700  }
0x12e: {  	[tilespmem:s28], [sflag:$0x2] =	stream.indirect.gather [hbm4b:s5+s24], $0x80, s13, s24, $0xb8;
	[tilespmem:$0x1F880] =	vst v63  }
0x12f: {  	_ =	swait.ge [sflag:s14], $0x1900  }
0x130: {  	[sflag:s14] =	ssyncset.done $0x0  }
0x131: {  	[sflag:s14] =	ssyncadd.s32 $0xFFFFE700  }
0x132: {  	[spmem:s1] =	stream.indirect.scatter.add.f32 [tilespmem:s2], [sflag:$0x8], $0x80, s15, s24, $0xb8;
	[tilespmem:$0x1F880] =	vst v63  }
0x133: {  	_ =	swait.ge [sflag:s16], $0x1900  }
0x134: {  	[sflag:s16] =	ssyncset.done $0x0  }
0x135: {  	[sflag:s16] =	ssyncadd.s32 $0xFFFFE700  }
0x136: {  	[tilespmem:s30], [sflag:$0x3] =	stream.indirect.gather [hbm4b:s5+s24], $0x80, s17, s24, $0xb8;
	[tilespmem:$0x1F880] =	vst v63  }
.LBB2_8:
0x137: {  	_ =	swait.ge [sflag:s31], $0x1900  }
0x138: {  	s26 =	sshra.s32 s18, $0x2;
	[sflag:s31] =	ssyncset.done $0x0  }
0x139: {  	s0 =	sadd.s32 $0x2A00, s26;
	[sflag:s31] =	ssyncadd.s32 $0xFFFFE700  }
0x13a: {  	[spmem:s1] =	stream.indirect.scatter.add.f32 [tilespmem:s25], [sflag:$0x5], $0x80, s0, s24, $0xb8;
	[tilespmem:$0x1F880] =	vst v63  }
0x13b: {  	_ =	swait.ge [sflag:s19], $0x1900  }
0x13c: {  	[sflag:s19] =	ssyncset.done $0x0  }
0x13d: {  	s7 =	sadd.s32 $0x380, s26;
	[sflag:s19] =	ssyncadd.s32 $0xFFFFE700  }
0x13e: {  	[tilespmem:s2], [sflag:$0x4] =	stream.indirect.gather [hbm4b:s5+s24], $0x80, s7, s24, $0xb8;
	[tilespmem:$0x1F880] =	vst v63  }
0x13f: {  	_ =	swait.ge [sflag:s4], $0x1900  }
0x140: {  	p1 =	seq.s32 s18, $0x9000;
	[sflag:s4] =	ssyncset.done $0x0  }
0x141: {  	s9 =	sadd.s32 $0x2A80, s26;
	s0 =	simm.s32 @p1 $0x3;
	[sflag:s4] =	ssyncadd.s32 $0xFFFFE700  }
0x142: {  	[spmem:s1] =	stream.indirect.scatter.add.f32 [tilespmem:s28], [sflag:$0x6], $0x80, s9, s24, $0xb8;
	[tilespmem:$0x1F880] =	vst v63  }
0x143: {  	_ =	swait.ge @p1 [sflag:s0], $0x1900  }
0x144: {  	[sflag:s0] =	ssyncset.done @p1 $0x0  }
0x145: {  	[sflag:s0] =	ssyncadd.s32 @p1 $0xFFFFE700;
	s0 =	sshra.s32 @p1 s18, $0x2  }
0x146: {  	s7 =	simm.s32 @p1 $0x32;
	s9 =	simm.s32 @p1 $0x8800;
	s0 =	sadd.s32 @p1 $0x2B00, s0  }
0x147: {  	[spmem:s1] =	stream.indirect.scatter.add.f32 @p1 [tilespmem:s9], [sflag:$0x7], $0x80, s0, s7, $0xb8;
	[tilespmem:$0x1F880] =	vst v63  }
0x148: {  	s0 =	simm.s32 @!p1 $0x5  }
0x149: {  	_ =	swait.ge @!p1 [sflag:s0], $0x1900  }
0x14a: {  	[sflag:s0] =	ssyncset.done @!p1 $0x0  }
0x14b: {  	[sflag:s0] =	ssyncadd.s32 @!p1 $0xFFFFE700;
	s0 =	sshra.s32 @!p1 s18, $0x2  }
0x14c: {  	s29 =	simm.s32 @!p1 $0x5000;
	s9 =	simm.s32 @!p1 $0x32;
	s7 =	sadd.s32 @!p1 $0x400, s0  }
0x14d: {  	[tilespmem:s29], [sflag:$0x1] =	stream.indirect.gather @!p1 [hbm4b:s5+s9], $0x80, s7, s9, $0xb8;
	[tilespmem:$0x1F880] =	vst v63  }
0x14e: {  	s7 =	simm.s32 @!p1 $0x3  }
0x14f: {  	_ =	swait.ge @!p1 [sflag:s7], $0x1900  }
0x150: {  	[sflag:s7] =	ssyncset.done @!p1 $0x0  }
0x151: {  	s29 =	simm.s32 @!p1 $0x8800;
	[sflag:s7] =	ssyncadd.s32 @!p1 $0xFFFFE700;
	s7 =	sadd.s32 @!p1 $0x2B00, s0  }
0x152: {  	[spmem:s1] =	stream.indirect.scatter.add.f32 @!p1 [tilespmem:s29], [sflag:$0x7], $0x80, s7, s9, $0xb8;
	[tilespmem:$0x1F880] =	vst v63  }
0x153: {  	s7 =	simm.s32 @!p1 $0x6  }
0x154: {  	_ =	swait.ge @!p1 [sflag:s7], $0x1900  }
0x155: {  	[sflag:s7] =	ssyncset.done @!p1 $0x0  }
0x156: {  	s0 =	sadd.s32 @!p1 $0x480, s0;
	[sflag:s7] =	ssyncadd.s32 @!p1 $0xFFFFE700;
	s7 =	simm.s32 @!p1 $0x6C00  }
0x157: {  	[tilespmem:s7], [sflag:$0x2] =	stream.indirect.gather @!p1 [hbm4b:s5+s9], $0x80, s0, s9, $0xb8;
	[tilespmem:$0x1F880] =	vst v63  }
.Ltmp6:
0x158: {  	_ = 	snop;
	(pc) =	sbr.rel @p1 .LBB2_10-.Ltmp6, $4  }
0x159: {  	_ =	swait.ge [sflag:s14], $0x1900  }
0x15a: {  	[sflag:s14] =	ssyncset.done $0x0  }
0x15b: {  	s29 =	sadd.s32 $0x2B80, s26;
	[sflag:s14] =	ssyncadd.s32 $0xFFFFE700  }
0x15c: {  	[spmem:s1] =	stream.indirect.scatter.add.f32 [tilespmem:s2], [sflag:$0x8], $0x80, s29, s24, $0xb8;
	[tilespmem:$0x1F880] =	vst v63  }
.Ltmp7:
0x15d: {  	(pc) =	sbr.rel .LBB2_8-.Ltmp7, $4  }
0x15e: {  	_ =	swait.ge [sflag:s16], $0x1900  }
0x15f: {  	[sflag:s16] =	ssyncset.done $0x0  }
0x160: {  	s0 =	sadd.s32 $0x500, s26;
	s18 =	sadd.s32 $0x800, s18;
	[sflag:s16] =	ssyncadd.s32 $0xFFFFE700  }
0x161: {  	[tilespmem:s30], [sflag:$0x3] =	stream.indirect.gather [hbm4b:s5+s24], $0x80, s0, s24, $0xb8;
	[tilespmem:$0x1F880] =	vst v63  }
.LBB2_10:
0x162: {  	_ =	swait.ge [sflag:s8], $0x1900  }
0x163: {  	[sflag:s8] =	ssyncset.done $0x0  }
0x164: {  	[sflag:s8] =	ssyncadd.s32 $0xFFFFE700  }
0x165: {  	_ =	swait.ge [sflag:s12], $0x1900  }
0x166: {  	[sflag:s12] =	ssyncset.done $0x0  }
0x167: {  	[sflag:s12] =	ssyncadd.s32 $0xFFFFE700  }
0x168: {  	_ =	swait.ge [sflag:s16], $0x1900  }
0x169: {  	[sflag:s16] =	ssyncset.done $0x0  }
0x16a: {  	[sflag:s16] =	ssyncadd.s32 $0xFFFFE700  }
0x16b: {  	_ =	swait.ge [sflag:s19], $0x1900  }
0x16c: {  	[sflag:s19] =	ssyncset.done $0x0  }
0x16d: {  	s18 =	simm.s32 $0x0;
	s0 =	rddreg [dreg:$0xc];
	[sflag:s19] =	ssyncadd.s32 $0xFFFFE700  }
0x16e: {  	[tilespmem:s18], [sflag:$0x9] =	stream.linear.gather [hbm4b:s0+s18], $0x2800, $0x38;
	[tilespmem:$0x1F880] =	vst v63  }
0x16f: {  	_ =	swait.ge [sflag:s22], $0x2800  }
0x170: {  	[sflag:s22] =	ssyncset.done $0x0  }
0x171: {  	s26 =	rddreg [dreg:$0xd];
	[sflag:s22] =	ssyncadd.s32 $0xFFFFD800  }
0x172: {  	[tilespmem:s23], [sflag:$0x9] =	stream.linear.gather [hbm4b:s26+s18], $0x2800, $0x38;
	[tilespmem:$0x1F880] =	vst v63  }
0x173: {  	_ =	swait.ge [sflag:s22], $0x2800  }
0x174: {  	[sflag:s22] =	ssyncset.done $0x0  }
0x175: {  	[sflag:s22] =	ssyncadd.s32 $0xFFFFD800  }
0x176: {  	[tilespmem:s25], [sflag:$0x1] =	stream.indirect.gather [hbm4b:s5+s24], $0x80, s18, s24, $0xb8;
	[tilespmem:$0x1F880] =	vst v63  }
0x177: {  	s29 =	simm.s32 $0x80  }
0x178: {  	[tilespmem:s28], [sflag:$0x2] =	stream.indirect.gather [hbm4b:s5+s24], $0x80, s29, s24, $0xb8;
	[tilespmem:$0x1F880] =	vst v63  }
0x179: {  	s7 =	simm.s32 $0x100  }
0x17a: {  	[tilespmem:s30], [sflag:$0x3] =	stream.indirect.gather [hbm4b:s5+s24], $0x80, s7, s24, $0xb8;
	[tilespmem:$0x1F880] =	vst v63  }
0x17b: {  	_ =	swait.ge [sflag:s31], $0x1900  }
0x17c: {  	[sflag:s31] =	ssyncset.done $0x0  }
0x17d: {  	[sflag:s31] =	ssyncadd.s32 $0xFFFFE700  }
0x17e: {  	[spmem:s1] =	stream.indirect.scatter.add.f32 [tilespmem:s25], [sflag:$0x5], $0x80, s23, s24, $0xb8;
	[tilespmem:$0x1F880] =	vst v63  }
0x17f: {  	s9 =	simm.s32 $0x180  }
0x180: {  	[tilespmem:s2], [sflag:$0x4] =	stream.indirect.gather [hbm4b:s5+s24], $0x80, s9, s24, $0xb8;
	[tilespmem:$0x1F880] =	vst v63  }
0x181: {  	_ =	swait.ge [sflag:s4], $0x1900  }
0x182: {  	[sflag:s4] =	ssyncset.done $0x0  }
0x183: {  	s26 =	simm.s32 $0x2880;
	[sflag:s4] =	ssyncadd.s32 $0xFFFFE700  }
0x184: {  	[spmem:s1] =	stream.indirect.scatter.add.f32 [tilespmem:s28], [sflag:$0x6], $0x80, s26, s24, $0xb8;
	[tilespmem:$0x1F880] =	vst v63  }
0x185: {  	_ =	swait.ge [sflag:s8], $0x1900  }
0x186: {  	[sflag:s8] =	ssyncset.done $0x0  }
0x187: {  	s29 =	simm.s32 $0x200;
	[sflag:s8] =	ssyncadd.s32 $0xFFFFE700  }
0x188: {  	[tilespmem:s25], [sflag:$0x1] =	stream.indirect.gather [hbm4b:s5+s24], $0x80, s29, s24, $0xb8;
	[tilespmem:$0x1F880] =	vst v63  }
0x189: {  	_ =	swait.ge [sflag:s10], $0x1900  }
0x18a: {  	[sflag:s10] =	ssyncset.done $0x0  }
0x18b: {  	[sflag:s10] =	ssyncadd.s32 $0xFFFFE700  }
0x18c: {  	[spmem:s1] =	stream.indirect.scatter.add.f32 [tilespmem:s30], [sflag:$0x7], $0x80, s11, s24, $0xb8;
	[tilespmem:$0x1F880] =	vst v63  }
0x18d: {  	_ =	swait.ge [sflag:s12], $0x1900  }
0x18e: {  	[sflag:s12] =	ssyncset.done $0x0  }
0x18f: {  	[sflag:s12] =	ssyncadd.s32 $0xFFFFE700  }
0x190: {  	[tilespmem:s28], [sflag:$0x2] =	stream.indirect.gather [hbm4b:s5+s24], $0x80, s13, s24, $0xb8;
	[tilespmem:$0x1F880] =	vst v63  }
0x191: {  	_ =	swait.ge [sflag:s14], $0x1900  }
0x192: {  	[sflag:s14] =	ssyncset.done $0x0  }
0x193: {  	[sflag:s14] =	ssyncadd.s32 $0xFFFFE700  }
0x194: {  	[spmem:s1] =	stream.indirect.scatter.add.f32 [tilespmem:s2], [sflag:$0x8], $0x80, s15, s24, $0xb8;
	[tilespmem:$0x1F880] =	vst v63  }
0x195: {  	_ =	swait.ge [sflag:s16], $0x1900  }
0x196: {  	[sflag:s16] =	ssyncset.done $0x0  }
0x197: {  	[sflag:s16] =	ssyncadd.s32 $0xFFFFE700  }
0x198: {  	[tilespmem:s30], [sflag:$0x3] =	stream.indirect.gather [hbm4b:s5+s24], $0x80, s17, s24, $0xb8;
	[tilespmem:$0x1F880] =	vst v63  }
.LBB2_11:
0x199: {  	_ =	swait.ge [sflag:s31], $0x1900  }
0x19a: {  	s26 =	sshra.s32 s18, $0x2;
	[sflag:s31] =	ssyncset.done $0x0  }
0x19b: {  	s0 =	sadd.s32 $0x2A00, s26;
	[sflag:s31] =	ssyncadd.s32 $0xFFFFE700  }
0x19c: {  	[spmem:s1] =	stream.indirect.scatter.add.f32 [tilespmem:s25], [sflag:$0x5], $0x80, s0, s24, $0xb8;
	[tilespmem:$0x1F880] =	vst v63  }
0x19d: {  	_ =	swait.ge [sflag:s19], $0x1900  }
0x19e: {  	[sflag:s19] =	ssyncset.done $0x0  }
0x19f: {  	s7 =	sadd.s32 $0x380, s26;
	[sflag:s19] =	ssyncadd.s32 $0xFFFFE700  }
0x1a0: {  	[tilespmem:s2], [sflag:$0x4] =	stream.indirect.gather [hbm4b:s5+s24], $0x80, s7, s24, $0xb8;
	[tilespmem:$0x1F880] =	vst v63  }
0x1a1: {  	_ =	swait.ge [sflag:s4], $0x1900  }
0x1a2: {  	p1 =	seq.s32 s18, $0x9000;
	[sflag:s4] =	ssyncset.done $0x0  }
0x1a3: {  	s9 =	sadd.s32 $0x2A80, s26;
	s0 =	simm.s32 @p1 $0x3;
	[sflag:s4] =	ssyncadd.s32 $0xFFFFE700  }
0x1a4: {  	[spmem:s1] =	stream.indirect.scatter.add.f32 [tilespmem:s28], [sflag:$0x6], $0x80, s9, s24, $0xb8;
	[tilespmem:$0x1F880] =	vst v63  }
0x1a5: {  	_ =	swait.ge @p1 [sflag:s0], $0x1900  }
0x1a6: {  	[sflag:s0] =	ssyncset.done @p1 $0x0  }
0x1a7: {  	[sflag:s0] =	ssyncadd.s32 @p1 $0xFFFFE700;
	s0 =	sshra.s32 @p1 s18, $0x2  }
0x1a8: {  	s7 =	simm.s32 @p1 $0x32;
	s9 =	simm.s32 @p1 $0x8800;
	s0 =	sadd.s32 @p1 $0x2B00, s0  }
0x1a9: {  	[spmem:s1] =	stream.indirect.scatter.add.f32 @p1 [tilespmem:s9], [sflag:$0x7], $0x80, s0, s7, $0xb8;
	[tilespmem:$0x1F880] =	vst v63  }
0x1aa: {  	s0 =	simm.s32 @!p1 $0x5  }
0x1ab: {  	_ =	swait.ge @!p1 [sflag:s0], $0x1900  }
0x1ac: {  	[sflag:s0] =	ssyncset.done @!p1 $0x0  }
0x1ad: {  	[sflag:s0] =	ssyncadd.s32 @!p1 $0xFFFFE700;
	s0 =	sshra.s32 @!p1 s18, $0x2  }
0x1ae: {  	s29 =	simm.s32 @!p1 $0x5000;
	s9 =	simm.s32 @!p1 $0x32;
	s7 =	sadd.s32 @!p1 $0x400, s0  }
0x1af: {  	[tilespmem:s29], [sflag:$0x1] =	stream.indirect.gather @!p1 [hbm4b:s5+s9], $0x80, s7, s9, $0xb8;
	[tilespmem:$0x1F880] =	vst v63  }
0x1b0: {  	s7 =	simm.s32 @!p1 $0x3  }
0x1b1: {  	_ =	swait.ge @!p1 [sflag:s7], $0x1900  }
0x1b2: {  	[sflag:s7] =	ssyncset.done @!p1 $0x0  }
0x1b3: {  	s29 =	simm.s32 @!p1 $0x8800;
	[sflag:s7] =	ssyncadd.s32 @!p1 $0xFFFFE700;
	s7 =	sadd.s32 @!p1 $0x2B00, s0  }
0x1b4: {  	[spmem:s1] =	stream.indirect.scatter.add.f32 @!p1 [tilespmem:s29], [sflag:$0x7], $0x80, s7, s9, $0xb8;
	[tilespmem:$0x1F880] =	vst v63  }
0x1b5: {  	s7 =	simm.s32 @!p1 $0x6  }
0x1b6: {  	_ =	swait.ge @!p1 [sflag:s7], $0x1900  }
0x1b7: {  	[sflag:s7] =	ssyncset.done @!p1 $0x0  }
0x1b8: {  	s0 =	sadd.s32 @!p1 $0x480, s0;
	[sflag:s7] =	ssyncadd.s32 @!p1 $0xFFFFE700;
	s7 =	simm.s32 @!p1 $0x6C00  }
0x1b9: {  	[tilespmem:s7], [sflag:$0x2] =	stream.indirect.gather @!p1 [hbm4b:s5+s9], $0x80, s0, s9, $0xb8;
	[tilespmem:$0x1F880] =	vst v63  }
.Ltmp8:
0x1ba: {  	_ = 	snop;
	(pc) =	sbr.rel @p1 .LBB2_13-.Ltmp8, $4  }
0x1bb: {  	_ =	swait.ge [sflag:s14], $0x1900  }
0x1bc: {  	[sflag:s14] =	ssyncset.done $0x0  }
0x1bd: {  	s29 =	sadd.s32 $0x2B80, s26;
	[sflag:s14] =	ssyncadd.s32 $0xFFFFE700  }
0x1be: {  	[spmem:s1] =	stream.indirect.scatter.add.f32 [tilespmem:s2], [sflag:$0x8], $0x80, s29, s24, $0xb8;
	[tilespmem:$0x1F880] =	vst v63  }
.Ltmp9:
0x1bf: {  	(pc) =	sbr.rel .LBB2_11-.Ltmp9, $4  }
0x1c0: {  	_ =	swait.ge [sflag:s16], $0x1900  }
0x1c1: {  	[sflag:s16] =	ssyncset.done $0x0  }
0x1c2: {  	s0 =	sadd.s32 $0x500, s26;
	s18 =	sadd.s32 $0x800, s18;
	[sflag:s16] =	ssyncadd.s32 $0xFFFFE700  }
0x1c3: {  	[tilespmem:s30], [sflag:$0x3] =	stream.indirect.gather [hbm4b:s5+s24], $0x80, s0, s24, $0xb8;
	[tilespmem:$0x1F880] =	vst v63  }
.LBB2_13:
0x1c4: {  	_ =	swait.ge [sflag:s8], $0x1900  }
0x1c5: {  	[sflag:s8] =	ssyncset.done $0x0  }
0x1c6: {  	[sflag:s8] =	ssyncadd.s32 $0xFFFFE700  }
0x1c7: {  	_ =	swait.ge [sflag:s12], $0x1900  }
0x1c8: {  	[sflag:s12] =	ssyncset.done $0x0  }
0x1c9: {  	[sflag:s12] =	ssyncadd.s32 $0xFFFFE700  }
0x1ca: {  	_ =	swait.ge [sflag:s16], $0x1900  }
0x1cb: {  	[sflag:s16] =	ssyncset.done $0x0  }
0x1cc: {  	[sflag:s16] =	ssyncadd.s32 $0xFFFFE700  }
0x1cd: {  	_ =	swait.ge [sflag:s19], $0x1900  }
0x1ce: {  	[sflag:s19] =	ssyncset.done $0x0  }
0x1cf: {  	s18 =	simm.s32 $0x0;
	s0 =	rddreg [dreg:$0xe];
	[sflag:s19] =	ssyncadd.s32 $0xFFFFE700  }
0x1d0: {  	[tilespmem:s18], [sflag:$0x9] =	stream.linear.gather [hbm4b:s0+s18], $0x2800, $0x38;
	[tilespmem:$0x1F880] =	vst v63  }
0x1d1: {  	_ =	swait.ge [sflag:s22], $0x2800  }
0x1d2: {  	[sflag:s22] =	ssyncset.done $0x0  }
0x1d3: {  	s26 =	rddreg [dreg:$0xf];
	[sflag:s22] =	ssyncadd.s32 $0xFFFFD800  }
0x1d4: {  	[tilespmem:s23], [sflag:$0x9] =	stream.linear.gather [hbm4b:s26+s18], $0x2800, $0x38;
	[tilespmem:$0x1F880] =	vst v63  }
0x1d5: {  	_ =	swait.ge [sflag:s22], $0x2800  }
0x1d6: {  	[sflag:s22] =	ssyncset.done $0x0  }
0x1d7: {  	[sflag:s22] =	ssyncadd.s32 $0xFFFFD800  }
0x1d8: {  	[tilespmem:s25], [sflag:$0x1] =	stream.indirect.gather [hbm4b:s5+s24], $0x80, s18, s24, $0xb8;
	[tilespmem:$0x1F880] =	vst v63  }
0x1d9: {  	s29 =	simm.s32 $0x80  }
0x1da: {  	[tilespmem:s28], [sflag:$0x2] =	stream.indirect.gather [hbm4b:s5+s24], $0x80, s29, s24, $0xb8;
	[tilespmem:$0x1F880] =	vst v63  }
0x1db: {  	s7 =	simm.s32 $0x100  }
0x1dc: {  	[tilespmem:s30], [sflag:$0x3] =	stream.indirect.gather [hbm4b:s5+s24], $0x80, s7, s24, $0xb8;
	[tilespmem:$0x1F880] =	vst v63  }
0x1dd: {  	_ =	swait.ge [sflag:s31], $0x1900  }
0x1de: {  	[sflag:s31] =	ssyncset.done $0x0  }
0x1df: {  	[sflag:s31] =	ssyncadd.s32 $0xFFFFE700  }
0x1e0: {  	[spmem:s1] =	stream.indirect.scatter.add.f32 [tilespmem:s25], [sflag:$0x5], $0x80, s23, s24, $0xb8;
	[tilespmem:$0x1F880] =	vst v63  }
0x1e1: {  	s9 =	simm.s32 $0x180  }
0x1e2: {  	[tilespmem:s2], [sflag:$0x4] =	stream.indirect.gather [hbm4b:s5+s24], $0x80, s9, s24, $0xb8;
	[tilespmem:$0x1F880] =	vst v63  }
0x1e3: {  	_ =	swait.ge [sflag:s4], $0x1900  }
0x1e4: {  	[sflag:s4] =	ssyncset.done $0x0  }
0x1e5: {  	s26 =	simm.s32 $0x2880;
	[sflag:s4] =	ssyncadd.s32 $0xFFFFE700  }
0x1e6: {  	[spmem:s1] =	stream.indirect.scatter.add.f32 [tilespmem:s28], [sflag:$0x6], $0x80, s26, s24, $0xb8;
	[tilespmem:$0x1F880] =	vst v63  }
0x1e7: {  	_ =	swait.ge [sflag:s8], $0x1900  }
0x1e8: {  	[sflag:s8] =	ssyncset.done $0x0  }
0x1e9: {  	s29 =	simm.s32 $0x200;
	[sflag:s8] =	ssyncadd.s32 $0xFFFFE700  }
0x1ea: {  	[tilespmem:s25], [sflag:$0x1] =	stream.indirect.gather [hbm4b:s5+s24], $0x80, s29, s24, $0xb8;
	[tilespmem:$0x1F880] =	vst v63  }
0x1eb: {  	_ =	swait.ge [sflag:s10], $0x1900  }
0x1ec: {  	[sflag:s10] =	ssyncset.done $0x0  }
0x1ed: {  	[sflag:s10] =	ssyncadd.s32 $0xFFFFE700  }
0x1ee: {  	[spmem:s1] =	stream.indirect.scatter.add.f32 [tilespmem:s30], [sflag:$0x7], $0x80, s11, s24, $0xb8;
	[tilespmem:$0x1F880] =	vst v63  }
0x1ef: {  	_ =	swait.ge [sflag:s12], $0x1900  }
0x1f0: {  	[sflag:s12] =	ssyncset.done $0x0  }
0x1f1: {  	[sflag:s12] =	ssyncadd.s32 $0xFFFFE700  }
0x1f2: {  	[tilespmem:s28], [sflag:$0x2] =	stream.indirect.gather [hbm4b:s5+s24], $0x80, s13, s24, $0xb8;
	[tilespmem:$0x1F880] =	vst v63  }
0x1f3: {  	_ =	swait.ge [sflag:s14], $0x1900  }
0x1f4: {  	[sflag:s14] =	ssyncset.done $0x0  }
0x1f5: {  	[sflag:s14] =	ssyncadd.s32 $0xFFFFE700  }
0x1f6: {  	[spmem:s1] =	stream.indirect.scatter.add.f32 [tilespmem:s2], [sflag:$0x8], $0x80, s15, s24, $0xb8;
	[tilespmem:$0x1F880] =	vst v63  }
0x1f7: {  	_ =	swait.ge [sflag:s16], $0x1900  }
0x1f8: {  	[sflag:s16] =	ssyncset.done $0x0  }
0x1f9: {  	[sflag:s16] =	ssyncadd.s32 $0xFFFFE700  }
0x1fa: {  	[tilespmem:s30], [sflag:$0x3] =	stream.indirect.gather [hbm4b:s5+s24], $0x80, s17, s24, $0xb8;
	[tilespmem:$0x1F880] =	vst v63  }
.LBB2_14:
0x1fb: {  	_ =	swait.ge [sflag:s31], $0x1900  }
0x1fc: {  	s26 =	sshra.s32 s18, $0x2;
	[sflag:s31] =	ssyncset.done $0x0  }
0x1fd: {  	s0 =	sadd.s32 $0x2A00, s26;
	[sflag:s31] =	ssyncadd.s32 $0xFFFFE700  }
0x1fe: {  	[spmem:s1] =	stream.indirect.scatter.add.f32 [tilespmem:s25], [sflag:$0x5], $0x80, s0, s24, $0xb8;
	[tilespmem:$0x1F880] =	vst v63  }
0x1ff: {  	_ =	swait.ge [sflag:s19], $0x1900  }
0x200: {  	[sflag:s19] =	ssyncset.done $0x0  }
0x201: {  	s7 =	sadd.s32 $0x380, s26;
	[sflag:s19] =	ssyncadd.s32 $0xFFFFE700  }
0x202: {  	[tilespmem:s2], [sflag:$0x4] =	stream.indirect.gather [hbm4b:s5+s24], $0x80, s7, s24, $0xb8;
	[tilespmem:$0x1F880] =	vst v63  }
0x203: {  	_ =	swait.ge [sflag:s4], $0x1900  }
0x204: {  	p1 =	seq.s32 s18, $0x9000;
	[sflag:s4] =	ssyncset.done $0x0  }
0x205: {  	s9 =	sadd.s32 $0x2A80, s26;
	s0 =	simm.s32 @p1 $0x3;
	[sflag:s4] =	ssyncadd.s32 $0xFFFFE700  }
0x206: {  	[spmem:s1] =	stream.indirect.scatter.add.f32 [tilespmem:s28], [sflag:$0x6], $0x80, s9, s24, $0xb8;
	[tilespmem:$0x1F880] =	vst v63  }
0x207: {  	_ =	swait.ge @p1 [sflag:s0], $0x1900  }
0x208: {  	[sflag:s0] =	ssyncset.done @p1 $0x0  }
0x209: {  	[sflag:s0] =	ssyncadd.s32 @p1 $0xFFFFE700;
	s0 =	sshra.s32 @p1 s18, $0x2  }
0x20a: {  	s7 =	simm.s32 @p1 $0x32;
	s9 =	simm.s32 @p1 $0x8800;
	s0 =	sadd.s32 @p1 $0x2B00, s0  }
0x20b: {  	[spmem:s1] =	stream.indirect.scatter.add.f32 @p1 [tilespmem:s9], [sflag:$0x7], $0x80, s0, s7, $0xb8;
	[tilespmem:$0x1F880] =	vst v63  }
0x20c: {  	s0 =	simm.s32 @!p1 $0x5  }
0x20d: {  	_ =	swait.ge @!p1 [sflag:s0], $0x1900  }
0x20e: {  	[sflag:s0] =	ssyncset.done @!p1 $0x0  }
0x20f: {  	[sflag:s0] =	ssyncadd.s32 @!p1 $0xFFFFE700;
	s0 =	sshra.s32 @!p1 s18, $0x2  }
0x210: {  	s29 =	simm.s32 @!p1 $0x5000;
	s9 =	simm.s32 @!p1 $0x32;
	s7 =	sadd.s32 @!p1 $0x400, s0  }
0x211: {  	[tilespmem:s29], [sflag:$0x1] =	stream.indirect.gather @!p1 [hbm4b:s5+s9], $0x80, s7, s9, $0xb8;
	[tilespmem:$0x1F880] =	vst v63  }
0x212: {  	s7 =	simm.s32 @!p1 $0x3  }
0x213: {  	_ =	swait.ge @!p1 [sflag:s7], $0x1900  }
0x214: {  	[sflag:s7] =	ssyncset.done @!p1 $0x0  }
0x215: {  	s29 =	simm.s32 @!p1 $0x8800;
	[sflag:s7] =	ssyncadd.s32 @!p1 $0xFFFFE700;
	s7 =	sadd.s32 @!p1 $0x2B00, s0  }
0x216: {  	[spmem:s1] =	stream.indirect.scatter.add.f32 @!p1 [tilespmem:s29], [sflag:$0x7], $0x80, s7, s9, $0xb8;
	[tilespmem:$0x1F880] =	vst v63  }
0x217: {  	s7 =	simm.s32 @!p1 $0x6  }
0x218: {  	_ =	swait.ge @!p1 [sflag:s7], $0x1900  }
0x219: {  	[sflag:s7] =	ssyncset.done @!p1 $0x0  }
0x21a: {  	s0 =	sadd.s32 @!p1 $0x480, s0;
	[sflag:s7] =	ssyncadd.s32 @!p1 $0xFFFFE700;
	s7 =	simm.s32 @!p1 $0x6C00  }
0x21b: {  	[tilespmem:s7], [sflag:$0x2] =	stream.indirect.gather @!p1 [hbm4b:s5+s9], $0x80, s0, s9, $0xb8;
	[tilespmem:$0x1F880] =	vst v63  }
.Ltmp10:
0x21c: {  	_ = 	snop;
	(pc) =	sbr.rel @p1 .LBB2_16-.Ltmp10, $4  }
0x21d: {  	_ =	swait.ge [sflag:s14], $0x1900  }
0x21e: {  	[sflag:s14] =	ssyncset.done $0x0  }
0x21f: {  	s29 =	sadd.s32 $0x2B80, s26;
	[sflag:s14] =	ssyncadd.s32 $0xFFFFE700  }
0x220: {  	[spmem:s1] =	stream.indirect.scatter.add.f32 [tilespmem:s2], [sflag:$0x8], $0x80, s29, s24, $0xb8;
	[tilespmem:$0x1F880] =	vst v63  }
.Ltmp11:
0x221: {  	(pc) =	sbr.rel .LBB2_14-.Ltmp11, $4  }
0x222: {  	_ =	swait.ge [sflag:s16], $0x1900  }
0x223: {  	[sflag:s16] =	ssyncset.done $0x0  }
0x224: {  	s0 =	sadd.s32 $0x500, s26;
	s18 =	sadd.s32 $0x800, s18;
	[sflag:s16] =	ssyncadd.s32 $0xFFFFE700  }
0x225: {  	[tilespmem:s30], [sflag:$0x3] =	stream.indirect.gather [hbm4b:s5+s24], $0x80, s0, s24, $0xb8;
	[tilespmem:$0x1F880] =	vst v63  }
.LBB2_17:
0x226: {  	_ =	sfence.sel $0x180000  }
0x227: {  	[bflag:$0x0] =	sbarrier.arrive $0xFFFF  }
0x228: {  	_ =	strace $0x9000004A  }
0x229: {  	s0 =	stileid.u32;
	[bflag:$0x2] =	sbarrier.arrive $0xFFFF  }
0x22a: {  	p0 =	sne.s32 s0, $0x0;
	s0 =	rddreg [dreg:$0x2]  }
0x22b: {  	s0 =	sadd.s32 @!p0 $0x100000, s0  }
0x22c: {  	[sflag:s0] =	ssyncadd.tile.s32 @!p0 $0x1;
	_ =	shalt  }
.Lfunc_end2:
_tile_overlayer_lowered:
.L_overlay_start_2:
0x22d: {  	(tag) =	ssettag $0x2  }
0x22e: {  	s0 =	rddreg [dreg:$0x0];
	s2 =	stileid.u32  }
0x22f: {  	s1 =	rddreg [dreg:$0x1];
	p0 =	sne.s32 s2, $0x0  }
0x230: {  	s3 =	rddreg [dreg:$0x2];
	[bflag:$0x3] =	sbarrier.arrive $0xFFFF;
	s2 =	simm.s32 @!p0 $0x1C09  }
0x231: {  	[timem:s3], [sflag:s2] =	dma.local @!p0 [hbm:s0], s1  }
0x232: {  	s0 =	simm.s32 @!p0 $0x9  }
0x233: {  	_ =	swait.ge @!p0 [sflag:s0], s1  }
0x234: {  	s1 =	ssub.s32 @!p0 $0x0, s1;
	[sflag:s0] =	ssyncset.done @!p0 $0x0  }
0x235: {  	[sflag:s0] =	ssyncadd.s32 @!p0 s1  }
0x236: {  	[bflag:$0x3] =	sbarrier.arrive $0xFFFF  }
0x237: {  	_ =	shalt  }

// kernel: kernel.5.cloned.1.call-start
scs
__scs_entry_jumppad:
0x0: {  	(pc) =	sbr.rel $0x88, $3  }
0x1: {  	(tag) =	ssettag $0x0;
	lr =	simm.s32 $0x1  }
0x2: {  	[smem:$0x3F97] =	sst lr;
	_ =	strace $0xD0000000  }
0x3: {  	_ = 	snop  }
0x4: {  	_ = 	snop  }
0x5: {  	_ = 	snop  }
0x6: {  	_ = 	snop  }
0x7: {  	_ = 	snop  }
__scs_overlays_trampoline_lowered:
0x8: {  	[smem:$0x3FA6] =	sst s0  }
0x9: {  	[smem:$0x3FA7] =	sst s1  }
0xa: {  	[smem:$0x3FA8] =	sst s2  }
0xb: {  	[smem:$0x3FA9] =	sst s3  }
0xc: {  	[smem:$0x3FAA] =	sst s4  }
0xd: {  	[smem:$0x3FAB] =	sst s5  }
0xe: {  	[smem:$0x3FAC] =	sst s6  }
0xf: {  	[smem:$0x3FAD] =	sst s7  }
0x10: {  	[smem:$0x3FAE] =	sst s8  }
0x11: {  	[smem:$0x3FAF] =	sst s9;
	s0 =	simm.s32 @!p0 $0x0  }
0x12: {  	s1 =	sld [smem:$0x3F95];
	s0 =	simm.s32 @p0 $0x1  }
0x13: {  	[smem:$0x3FB0] =	sst s0;
	s0 =	simm.s32 @!p1 $0x0  }
0x14: {  	s2 =	sld [smem:$0x3F94];
	s0 =	simm.s32 @p1 $0x1  }
0x15: {  	[smem:$0x3FB1] =	sst s0;
	s0 =	simm.s32 @!p2 $0x0  }
0x16: {  	s3 =	sld [smem:$0x3FDB];
	s0 =	simm.s32 @p2 $0x1  }
0x17: {  	s4 =	simm.s32 $0x1BF5;
	[smem:$0x3FB3] =	sst s0  }
0x18: {  	s0 =	sld [smem:$0x3F96];
	_ =	swait.ge [sflag:s4], $0x0  }
0x19: {  	s7 =	sld [smem:$0x3F97]  }
0x1a: {  	s8 =	sadd.s32 $0xFFFFE003, lr  }
0x1b: {  	s9 =	sadd.s32 $0xFFFFFEF7, lr;
	s5 =	simm.s32 $0xFFFFFFFF;
	p2 =	slt.u32 s8, $0xFFFFF086  }
0x1c: {  	p1 =	slt.u32 s9, $0xF7A;
	s5 =	simm.s32 @!p2 $0x0  }
0x1d: {  	s5 =	simm.s32 @p1 $0x1;
	p0 =	seq.s32 s7, s2  }
0x1e: {  	s7 =	smul.u32 @!p0 $0xF7A, s2;
	p2 =	seq.s32 @!p0 s5, $0x0  }
0x1f: {  	s9 =	smul.u32 $0xF7A, s1;
	s8 =	simm.s32 @!p0 $0x1BF5;
	p2 =	por !p2, p0  }
0x20: {  	[sflag:s8] =	ssyncset.s32 @!p0 $0xFFFFF086;
	s6 =	sadd.s32 @!p0 s3, s7;
	s7 =	simm.s32 @!p0 $0x108  }
0x21: {  	s3 =	sadd.s32 s3, s9;
	s6 =	sadd.s32 @!p0 $0x88, s6;
	s7 =	simm.s32 @p2 $0x1082  }
0x22: {  	[simem:s7], [sflag:s8] =	dma.local @!p0 [hbm:s6], $0xF7A  }
0x23: {  	s9 =	sor.u32 $0xD0000000, s2;
	s6 =	simm.s32 $0x108;
	_ =	swait.ge @!p0 [sflag:s8], $0x0  }
0x24: {  	s3 =	sadd.s32 $0x88, s3;
	s6 =	simm.s32 @!p1 $0x1082;
	[sflag:s4] =	ssyncset.s32 $0xFFFFF086  }
0x25: {  	[simem:s6], [sflag:s4] =	dma.local [hbm:s3], $0xF7A  }
0x26: {  	[smem:$0x3F97] =	sst s1;
	(tag) =	ssettag s2;
	_ =	strace s9  }
0x27: {  	s1 =	sld [smem:$0x3FA7]  }
0x28: {  	s2 =	sld [smem:$0x3FA8]  }
0x29: {  	s4 =	sld [smem:$0x3FAA]  }
0x2a: {  	p0 =	seq.s32 s5, $0x0;
	s5 =	sld [smem:$0x3FAB]  }
0x2b: {  	s6 =	sld [smem:$0x3FAC]  }
0x2c: {  	s7 =	sld [smem:$0x3FAD]  }
0x2d: {  	s3 =	simm.s32 $0x108;
	s8 =	sld [smem:$0x3FAE]  }
0x2e: {  	s3 =	simm.s32 @!p0 $0x1082;
	s9 =	sld [smem:$0x3FAF]  }
0x2f: {  	lr =	sadd.s32 s0, s3;
	s0 =	sld [smem:$0x3FA6]  }
0x30: {  	s3 =	sld [smem:$0x3FA9]  }
0x31: {  	[smem:$0x3FB2] =	sst s10  }
0x32: {  	s10 =	sld [smem:$0x3FB0];
	_ =	sdelay $0x3  }
0x33: {  	p0 =	seq.s32 s10, $0x1;
	s10 =	sld [smem:$0x3FB2];
	_ =	sdelay $0x3  }
0x34: {  	[smem:$0x3FB2] =	sst s10  }
0x35: {  	s10 =	sld [smem:$0x3FB1];
	_ =	sdelay $0x3  }
0x36: {  	p1 =	seq.s32 s10, $0x1;
	s10 =	sld [smem:$0x3FB2];
	_ =	sdelay $0x3  }
0x37: {  	[smem:$0x3FB2] =	sst s10  }
0x38: {  	s10 =	sld [smem:$0x3FB3]  }
0x39: {  	_ = 	snop;
	(pc) =	sbr.ind lr, $3  }
0x3a: {  	_ = 	snop  }
0x3b: {  	_ = 	snop  }
0x3c: {  	p2 =	seq.s32 s10, $0x1;
	s10 =	sld [smem:$0x3FB2]  }
0x3d: {  	_ =	shalt  }
0x3e: {  	_ =	shalt  }
0x3f: {  	_ =	shalt  }
0x40: {  	_ =	shalt  }
0x41: {  	_ =	shalt  }
0x42: {  	_ =	shalt  }
0x43: {  	_ =	shalt  }
0x44: {  	_ =	shalt  }
0x45: {  	_ =	shalt  }
0x46: {  	_ =	shalt  }
0x47: {  	_ =	shalt  }
0x48: {  	_ =	shalt  }
0x49: {  	_ =	shalt  }
0x4a: {  	_ =	shalt  }
0x4b: {  	_ =	shalt  }
0x4c: {  	_ =	shalt  }
0x4d: {  	_ =	shalt  }
0x4e: {  	_ =	shalt  }
0x4f: {  	_ =	shalt  }
0x50: {  	_ =	shalt  }
0x51: {  	_ =	shalt  }
0x52: {  	_ =	shalt  }
0x53: {  	_ =	shalt  }
0x54: {  	_ =	shalt  }
0x55: {  	_ =	shalt  }
0x56: {  	_ =	shalt  }
0x57: {  	_ =	shalt  }
0x58: {  	_ =	shalt  }
0x59: {  	_ =	shalt  }
0x5a: {  	_ =	shalt  }
0x5b: {  	_ =	shalt  }
0x5c: {  	_ =	shalt  }
0x5d: {  	_ =	shalt  }
0x5e: {  	_ =	shalt  }
0x5f: {  	_ =	shalt  }
0x60: {  	_ =	shalt  }
0x61: {  	_ =	shalt  }
0x62: {  	_ =	shalt  }
0x63: {  	_ =	shalt  }
0x64: {  	_ =	shalt  }
0x65: {  	_ =	shalt  }
0x66: {  	_ =	shalt  }
0x67: {  	_ =	shalt  }
0x68: {  	_ =	shalt  }
0x69: {  	_ =	shalt  }
0x6a: {  	_ =	shalt  }
0x6b: {  	_ =	shalt  }
0x6c: {  	_ =	shalt  }
0x6d: {  	_ =	shalt  }
0x6e: {  	_ =	shalt  }
0x6f: {  	_ =	shalt  }
0x70: {  	_ =	shalt  }
0x71: {  	_ =	shalt  }
0x72: {  	_ =	shalt  }
0x73: {  	_ =	shalt  }
0x74: {  	_ =	shalt  }
0x75: {  	_ =	shalt  }
0x76: {  	_ =	shalt  }
0x77: {  	_ =	shalt  }
0x78: {  	_ =	shalt  }
0x79: {  	_ =	shalt  }
0x7a: {  	_ =	shalt  }
0x7b: {  	_ =	shalt  }
0x7c: {  	_ =	shalt  }
0x7d: {  	_ =	shalt  }
0x7e: {  	_ =	shalt  }
0x7f: {  	_ =	shalt  }
0x80: {  	_ =	shalt  }
0x81: {  	_ =	shalt  }
0x82: {  	_ =	shalt  }
0x83: {  	_ =	shalt  }
0x84: {  	_ =	shalt  }
0x85: {  	_ =	shalt  }
0x86: {  	_ =	shalt  }
0x87: {  	_ =	shalt  }
.Lfunc_end0:
.L_simem_size_0:
called_computation.1_lowered:
.L_overlay_start_0:
0x88: {  	s2 =	sld [smem:$0x3FD9]  }
0x89: {  	s3 =	sld [smem:$0x3FFE];
	_ =	sdelay $0x1  }
0x8a: {  	s1 =	srdreg.scid  }
0x8b: {  	s0 =	sand.u32 $0x1, s1  }
0x8c: {  	s14 =	sshll.u32 s0, $0xA;
	s2 =	sadd.s32 s3, s2  }
0x8d: {  	s2 =	sadd.s32 s2, s14  }
0x8e: {  	[smem:$0x3FBE] =	sst s2  }
0x8f: {  	_ = 	snop  }
0x90: {  	s2 =	sld [smem:$0x3FD0];
	_ =	sdelay $0x2  }
0x91: {  	s15 =	simm.s32 $0xA;
	s4 =	simm.s32 $0x10  }
0x92: {  	[smem:s4], [sflag:s15] =	dma.local [hbm:s2], $0x1  }
0x93: {  	_ =	swait.eq [sflag:s15], $0x1  }
0x94: {  	[sflag:s15] =	ssyncset.done $0x0  }
0x95: {  	s16 =	sld [smem:$0x10];
	[sflag:s15] =	ssyncadd.s32 $0xFFFFFFFF  }
0x96: {  	s17 =	sld [smem:$0x11];
	(tm) =	ssettm $0x1  }
0x97: {  	s18 =	sld [smem:$0x3FFB];
	_ =	sdelay $0x3  }
0x98: {  	_ =	strace s18  }
0x99: {  	s4 =	sld [smem:$0x3FFC];
	_ =	sdelay $0x3  }
0x9a: {  	_ =	strace s4  }
0x9b: {  	s4 =	sld [smem:$0x3FFD];
	_ =	sdelay $0x3  }
0x9c: {  	_ =	strace s4  }
0x9d: {  	_ =	strace $0x8FFFFFFF  }
0x9e: {  	s19 =	sld [smem:$0x3FDB];
	_ =	sdelay $0x1  }
0x9f: {  	s5 =	simm.s32 $_scs_section_size  }
0xa0: {  	s6 =	simm.s32 $_size__tile_overlayer_lowered;
	s7 =	simm.s32 $_tile_overlayer_lowered  }
0xa1: {  	s22 =	simm.s32 $0x1BFF;
	s21 =	sshll.u32 s7, $0x1;
	s4 =	sadd.s32 s5, s19  }
0xa2: {  	s8 =	simm.s32 $0x0;
	s20 =	sshll.u32 s6, $0x1;
	s6 =	sadd.s32 s21, s4  }
0xa3: {  	[timem:s8], [sflag:s22] =	dma.local [hbm:s6], s20  }
0xa4: {  	_ =	swait.ge [sflag:s22], s20  }
0xa5: {  	s5 =	ssub.s32 $0x0, s20;
	[sflag:s22] =	ssyncset.done $0x0  }
0xa6: {  	[sflag:s22] =	ssyncadd.s32 s5;
	_ =	sdelay $0x1  }
0xa7: {  	s23 =	simm.s32 $0x1B8B  }
0xa8: {  	_ =	swait.ge [sflag:s23], $0x1  }
0xa9: {  	[sflag:s23] =	ssyncset.done $0x0  }
0xaa: {  	s25 =	simm.s32 $0x1B8E;
	s24 =	sld [smem:$0x3FFE];
	[sflag:s23] =	ssyncadd.s32 $0xFFFFFFFF  }
0xab: {  	s26 =	simm.s32 $execute0_lowered;
	[smem:$0x3FD2] =	sst s25  }
0xac: {  	s6 =	sshll.u32 s26, $0x1;
	_ =	strace $0x80000046;
	[dreg:$0x1] =	wrdreg $0xFFFFFFFF  }
0xad: {  	s28 =	simm.s32 $_size_execute0_lowered;
	s4 =	sadd.s32 s4, s6;
	[dreg:$0x0] =	wrdreg $0x0  }
0xae: {  	s6 =	sshll.u32 s28, $0x1;
	[dreg:$0x2] =	wrdreg s4  }
0xaf: {  	[dreg:$0x3] =	wrdreg s6  }
0xb0: {  	[dreg:$0x4] =	wrdreg $0xC0  }
0xb1: {  	_ =	task [dreg:s8], $0x5FFFF  }
0xb2: {  	[dreg:$0x1] =	wrdreg $0xFFFFFFFF  }
0xb3: {  	[dreg:$0x0] =	wrdreg $0x60  }
0xb4: {  	[dreg:$0x2] =	wrdreg s16  }
0xb5: {  	[dreg:$0x3] =	wrdreg s24  }
0xb6: {  	[dreg:$0x4] =	wrdreg s17  }
0xb7: {  	[dreg:$0x5] =	wrdreg $0x14800  }
0xb8: {  	[dreg:$0x6] =	wrdreg $0x9  }
0xb9: {  	_ =	task.clear_ibuf [dreg:s8], $0x7FFFF;
	_ =	strace $0x90000046  }
0xba: {  	s29 =	simm.s32 $0x9;
	_ =	strace $0x80000048  }
0xbb: {  	_ =	swait.ge [sflag:s29], $0x1  }
0xbc: {  	[sflag:s29] =	ssyncadd.s32 $0xFFFFFFFF  }
0xbd: {  	_ =	strace $0x90000048  }
0xbe: {  	_ =	sfence  }
0xbf: {  	s30 =	sld [smem:$0x0];
	_ =	sdelay $0x2  }
0xc0: {  	s31 =	sshll.u32 s1, $0xD;
	s1 =	sshrl.u32 s1, $0x2  }
0xc1: {  	s3 =	sand.u32 $0x4000, s31;
	s1 =	sadd.s32 s1, s30  }
0xc2: {  	s0 =	sor.u32 s3, s0;
	s1 =	sshll.u32 s1, $0x11  }
0xc3: {  	s0 =	sor.u32 s1, s0  }
0xc4: {  	s0 =	sadd.s32 $0x8F2B, s0  }
0xc5: {  	[sflag:s0] =	ssyncadd.remote.s32 $0x1  }
0xc6: {  	_ =	sfence.sel $0xFFFF  }
0xc7: {  	[dreg:$0x0] =	wrdreg $0xFFFFFFFF;
	(pc) =	sbr.abs _section_cstart, $3  }
0xc8: {  	[dreg:$0x1] =	wrdreg $0xFFFFFFFF  }
0xc9: {  	_ =	task.clear_ibuf [dreg:s8], $0x2FFFF;
	_ =	strace $0x9FFFFFFF  }
0xca: {  	(tm) =	ssettm $0x7FFFFFFF  }
0xcb: {  	_ =	shalt  }
tec
execute0_lowered:
.L_overlay_start_1:
0x0: {  	(tag) =	ssettag $0x1  }
0x1: {  	s5 =	rddreg [dreg:$0x0]  }
0x2: {  	s4 =	rddreg [dreg:$0x1]  }
0x3: {  	s10 =	rddreg [dreg:$0x2]  }
0x4: {  	s1 =	rddreg [dreg:$0x3]  }
0x5: {  	s2 =	srdreg.scid;
	s0 =	rddreg [dreg:$0x4]  }
0x6: {  	s15 =	stileid.u32;
	s14 =	simm.s32 $0x1400;
	s17 =	simm.s32 $0x0  }
0x7: {  	s11 =	sand.u32 $0x1, s2;
	s2 =	simm.s32 $0x0;
	s7 =	smul.u32 $0x5000, s15  }
0x8: {  	s3 =	sadd.s32 $0x4E00, s4;
	s12 =	smul.u32 $0xA00, s15;
	s4 =	sadd.s32 $0x4C00, s4  }
0x9: {  	s31 =	sshll.u32 s15, $0x6;
	p0 =	sne.s32 s15, $0x0;
	s15 =	simm.s32 $0x7D  }
0xa: {  	s6 =	smul.u32 $0x50000, s11;
	[smem:$0x7FF] =	sst s2;
	s8 =	ssub.s32 $0x2, s11  }
0xb: {  	s11 =	sshll.u32 s11, $0x4;
	s16 =	sshrl.u32 @!p0 s1, $0x3;
	_ =	strace $0x80000047  }
0xc: {  	s9 =	sshrl.u32 s8, $0x1;
	s30 =	sshrl.u32 s12, $0x2;
	s10 =	sadd.s32 s10, s11  }
0xd: {  	s6 =	sadd.s32 s7, s6;
	s13 =	ssub.s32 s8, s9;
	s12 =	sadd.s32 s30, s1  }
0xe: {  	s6 =	sshrl.u32 s6, $0x3;
	s11 =	smax.u32 s13, $0x1;
	s12 =	sshrl.u32 s12, $0x3  }
0xf: {  	s13 =	simm.s32 $0x1;
	s5 =	sadd.s32 s5, s6;
	s6 =	sor.u32 $0x1C01, s31  }
0x10: {  	s7 =	sadd.s32 $0x280, s5;
	s8 =	sadd.s32 $0x500, s5;
	s9 =	sadd.s32 $0x780, s5  }
.LBB2_1:
0x11: {  	[spmem:s12], [sflag:s6] =	dma.local [hbm:s3], $0x50  }
0x12: {  	_ =	swait.ge [sflag:s13], $0x50  }
0x13: {  	[sflag:s13] =	ssyncset.done $0x0  }
0x14: {  	[sflag:s13] =	ssyncadd.s32 $0xFFFFFFB0  }
0x15: {  	[tilespmem:s14], [sflag:$0x1] =	stream.linear.gather [hbm4b:s4+s2], $0x80, $0x38;
	[tilespmem:$0x1700] =	vst v63  }
0x16: {  	_ =	swait.ge [sflag:s13], $0x80  }
0x17: {  	[sflag:s13] =	ssyncset.done $0x0  }
0x18: {  	[sflag:s13] =	ssyncadd.s32 $0xFFFFFF80  }
0x19: {  	[bflag:$0x0] =	sbarrier.arrive $0xFFFF  }
0x1a: {  	[tilespmem:s2], [sflag:$0x1] =	stream.linear.gather [hbm4b:s5+s2], $0x1400, $0x38;
	[tilespmem:$0x1700] =	vst v63  }
0x1b: {  	_ =	swait.ge [sflag:s13], $0x1400  }
0x1c: {  	[sflag:s13] =	ssyncset.done $0x0  }
0x1d: {  	s18 =	simm.s32 $0x0;
	[sflag:s13] =	ssyncadd.s32 $0xFFFFEC00  }
0x1e: {  	[spmem:s1] =	stream.indirect.scatter.add.f32 [tilespmem:s14], [sflag:$0x1], $0x1, s18, s15, $0xb8;
	[tilespmem:$0x1700] =	vst v63  }
0x1f: {  	_ =	swait.ge [sflag:s13], $0x7D  }
0x20: {  	s18 =	simm.s32 $0x200;
	[sflag:s13] =	ssyncset.done $0x0  }
.LBB2_2:
0x21: {  	s19 =	sshra.s32 s18, $0x2;
	[sflag:s13] =	ssyncadd.s32 $0xFFFFFF83;
	p1 =	sne.s32 s18, $0x4E00  }
0x22: {  	[spmem:s1] =	stream.indirect.scatter.add.f32 [tilespmem:s14], [sflag:$0x1], $0x1, s19, s15, $0xb8;
	[tilespmem:$0x1700] =	vst v63  }
.Ltmp0:
0x23: {  	_ = 	snop;
	(pc) =	sbr.rel @p1 .LBB2_2-.Ltmp0, $4  }
0x24: {  	_ = 	snop  }
0x25: {  	s18 =	sadd.s32 $0x200, s18  }
0x26: {  	_ =	swait.ge [sflag:s13], $0x7D  }
0x27: {  	[sflag:s13] =	ssyncset.done $0x0  }
0x28: {  	[sflag:s13] =	ssyncadd.s32 $0xFFFFFF83;
	s18 =	simm.s32 $0x0  }
0x29: {  	[tilespmem:s18], [sflag:$0x1] =	stream.linear.gather [hbm4b:s7+s18], $0x1400, $0x38;
	[tilespmem:$0x1700] =	vst v63  }
0x2a: {  	_ =	swait.ge [sflag:s13], $0x1400  }
0x2b: {  	[sflag:s13] =	ssyncset.done $0x0  }
0x2c: {  	s31 =	simm.s32 $0x0;
	[sflag:s13] =	ssyncadd.s32 $0xFFFFEC00  }
0x2d: {  	[spmem:s1] =	stream.indirect.scatter.add.f32 [tilespmem:s14], [sflag:$0x1], $0x1, s31, s15, $0xb8;
	[tilespmem:$0x1700] =	vst v63  }
0x2e: {  	_ =	swait.ge [sflag:s13], $0x7D  }
0x2f: {  	s18 =	simm.s32 $0x200;
	[sflag:s13] =	ssyncset.done $0x0  }
.LBB2_4:
0x30: {  	s19 =	sshra.s32 s18, $0x2;
	[sflag:s13] =	ssyncadd.s32 $0xFFFFFF83;
	p1 =	sne.s32 s18, $0x4E00  }
0x31: {  	[spmem:s1] =	stream.indirect.scatter.add.f32 [tilespmem:s14], [sflag:$0x1], $0x1, s19, s15, $0xb8;
	[tilespmem:$0x1700] =	vst v63  }
.Ltmp1:
0x32: {  	_ = 	snop;
	(pc) =	sbr.rel @p1 .LBB2_4-.Ltmp1, $4  }
0x33: {  	_ = 	snop  }
0x34: {  	s18 =	sadd.s32 $0x200, s18  }
0x35: {  	_ =	swait.ge [sflag:s13], $0x7D  }
0x36: {  	[sflag:s13] =	ssyncset.done $0x0  }
0x37: {  	[sflag:s13] =	ssyncadd.s32 $0xFFFFFF83;
	s18 =	simm.s32 $0x0  }
0x38: {  	[tilespmem:s18], [sflag:$0x1] =	stream.linear.gather [hbm4b:s8+s18], $0x1400, $0x38;
	[tilespmem:$0x1700] =	vst v63  }
0x39: {  	_ =	swait.ge [sflag:s13], $0x1400  }
0x3a: {  	[sflag:s13] =	ssyncset.done $0x0  }
0x3b: {  	s31 =	simm.s32 $0x0;
	[sflag:s13] =	ssyncadd.s32 $0xFFFFEC00  }
0x3c: {  	[spmem:s1] =	stream.indirect.scatter.add.f32 [tilespmem:s14], [sflag:$0x1], $0x1, s31, s15, $0xb8;
	[tilespmem:$0x1700] =	vst v63  }
0x3d: {  	_ =	swait.ge [sflag:s13], $0x7D  }
0x3e: {  	s18 =	simm.s32 $0x200;
	[sflag:s13] =	ssyncset.done $0x0  }
.LBB2_6:
0x3f: {  	s19 =	sshra.s32 s18, $0x2;
	[sflag:s13] =	ssyncadd.s32 $0xFFFFFF83;
	p1 =	sne.s32 s18, $0x4E00  }
0x40: {  	[spmem:s1] =	stream.indirect.scatter.add.f32 [tilespmem:s14], [sflag:$0x1], $0x1, s19, s15, $0xb8;
	[tilespmem:$0x1700] =	vst v63  }
.Ltmp2:
0x41: {  	_ = 	snop;
	(pc) =	sbr.rel @p1 .LBB2_6-.Ltmp2, $4  }
0x42: {  	_ = 	snop  }
0x43: {  	s18 =	sadd.s32 $0x200, s18  }
0x44: {  	_ =	swait.ge [sflag:s13], $0x7D  }
0x45: {  	[sflag:s13] =	ssyncset.done $0x0  }
0x46: {  	[sflag:s13] =	ssyncadd.s32 $0xFFFFFF83;
	s18 =	simm.s32 $0x0  }
0x47: {  	[tilespmem:s18], [sflag:$0x1] =	stream.linear.gather [hbm4b:s9+s18], $0x1400, $0x38;
	[tilespmem:$0x1700] =	vst v63  }
0x48: {  	_ =	swait.ge [sflag:s13], $0x1400  }
0x49: {  	[sflag:s13] =	ssyncset.done $0x0  }
0x4a: {  	s31 =	simm.s32 $0x0;
	[sflag:s13] =	ssyncadd.s32 $0xFFFFEC00  }
0x4b: {  	[spmem:s1] =	stream.indirect.scatter.add.f32 [tilespmem:s14], [sflag:$0x1], $0x1, s31, s15, $0xb8;
	[tilespmem:$0x1700] =	vst v63  }
0x4c: {  	_ =	swait.ge [sflag:s13], $0x7D  }
0x4d: {  	s18 =	simm.s32 $0x200;
	[sflag:s13] =	ssyncset.done $0x0  }
.LBB2_8:
0x4e: {  	s19 =	sshra.s32 s18, $0x2;
	[sflag:s13] =	ssyncadd.s32 $0xFFFFFF83;
	p1 =	sne.s32 s18, $0x4E00  }
0x4f: {  	[spmem:s1] =	stream.indirect.scatter.add.f32 [tilespmem:s14], [sflag:$0x1], $0x1, s19, s15, $0xb8;
	[tilespmem:$0x1700] =	vst v63  }
.Ltmp3:
0x50: {  	_ = 	snop;
	(pc) =	sbr.rel @p1 .LBB2_8-.Ltmp3, $4  }
0x51: {  	_ = 	snop  }
0x52: {  	s18 =	sadd.s32 $0x200, s18  }
0x53: {  	_ =	swait.ge [sflag:s13], $0x7D  }
0x54: {  	[sflag:s13] =	ssyncset.done $0x0  }
0x55: {  	[sflag:s13] =	ssyncadd.s32 $0xFFFFFF83;
	s17 =	sadd.s32 $0x1, s17  }
0x56: {  	s18 =	simm.s32 @!p0 $0x1;
	s19 =	simm.s32 @!p0 $0x20;
	p1 =	sne.s32 s17, s11  }
.Ltmp4:
0x57: {  	s20 =	simm.s32 @!p0 $0x10;
	[bflag:$0x0] =	sbarrier.arrive $0xFFFF;
	(pc) =	sbr.rel @p1 .LBB2_1-.Ltmp4, $4  }
0x58: {  	[hbm:s10@s19], [sflag:s6] =	dma.strided @!p0 [spmem:s16@s20], $0x500, s18, $0x10   }
0x59: {  	_ =	swait.ge @!p0 [sflag:s18], $0x500  }
0x5a: {  	[sflag:s18] =	ssyncset.done @!p0 $0x0  }
0x5b: {  	[sflag:s18] =	ssyncadd.s32 @!p0 $0xFFFFFB00  }
0x5c: {  	_ =	sfence.sel $0x180000  }
0x5d: {  	[bflag:$0x0] =	sbarrier.arrive $0xFFFF  }
0x5e: {  	_ =	strace $0x90000047  }
0x5f: {  	s0 =	sadd.s32 @!p0 $0x100000, s0;
	[bflag:$0x2] =	sbarrier.arrive $0xFFFF  }
0x60: {  	[sflag:s0] =	ssyncadd.tile.s32 @!p0 $0x1;
	_ =	shalt  }
.Lfunc_end2:
_tile_overlayer_lowered:
.L_overlay_start_2:
0x61: {  	(tag) =	ssettag $0x2  }
0x62: {  	s0 =	rddreg [dreg:$0x0];
	s2 =	stileid.u32  }
0x63: {  	s1 =	rddreg [dreg:$0x1];
	p0 =	sne.s32 s2, $0x0  }
0x64: {  	s3 =	rddreg [dreg:$0x2];
	[bflag:$0x3] =	sbarrier.arrive $0xFFFF;
	s2 =	simm.s32 @!p0 $0x1C01  }
0x65: {  	[timem:s3], [sflag:s2] =	dma.local @!p0 [hbm:s0], s1  }
0x66: {  	s0 =	simm.s32 @!p0 $0x1  }
0x67: {  	_ =	swait.ge @!p0 [sflag:s0], s1  }
0x68: {  	s1 =	ssub.s32 @!p0 $0x0, s1;
	[sflag:s0] =	ssyncset.done @!p0 $0x0  }
0x69: {  	[sflag:s0] =	ssyncadd.s32 @!p0 s1  }
0x6a: {  	[bflag:$0x3] =	sbarrier.arrive $0xFFFF  }
0x6b: {  	_ =	shalt  }

</sc_bundles>
